<compile_context>
chip_gen: v7x
topology: tpu7x:2x2x1
jax: 0.10.2.dev20260603
libtpu: 0.0.44.dev20260713+nightly
codegen_flags: <defaults>
</compile_context>

<pallas_src>
import functools

import jax
import jax.numpy as jnp
from jax import lax
from jax.experimental import pallas as pl
from jax.experimental.pallas import tpu as pltpu
from jax.experimental.pallas import tpu_sc as plsc

VOCAB = 1_000_000
H = 64
B = 16384
L = 20

NC = 2
NS = 16
NW = NC * NS
BPW = B // NW
CB = 32
NCH = BPW // CB
RPC = CB * L
NG = RPC // 128


def _sc_scores_body(ctx_hbm, u_hbm, v_hbm, out_hbm,
                    vidx, urows, vrows, tbufa, tbufb, sbuf, gsem, usem):
    wid = lax.axis_index("s") * NC + lax.axis_index("c")
    iota16 = lax.iota(jnp.int32, 16)

    def fire(g, slot):
        base = pl.multiple_of(wid * BPW + g * CB, CB)
        off = pl.multiple_of((wid * BPW + g * CB) * L, RPC)
        pltpu.sync_copy(ctx_hbm.at[pl.ds(off, RPC)], vidx.at[slot])
        pltpu.async_copy(u_hbm.at[pl.ds(base, CB)], urows.at[slot],
                         usem.at[slot])
        for j in range(NG):
            pltpu.async_copy(v_hbm.at[vidx.at[slot, pl.ds(j * 128, 128)]],
                             vrows.at[slot, pl.ds(j * 128, 128)],
                             gsem.at[slot])

    def wait_gathers(slot):
        base = pl.multiple_of(0, CB)
        pltpu.make_async_copy(u_hbm.at[pl.ds(base, CB)], urows.at[slot],
                              usem.at[slot]).wait()
        for j in range(NG):
            pltpu.make_async_copy(v_hbm.at[vidx.at[slot, pl.ds(j * 128, 128)]],
                                  vrows.at[slot, pl.ds(j * 128, 128)],
                                  gsem.at[slot]).wait()

    def compute(g, slot):
        def hsum16(tb):
            gs = [plsc.load_gather(tb, [iota16 * 16 + k]) for k in range(16)]
            while len(gs) > 1:
                gs = [gs[i] + gs[i + 1] for i in range(0, len(gs), 2)]
            return gs[0]

        evens = iota16 * 2

        def bbody(b, carry):
            bsplat = jnp.full((16,), 0, jnp.int32) + b
            ue0 = plsc.load_gather(urows.at[slot], [bsplat, evens])
            uo0 = plsc.load_gather(urows.at[slot], [bsplat, evens + 1])
            ue1 = plsc.load_gather(urows.at[slot], [bsplat, evens + 32])
            uo1 = plsc.load_gather(urows.at[slot], [bsplat, evens + 33])

            def part(r):
                v0e, v0o = plsc.unpack(vrows[slot, r, pl.ds(0, 32)],
                                       format=plsc.PackFormat.INTERLEAVED)
                v1e, v1o = plsc.unpack(vrows[slot, r, pl.ds(32, 32)],
                                       format=plsc.PackFormat.INTERLEAVED)
                return v0e * ue0 + v0o * uo0 + v1e * ue1 + v1o * uo1

            for l in range(16):
                tbufa[pl.ds(l * 16, 16)] = part(b * L + l)
            for l in range(16, L):
                tbufb[pl.ds((l - 16) * 16, 16)] = part(b * L + l)
            sbuf[slot, pl.ds(b * L, 16)] = hsum16(tbufa)
            sbuf[slot, pl.ds(b * L + 16, 16)] = hsum16(tbufb)
            return carry

        lax.fori_loop(0, CB, bbody, 0)
        base = pl.multiple_of((wid * BPW + g * CB) * L, RPC)
        pltpu.sync_copy(sbuf.at[slot, pl.ds(0, RPC)],
                        out_hbm.at[pl.ds(base, RPC)])

    fire(0, 0)

    def pair(i, carry):
        for s in (0, 1):
            g = i * 2 + s

            @pl.when(g + 1 < NCH)
            def _():
                fire(g + 1, (s + 1) % 2)

            wait_gathers(s)
            compute(g, s)
        return carry

    lax.fori_loop(0, NCH // 2, pair, 0)


def _sc_scores(ctx_flat, u_pre, v16):
    mesh = plsc.VectorSubcoreMesh(core_axis_name="c", subcore_axis_name="s",
                                  num_cores=NC, num_subcores=NS)
    return pl.kernel(
        _sc_scores_body,
        out_type=jax.ShapeDtypeStruct((B * L,), jnp.float32),
        mesh=mesh,
        scratch_types=[
            pltpu.VMEM((2, RPC), jnp.int32),
            pltpu.VMEM((2, CB, H), jnp.float32),
            pltpu.VMEM((2, RPC + 16, H), jnp.bfloat16),
            pltpu.VMEM((256,), jnp.float32),
            pltpu.VMEM((256,), jnp.float32),
            pltpu.VMEM((2, RPC + 32), jnp.float32),
            pltpu.SemaphoreType.DMA((2,)),
            pltpu.SemaphoreType.DMA((2,)),
        ],
        compiler_params=pltpu.CompilerParams(needs_layout_passes=False,
                                             use_tc_tiling_on_sc=False),
    )(ctx_flat, u_pre, v16)


def _loss_body(s_ref, lab_ref, m_ref, out_ref):
    s = s_ref[...]
    lab = lab_ref[...]
    m = m_ref[...]
    per = jnp.maximum(s, 0.0) - s * lab + jnp.log1p(jnp.exp(-jnp.abs(s)))
    num = jnp.sum(per * m)
    den = jnp.maximum(jnp.sum(m), 1.0)
    out_ref[0, 0] = num / den


def _tc_loss(scores2d, label2d, mask2d):
    return pl.pallas_call(
        _loss_body,
        out_shape=jax.ShapeDtypeStruct((1, 1), jnp.float32),
        out_specs=pl.BlockSpec(memory_space=pltpu.SMEM),
    )(scores2d, label2d, mask2d)


def kernel(center, context_neg, label, mask, U, V):
    ctx_flat = context_neg.reshape(B * L)
    u_pre = jnp.take(U, center[:, 0], axis=0)
    scores = _sc_scores(ctx_flat, u_pre, V.astype(jnp.bfloat16))
    scores2d = scores.reshape(B * L // 128, 128)
    label2d = label.reshape(B * L // 128, 128)
    mask2d = mask.reshape(B * L // 128, 128)
    return _tc_loss(scores2d, label2d, mask2d).reshape(())

# --- scband reference (transcript-rebuilt; emitter-appended) ---
"""Pipeline reference for scband-skip-gram-57440892617054 (READ-ONLY COPY).

The authoritative reference and input builder live on the scoring server;
editing this copy changes nothing except your own understanding.
"""

import jax, jax.numpy as jnp
import numpy as np

VOCAB = 1000000
HIDDEN = 64
BATCH = 16384
L = 20

def setup_inputs(seed: int = 0) -> dict:
    key = jax.random.key(seed)
    k1, k2, k3, k4, k5 = jax.random.split(key, 5)
    center = jax.random.randint(k1, (BATCH, 1), 0, VOCAB, dtype=jnp.int64 if jax.config.jax_enable_x64 else jnp.int32).astype(jnp.int32)
    context_neg = jax.random.randint(k2, (BATCH, L), 0, VOCAB).astype(jnp.int32)
    # labels: 1.0 for context positions, 0.0 for negatives/padding (use bernoulli-like split)
    label = (jax.random.uniform(k3, (BATCH, L)) < 0.3).astype(jnp.float32)
    mask = jnp.ones((BATCH, L), dtype=jnp.float32)
    # learned parameters: input (U) and output (V) embedding tables
    U = jax.random.normal(k4, (VOCAB, HIDDEN), dtype=jnp.float32) * 0.02
    V = jax.random.normal(k5, (VOCAB, HIDDEN), dtype=jnp.float32) * 0.02
    return {"center": center, "context_neg": context_neg, "label": label, "mask": mask, "U": U, "V": V}

def reference(center, context_neg, label, mask, U, V):
    # SkipGram with negative sampling forward:
    #   u = U(center) -> [B, 1, H]; v = V(context_neg) -> [B, L, H]
    #   score = bmm(u, v^T) -> [B, L]
    #   masked binary cross entropy with logits against label
    u = jnp.take(U, center[:, 0], axis=0)                # [B, H] (gather)
    v = jnp.take(V, context_neg, axis=0)                 # [B, L, H] (gather)
    score = jnp.einsum('bh,blh->bl', u, v)               # [B, L]
    log_sig = jax.nn.log_sigmoid
    per_elem = -(label * log_sig(score) + (1.0 - label) * log_sig(-score))
    per_elem = per_elem * mask
    loss = per_elem.sum() / jnp.maximum(mask.sum(), 1.0)
    return loss

if __name__ == "__main__":
    import jax
    _d = setup_inputs()
    print(jax.jit(kernel)(*tuple(_d.values())))

</pallas_src>

<mosaic_0001>
#map = affine_map<(d0, d1) -> (0)>
#map1 = affine_map<(d0, d1) -> (0, 0)>
module attributes {stable_mosaic.version = 14 : i64} {
  func.func @_sc_scores_body(%arg0: i32, %arg1: i32, %arg2: memref<327680xi32, #tpu.memory_space<hbm>>, %arg3: memref<16384x64xf32, #tpu.memory_space<hbm>>, %arg4: memref<1000000x64xbf16, #tpu.memory_space<hbm>>, %arg5: memref<327680xf32, #tpu.memory_space<hbm>>, %arg6: memref<2x640xi32, #tpu.memory_space<vmem>>, %arg7: memref<2x32x64xf32, #tpu.memory_space<vmem>>, %arg8: memref<2x656x64xbf16, #tpu.memory_space<vmem>>, %arg9: memref<256xf32, #tpu.memory_space<vmem>>, %arg10: memref<256xf32, #tpu.memory_space<vmem>>, %arg11: memref<2x672xf32, #tpu.memory_space<vmem>>, %arg12: memref<2x!tpu.dma_semaphore, #tpu.memory_space<semaphore_mem>>, %arg13: memref<2x!tpu.dma_semaphore, #tpu.memory_space<semaphore_mem>>) attributes {dimension_semantics = [#tpu.dimension_semantics<core_parallel>, #tpu.dimension_semantics<subcore_parallel>], iteration_bounds = array<i64: 2, 16>, scalar_prefetch = 0 : i64, scratch_operands = 8 : i64, tpu.core_type = #tpu.core_type<sc_vector_subcore>, window_params = [{transform_indices = #map}, {transform_indices = #map1}, {transform_indices = #map1}, {transform_indices = #map}]} {
    %mul3A = arith.constant 2 : i32
    %mul3A_0 = arith.muli %arg1, %mul3A : i32
    %add3A = arith.addi %mul3A_0, %arg0 : i32
    %iota3A = tpu.iota {dimensions = array<i32: 0>} : vector<16xi32>
    %mul3A_1 = arith.constant 512 : i32
    %mul3A_2 = arith.muli %add3A, %mul3A_1 : i32
    %add3A_3 = arith.constant 0 : i32
    %add3A_4 = arith.addi %mul3A_2, %add3A_3 : i32
    %multiple_of3A = tpu.assume_multiple %add3A_4, 32 : i32
    %mul3A_5 = arith.constant 512 : i32
    %mul3A_6 = arith.muli %add3A, %mul3A_5 : i32
    %add3A_7 = arith.constant 0 : i32
    %add3A_8 = arith.addi %mul3A_6, %add3A_7 : i32
    %mul3A_9 = arith.constant 20 : i32
    %mul3A_10 = arith.muli %add3A_8, %mul3A_9 : i32
    %multiple_of3A_11 = tpu.assume_multiple %mul3A_10, 640 : i32
    %run_scoped3A = arith.constant 0 : i32
    "tpu.region"() ({
      %run_scoped3A_107 = tpu.sem_alloc : memref<!tpu.dma_semaphore, #tpu.memory_space<semaphore_mem>>
      %dma_start3A_108 = arith.constant 0 : i32
      %dma_start3A_109 = tpu.memref_slice %arg6[%run_scoped3A, %dma_start3A_108] : memref<2x640xi32, #tpu.memory_space<vmem>> -> memref<1x640xi32, #tpu.memory_space<vmem>>
      %dma_start3A_110 = tpu.memref_squeeze %dma_start3A_109 : memref<1x640xi32, #tpu.memory_space<vmem>> -> memref<640xi32, #tpu.memory_space<vmem>>
      %dma_start3A_111 = tpu.memref_slice %arg2[%multiple_of3A_11] : memref<327680xi32, #tpu.memory_space<hbm>> -> memref<640xi32, #tpu.memory_space<hbm>>
      %dma_start3A_112 = arith.constant 0 : i32
      %dma_start3A_113 = tpu.memref_slice %arg6[%run_scoped3A, %dma_start3A_112] : memref<2x640xi32, #tpu.memory_space<vmem>> -> memref<1x640xi32, #tpu.memory_space<vmem>>
      %dma_start3A_114 = tpu.memref_squeeze %dma_start3A_113 : memref<1x640xi32, #tpu.memory_space<vmem>> -> memref<640xi32, #tpu.memory_space<vmem>>
      %dma_start3A_115 = tpu.memref_slice %arg2[%multiple_of3A_11] : memref<327680xi32, #tpu.memory_space<hbm>> -> memref<640xi32, #tpu.memory_space<hbm>>
      tpu.enqueue_dma source(%dma_start3A_115 : memref<640xi32, #tpu.memory_space<hbm>>) target(%dma_start3A_114 : memref<640xi32, #tpu.memory_space<vmem>>) target_semaphore(%run_scoped3A_107 : memref<!tpu.dma_semaphore, #tpu.memory_space<semaphore_mem>>)
      %dma_wait3A = arith.constant 0 : i32
      %dma_wait3A_116 = tpu.memref_slice %arg6[%run_scoped3A, %dma_wait3A] : memref<2x640xi32, #tpu.memory_space<vmem>> -> memref<1x640xi32, #tpu.memory_space<vmem>>
      %dma_wait3A_117 = tpu.memref_squeeze %dma_wait3A_116 : memref<1x640xi32, #tpu.memory_space<vmem>> -> memref<640xi32, #tpu.memory_space<vmem>>
      %dma_wait3A_118 = tpu.memref_slice %arg2[%multiple_of3A_11] : memref<327680xi32, #tpu.memory_space<hbm>> -> memref<640xi32, #tpu.memory_space<hbm>>
      %dma_wait3A_119 = arith.constant 0 : i32
      %dma_wait3A_120 = tpu.memref_slice %arg6[%run_scoped3A, %dma_wait3A_119] : memref<2x640xi32, #tpu.memory_space<vmem>> -> memref<1x640xi32, #tpu.memory_space<vmem>>
      %dma_wait3A_121 = tpu.memref_squeeze %dma_wait3A_120 : memref<1x640xi32, #tpu.memory_space<vmem>> -> memref<640xi32, #tpu.memory_space<vmem>>
      %dma_wait3A_122 = tpu.memref_slice %arg2[%multiple_of3A_11] : memref<327680xi32, #tpu.memory_space<hbm>> -> memref<640xi32, #tpu.memory_space<hbm>>
      tpu.wait_dma2 semaphore(%run_scoped3A_107 : memref<!tpu.dma_semaphore, #tpu.memory_space<semaphore_mem>>) src(%dma_wait3A_122 : memref<640xi32, #tpu.memory_space<hbm>>) dst(%dma_wait3A_121 : memref<640xi32, #tpu.memory_space<vmem>>)
      tpu.yield
    }) : () -> ()
    %dma_start3A = arith.constant 0 : i32
    %dma_start3A_12 = arith.constant 0 : i32
    %dma_start3A_13 = arith.constant 0 : i32
    %dma_start3A_14 = arith.constant 0 : i32
    %dma_start3A_15 = tpu.memref_slice %arg7[%dma_start3A, %dma_start3A_13, %dma_start3A_14] : memref<2x32x64xf32, #tpu.memory_space<vmem>> -> memref<1x32x64xf32, #tpu.memory_space<vmem>>
    %dma_start3A_16 = tpu.memref_squeeze %dma_start3A_15 : memref<1x32x64xf32, #tpu.memory_space<vmem>> -> memref<32x64xf32, #tpu.memory_space<vmem>>
    %dma_start3A_17 = arith.constant 0 : i32
    %dma_start3A_18 = tpu.memref_slice %arg3[%multiple_of3A, %dma_start3A_17] : memref<16384x64xf32, #tpu.memory_space<hbm>> -> memref<32x64xf32, #tpu.memory_space<hbm>>
    %dma_start3A_19 = tpu.memref_slice %arg13[%dma_start3A_12] : memref<2x!tpu.dma_semaphore, #tpu.memory_space<semaphore_mem>> -> memref<1x!tpu.dma_semaphore, #tpu.memory_space<semaphore_mem>>
    %dma_start3A_20 = tpu.memref_squeeze %dma_start3A_19 : memref<1x!tpu.dma_semaphore, #tpu.memory_space<semaphore_mem>> -> memref<!tpu.dma_semaphore, #tpu.memory_space<semaphore_mem>>
    %dma_start3A_21 = arith.constant 0 : i32
    %dma_start3A_22 = arith.constant 0 : i32
    %dma_start3A_23 = tpu.memref_slice %arg7[%dma_start3A, %dma_start3A_21, %dma_start3A_22] : memref<2x32x64xf32, #tpu.memory_space<vmem>> -> memref<1x32x64xf32, #tpu.memory_space<vmem>>
    %dma_start3A_24 = tpu.memref_squeeze %dma_start3A_23 : memref<1x32x64xf32, #tpu.memory_space<vmem>> -> memref<32x64xf32, #tpu.memory_space<vmem>>
    %dma_start3A_25 = arith.constant 0 : i32
    %dma_start3A_26 = tpu.memref_slice %arg3[%multiple_of3A, %dma_start3A_25] : memref<16384x64xf32, #tpu.memory_space<hbm>> -> memref<32x64xf32, #tpu.memory_space<hbm>>
    tpu.enqueue_dma source(%dma_start3A_26 : memref<32x64xf32, #tpu.memory_space<hbm>>) target(%dma_start3A_24 : memref<32x64xf32, #tpu.memory_space<vmem>>) target_semaphore(%dma_start3A_20 : memref<!tpu.dma_semaphore, #tpu.memory_space<semaphore_mem>>)
    %dma_start3A_27 = arith.constant 0 : i32
    %dma_start3A_28 = arith.constant 0 : i32
    %dma_start3A_29 = arith.constant 0 : i32
    %dma_start3A_30 = arith.constant 0 : i32
    %dma_start3A_31 = arith.constant 0 : i32
    %dma_start3A_32 = tpu.memref_slice %arg8[%dma_start3A_28, %dma_start3A_30, %dma_start3A_31] : memref<2x656x64xbf16, #tpu.memory_space<vmem>> -> memref<1x128x64xbf16, #tpu.memory_space<vmem>>
    %dma_start3A_33 = tpu.memref_squeeze %dma_start3A_32 : memref<1x128x64xbf16, #tpu.memory_space<vmem>> -> memref<128x64xbf16, #tpu.memory_space<vmem>>
    %dma_start3A_34 = arith.constant 0 : i32
    %dma_start3A_35 = tpu.memref_slice %arg6[%dma_start3A_27, %dma_start3A_34] : memref<2x640xi32, #tpu.memory_space<vmem>> -> memref<1x128xi32, #tpu.memory_space<vmem>>
    %dma_start3A_36 = tpu.memref_squeeze %dma_start3A_35 : memref<1x128xi32, #tpu.memory_space<vmem>> -> memref<128xi32, #tpu.memory_space<vmem>>
    %dma_start3A_37 = arith.constant 0 : i32
    %dma_start3A_38 = arith.constant 0 : i32
    %dma_start3A_39 = tpu.memref_slice %arg4[%dma_start3A_37, %dma_start3A_38] : memref<1000000x64xbf16, #tpu.memory_space<hbm>> -> memref<1000000x64xbf16, #tpu.memory_space<hbm>>
    %dma_start3A_40 = tpu.memref_slice %arg12[%dma_start3A_29] : memref<2x!tpu.dma_semaphore, #tpu.memory_space<semaphore_mem>> -> memref<1x!tpu.dma_semaphore, #tpu.memory_space<semaphore_mem>>
    %dma_start3A_41 = tpu.memref_squeeze %dma_start3A_40 : memref<1x!tpu.dma_semaphore, #tpu.memory_space<semaphore_mem>> -> memref<!tpu.dma_semaphore, #tpu.memory_space<semaphore_mem>>
    tpu.enqueue_indirect_dma source(%dma_start3A_39 : memref<1000000x64xbf16, #tpu.memory_space<hbm>>) target(%dma_start3A_33 : memref<128x64xbf16, #tpu.memory_space<vmem>>) offsets(%dma_start3A_36 : memref<128xi32, #tpu.memory_space<vmem>>) semaphore(%dma_start3A_41 : memref<!tpu.dma_semaphore, #tpu.memory_space<semaphore_mem>>)
    %dma_start3A_42 = arith.constant 0 : i32
    %dma_start3A_43 = arith.constant 0 : i32
    %dma_start3A_44 = arith.constant 0 : i32
    %dma_start3A_45 = arith.constant 128 : i32
    %dma_start3A_46 = arith.constant 0 : i32
    %dma_start3A_47 = tpu.memref_slice %arg8[%dma_start3A_43, %dma_start3A_45, %dma_start3A_46] : memref<2x656x64xbf16, #tpu.memory_space<vmem>> -> memref<1x128x64xbf16, #tpu.memory_space<vmem>>
    %dma_start3A_48 = tpu.memref_squeeze %dma_start3A_47 : memref<1x128x64xbf16, #tpu.memory_space<vmem>> -> memref<128x64xbf16, #tpu.memory_space<vmem>>
    %dma_start3A_49 = arith.constant 128 : i32
    %dma_start3A_50 = tpu.memref_slice %arg6[%dma_start3A_42, %dma_start3A_49] : memref<2x640xi32, #tpu.memory_space<vmem>> -> memref<1x128xi32, #tpu.memory_space<vmem>>
    %dma_start3A_51 = tpu.memref_squeeze %dma_start3A_50 : memref<1x128xi32, #tpu.memory_space<vmem>> -> memref<128xi32, #tpu.memory_space<vmem>>
    %dma_start3A_52 = arith.constant 0 : i32
    %dma_start3A_53 = arith.constant 0 : i32
    %dma_start3A_54 = tpu.memref_slice %arg4[%dma_start3A_52, %dma_start3A_53] : memref<1000000x64xbf16, #tpu.memory_space<hbm>> -> memref<1000000x64xbf16, #tpu.memory_space<hbm>>
    %dma_start3A_55 = tpu.memref_slice %arg12[%dma_start3A_44] : memref<2x!tpu.dma_semaphore, #tpu.memory_space<semaphore_mem>> -> memref<1x!tpu.dma_semaphore, #tpu.memory_space<semaphore_mem>>
    %dma_start3A_56 = tpu.memref_squeeze %dma_start3A_55 : memref<1x!tpu.dma_semaphore, #tpu.memory_space<semaphore_mem>> -> memref<!tpu.dma_semaphore, #tpu.memory_space<semaphore_mem>>
    tpu.enqueue_indirect_dma source(%dma_start3A_54 : memref<1000000x64xbf16, #tpu.memory_space<hbm>>) target(%dma_start3A_48 : memref<128x64xbf16, #tpu.memory_space<vmem>>) offsets(%dma_start3A_51 : memref<128xi32, #tpu.memory_space<vmem>>) semaphore(%dma_start3A_56 : memref<!tpu.dma_semaphore, #tpu.memory_space<semaphore_mem>>)
    %dma_start3A_57 = arith.constant 0 : i32
    %dma_start3A_58 = arith.constant 0 : i32
    %dma_start3A_59 = arith.constant 0 : i32
    %dma_start3A_60 = arith.constant 256 : i32
    %dma_start3A_61 = arith.constant 0 : i32
    %dma_start3A_62 = tpu.memref_slice %arg8[%dma_start3A_58, %dma_start3A_60, %dma_start3A_61] : memref<2x656x64xbf16, #tpu.memory_space<vmem>> -> memref<1x128x64xbf16, #tpu.memory_space<vmem>>
    %dma_start3A_63 = tpu.memref_squeeze %dma_start3A_62 : memref<1x128x64xbf16, #tpu.memory_space<vmem>> -> memref<128x64xbf16, #tpu.memory_space<vmem>>
    %dma_start3A_64 = arith.constant 256 : i32
    %dma_start3A_65 = tpu.memref_slice %arg6[%dma_start3A_57, %dma_start3A_64] : memref<2x640xi32, #tpu.memory_space<vmem>> -> memref<1x128xi32, #tpu.memory_space<vmem>>
    %dma_start3A_66 = tpu.memref_squeeze %dma_start3A_65 : memref<1x128xi32, #tpu.memory_space<vmem>> -> memref<128xi32, #tpu.memory_space<vmem>>
    %dma_start3A_67 = arith.constant 0 : i32
    %dma_start3A_68 = arith.constant 0 : i32
    %dma_start3A_69 = tpu.memref_slice %arg4[%dma_start3A_67, %dma_start3A_68] : memref<1000000x64xbf16, #tpu.memory_space<hbm>> -> memref<1000000x64xbf16, #tpu.memory_space<hbm>>
    %dma_start3A_70 = tpu.memref_slice %arg12[%dma_start3A_59] : memref<2x!tpu.dma_semaphore, #tpu.memory_space<semaphore_mem>> -> memref<1x!tpu.dma_semaphore, #tpu.memory_space<semaphore_mem>>
    %dma_start3A_71 = tpu.memref_squeeze %dma_start3A_70 : memref<1x!tpu.dma_semaphore, #tpu.memory_space<semaphore_mem>> -> memref<!tpu.dma_semaphore, #tpu.memory_space<semaphore_mem>>
    tpu.enqueue_indirect_dma source(%dma_start3A_69 : memref<1000000x64xbf16, #tpu.memory_space<hbm>>) target(%dma_start3A_63 : memref<128x64xbf16, #tpu.memory_space<vmem>>) offsets(%dma_start3A_66 : memref<128xi32, #tpu.memory_space<vmem>>) semaphore(%dma_start3A_71 : memref<!tpu.dma_semaphore, #tpu.memory_space<semaphore_mem>>)
    %dma_start3A_72 = arith.constant 0 : i32
    %dma_start3A_73 = arith.constant 0 : i32
    %dma_start3A_74 = arith.constant 0 : i32
    %dma_start3A_75 = arith.constant 384 : i32
    %dma_start3A_76 = arith.constant 0 : i32
    %dma_start3A_77 = tpu.memref_slice %arg8[%dma_start3A_73, %dma_start3A_75, %dma_start3A_76] : memref<2x656x64xbf16, #tpu.memory_space<vmem>> -> memref<1x128x64xbf16, #tpu.memory_space<vmem>>
    %dma_start3A_78 = tpu.memref_squeeze %dma_start3A_77 : memref<1x128x64xbf16, #tpu.memory_space<vmem>> -> memref<128x64xbf16, #tpu.memory_space<vmem>>
    %dma_start3A_79 = arith.constant 384 : i32
    %dma_start3A_80 = tpu.memref_slice %arg6[%dma_start3A_72, %dma_start3A_79] : memref<2x640xi32, #tpu.memory_space<vmem>> -> memref<1x128xi32, #tpu.memory_space<vmem>>
    %dma_start3A_81 = tpu.memref_squeeze %dma_start3A_80 : memref<1x128xi32, #tpu.memory_space<vmem>> -> memref<128xi32, #tpu.memory_space<vmem>>
    %dma_start3A_82 = arith.constant 0 : i32
    %dma_start3A_83 = arith.constant 0 : i32
    %dma_start3A_84 = tpu.memref_slice %arg4[%dma_start3A_82, %dma_start3A_83] : memref<1000000x64xbf16, #tpu.memory_space<hbm>> -> memref<1000000x64xbf16, #tpu.memory_space<hbm>>
    %dma_start3A_85 = tpu.memref_slice %arg12[%dma_start3A_74] : memref<2x!tpu.dma_semaphore, #tpu.memory_space<semaphore_mem>> -> memref<1x!tpu.dma_semaphore, #tpu.memory_space<semaphore_mem>>
    %dma_start3A_86 = tpu.memref_squeeze %dma_start3A_85 : memref<1x!tpu.dma_semaphore, #tpu.memory_space<semaphore_mem>> -> memref<!tpu.dma_semaphore, #tpu.memory_space<semaphore_mem>>
    tpu.enqueue_indirect_dma source(%dma_start3A_84 : memref<1000000x64xbf16, #tpu.memory_space<hbm>>) target(%dma_start3A_78 : memref<128x64xbf16, #tpu.memory_space<vmem>>) offsets(%dma_start3A_81 : memref<128xi32, #tpu.memory_space<vmem>>) semaphore(%dma_start3A_86 : memref<!tpu.dma_semaphore, #tpu.memory_space<semaphore_mem>>)
    %dma_start3A_87 = arith.constant 0 : i32
    %dma_start3A_88 = arith.constant 0 : i32
    %dma_start3A_89 = arith.constant 0 : i32
    %dma_start3A_90 = arith.constant 512 : i32
    %dma_start3A_91 = arith.constant 0 : i32
    %dma_start3A_92 = tpu.memref_slice %arg8[%dma_start3A_88, %dma_start3A_90, %dma_start3A_91] : memref<2x656x64xbf16, #tpu.memory_space<vmem>> -> memref<1x128x64xbf16, #tpu.memory_space<vmem>>
    %dma_start3A_93 = tpu.memref_squeeze %dma_start3A_92 : memref<1x128x64xbf16, #tpu.memory_space<vmem>> -> memref<128x64xbf16, #tpu.memory_space<vmem>>
    %dma_start3A_94 = arith.constant 512 : i32
    %dma_start3A_95 = tpu.memref_slice %arg6[%dma_start3A_87, %dma_start3A_94] : memref<2x640xi32, #tpu.memory_space<vmem>> -> memref<1x128xi32, #tpu.memory_space<vmem>>
    %dma_start3A_96 = tpu.memref_squeeze %dma_start3A_95 : memref<1x128xi32, #tpu.memory_space<vmem>> -> memref<128xi32, #tpu.memory_space<vmem>>
    %dma_start3A_97 = arith.constant 0 : i32
    %dma_start3A_98 = arith.constant 0 : i32
    %dma_start3A_99 = tpu.memref_slice %arg4[%dma_start3A_97, %dma_start3A_98] : memref<1000000x64xbf16, #tpu.memory_space<hbm>> -> memref<1000000x64xbf16, #tpu.memory_space<hbm>>
    %dma_start3A_100 = tpu.memref_slice %arg12[%dma_start3A_89] : memref<2x!tpu.dma_semaphore, #tpu.memory_space<semaphore_mem>> -> memref<1x!tpu.dma_semaphore, #tpu.memory_space<semaphore_mem>>
    %dma_start3A_101 = tpu.memref_squeeze %dma_start3A_100 : memref<1x!tpu.dma_semaphore, #tpu.memory_space<semaphore_mem>> -> memref<!tpu.dma_semaphore, #tpu.memory_space<semaphore_mem>>
    tpu.enqueue_indirect_dma source(%dma_start3A_99 : memref<1000000x64xbf16, #tpu.memory_space<hbm>>) target(%dma_start3A_93 : memref<128x64xbf16, #tpu.memory_space<vmem>>) offsets(%dma_start3A_96 : memref<128xi32, #tpu.memory_space<vmem>>) semaphore(%dma_start3A_101 : memref<!tpu.dma_semaphore, #tpu.memory_space<semaphore_mem>>)
    %scan3A = arith.constant 0 : i32
    %scan3A_102 = arith.constant 0 : i32
    %scan3A_103 = arith.constant 8 : i32
    %scan3A_104 = arith.addi %scan3A_102, %scan3A_103 : i32
    %scan3A_105 = arith.constant 1 : i32
    scf.for %scan3A_107 = %scan3A_102 to %scan3A_104 step %scan3A_105  : i32 {
      %mul3A_108 = arith.constant 2 : i32
      %mul3A_109 = arith.muli %scan3A_107, %mul3A_108 : i32
      %add3A_110 = arith.constant 0 : i32
      %add3A_111 = arith.addi %mul3A_109, %add3A_110 : i32
      %add3A_112 = arith.constant 1 : i32
      %add3A_113 = arith.addi %add3A_111, %add3A_112 : i32
      %lt3A = arith.constant 16 : i32
      %lt3A_114 = arith.cmpi slt, %add3A_113, %lt3A : i32
      %convert_element_type3A = arith.extui %lt3A_114 : i1 to i32
      %cond3A = arith.constant 0 : i32
      %cond3A_115 = arith.cmpi ne, %convert_element_type3A, %cond3A : i32
      scf.if %cond3A_115 {
        %add3A_348 = arith.constant 1 : i32
        %add3A_349 = arith.addi %add3A_111, %add3A_348 : i32
        %mul3A_350 = arith.constant 512 : i32
        %mul3A_351 = arith.muli %add3A, %mul3A_350 : i32
        %mul3A_352 = arith.constant 32 : i32
        %mul3A_353 = arith.muli %add3A_349, %mul3A_352 : i32
        %add3A_354 = arith.addi %mul3A_351, %mul3A_353 : i32
        %multiple_of3A_355 = tpu.assume_multiple %add3A_354, 32 : i32
        %mul3A_356 = arith.constant 512 : i32
        %mul3A_357 = arith.muli %add3A, %mul3A_356 : i32
        %mul3A_358 = arith.constant 32 : i32
        %mul3A_359 = arith.muli %add3A_349, %mul3A_358 : i32
        %add3A_360 = arith.addi %mul3A_357, %mul3A_359 : i32
        %mul3A_361 = arith.constant 20 : i32
        %mul3A_362 = arith.muli %add3A_360, %mul3A_361 : i32
        %multiple_of3A_363 = tpu.assume_multiple %mul3A_362, 640 : i32
        %run_scoped3A_364 = arith.constant 1 : i32
        "tpu.region"() ({
          %run_scoped3A_456 = tpu.sem_alloc : memref<!tpu.dma_semaphore, #tpu.memory_space<semaphore_mem>>
          %dma_start3A_457 = arith.constant 0 : i32
          %dma_start3A_458 = tpu.memref_slice %arg6[%run_scoped3A_364, %dma_start3A_457] : memref<2x640xi32, #tpu.memory_space<vmem>> -> memref<1x640xi32, #tpu.memory_space<vmem>>
          %dma_start3A_459 = tpu.memref_squeeze %dma_start3A_458 : memref<1x640xi32, #tpu.memory_space<vmem>> -> memref<640xi32, #tpu.memory_space<vmem>>
          %dma_start3A_460 = tpu.memref_slice %arg2[%multiple_of3A_363] : memref<327680xi32, #tpu.memory_space<hbm>> -> memref<640xi32, #tpu.memory_space<hbm>>
          %dma_start3A_461 = arith.constant 0 : i32
          %dma_start3A_462 = tpu.memref_slice %arg6[%run_scoped3A_364, %dma_start3A_461] : memref<2x640xi32, #tpu.memory_space<vmem>> -> memref<1x640xi32, #tpu.memory_space<vmem>>
          %dma_start3A_463 = tpu.memref_squeeze %dma_start3A_462 : memref<1x640xi32, #tpu.memory_space<vmem>> -> memref<640xi32, #tpu.memory_space<vmem>>
          %dma_start3A_464 = tpu.memref_slice %arg2[%multiple_of3A_363] : memref<327680xi32, #tpu.memory_space<hbm>> -> memref<640xi32, #tpu.memory_space<hbm>>
          tpu.enqueue_dma source(%dma_start3A_464 : memref<640xi32, #tpu.memory_space<hbm>>) target(%dma_start3A_463 : memref<640xi32, #tpu.memory_space<vmem>>) target_semaphore(%run_scoped3A_456 : memref<!tpu.dma_semaphore, #tpu.memory_space<semaphore_mem>>)
          %dma_wait3A_465 = arith.constant 0 : i32
          %dma_wait3A_466 = tpu.memref_slice %arg6[%run_scoped3A_364, %dma_wait3A_465] : memref<2x640xi32, #tpu.memory_space<vmem>> -> memref<1x640xi32, #tpu.memory_space<vmem>>
          %dma_wait3A_467 = tpu.memref_squeeze %dma_wait3A_466 : memref<1x640xi32, #tpu.memory_space<vmem>> -> memref<640xi32, #tpu.memory_space<vmem>>
          %dma_wait3A_468 = tpu.memref_slice %arg2[%multiple_of3A_363] : memref<327680xi32, #tpu.memory_space<hbm>> -> memref<640xi32, #tpu.memory_space<hbm>>
          %dma_wait3A_469 = arith.constant 0 : i32
          %dma_wait3A_470 = tpu.memref_slice %arg6[%run_scoped3A_364, %dma_wait3A_469] : memref<2x640xi32, #tpu.memory_space<vmem>> -> memref<1x640xi32, #tpu.memory_space<vmem>>
          %dma_wait3A_471 = tpu.memref_squeeze %dma_wait3A_470 : memref<1x640xi32, #tpu.memory_space<vmem>> -> memref<640xi32, #tpu.memory_space<vmem>>
          %dma_wait3A_472 = tpu.memref_slice %arg2[%multiple_of3A_363] : memref<327680xi32, #tpu.memory_space<hbm>> -> memref<640xi32, #tpu.memory_space<hbm>>
          tpu.wait_dma2 semaphore(%run_scoped3A_456 : memref<!tpu.dma_semaphore, #tpu.memory_space<semaphore_mem>>) src(%dma_wait3A_472 : memref<640xi32, #tpu.memory_space<hbm>>) dst(%dma_wait3A_471 : memref<640xi32, #tpu.memory_space<vmem>>)
          tpu.yield
        }) : () -> ()
        %dma_start3A_365 = arith.constant 1 : i32
        %dma_start3A_366 = arith.constant 1 : i32
        %dma_start3A_367 = arith.constant 0 : i32
        %dma_start3A_368 = arith.constant 0 : i32
        %dma_start3A_369 = tpu.memref_slice %arg7[%dma_start3A_365, %dma_start3A_367, %dma_start3A_368] : memref<2x32x64xf32, #tpu.memory_space<vmem>> -> memref<1x32x64xf32, #tpu.memory_space<vmem>>
        %dma_start3A_370 = tpu.memref_squeeze %dma_start3A_369 : memref<1x32x64xf32, #tpu.memory_space<vmem>> -> memref<32x64xf32, #tpu.memory_space<vmem>>
        %dma_start3A_371 = arith.constant 0 : i32
        %dma_start3A_372 = tpu.memref_slice %arg3[%multiple_of3A_355, %dma_start3A_371] : memref<16384x64xf32, #tpu.memory_space<hbm>> -> memref<32x64xf32, #tpu.memory_space<hbm>>
        %dma_start3A_373 = tpu.memref_slice %arg13[%dma_start3A_366] : memref<2x!tpu.dma_semaphore, #tpu.memory_space<semaphore_mem>> -> memref<1x!tpu.dma_semaphore, #tpu.memory_space<semaphore_mem>>
        %dma_start3A_374 = tpu.memref_squeeze %dma_start3A_373 : memref<1x!tpu.dma_semaphore, #tpu.memory_space<semaphore_mem>> -> memref<!tpu.dma_semaphore, #tpu.memory_space<semaphore_mem>>
        %dma_start3A_375 = arith.constant 0 : i32
        %dma_start3A_376 = arith.constant 0 : i32
        %dma_start3A_377 = tpu.memref_slice %arg7[%dma_start3A_365, %dma_start3A_375, %dma_start3A_376] : memref<2x32x64xf32, #tpu.memory_space<vmem>> -> memref<1x32x64xf32, #tpu.memory_space<vmem>>
        %dma_start3A_378 = tpu.memref_squeeze %dma_start3A_377 : memref<1x32x64xf32, #tpu.memory_space<vmem>> -> memref<32x64xf32, #tpu.memory_space<vmem>>
        %dma_start3A_379 = arith.constant 0 : i32
        %dma_start3A_380 = tpu.memref_slice %arg3[%multiple_of3A_355, %dma_start3A_379] : memref<16384x64xf32, #tpu.memory_space<hbm>> -> memref<32x64xf32, #tpu.memory_space<hbm>>
        tpu.enqueue_dma source(%dma_start3A_380 : memref<32x64xf32, #tpu.memory_space<hbm>>) target(%dma_start3A_378 : memref<32x64xf32, #tpu.memory_space<vmem>>) target_semaphore(%dma_start3A_374 : memref<!tpu.dma_semaphore, #tpu.memory_space<semaphore_mem>>)
        %dma_start3A_381 = arith.constant 1 : i32
        %dma_start3A_382 = arith.constant 1 : i32
        %dma_start3A_383 = arith.constant 1 : i32
        %dma_start3A_384 = arith.constant 0 : i32
        %dma_start3A_385 = arith.constant 0 : i32
        %dma_start3A_386 = tpu.memref_slice %arg8[%dma_start3A_382, %dma_start3A_384, %dma_start3A_385] : memref<2x656x64xbf16, #tpu.memory_space<vmem>> -> memref<1x128x64xbf16, #tpu.memory_space<vmem>>
        %dma_start3A_387 = tpu.memref_squeeze %dma_start3A_386 : memref<1x128x64xbf16, #tpu.memory_space<vmem>> -> memref<128x64xbf16, #tpu.memory_space<vmem>>
        %dma_start3A_388 = arith.constant 0 : i32
        %dma_start3A_389 = tpu.memref_slice %arg6[%dma_start3A_381, %dma_start3A_388] : memref<2x640xi32, #tpu.memory_space<vmem>> -> memref<1x128xi32, #tpu.memory_space<vmem>>
        %dma_start3A_390 = tpu.memref_squeeze %dma_start3A_389 : memref<1x128xi32, #tpu.memory_space<vmem>> -> memref<128xi32, #tpu.memory_space<vmem>>
        %dma_start3A_391 = arith.constant 0 : i32
        %dma_start3A_392 = arith.constant 0 : i32
        %dma_start3A_393 = tpu.memref_slice %arg4[%dma_start3A_391, %dma_start3A_392] : memref<1000000x64xbf16, #tpu.memory_space<hbm>> -> memref<1000000x64xbf16, #tpu.memory_space<hbm>>
        %dma_start3A_394 = tpu.memref_slice %arg12[%dma_start3A_383] : memref<2x!tpu.dma_semaphore, #tpu.memory_space<semaphore_mem>> -> memref<1x!tpu.dma_semaphore, #tpu.memory_space<semaphore_mem>>
        %dma_start3A_395 = tpu.memref_squeeze %dma_start3A_394 : memref<1x!tpu.dma_semaphore, #tpu.memory_space<semaphore_mem>> -> memref<!tpu.dma_semaphore, #tpu.memory_space<semaphore_mem>>
        tpu.enqueue_indirect_dma source(%dma_start3A_393 : memref<1000000x64xbf16, #tpu.memory_space<hbm>>) target(%dma_start3A_387 : memref<128x64xbf16, #tpu.memory_space<vmem>>) offsets(%dma_start3A_390 : memref<128xi32, #tpu.memory_space<vmem>>) semaphore(%dma_start3A_395 : memref<!tpu.dma_semaphore, #tpu.memory_space<semaphore_mem>>)
        %dma_start3A_396 = arith.constant 1 : i32
        %dma_start3A_397 = arith.constant 1 : i32
        %dma_start3A_398 = arith.constant 1 : i32
        %dma_start3A_399 = arith.constant 128 : i32
        %dma_start3A_400 = arith.constant 0 : i32
        %dma_start3A_401 = tpu.memref_slice %arg8[%dma_start3A_397, %dma_start3A_399, %dma_start3A_400] : memref<2x656x64xbf16, #tpu.memory_space<vmem>> -> memref<1x128x64xbf16, #tpu.memory_space<vmem>>
        %dma_start3A_402 = tpu.memref_squeeze %dma_start3A_401 : memref<1x128x64xbf16, #tpu.memory_space<vmem>> -> memref<128x64xbf16, #tpu.memory_space<vmem>>
        %dma_start3A_403 = arith.constant 128 : i32
        %dma_start3A_404 = tpu.memref_slice %arg6[%dma_start3A_396, %dma_start3A_403] : memref<2x640xi32, #tpu.memory_space<vmem>> -> memref<1x128xi32, #tpu.memory_space<vmem>>
        %dma_start3A_405 = tpu.memref_squeeze %dma_start3A_404 : memref<1x128xi32, #tpu.memory_space<vmem>> -> memref<128xi32, #tpu.memory_space<vmem>>
        %dma_start3A_406 = arith.constant 0 : i32
        %dma_start3A_407 = arith.constant 0 : i32
        %dma_start3A_408 = tpu.memref_slice %arg4[%dma_start3A_406, %dma_start3A_407] : memref<1000000x64xbf16, #tpu.memory_space<hbm>> -> memref<1000000x64xbf16, #tpu.memory_space<hbm>>
        %dma_start3A_409 = tpu.memref_slice %arg12[%dma_start3A_398] : memref<2x!tpu.dma_semaphore, #tpu.memory_space<semaphore_mem>> -> memref<1x!tpu.dma_semaphore, #tpu.memory_space<semaphore_mem>>
        %dma_start3A_410 = tpu.memref_squeeze %dma_start3A_409 : memref<1x!tpu.dma_semaphore, #tpu.memory_space<semaphore_mem>> -> memref<!tpu.dma_semaphore, #tpu.memory_space<semaphore_mem>>
        tpu.enqueue_indirect_dma source(%dma_start3A_408 : memref<1000000x64xbf16, #tpu.memory_space<hbm>>) target(%dma_start3A_402 : memref<128x64xbf16, #tpu.memory_space<vmem>>) offsets(%dma_start3A_405 : memref<128xi32, #tpu.memory_space<vmem>>) semaphore(%dma_start3A_410 : memref<!tpu.dma_semaphore, #tpu.memory_space<semaphore_mem>>)
        %dma_start3A_411 = arith.constant 1 : i32
        %dma_start3A_412 = arith.constant 1 : i32
        %dma_start3A_413 = arith.constant 1 : i32
        %dma_start3A_414 = arith.constant 256 : i32
        %dma_start3A_415 = arith.constant 0 : i32
        %dma_start3A_416 = tpu.memref_slice %arg8[%dma_start3A_412, %dma_start3A_414, %dma_start3A_415] : memref<2x656x64xbf16, #tpu.memory_space<vmem>> -> memref<1x128x64xbf16, #tpu.memory_space<vmem>>
        %dma_start3A_417 = tpu.memref_squeeze %dma_start3A_416 : memref<1x128x64xbf16, #tpu.memory_space<vmem>> -> memref<128x64xbf16, #tpu.memory_space<vmem>>
        %dma_start3A_418 = arith.constant 256 : i32
        %dma_start3A_419 = tpu.memref_slice %arg6[%dma_start3A_411, %dma_start3A_418] : memref<2x640xi32, #tpu.memory_space<vmem>> -> memref<1x128xi32, #tpu.memory_space<vmem>>
        %dma_start3A_420 = tpu.memref_squeeze %dma_start3A_419 : memref<1x128xi32, #tpu.memory_space<vmem>> -> memref<128xi32, #tpu.memory_space<vmem>>
        %dma_start3A_421 = arith.constant 0 : i32
        %dma_start3A_422 = arith.constant 0 : i32
        %dma_start3A_423 = tpu.memref_slice %arg4[%dma_start3A_421, %dma_start3A_422] : memref<1000000x64xbf16, #tpu.memory_space<hbm>> -> memref<1000000x64xbf16, #tpu.memory_space<hbm>>
        %dma_start3A_424 = tpu.memref_slice %arg12[%dma_start3A_413] : memref<2x!tpu.dma_semaphore, #tpu.memory_space<semaphore_mem>> -> memref<1x!tpu.dma_semaphore, #tpu.memory_space<semaphore_mem>>
        %dma_start3A_425 = tpu.memref_squeeze %dma_start3A_424 : memref<1x!tpu.dma_semaphore, #tpu.memory_space<semaphore_mem>> -> memref<!tpu.dma_semaphore, #tpu.memory_space<semaphore_mem>>
        tpu.enqueue_indirect_dma source(%dma_start3A_423 : memref<1000000x64xbf16, #tpu.memory_space<hbm>>) target(%dma_start3A_417 : memref<128x64xbf16, #tpu.memory_space<vmem>>) offsets(%dma_start3A_420 : memref<128xi32, #tpu.memory_space<vmem>>) semaphore(%dma_start3A_425 : memref<!tpu.dma_semaphore, #tpu.memory_space<semaphore_mem>>)
        %dma_start3A_426 = arith.constant 1 : i32
        %dma_start3A_427 = arith.constant 1 : i32
        %dma_start3A_428 = arith.constant 1 : i32
        %dma_start3A_429 = arith.constant 384 : i32
        %dma_start3A_430 = arith.constant 0 : i32
        %dma_start3A_431 = tpu.memref_slice %arg8[%dma_start3A_427, %dma_start3A_429, %dma_start3A_430] : memref<2x656x64xbf16, #tpu.memory_space<vmem>> -> memref<1x128x64xbf16, #tpu.memory_space<vmem>>
        %dma_start3A_432 = tpu.memref_squeeze %dma_start3A_431 : memref<1x128x64xbf16, #tpu.memory_space<vmem>> -> memref<128x64xbf16, #tpu.memory_space<vmem>>
        %dma_start3A_433 = arith.constant 384 : i32
        %dma_start3A_434 = tpu.memref_slice %arg6[%dma_start3A_426, %dma_start3A_433] : memref<2x640xi32, #tpu.memory_space<vmem>> -> memref<1x128xi32, #tpu.memory_space<vmem>>
        %dma_start3A_435 = tpu.memref_squeeze %dma_start3A_434 : memref<1x128xi32, #tpu.memory_space<vmem>> -> memref<128xi32, #tpu.memory_space<vmem>>
        %dma_start3A_436 = arith.constant 0 : i32
        %dma_start3A_437 = arith.constant 0 : i32
        %dma_start3A_438 = tpu.memref_slice %arg4[%dma_start3A_436, %dma_start3A_437] : memref<1000000x64xbf16, #tpu.memory_space<hbm>> -> memref<1000000x64xbf16, #tpu.memory_space<hbm>>
        %dma_start3A_439 = tpu.memref_slice %arg12[%dma_start3A_428] : memref<2x!tpu.dma_semaphore, #tpu.memory_space<semaphore_mem>> -> memref<1x!tpu.dma_semaphore, #tpu.memory_space<semaphore_mem>>
        %dma_start3A_440 = tpu.memref_squeeze %dma_start3A_439 : memref<1x!tpu.dma_semaphore, #tpu.memory_space<semaphore_mem>> -> memref<!tpu.dma_semaphore, #tpu.memory_space<semaphore_mem>>
        tpu.enqueue_indirect_dma source(%dma_start3A_438 : memref<1000000x64xbf16, #tpu.memory_space<hbm>>) target(%dma_start3A_432 : memref<128x64xbf16, #tpu.memory_space<vmem>>) offsets(%dma_start3A_435 : memref<128xi32, #tpu.memory_space<vmem>>) semaphore(%dma_start3A_440 : memref<!tpu.dma_semaphore, #tpu.memory_space<semaphore_mem>>)
        %dma_start3A_441 = arith.constant 1 : i32
        %dma_start3A_442 = arith.constant 1 : i32
        %dma_start3A_443 = arith.constant 1 : i32
        %dma_start3A_444 = arith.constant 512 : i32
        %dma_start3A_445 = arith.constant 0 : i32
        %dma_start3A_446 = tpu.memref_slice %arg8[%dma_start3A_442, %dma_start3A_444, %dma_start3A_445] : memref<2x656x64xbf16, #tpu.memory_space<vmem>> -> memref<1x128x64xbf16, #tpu.memory_space<vmem>>
        %dma_start3A_447 = tpu.memref_squeeze %dma_start3A_446 : memref<1x128x64xbf16, #tpu.memory_space<vmem>> -> memref<128x64xbf16, #tpu.memory_space<vmem>>
        %dma_start3A_448 = arith.constant 512 : i32
        %dma_start3A_449 = tpu.memref_slice %arg6[%dma_start3A_441, %dma_start3A_448] : memref<2x640xi32, #tpu.memory_space<vmem>> -> memref<1x128xi32, #tpu.memory_space<vmem>>
        %dma_start3A_450 = tpu.memref_squeeze %dma_start3A_449 : memref<1x128xi32, #tpu.memory_space<vmem>> -> memref<128xi32, #tpu.memory_space<vmem>>
        %dma_start3A_451 = arith.constant 0 : i32
        %dma_start3A_452 = arith.constant 0 : i32
        %dma_start3A_453 = tpu.memref_slice %arg4[%dma_start3A_451, %dma_start3A_452] : memref<1000000x64xbf16, #tpu.memory_space<hbm>> -> memref<1000000x64xbf16, #tpu.memory_space<hbm>>
        %dma_start3A_454 = tpu.memref_slice %arg12[%dma_start3A_443] : memref<2x!tpu.dma_semaphore, #tpu.memory_space<semaphore_mem>> -> memref<1x!tpu.dma_semaphore, #tpu.memory_space<semaphore_mem>>
        %dma_start3A_455 = tpu.memref_squeeze %dma_start3A_454 : memref<1x!tpu.dma_semaphore, #tpu.memory_space<semaphore_mem>> -> memref<!tpu.dma_semaphore, #tpu.memory_space<semaphore_mem>>
        tpu.enqueue_indirect_dma source(%dma_start3A_453 : memref<1000000x64xbf16, #tpu.memory_space<hbm>>) target(%dma_start3A_447 : memref<128x64xbf16, #tpu.memory_space<vmem>>) offsets(%dma_start3A_450 : memref<128xi32, #tpu.memory_space<vmem>>) semaphore(%dma_start3A_455 : memref<!tpu.dma_semaphore, #tpu.memory_space<semaphore_mem>>)
      } else {
      }
      %multiple_of3A_116 = arith.constant 0 : i32
      %multiple_of3A_117 = tpu.assume_multiple %multiple_of3A_116, 32 : i32
      %dma_wait3A = arith.constant 0 : i32
      %dma_wait3A_118 = arith.constant 0 : i32
      %dma_wait3A_119 = arith.constant 0 : i32
      %dma_wait3A_120 = arith.constant 0 : i32
      %dma_wait3A_121 = tpu.memref_slice %arg7[%dma_wait3A, %dma_wait3A_119, %dma_wait3A_120] : memref<2x32x64xf32, #tpu.memory_space<vmem>> -> memref<1x32x64xf32, #tpu.memory_space<vmem>>
      %dma_wait3A_122 = tpu.memref_squeeze %dma_wait3A_121 : memref<1x32x64xf32, #tpu.memory_space<vmem>> -> memref<32x64xf32, #tpu.memory_space<vmem>>
      %dma_wait3A_123 = arith.constant 0 : i32
      %dma_wait3A_124 = tpu.memref_slice %arg3[%multiple_of3A_117, %dma_wait3A_123] : memref<16384x64xf32, #tpu.memory_space<hbm>> -> memref<32x64xf32, #tpu.memory_space<hbm>>
      %dma_wait3A_125 = tpu.memref_slice %arg13[%dma_wait3A_118] : memref<2x!tpu.dma_semaphore, #tpu.memory_space<semaphore_mem>> -> memref<1x!tpu.dma_semaphore, #tpu.memory_space<semaphore_mem>>
      %dma_wait3A_126 = tpu.memref_squeeze %dma_wait3A_125 : memref<1x!tpu.dma_semaphore, #tpu.memory_space<semaphore_mem>> -> memref<!tpu.dma_semaphore, #tpu.memory_space<semaphore_mem>>
      %dma_wait3A_127 = arith.constant 0 : i32
      %dma_wait3A_128 = arith.constant 0 : i32
      %dma_wait3A_129 = tpu.memref_slice %arg7[%dma_wait3A, %dma_wait3A_127, %dma_wait3A_128] : memref<2x32x64xf32, #tpu.memory_space<vmem>> -> memref<1x32x64xf32, #tpu.memory_space<vmem>>
      %dma_wait3A_130 = tpu.memref_squeeze %dma_wait3A_129 : memref<1x32x64xf32, #tpu.memory_space<vmem>> -> memref<32x64xf32, #tpu.memory_space<vmem>>
      %dma_wait3A_131 = arith.constant 0 : i32
      %dma_wait3A_132 = tpu.memref_slice %arg3[%multiple_of3A_117, %dma_wait3A_131] : memref<16384x64xf32, #tpu.memory_space<hbm>> -> memref<32x64xf32, #tpu.memory_space<hbm>>
      tpu.wait_dma2 semaphore(%dma_wait3A_126 : memref<!tpu.dma_semaphore, #tpu.memory_space<semaphore_mem>>) src(%dma_wait3A_132 : memref<32x64xf32, #tpu.memory_space<hbm>>) dst(%dma_wait3A_130 : memref<32x64xf32, #tpu.memory_space<vmem>>)
      %dma_wait3A_133 = arith.constant 0 : i32
      %dma_wait3A_134 = arith.constant 0 : i32
      %dma_wait3A_135 = arith.constant 0 : i32
      %dma_wait3A_136 = arith.constant 0 : i32
      %dma_wait3A_137 = arith.constant 0 : i32
      %dma_wait3A_138 = tpu.memref_slice %arg8[%dma_wait3A_134, %dma_wait3A_136, %dma_wait3A_137] : memref<2x656x64xbf16, #tpu.memory_space<vmem>> -> memref<1x128x64xbf16, #tpu.memory_space<vmem>>
      %dma_wait3A_139 = tpu.memref_squeeze %dma_wait3A_138 : memref<1x128x64xbf16, #tpu.memory_space<vmem>> -> memref<128x64xbf16, #tpu.memory_space<vmem>>
      %dma_wait3A_140 = arith.constant 0 : i32
      %dma_wait3A_141 = tpu.memref_slice %arg6[%dma_wait3A_133, %dma_wait3A_140] : memref<2x640xi32, #tpu.memory_space<vmem>> -> memref<1x128xi32, #tpu.memory_space<vmem>>
      %dma_wait3A_142 = tpu.memref_squeeze %dma_wait3A_141 : memref<1x128xi32, #tpu.memory_space<vmem>> -> memref<128xi32, #tpu.memory_space<vmem>>
      %dma_wait3A_143 = arith.constant 0 : i32
      %dma_wait3A_144 = arith.constant 0 : i32
      %dma_wait3A_145 = tpu.memref_slice %arg4[%dma_wait3A_143, %dma_wait3A_144] : memref<1000000x64xbf16, #tpu.memory_space<hbm>> -> memref<1000000x64xbf16, #tpu.memory_space<hbm>>
      %dma_wait3A_146 = tpu.memref_slice %arg12[%dma_wait3A_135] : memref<2x!tpu.dma_semaphore, #tpu.memory_space<semaphore_mem>> -> memref<1x!tpu.dma_semaphore, #tpu.memory_space<semaphore_mem>>
      %dma_wait3A_147 = tpu.memref_squeeze %dma_wait3A_146 : memref<1x!tpu.dma_semaphore, #tpu.memory_space<semaphore_mem>> -> memref<!tpu.dma_semaphore, #tpu.memory_space<semaphore_mem>>
      tpu.wait_indirect_dma semaphore(%dma_wait3A_147 : memref<!tpu.dma_semaphore, #tpu.memory_space<semaphore_mem>>) src(%dma_wait3A_145 : memref<1000000x64xbf16, #tpu.memory_space<hbm>>) dst(%dma_wait3A_139 : memref<128x64xbf16, #tpu.memory_space<vmem>>)
      %dma_wait3A_148 = arith.constant 0 : i32
      %dma_wait3A_149 = arith.constant 0 : i32
      %dma_wait3A_150 = arith.constant 0 : i32
      %dma_wait3A_151 = arith.constant 128 : i32
      %dma_wait3A_152 = arith.constant 0 : i32
      %dma_wait3A_153 = tpu.memref_slice %arg8[%dma_wait3A_149, %dma_wait3A_151, %dma_wait3A_152] : memref<2x656x64xbf16, #tpu.memory_space<vmem>> -> memref<1x128x64xbf16, #tpu.memory_space<vmem>>
      %dma_wait3A_154 = tpu.memref_squeeze %dma_wait3A_153 : memref<1x128x64xbf16, #tpu.memory_space<vmem>> -> memref<128x64xbf16, #tpu.memory_space<vmem>>
      %dma_wait3A_155 = arith.constant 128 : i32
      %dma_wait3A_156 = tpu.memref_slice %arg6[%dma_wait3A_148, %dma_wait3A_155] : memref<2x640xi32, #tpu.memory_space<vmem>> -> memref<1x128xi32, #tpu.memory_space<vmem>>
      %dma_wait3A_157 = tpu.memref_squeeze %dma_wait3A_156 : memref<1x128xi32, #tpu.memory_space<vmem>> -> memref<128xi32, #tpu.memory_space<vmem>>
      %dma_wait3A_158 = arith.constant 0 : i32
      %dma_wait3A_159 = arith.constant 0 : i32
      %dma_wait3A_160 = tpu.memref_slice %arg4[%dma_wait3A_158, %dma_wait3A_159] : memref<1000000x64xbf16, #tpu.memory_space<hbm>> -> memref<1000000x64xbf16, #tpu.memory_space<hbm>>
      %dma_wait3A_161 = tpu.memref_slice %arg12[%dma_wait3A_150] : memref<2x!tpu.dma_semaphore, #tpu.memory_space<semaphore_mem>> -> memref<1x!tpu.dma_semaphore, #tpu.memory_space<semaphore_mem>>
      %dma_wait3A_162 = tpu.memref_squeeze %dma_wait3A_161 : memref<1x!tpu.dma_semaphore, #tpu.memory_space<semaphore_mem>> -> memref<!tpu.dma_semaphore, #tpu.memory_space<semaphore_mem>>
      tpu.wait_indirect_dma semaphore(%dma_wait3A_162 : memref<!tpu.dma_semaphore, #tpu.memory_space<semaphore_mem>>) src(%dma_wait3A_160 : memref<1000000x64xbf16, #tpu.memory_space<hbm>>) dst(%dma_wait3A_154 : memref<128x64xbf16, #tpu.memory_space<vmem>>)
      %dma_wait3A_163 = arith.constant 0 : i32
      %dma_wait3A_164 = arith.constant 0 : i32
      %dma_wait3A_165 = arith.constant 0 : i32
      %dma_wait3A_166 = arith.constant 256 : i32
      %dma_wait3A_167 = arith.constant 0 : i32
      %dma_wait3A_168 = tpu.memref_slice %arg8[%dma_wait3A_164, %dma_wait3A_166, %dma_wait3A_167] : memref<2x656x64xbf16, #tpu.memory_space<vmem>> -> memref<1x128x64xbf16, #tpu.memory_space<vmem>>
      %dma_wait3A_169 = tpu.memref_squeeze %dma_wait3A_168 : memref<1x128x64xbf16, #tpu.memory_space<vmem>> -> memref<128x64xbf16, #tpu.memory_space<vmem>>
      %dma_wait3A_170 = arith.constant 256 : i32
      %dma_wait3A_171 = tpu.memref_slice %arg6[%dma_wait3A_163, %dma_wait3A_170] : memref<2x640xi32, #tpu.memory_space<vmem>> -> memref<1x128xi32, #tpu.memory_space<vmem>>
      %dma_wait3A_172 = tpu.memref_squeeze %dma_wait3A_171 : memref<1x128xi32, #tpu.memory_space<vmem>> -> memref<128xi32, #tpu.memory_space<vmem>>
      %dma_wait3A_173 = arith.constant 0 : i32
      %dma_wait3A_174 = arith.constant 0 : i32
      %dma_wait3A_175 = tpu.memref_slice %arg4[%dma_wait3A_173, %dma_wait3A_174] : memref<1000000x64xbf16, #tpu.memory_space<hbm>> -> memref<1000000x64xbf16, #tpu.memory_space<hbm>>
      %dma_wait3A_176 = tpu.memref_slice %arg12[%dma_wait3A_165] : memref<2x!tpu.dma_semaphore, #tpu.memory_space<semaphore_mem>> -> memref<1x!tpu.dma_semaphore, #tpu.memory_space<semaphore_mem>>
      %dma_wait3A_177 = tpu.memref_squeeze %dma_wait3A_176 : memref<1x!tpu.dma_semaphore, #tpu.memory_space<semaphore_mem>> -> memref<!tpu.dma_semaphore, #tpu.memory_space<semaphore_mem>>
      tpu.wait_indirect_dma semaphore(%dma_wait3A_177 : memref<!tpu.dma_semaphore, #tpu.memory_space<semaphore_mem>>) src(%dma_wait3A_175 : memref<1000000x64xbf16, #tpu.memory_space<hbm>>) dst(%dma_wait3A_169 : memref<128x64xbf16, #tpu.memory_space<vmem>>)
      %dma_wait3A_178 = arith.constant 0 : i32
      %dma_wait3A_179 = arith.constant 0 : i32
      %dma_wait3A_180 = arith.constant 0 : i32
      %dma_wait3A_181 = arith.constant 384 : i32
      %dma_wait3A_182 = arith.constant 0 : i32
      %dma_wait3A_183 = tpu.memref_slice %arg8[%dma_wait3A_179, %dma_wait3A_181, %dma_wait3A_182] : memref<2x656x64xbf16, #tpu.memory_space<vmem>> -> memref<1x128x64xbf16, #tpu.memory_space<vmem>>
      %dma_wait3A_184 = tpu.memref_squeeze %dma_wait3A_183 : memref<1x128x64xbf16, #tpu.memory_space<vmem>> -> memref<128x64xbf16, #tpu.memory_space<vmem>>
      %dma_wait3A_185 = arith.constant 384 : i32
      %dma_wait3A_186 = tpu.memref_slice %arg6[%dma_wait3A_178, %dma_wait3A_185] : memref<2x640xi32, #tpu.memory_space<vmem>> -> memref<1x128xi32, #tpu.memory_space<vmem>>
      %dma_wait3A_187 = tpu.memref_squeeze %dma_wait3A_186 : memref<1x128xi32, #tpu.memory_space<vmem>> -> memref<128xi32, #tpu.memory_space<vmem>>
      %dma_wait3A_188 = arith.constant 0 : i32
      %dma_wait3A_189 = arith.constant 0 : i32
      %dma_wait3A_190 = tpu.memref_slice %arg4[%dma_wait3A_188, %dma_wait3A_189] : memref<1000000x64xbf16, #tpu.memory_space<hbm>> -> memref<1000000x64xbf16, #tpu.memory_space<hbm>>
      %dma_wait3A_191 = tpu.memref_slice %arg12[%dma_wait3A_180] : memref<2x!tpu.dma_semaphore, #tpu.memory_space<semaphore_mem>> -> memref<1x!tpu.dma_semaphore, #tpu.memory_space<semaphore_mem>>
      %dma_wait3A_192 = tpu.memref_squeeze %dma_wait3A_191 : memref<1x!tpu.dma_semaphore, #tpu.memory_space<semaphore_mem>> -> memref<!tpu.dma_semaphore, #tpu.memory_space<semaphore_mem>>
      tpu.wait_indirect_dma semaphore(%dma_wait3A_192 : memref<!tpu.dma_semaphore, #tpu.memory_space<semaphore_mem>>) src(%dma_wait3A_190 : memref<1000000x64xbf16, #tpu.memory_space<hbm>>) dst(%dma_wait3A_184 : memref<128x64xbf16, #tpu.memory_space<vmem>>)
      %dma_wait3A_193 = arith.constant 0 : i32
      %dma_wait3A_194 = arith.constant 0 : i32
      %dma_wait3A_195 = arith.constant 0 : i32
      %dma_wait3A_196 = arith.constant 512 : i32
      %dma_wait3A_197 = arith.constant 0 : i32
      %dma_wait3A_198 = tpu.memref_slice %arg8[%dma_wait3A_194, %dma_wait3A_196, %dma_wait3A_197] : memref<2x656x64xbf16, #tpu.memory_space<vmem>> -> memref<1x128x64xbf16, #tpu.memory_space<vmem>>
      %dma_wait3A_199 = tpu.memref_squeeze %dma_wait3A_198 : memref<1x128x64xbf16, #tpu.memory_space<vmem>> -> memref<128x64xbf16, #tpu.memory_space<vmem>>
      %dma_wait3A_200 = arith.constant 512 : i32
      %dma_wait3A_201 = tpu.memref_slice %arg6[%dma_wait3A_193, %dma_wait3A_200] : memref<2x640xi32, #tpu.memory_space<vmem>> -> memref<1x128xi32, #tpu.memory_space<vmem>>
      %dma_wait3A_202 = tpu.memref_squeeze %dma_wait3A_201 : memref<1x128xi32, #tpu.memory_space<vmem>> -> memref<128xi32, #tpu.memory_space<vmem>>
      %dma_wait3A_203 = arith.constant 0 : i32
      %dma_wait3A_204 = arith.constant 0 : i32
      %dma_wait3A_205 = tpu.memref_slice %arg4[%dma_wait3A_203, %dma_wait3A_204] : memref<1000000x64xbf16, #tpu.memory_space<hbm>> -> memref<1000000x64xbf16, #tpu.memory_space<hbm>>
      %dma_wait3A_206 = tpu.memref_slice %arg12[%dma_wait3A_195] : memref<2x!tpu.dma_semaphore, #tpu.memory_space<semaphore_mem>> -> memref<1x!tpu.dma_semaphore, #tpu.memory_space<semaphore_mem>>
      %dma_wait3A_207 = tpu.memref_squeeze %dma_wait3A_206 : memref<1x!tpu.dma_semaphore, #tpu.memory_space<semaphore_mem>> -> memref<!tpu.dma_semaphore, #tpu.memory_space<semaphore_mem>>
      tpu.wait_indirect_dma semaphore(%dma_wait3A_207 : memref<!tpu.dma_semaphore, #tpu.memory_space<semaphore_mem>>) src(%dma_wait3A_205 : memref<1000000x64xbf16, #tpu.memory_space<hbm>>) dst(%dma_wait3A_199 : memref<128x64xbf16, #tpu.memory_space<vmem>>)
      %mul3A_208 = arith.constant 2 : i32
      %mul3A_209 = vector.broadcast %mul3A_208 : i32 to vector<16xi32>
      %mul3A_210 = arith.muli %iota3A, %mul3A_209 : vector<16xi32>
      %scan3A_211 = arith.constant 0 : i32
      %scan3A_212 = arith.constant 0 : i32
      %scan3A_213 = arith.constant 32 : i32
      %scan3A_214 = arith.addi %scan3A_212, %scan3A_213 : i32
      %scan3A_215 = arith.constant 1 : i32
      scf.for %scan3A_348 = %scan3A_212 to %scan3A_214 step %scan3A_215  : i32 {
        %broadcast_in_dim3A = arith.constant 0 : i32
        %broadcast_in_dim3A_349 = vector.broadcast %broadcast_in_dim3A : i32 to vector<16xi32>
        %add3A_350 = vector.broadcast %scan3A_348 : i32 to vector<16xi32>
        %add3A_351 = arith.addi %broadcast_in_dim3A_349, %add3A_350 : vector<16xi32>
        %gather3A = arith.constant 0 : i32
        %gather3A_352 = arith.constant 0 : i32
        %gather3A_353 = arith.constant 0 : i32
        %gather3A_354 = tpu.memref_slice %arg7[%gather3A, %gather3A_352, %gather3A_353] : memref<2x32x64xf32, #tpu.memory_space<vmem>> -> memref<1x32x64xf32, #tpu.memory_space<vmem>>
        %gather3A_355 = tpu.memref_squeeze %gather3A_354 : memref<1x32x64xf32, #tpu.memory_space<vmem>> -> memref<32x64xf32, #tpu.memory_space<vmem>>
        %gather3A_356 = tpu.vector_load_idx %gather3A_355[%add3A_351, %mul3A_210] : memref<32x64xf32, #tpu.memory_space<vmem>>[vector<16xi32>, vector<16xi32>], vector<16xf32>,
        %add3A_357 = arith.constant 1 : i32
        %add3A_358 = vector.broadcast %add3A_357 : i32 to vector<16xi32>
        %add3A_359 = arith.addi %mul3A_210, %add3A_358 : vector<16xi32>
        %gather3A_360 = arith.constant 0 : i32
        %gather3A_361 = arith.constant 0 : i32
        %gather3A_362 = arith.constant 0 : i32
        %gather3A_363 = tpu.memref_slice %arg7[%gather3A_360, %gather3A_361, %gather3A_362] : memref<2x32x64xf32, #tpu.memory_space<vmem>> -> memref<1x32x64xf32, #tpu.memory_space<vmem>>
        %gather3A_364 = tpu.memref_squeeze %gather3A_363 : memref<1x32x64xf32, #tpu.memory_space<vmem>> -> memref<32x64xf32, #tpu.memory_space<vmem>>
        %gather3A_365 = tpu.vector_load_idx %gather3A_364[%add3A_351, %add3A_359] : memref<32x64xf32, #tpu.memory_space<vmem>>[vector<16xi32>, vector<16xi32>], vector<16xf32>,
        %add3A_366 = arith.constant 32 : i32
        %add3A_367 = vector.broadcast %add3A_366 : i32 to vector<16xi32>
        %add3A_368 = arith.addi %mul3A_210, %add3A_367 : vector<16xi32>
        %gather3A_369 = arith.constant 0 : i32
        %gather3A_370 = arith.constant 0 : i32
        %gather3A_371 = arith.constant 0 : i32
        %gather3A_372 = tpu.memref_slice %arg7[%gather3A_369, %gather3A_370, %gather3A_371] : memref<2x32x64xf32, #tpu.memory_space<vmem>> -> memref<1x32x64xf32, #tpu.memory_space<vmem>>
        %gather3A_373 = tpu.memref_squeeze %gather3A_372 : memref<1x32x64xf32, #tpu.memory_space<vmem>> -> memref<32x64xf32, #tpu.memory_space<vmem>>
        %gather3A_374 = tpu.vector_load_idx %gather3A_373[%add3A_351, %add3A_368] : memref<32x64xf32, #tpu.memory_space<vmem>>[vector<16xi32>, vector<16xi32>], vector<16xf32>,
        %add3A_375 = arith.constant 33 : i32
        %add3A_376 = vector.broadcast %add3A_375 : i32 to vector<16xi32>
        %add3A_377 = arith.addi %mul3A_210, %add3A_376 : vector<16xi32>
        %gather3A_378 = arith.constant 0 : i32
        %gather3A_379 = arith.constant 0 : i32
        %gather3A_380 = arith.constant 0 : i32
        %gather3A_381 = tpu.memref_slice %arg7[%gather3A_378, %gather3A_379, %gather3A_380] : memref<2x32x64xf32, #tpu.memory_space<vmem>> -> memref<1x32x64xf32, #tpu.memory_space<vmem>>
        %gather3A_382 = tpu.memref_squeeze %gather3A_381 : memref<1x32x64xf32, #tpu.memory_space<vmem>> -> memref<32x64xf32, #tpu.memory_space<vmem>>
        %gather3A_383 = tpu.vector_load_idx %gather3A_382[%add3A_351, %add3A_377] : memref<32x64xf32, #tpu.memory_space<vmem>>[vector<16xi32>, vector<16xi32>], vector<16xf32>,
        %mul3A_384 = arith.constant 20 : i32
        %mul3A_385 = arith.muli %scan3A_348, %mul3A_384 : i32
        %add3A_386 = arith.constant 0 : i32
        %add3A_387 = arith.addi %mul3A_385, %add3A_386 : i32
        %get3A = arith.constant 0 : i32
        %get3A_388 = arith.index_cast %get3A : i32 to index
        %get3A_389 = arith.index_cast %add3A_387 : i32 to index
        %get3A_390 = arith.constant 0 : index
        %get3A_391 = tpu.vector_load %arg8[%get3A_388, %get3A_389, %get3A_390] {strides = array<i32>} : memref<2x656x64xbf16, #tpu.memory_space<vmem>>, vector<32xbf16>,
        %unpack3A = tpu.unpack_subelements %get3A_391, 0 {pack_format = #tpu.pack_format<interleaved>} : vector<32xbf16> -> vector<16xf32>
        %unpack3A_392 = tpu.unpack_subelements %get3A_391, 1 {pack_format = #tpu.pack_format<interleaved>} : vector<32xbf16> -> vector<16xf32>
        %get3A_393 = arith.constant 0 : i32
        %get3A_394 = arith.index_cast %get3A_393 : i32 to index
        %get3A_395 = arith.index_cast %add3A_387 : i32 to index
        %get3A_396 = arith.constant 32 : index
        %get3A_397 = tpu.vector_load %arg8[%get3A_394, %get3A_395, %get3A_396] {strides = array<i32>} : memref<2x656x64xbf16, #tpu.memory_space<vmem>>, vector<32xbf16>,
        %unpack3A_398 = tpu.unpack_subelements %get3A_397, 0 {pack_format = #tpu.pack_format<interleaved>} : vector<32xbf16> -> vector<16xf32>
        %unpack3A_399 = tpu.unpack_subelements %get3A_397, 1 {pack_format = #tpu.pack_format<interleaved>} : vector<32xbf16> -> vector<16xf32>
        %mul3A_400 = arith.mulf %unpack3A, %gather3A_356 : vector<16xf32>
        %mul3A_401 = arith.mulf %unpack3A_392, %gather3A_365 : vector<16xf32>
        %add3A_402 = arith.addf %mul3A_400, %mul3A_401 : vector<16xf32>
        %mul3A_403 = arith.mulf %unpack3A_398, %gather3A_374 : vector<16xf32>
        %add3A_404 = arith.addf %add3A_402, %mul3A_403 : vector<16xf32>
        %mul3A_405 = arith.mulf %unpack3A_399, %gather3A_383 : vector<16xf32>
        %add3A_406 = arith.addf %add3A_404, %mul3A_405 : vector<16xf32>
        %swap3A = arith.constant 0 : index
        %swap3A_407 = tpu.vector_load %arg9[%swap3A] {strides = array<i32>} : memref<256xf32, #tpu.memory_space<vmem>>, vector<16xf32>,
        tpu.vector_store %arg9[%swap3A], %add3A_406 {strides = array<i32>} : memref<256xf32, #tpu.memory_space<vmem>>, vector<16xf32>,
        %mul3A_408 = arith.constant 20 : i32
        %mul3A_409 = arith.muli %scan3A_348, %mul3A_408 : i32
        %add3A_410 = arith.constant 1 : i32
        %add3A_411 = arith.addi %mul3A_409, %add3A_410 : i32
        %get3A_412 = arith.constant 0 : i32
        %get3A_413 = arith.index_cast %get3A_412 : i32 to index
        %get3A_414 = arith.index_cast %add3A_411 : i32 to index
        %get3A_415 = arith.constant 0 : index
        %get3A_416 = tpu.vector_load %arg8[%get3A_413, %get3A_414, %get3A_415] {strides = array<i32>} : memref<2x656x64xbf16, #tpu.memory_space<vmem>>, vector<32xbf16>,
        %unpack3A_417 = tpu.unpack_subelements %get3A_416, 0 {pack_format = #tpu.pack_format<interleaved>} : vector<32xbf16> -> vector<16xf32>
        %unpack3A_418 = tpu.unpack_subelements %get3A_416, 1 {pack_format = #tpu.pack_format<interleaved>} : vector<32xbf16> -> vector<16xf32>
        %get3A_419 = arith.constant 0 : i32
        %get3A_420 = arith.index_cast %get3A_419 : i32 to index
        %get3A_421 = arith.index_cast %add3A_411 : i32 to index
        %get3A_422 = arith.constant 32 : index
        %get3A_423 = tpu.vector_load %arg8[%get3A_420, %get3A_421, %get3A_422] {strides = array<i32>} : memref<2x656x64xbf16, #tpu.memory_space<vmem>>, vector<32xbf16>,
        %unpack3A_424 = tpu.unpack_subelements %get3A_423, 0 {pack_format = #tpu.pack_format<interleaved>} : vector<32xbf16> -> vector<16xf32>
        %unpack3A_425 = tpu.unpack_subelements %get3A_423, 1 {pack_format = #tpu.pack_format<interleaved>} : vector<32xbf16> -> vector<16xf32>
        %mul3A_426 = arith.mulf %unpack3A_417, %gather3A_356 : vector<16xf32>
        %mul3A_427 = arith.mulf %unpack3A_418, %gather3A_365 : vector<16xf32>
        %add3A_428 = arith.addf %mul3A_426, %mul3A_427 : vector<16xf32>
        %mul3A_429 = arith.mulf %unpack3A_424, %gather3A_374 : vector<16xf32>
        %add3A_430 = arith.addf %add3A_428, %mul3A_429 : vector<16xf32>
        %mul3A_431 = arith.mulf %unpack3A_425, %gather3A_383 : vector<16xf32>
        %add3A_432 = arith.addf %add3A_430, %mul3A_431 : vector<16xf32>
        %swap3A_433 = arith.constant 16 : index
        %swap3A_434 = tpu.vector_load %arg9[%swap3A_433] {strides = array<i32>} : memref<256xf32, #tpu.memory_space<vmem>>, vector<16xf32>,
        tpu.vector_store %arg9[%swap3A_433], %add3A_432 {strides = array<i32>} : memref<256xf32, #tpu.memory_space<vmem>>, vector<16xf32>,
        %mul3A_435 = arith.constant 20 : i32
        %mul3A_436 = arith.muli %scan3A_348, %mul3A_435 : i32
        %add3A_437 = arith.constant 2 : i32
        %add3A_438 = arith.addi %mul3A_436, %add3A_437 : i32
        %get3A_439 = arith.constant 0 : i32
        %get3A_440 = arith.index_cast %get3A_439 : i32 to index
        %get3A_441 = arith.index_cast %add3A_438 : i32 to index
        %get3A_442 = arith.constant 0 : index
        %get3A_443 = tpu.vector_load %arg8[%get3A_440, %get3A_441, %get3A_442] {strides = array<i32>} : memref<2x656x64xbf16, #tpu.memory_space<vmem>>, vector<32xbf16>,
        %unpack3A_444 = tpu.unpack_subelements %get3A_443, 0 {pack_format = #tpu.pack_format<interleaved>} : vector<32xbf16> -> vector<16xf32>
        %unpack3A_445 = tpu.unpack_subelements %get3A_443, 1 {pack_format = #tpu.pack_format<interleaved>} : vector<32xbf16> -> vector<16xf32>
        %get3A_446 = arith.constant 0 : i32
        %get3A_447 = arith.index_cast %get3A_446 : i32 to index
        %get3A_448 = arith.index_cast %add3A_438 : i32 to index
        %get3A_449 = arith.constant 32 : index
        %get3A_450 = tpu.vector_load %arg8[%get3A_447, %get3A_448, %get3A_449] {strides = array<i32>} : memref<2x656x64xbf16, #tpu.memory_space<vmem>>, vector<32xbf16>,
        %unpack3A_451 = tpu.unpack_subelements %get3A_450, 0 {pack_format = #tpu.pack_format<interleaved>} : vector<32xbf16> -> vector<16xf32>
        %unpack3A_452 = tpu.unpack_subelements %get3A_450, 1 {pack_format = #tpu.pack_format<interleaved>} : vector<32xbf16> -> vector<16xf32>
        %mul3A_453 = arith.mulf %unpack3A_444, %gather3A_356 : vector<16xf32>
        %mul3A_454 = arith.mulf %unpack3A_445, %gather3A_365 : vector<16xf32>
        %add3A_455 = arith.addf %mul3A_453, %mul3A_454 : vector<16xf32>
        %mul3A_456 = arith.mulf %unpack3A_451, %gather3A_374 : vector<16xf32>
        %add3A_457 = arith.addf %add3A_455, %mul3A_456 : vector<16xf32>
        %mul3A_458 = arith.mulf %unpack3A_452, %gather3A_383 : vector<16xf32>
        %add3A_459 = arith.addf %add3A_457, %mul3A_458 : vector<16xf32>
        %swap3A_460 = arith.constant 32 : index
        %swap3A_461 = tpu.vector_load %arg9[%swap3A_460] {strides = array<i32>} : memref<256xf32, #tpu.memory_space<vmem>>, vector<16xf32>,
        tpu.vector_store %arg9[%swap3A_460], %add3A_459 {strides = array<i32>} : memref<256xf32, #tpu.memory_space<vmem>>, vector<16xf32>,
        %mul3A_462 = arith.constant 20 : i32
        %mul3A_463 = arith.muli %scan3A_348, %mul3A_462 : i32
        %add3A_464 = arith.constant 3 : i32
        %add3A_465 = arith.addi %mul3A_463, %add3A_464 : i32
        %get3A_466 = arith.constant 0 : i32
        %get3A_467 = arith.index_cast %get3A_466 : i32 to index
        %get3A_468 = arith.index_cast %add3A_465 : i32 to index
        %get3A_469 = arith.constant 0 : index
        %get3A_470 = tpu.vector_load %arg8[%get3A_467, %get3A_468, %get3A_469] {strides = array<i32>} : memref<2x656x64xbf16, #tpu.memory_space<vmem>>, vector<32xbf16>,
        %unpack3A_471 = tpu.unpack_subelements %get3A_470, 0 {pack_format = #tpu.pack_format<interleaved>} : vector<32xbf16> -> vector<16xf32>
        %unpack3A_472 = tpu.unpack_subelements %get3A_470, 1 {pack_format = #tpu.pack_format<interleaved>} : vector<32xbf16> -> vector<16xf32>
        %get3A_473 = arith.constant 0 : i32
        %get3A_474 = arith.index_cast %get3A_473 : i32 to index
        %get3A_475 = arith.index_cast %add3A_465 : i32 to index
        %get3A_476 = arith.constant 32 : index
        %get3A_477 = tpu.vector_load %arg8[%get3A_474, %get3A_475, %get3A_476] {strides = array<i32>} : memref<2x656x64xbf16, #tpu.memory_space<vmem>>, vector<32xbf16>,
        %unpack3A_478 = tpu.unpack_subelements %get3A_477, 0 {pack_format = #tpu.pack_format<interleaved>} : vector<32xbf16> -> vector<16xf32>
        %unpack3A_479 = tpu.unpack_subelements %get3A_477, 1 {pack_format = #tpu.pack_format<interleaved>} : vector<32xbf16> -> vector<16xf32>
        %mul3A_480 = arith.mulf %unpack3A_471, %gather3A_356 : vector<16xf32>
        %mul3A_481 = arith.mulf %unpack3A_472, %gather3A_365 : vector<16xf32>
        %add3A_482 = arith.addf %mul3A_480, %mul3A_481 : vector<16xf32>
        %mul3A_483 = arith.mulf %unpack3A_478, %gather3A_374 : vector<16xf32>
        %add3A_484 = arith.addf %add3A_482, %mul3A_483 : vector<16xf32>
        %mul3A_485 = arith.mulf %unpack3A_479, %gather3A_383 : vector<16xf32>
        %add3A_486 = arith.addf %add3A_484, %mul3A_485 : vector<16xf32>
        %swap3A_487 = arith.constant 48 : index
        %swap3A_488 = tpu.vector_load %arg9[%swap3A_487] {strides = array<i32>} : memref<256xf32, #tpu.memory_space<vmem>>, vector<16xf32>,
        tpu.vector_store %arg9[%swap3A_487], %add3A_486 {strides = array<i32>} : memref<256xf32, #tpu.memory_space<vmem>>, vector<16xf32>,
        %mul3A_489 = arith.constant 20 : i32
        %mul3A_490 = arith.muli %scan3A_348, %mul3A_489 : i32
        %add3A_491 = arith.constant 4 : i32
        %add3A_492 = arith.addi %mul3A_490, %add3A_491 : i32
        %get3A_493 = arith.constant 0 : i32
        %get3A_494 = arith.index_cast %get3A_493 : i32 to index
        %get3A_495 = arith.index_cast %add3A_492 : i32 to index
        %get3A_496 = arith.constant 0 : index
        %get3A_497 = tpu.vector_load %arg8[%get3A_494, %get3A_495, %get3A_496] {strides = array<i32>} : memref<2x656x64xbf16, #tpu.memory_space<vmem>>, vector<32xbf16>,
        %unpack3A_498 = tpu.unpack_subelements %get3A_497, 0 {pack_format = #tpu.pack_format<interleaved>} : vector<32xbf16> -> vector<16xf32>
        %unpack3A_499 = tpu.unpack_subelements %get3A_497, 1 {pack_format = #tpu.pack_format<interleaved>} : vector<32xbf16> -> vector<16xf32>
        %get3A_500 = arith.constant 0 : i32
        %get3A_501 = arith.index_cast %get3A_500 : i32 to index
        %get3A_502 = arith.index_cast %add3A_492 : i32 to index
        %get3A_503 = arith.constant 32 : index
        %get3A_504 = tpu.vector_load %arg8[%get3A_501, %get3A_502, %get3A_503] {strides = array<i32>} : memref<2x656x64xbf16, #tpu.memory_space<vmem>>, vector<32xbf16>,
        %unpack3A_505 = tpu.unpack_subelements %get3A_504, 0 {pack_format = #tpu.pack_format<interleaved>} : vector<32xbf16> -> vector<16xf32>
        %unpack3A_506 = tpu.unpack_subelements %get3A_504, 1 {pack_format = #tpu.pack_format<interleaved>} : vector<32xbf16> -> vector<16xf32>
        %mul3A_507 = arith.mulf %unpack3A_498, %gather3A_356 : vector<16xf32>
        %mul3A_508 = arith.mulf %unpack3A_499, %gather3A_365 : vector<16xf32>
        %add3A_509 = arith.addf %mul3A_507, %mul3A_508 : vector<16xf32>
        %mul3A_510 = arith.mulf %unpack3A_505, %gather3A_374 : vector<16xf32>
        %add3A_511 = arith.addf %add3A_509, %mul3A_510 : vector<16xf32>
        %mul3A_512 = arith.mulf %unpack3A_506, %gather3A_383 : vector<16xf32>
        %add3A_513 = arith.addf %add3A_511, %mul3A_512 : vector<16xf32>
        %swap3A_514 = arith.constant 64 : index
        %swap3A_515 = tpu.vector_load %arg9[%swap3A_514] {strides = array<i32>} : memref<256xf32, #tpu.memory_space<vmem>>, vector<16xf32>,
        tpu.vector_store %arg9[%swap3A_514], %add3A_513 {strides = array<i32>} : memref<256xf32, #tpu.memory_space<vmem>>, vector<16xf32>,
        %mul3A_516 = arith.constant 20 : i32
        %mul3A_517 = arith.muli %scan3A_348, %mul3A_516 : i32
        %add3A_518 = arith.constant 5 : i32
        %add3A_519 = arith.addi %mul3A_517, %add3A_518 : i32
        %get3A_520 = arith.constant 0 : i32
        %get3A_521 = arith.index_cast %get3A_520 : i32 to index
        %get3A_522 = arith.index_cast %add3A_519 : i32 to index
        %get3A_523 = arith.constant 0 : index
        %get3A_524 = tpu.vector_load %arg8[%get3A_521, %get3A_522, %get3A_523] {strides = array<i32>} : memref<2x656x64xbf16, #tpu.memory_space<vmem>>, vector<32xbf16>,
        %unpack3A_525 = tpu.unpack_subelements %get3A_524, 0 {pack_format = #tpu.pack_format<interleaved>} : vector<32xbf16> -> vector<16xf32>
        %unpack3A_526 = tpu.unpack_subelements %get3A_524, 1 {pack_format = #tpu.pack_format<interleaved>} : vector<32xbf16> -> vector<16xf32>
        %get3A_527 = arith.constant 0 : i32
        %get3A_528 = arith.index_cast %get3A_527 : i32 to index
        %get3A_529 = arith.index_cast %add3A_519 : i32 to index
        %get3A_530 = arith.constant 32 : index
        %get3A_531 = tpu.vector_load %arg8[%get3A_528, %get3A_529, %get3A_530] {strides = array<i32>} : memref<2x656x64xbf16, #tpu.memory_space<vmem>>, vector<32xbf16>,
        %unpack3A_532 = tpu.unpack_subelements %get3A_531, 0 {pack_format = #tpu.pack_format<interleaved>} : vector<32xbf16> -> vector<16xf32>
        %unpack3A_533 = tpu.unpack_subelements %get3A_531, 1 {pack_format = #tpu.pack_format<interleaved>} : vector<32xbf16> -> vector<16xf32>
        %mul3A_534 = arith.mulf %unpack3A_525, %gather3A_356 : vector<16xf32>
        %mul3A_535 = arith.mulf %unpack3A_526, %gather3A_365 : vector<16xf32>
        %add3A_536 = arith.addf %mul3A_534, %mul3A_535 : vector<16xf32>
        %mul3A_537 = arith.mulf %unpack3A_532, %gather3A_374 : vector<16xf32>
        %add3A_538 = arith.addf %add3A_536, %mul3A_537 : vector<16xf32>
        %mul3A_539 = arith.mulf %unpack3A_533, %gather3A_383 : vector<16xf32>
        %add3A_540 = arith.addf %add3A_538, %mul3A_539 : vector<16xf32>
        %swap3A_541 = arith.constant 80 : index
        %swap3A_542 = tpu.vector_load %arg9[%swap3A_541] {strides = array<i32>} : memref<256xf32, #tpu.memory_space<vmem>>, vector<16xf32>,
        tpu.vector_store %arg9[%swap3A_541], %add3A_540 {strides = array<i32>} : memref<256xf32, #tpu.memory_space<vmem>>, vector<16xf32>,
        %mul3A_543 = arith.constant 20 : i32
        %mul3A_544 = arith.muli %scan3A_348, %mul3A_543 : i32
        %add3A_545 = arith.constant 6 : i32
        %add3A_546 = arith.addi %mul3A_544, %add3A_545 : i32
        %get3A_547 = arith.constant 0 : i32
        %get3A_548 = arith.index_cast %get3A_547 : i32 to index
        %get3A_549 = arith.index_cast %add3A_546 : i32 to index
        %get3A_550 = arith.constant 0 : index
        %get3A_551 = tpu.vector_load %arg8[%get3A_548, %get3A_549, %get3A_550] {strides = array<i32>} : memref<2x656x64xbf16, #tpu.memory_space<vmem>>, vector<32xbf16>,
        %unpack3A_552 = tpu.unpack_subelements %get3A_551, 0 {pack_format = #tpu.pack_format<interleaved>} : vector<32xbf16> -> vector<16xf32>
        %unpack3A_553 = tpu.unpack_subelements %get3A_551, 1 {pack_format = #tpu.pack_format<interleaved>} : vector<32xbf16> -> vector<16xf32>
        %get3A_554 = arith.constant 0 : i32
        %get3A_555 = arith.index_cast %get3A_554 : i32 to index
        %get3A_556 = arith.index_cast %add3A_546 : i32 to index
        %get3A_557 = arith.constant 32 : index
        %get3A_558 = tpu.vector_load %arg8[%get3A_555, %get3A_556, %get3A_557] {strides = array<i32>} : memref<2x656x64xbf16, #tpu.memory_space<vmem>>, vector<32xbf16>,
        %unpack3A_559 = tpu.unpack_subelements %get3A_558, 0 {pack_format = #tpu.pack_format<interleaved>} : vector<32xbf16> -> vector<16xf32>
        %unpack3A_560 = tpu.unpack_subelements %get3A_558, 1 {pack_format = #tpu.pack_format<interleaved>} : vector<32xbf16> -> vector<16xf32>
        %mul3A_561 = arith.mulf %unpack3A_552, %gather3A_356 : vector<16xf32>
        %mul3A_562 = arith.mulf %unpack3A_553, %gather3A_365 : vector<16xf32>
        %add3A_563 = arith.addf %mul3A_561, %mul3A_562 : vector<16xf32>
        %mul3A_564 = arith.mulf %unpack3A_559, %gather3A_374 : vector<16xf32>
        %add3A_565 = arith.addf %add3A_563, %mul3A_564 : vector<16xf32>
        %mul3A_566 = arith.mulf %unpack3A_560, %gather3A_383 : vector<16xf32>
        %add3A_567 = arith.addf %add3A_565, %mul3A_566 : vector<16xf32>
        %swap3A_568 = arith.constant 96 : index
        %swap3A_569 = tpu.vector_load %arg9[%swap3A_568] {strides = array<i32>} : memref<256xf32, #tpu.memory_space<vmem>>, vector<16xf32>,
        tpu.vector_store %arg9[%swap3A_568], %add3A_567 {strides = array<i32>} : memref<256xf32, #tpu.memory_space<vmem>>, vector<16xf32>,
        %mul3A_570 = arith.constant 20 : i32
        %mul3A_571 = arith.muli %scan3A_348, %mul3A_570 : i32
        %add3A_572 = arith.constant 7 : i32
        %add3A_573 = arith.addi %mul3A_571, %add3A_572 : i32
        %get3A_574 = arith.constant 0 : i32
        %get3A_575 = arith.index_cast %get3A_574 : i32 to index
        %get3A_576 = arith.index_cast %add3A_573 : i32 to index
        %get3A_577 = arith.constant 0 : index
        %get3A_578 = tpu.vector_load %arg8[%get3A_575, %get3A_576, %get3A_577] {strides = array<i32>} : memref<2x656x64xbf16, #tpu.memory_space<vmem>>, vector<32xbf16>,
        %unpack3A_579 = tpu.unpack_subelements %get3A_578, 0 {pack_format = #tpu.pack_format<interleaved>} : vector<32xbf16> -> vector<16xf32>
        %unpack3A_580 = tpu.unpack_subelements %get3A_578, 1 {pack_format = #tpu.pack_format<interleaved>} : vector<32xbf16> -> vector<16xf32>
        %get3A_581 = arith.constant 0 : i32
        %get3A_582 = arith.index_cast %get3A_581 : i32 to index
        %get3A_583 = arith.index_cast %add3A_573 : i32 to index
        %get3A_584 = arith.constant 32 : index
        %get3A_585 = tpu.vector_load %arg8[%get3A_582, %get3A_583, %get3A_584] {strides = array<i32>} : memref<2x656x64xbf16, #tpu.memory_space<vmem>>, vector<32xbf16>,
        %unpack3A_586 = tpu.unpack_subelements %get3A_585, 0 {pack_format = #tpu.pack_format<interleaved>} : vector<32xbf16> -> vector<16xf32>
        %unpack3A_587 = tpu.unpack_subelements %get3A_585, 1 {pack_format = #tpu.pack_format<interleaved>} : vector<32xbf16> -> vector<16xf32>
        %mul3A_588 = arith.mulf %unpack3A_579, %gather3A_356 : vector<16xf32>
        %mul3A_589 = arith.mulf %unpack3A_580, %gather3A_365 : vector<16xf32>
        %add3A_590 = arith.addf %mul3A_588, %mul3A_589 : vector<16xf32>
        %mul3A_591 = arith.mulf %unpack3A_586, %gather3A_374 : vector<16xf32>
        %add3A_592 = arith.addf %add3A_590, %mul3A_591 : vector<16xf32>
        %mul3A_593 = arith.mulf %unpack3A_587, %gather3A_383 : vector<16xf32>
        %add3A_594 = arith.addf %add3A_592, %mul3A_593 : vector<16xf32>
        %swap3A_595 = arith.constant 112 : index
        %swap3A_596 = tpu.vector_load %arg9[%swap3A_595] {strides = array<i32>} : memref<256xf32, #tpu.memory_space<vmem>>, vector<16xf32>,
        tpu.vector_store %arg9[%swap3A_595], %add3A_594 {strides = array<i32>} : memref<256xf32, #tpu.memory_space<vmem>>, vector<16xf32>,
        %mul3A_597 = arith.constant 20 : i32
        %mul3A_598 = arith.muli %scan3A_348, %mul3A_597 : i32
        %add3A_599 = arith.constant 8 : i32
        %add3A_600 = arith.addi %mul3A_598, %add3A_599 : i32
        %get3A_601 = arith.constant 0 : i32
        %get3A_602 = arith.index_cast %get3A_601 : i32 to index
        %get3A_603 = arith.index_cast %add3A_600 : i32 to index
        %get3A_604 = arith.constant 0 : index
        %get3A_605 = tpu.vector_load %arg8[%get3A_602, %get3A_603, %get3A_604] {strides = array<i32>} : memref<2x656x64xbf16, #tpu.memory_space<vmem>>, vector<32xbf16>,
        %unpack3A_606 = tpu.unpack_subelements %get3A_605, 0 {pack_format = #tpu.pack_format<interleaved>} : vector<32xbf16> -> vector<16xf32>
        %unpack3A_607 = tpu.unpack_subelements %get3A_605, 1 {pack_format = #tpu.pack_format<interleaved>} : vector<32xbf16> -> vector<16xf32>
        %get3A_608 = arith.constant 0 : i32
        %get3A_609 = arith.index_cast %get3A_608 : i32 to index
        %get3A_610 = arith.index_cast %add3A_600 : i32 to index
        %get3A_611 = arith.constant 32 : index
        %get3A_612 = tpu.vector_load %arg8[%get3A_609, %get3A_610, %get3A_611] {strides = array<i32>} : memref<2x656x64xbf16, #tpu.memory_space<vmem>>, vector<32xbf16>,
        %unpack3A_613 = tpu.unpack_subelements %get3A_612, 0 {pack_format = #tpu.pack_format<interleaved>} : vector<32xbf16> -> vector<16xf32>
        %unpack3A_614 = tpu.unpack_subelements %get3A_612, 1 {pack_format = #tpu.pack_format<interleaved>} : vector<32xbf16> -> vector<16xf32>
        %mul3A_615 = arith.mulf %unpack3A_606, %gather3A_356 : vector<16xf32>
        %mul3A_616 = arith.mulf %unpack3A_607, %gather3A_365 : vector<16xf32>
        %add3A_617 = arith.addf %mul3A_615, %mul3A_616 : vector<16xf32>
        %mul3A_618 = arith.mulf %unpack3A_613, %gather3A_374 : vector<16xf32>
        %add3A_619 = arith.addf %add3A_617, %mul3A_618 : vector<16xf32>
        %mul3A_620 = arith.mulf %unpack3A_614, %gather3A_383 : vector<16xf32>
        %add3A_621 = arith.addf %add3A_619, %mul3A_620 : vector<16xf32>
        %swap3A_622 = arith.constant 128 : index
        %swap3A_623 = tpu.vector_load %arg9[%swap3A_622] {strides = array<i32>} : memref<256xf32, #tpu.memory_space<vmem>>, vector<16xf32>,
        tpu.vector_store %arg9[%swap3A_622], %add3A_621 {strides = array<i32>} : memref<256xf32, #tpu.memory_space<vmem>>, vector<16xf32>,
        %mul3A_624 = arith.constant 20 : i32
        %mul3A_625 = arith.muli %scan3A_348, %mul3A_624 : i32
        %add3A_626 = arith.constant 9 : i32
        %add3A_627 = arith.addi %mul3A_625, %add3A_626 : i32
        %get3A_628 = arith.constant 0 : i32
        %get3A_629 = arith.index_cast %get3A_628 : i32 to index
        %get3A_630 = arith.index_cast %add3A_627 : i32 to index
        %get3A_631 = arith.constant 0 : index
        %get3A_632 = tpu.vector_load %arg8[%get3A_629, %get3A_630, %get3A_631] {strides = array<i32>} : memref<2x656x64xbf16, #tpu.memory_space<vmem>>, vector<32xbf16>,
        %unpack3A_633 = tpu.unpack_subelements %get3A_632, 0 {pack_format = #tpu.pack_format<interleaved>} : vector<32xbf16> -> vector<16xf32>
        %unpack3A_634 = tpu.unpack_subelements %get3A_632, 1 {pack_format = #tpu.pack_format<interleaved>} : vector<32xbf16> -> vector<16xf32>
        %get3A_635 = arith.constant 0 : i32
        %get3A_636 = arith.index_cast %get3A_635 : i32 to index
        %get3A_637 = arith.index_cast %add3A_627 : i32 to index
        %get3A_638 = arith.constant 32 : index
        %get3A_639 = tpu.vector_load %arg8[%get3A_636, %get3A_637, %get3A_638] {strides = array<i32>} : memref<2x656x64xbf16, #tpu.memory_space<vmem>>, vector<32xbf16>,
        %unpack3A_640 = tpu.unpack_subelements %get3A_639, 0 {pack_format = #tpu.pack_format<interleaved>} : vector<32xbf16> -> vector<16xf32>
        %unpack3A_641 = tpu.unpack_subelements %get3A_639, 1 {pack_format = #tpu.pack_format<interleaved>} : vector<32xbf16> -> vector<16xf32>
        %mul3A_642 = arith.mulf %unpack3A_633, %gather3A_356 : vector<16xf32>
        %mul3A_643 = arith.mulf %unpack3A_634, %gather3A_365 : vector<16xf32>
        %add3A_644 = arith.addf %mul3A_642, %mul3A_643 : vector<16xf32>
        %mul3A_645 = arith.mulf %unpack3A_640, %gather3A_374 : vector<16xf32>
        %add3A_646 = arith.addf %add3A_644, %mul3A_645 : vector<16xf32>
        %mul3A_647 = arith.mulf %unpack3A_641, %gather3A_383 : vector<16xf32>
        %add3A_648 = arith.addf %add3A_646, %mul3A_647 : vector<16xf32>
        %swap3A_649 = arith.constant 144 : index
        %swap3A_650 = tpu.vector_load %arg9[%swap3A_649] {strides = array<i32>} : memref<256xf32, #tpu.memory_space<vmem>>, vector<16xf32>,
        tpu.vector_store %arg9[%swap3A_649], %add3A_648 {strides = array<i32>} : memref<256xf32, #tpu.memory_space<vmem>>, vector<16xf32>,
        %mul3A_651 = arith.constant 20 : i32
        %mul3A_652 = arith.muli %scan3A_348, %mul3A_651 : i32
        %add3A_653 = arith.constant 10 : i32
        %add3A_654 = arith.addi %mul3A_652, %add3A_653 : i32
        %get3A_655 = arith.constant 0 : i32
        %get3A_656 = arith.index_cast %get3A_655 : i32 to index
        %get3A_657 = arith.index_cast %add3A_654 : i32 to index
        %get3A_658 = arith.constant 0 : index
        %get3A_659 = tpu.vector_load %arg8[%get3A_656, %get3A_657, %get3A_658] {strides = array<i32>} : memref<2x656x64xbf16, #tpu.memory_space<vmem>>, vector<32xbf16>,
        %unpack3A_660 = tpu.unpack_subelements %get3A_659, 0 {pack_format = #tpu.pack_format<interleaved>} : vector<32xbf16> -> vector<16xf32>
        %unpack3A_661 = tpu.unpack_subelements %get3A_659, 1 {pack_format = #tpu.pack_format<interleaved>} : vector<32xbf16> -> vector<16xf32>
        %get3A_662 = arith.constant 0 : i32
        %get3A_663 = arith.index_cast %get3A_662 : i32 to index
        %get3A_664 = arith.index_cast %add3A_654 : i32 to index
        %get3A_665 = arith.constant 32 : index
        %get3A_666 = tpu.vector_load %arg8[%get3A_663, %get3A_664, %get3A_665] {strides = array<i32>} : memref<2x656x64xbf16, #tpu.memory_space<vmem>>, vector<32xbf16>,
        %unpack3A_667 = tpu.unpack_subelements %get3A_666, 0 {pack_format = #tpu.pack_format<interleaved>} : vector<32xbf16> -> vector<16xf32>
        %unpack3A_668 = tpu.unpack_subelements %get3A_666, 1 {pack_format = #tpu.pack_format<interleaved>} : vector<32xbf16> -> vector<16xf32>
        %mul3A_669 = arith.mulf %unpack3A_660, %gather3A_356 : vector<16xf32>
        %mul3A_670 = arith.mulf %unpack3A_661, %gather3A_365 : vector<16xf32>
        %add3A_671 = arith.addf %mul3A_669, %mul3A_670 : vector<16xf32>
        %mul3A_672 = arith.mulf %unpack3A_667, %gather3A_374 : vector<16xf32>
        %add3A_673 = arith.addf %add3A_671, %mul3A_672 : vector<16xf32>
        %mul3A_674 = arith.mulf %unpack3A_668, %gather3A_383 : vector<16xf32>
        %add3A_675 = arith.addf %add3A_673, %mul3A_674 : vector<16xf32>
        %swap3A_676 = arith.constant 160 : index
        %swap3A_677 = tpu.vector_load %arg9[%swap3A_676] {strides = array<i32>} : memref<256xf32, #tpu.memory_space<vmem>>, vector<16xf32>,
        tpu.vector_store %arg9[%swap3A_676], %add3A_675 {strides = array<i32>} : memref<256xf32, #tpu.memory_space<vmem>>, vector<16xf32>,
        %mul3A_678 = arith.constant 20 : i32
        %mul3A_679 = arith.muli %scan3A_348, %mul3A_678 : i32
        %add3A_680 = arith.constant 11 : i32
        %add3A_681 = arith.addi %mul3A_679, %add3A_680 : i32
        %get3A_682 = arith.constant 0 : i32
        %get3A_683 = arith.index_cast %get3A_682 : i32 to index
        %get3A_684 = arith.index_cast %add3A_681 : i32 to index
        %get3A_685 = arith.constant 0 : index
        %get3A_686 = tpu.vector_load %arg8[%get3A_683, %get3A_684, %get3A_685] {strides = array<i32>} : memref<2x656x64xbf16, #tpu.memory_space<vmem>>, vector<32xbf16>,
        %unpack3A_687 = tpu.unpack_subelements %get3A_686, 0 {pack_format = #tpu.pack_format<interleaved>} : vector<32xbf16> -> vector<16xf32>
        %unpack3A_688 = tpu.unpack_subelements %get3A_686, 1 {pack_format = #tpu.pack_format<interleaved>} : vector<32xbf16> -> vector<16xf32>
        %get3A_689 = arith.constant 0 : i32
        %get3A_690 = arith.index_cast %get3A_689 : i32 to index
        %get3A_691 = arith.index_cast %add3A_681 : i32 to index
        %get3A_692 = arith.constant 32 : index
        %get3A_693 = tpu.vector_load %arg8[%get3A_690, %get3A_691, %get3A_692] {strides = array<i32>} : memref<2x656x64xbf16, #tpu.memory_space<vmem>>, vector<32xbf16>,
        %unpack3A_694 = tpu.unpack_subelements %get3A_693, 0 {pack_format = #tpu.pack_format<interleaved>} : vector<32xbf16> -> vector<16xf32>
        %unpack3A_695 = tpu.unpack_subelements %get3A_693, 1 {pack_format = #tpu.pack_format<interleaved>} : vector<32xbf16> -> vector<16xf32>
        %mul3A_696 = arith.mulf %unpack3A_687, %gather3A_356 : vector<16xf32>
        %mul3A_697 = arith.mulf %unpack3A_688, %gather3A_365 : vector<16xf32>
        %add3A_698 = arith.addf %mul3A_696, %mul3A_697 : vector<16xf32>
        %mul3A_699 = arith.mulf %unpack3A_694, %gather3A_374 : vector<16xf32>
        %add3A_700 = arith.addf %add3A_698, %mul3A_699 : vector<16xf32>
        %mul3A_701 = arith.mulf %unpack3A_695, %gather3A_383 : vector<16xf32>
        %add3A_702 = arith.addf %add3A_700, %mul3A_701 : vector<16xf32>
        %swap3A_703 = arith.constant 176 : index
        %swap3A_704 = tpu.vector_load %arg9[%swap3A_703] {strides = array<i32>} : memref<256xf32, #tpu.memory_space<vmem>>, vector<16xf32>,
        tpu.vector_store %arg9[%swap3A_703], %add3A_702 {strides = array<i32>} : memref<256xf32, #tpu.memory_space<vmem>>, vector<16xf32>,
        %mul3A_705 = arith.constant 20 : i32
        %mul3A_706 = arith.muli %scan3A_348, %mul3A_705 : i32
        %add3A_707 = arith.constant 12 : i32
        %add3A_708 = arith.addi %mul3A_706, %add3A_707 : i32
        %get3A_709 = arith.constant 0 : i32
        %get3A_710 = arith.index_cast %get3A_709 : i32 to index
        %get3A_711 = arith.index_cast %add3A_708 : i32 to index
        %get3A_712 = arith.constant 0 : index
        %get3A_713 = tpu.vector_load %arg8[%get3A_710, %get3A_711, %get3A_712] {strides = array<i32>} : memref<2x656x64xbf16, #tpu.memory_space<vmem>>, vector<32xbf16>,
        %unpack3A_714 = tpu.unpack_subelements %get3A_713, 0 {pack_format = #tpu.pack_format<interleaved>} : vector<32xbf16> -> vector<16xf32>
        %unpack3A_715 = tpu.unpack_subelements %get3A_713, 1 {pack_format = #tpu.pack_format<interleaved>} : vector<32xbf16> -> vector<16xf32>
        %get3A_716 = arith.constant 0 : i32
        %get3A_717 = arith.index_cast %get3A_716 : i32 to index
        %get3A_718 = arith.index_cast %add3A_708 : i32 to index
        %get3A_719 = arith.constant 32 : index
        %get3A_720 = tpu.vector_load %arg8[%get3A_717, %get3A_718, %get3A_719] {strides = array<i32>} : memref<2x656x64xbf16, #tpu.memory_space<vmem>>, vector<32xbf16>,
        %unpack3A_721 = tpu.unpack_subelements %get3A_720, 0 {pack_format = #tpu.pack_format<interleaved>} : vector<32xbf16> -> vector<16xf32>
        %unpack3A_722 = tpu.unpack_subelements %get3A_720, 1 {pack_format = #tpu.pack_format<interleaved>} : vector<32xbf16> -> vector<16xf32>
        %mul3A_723 = arith.mulf %unpack3A_714, %gather3A_356 : vector<16xf32>
        %mul3A_724 = arith.mulf %unpack3A_715, %gather3A_365 : vector<16xf32>
        %add3A_725 = arith.addf %mul3A_723, %mul3A_724 : vector<16xf32>
        %mul3A_726 = arith.mulf %unpack3A_721, %gather3A_374 : vector<16xf32>
        %add3A_727 = arith.addf %add3A_725, %mul3A_726 : vector<16xf32>
        %mul3A_728 = arith.mulf %unpack3A_722, %gather3A_383 : vector<16xf32>
        %add3A_729 = arith.addf %add3A_727, %mul3A_728 : vector<16xf32>
        %swap3A_730 = arith.constant 192 : index
        %swap3A_731 = tpu.vector_load %arg9[%swap3A_730] {strides = array<i32>} : memref<256xf32, #tpu.memory_space<vmem>>, vector<16xf32>,
        tpu.vector_store %arg9[%swap3A_730], %add3A_729 {strides = array<i32>} : memref<256xf32, #tpu.memory_space<vmem>>, vector<16xf32>,
        %mul3A_732 = arith.constant 20 : i32
        %mul3A_733 = arith.muli %scan3A_348, %mul3A_732 : i32
        %add3A_734 = arith.constant 13 : i32
        %add3A_735 = arith.addi %mul3A_733, %add3A_734 : i32
        %get3A_736 = arith.constant 0 : i32
        %get3A_737 = arith.index_cast %get3A_736 : i32 to index
        %get3A_738 = arith.index_cast %add3A_735 : i32 to index
        %get3A_739 = arith.constant 0 : index
        %get3A_740 = tpu.vector_load %arg8[%get3A_737, %get3A_738, %get3A_739] {strides = array<i32>} : memref<2x656x64xbf16, #tpu.memory_space<vmem>>, vector<32xbf16>,
        %unpack3A_741 = tpu.unpack_subelements %get3A_740, 0 {pack_format = #tpu.pack_format<interleaved>} : vector<32xbf16> -> vector<16xf32>
        %unpack3A_742 = tpu.unpack_subelements %get3A_740, 1 {pack_format = #tpu.pack_format<interleaved>} : vector<32xbf16> -> vector<16xf32>
        %get3A_743 = arith.constant 0 : i32
        %get3A_744 = arith.index_cast %get3A_743 : i32 to index
        %get3A_745 = arith.index_cast %add3A_735 : i32 to index
        %get3A_746 = arith.constant 32 : index
        %get3A_747 = tpu.vector_load %arg8[%get3A_744, %get3A_745, %get3A_746] {strides = array<i32>} : memref<2x656x64xbf16, #tpu.memory_space<vmem>>, vector<32xbf16>,
        %unpack3A_748 = tpu.unpack_subelements %get3A_747, 0 {pack_format = #tpu.pack_format<interleaved>} : vector<32xbf16> -> vector<16xf32>
        %unpack3A_749 = tpu.unpack_subelements %get3A_747, 1 {pack_format = #tpu.pack_format<interleaved>} : vector<32xbf16> -> vector<16xf32>
        %mul3A_750 = arith.mulf %unpack3A_741, %gather3A_356 : vector<16xf32>
        %mul3A_751 = arith.mulf %unpack3A_742, %gather3A_365 : vector<16xf32>
        %add3A_752 = arith.addf %mul3A_750, %mul3A_751 : vector<16xf32>
        %mul3A_753 = arith.mulf %unpack3A_748, %gather3A_374 : vector<16xf32>
        %add3A_754 = arith.addf %add3A_752, %mul3A_753 : vector<16xf32>
        %mul3A_755 = arith.mulf %unpack3A_749, %gather3A_383 : vector<16xf32>
        %add3A_756 = arith.addf %add3A_754, %mul3A_755 : vector<16xf32>
        %swap3A_757 = arith.constant 208 : index
        %swap3A_758 = tpu.vector_load %arg9[%swap3A_757] {strides = array<i32>} : memref<256xf32, #tpu.memory_space<vmem>>, vector<16xf32>,
        tpu.vector_store %arg9[%swap3A_757], %add3A_756 {strides = array<i32>} : memref<256xf32, #tpu.memory_space<vmem>>, vector<16xf32>,
        %mul3A_759 = arith.constant 20 : i32
        %mul3A_760 = arith.muli %scan3A_348, %mul3A_759 : i32
        %add3A_761 = arith.constant 14 : i32
        %add3A_762 = arith.addi %mul3A_760, %add3A_761 : i32
        %get3A_763 = arith.constant 0 : i32
        %get3A_764 = arith.index_cast %get3A_763 : i32 to index
        %get3A_765 = arith.index_cast %add3A_762 : i32 to index
        %get3A_766 = arith.constant 0 : index
        %get3A_767 = tpu.vector_load %arg8[%get3A_764, %get3A_765, %get3A_766] {strides = array<i32>} : memref<2x656x64xbf16, #tpu.memory_space<vmem>>, vector<32xbf16>,
        %unpack3A_768 = tpu.unpack_subelements %get3A_767, 0 {pack_format = #tpu.pack_format<interleaved>} : vector<32xbf16> -> vector<16xf32>
        %unpack3A_769 = tpu.unpack_subelements %get3A_767, 1 {pack_format = #tpu.pack_format<interleaved>} : vector<32xbf16> -> vector<16xf32>
        %get3A_770 = arith.constant 0 : i32
        %get3A_771 = arith.index_cast %get3A_770 : i32 to index
        %get3A_772 = arith.index_cast %add3A_762 : i32 to index
        %get3A_773 = arith.constant 32 : index
        %get3A_774 = tpu.vector_load %arg8[%get3A_771, %get3A_772, %get3A_773] {strides = array<i32>} : memref<2x656x64xbf16, #tpu.memory_space<vmem>>, vector<32xbf16>,
        %unpack3A_775 = tpu.unpack_subelements %get3A_774, 0 {pack_format = #tpu.pack_format<interleaved>} : vector<32xbf16> -> vector<16xf32>
        %unpack3A_776 = tpu.unpack_subelements %get3A_774, 1 {pack_format = #tpu.pack_format<interleaved>} : vector<32xbf16> -> vector<16xf32>
        %mul3A_777 = arith.mulf %unpack3A_768, %gather3A_356 : vector<16xf32>
        %mul3A_778 = arith.mulf %unpack3A_769, %gather3A_365 : vector<16xf32>
        %add3A_779 = arith.addf %mul3A_777, %mul3A_778 : vector<16xf32>
        %mul3A_780 = arith.mulf %unpack3A_775, %gather3A_374 : vector<16xf32>
        %add3A_781 = arith.addf %add3A_779, %mul3A_780 : vector<16xf32>
        %mul3A_782 = arith.mulf %unpack3A_776, %gather3A_383 : vector<16xf32>
        %add3A_783 = arith.addf %add3A_781, %mul3A_782 : vector<16xf32>
        %swap3A_784 = arith.constant 224 : index
        %swap3A_785 = tpu.vector_load %arg9[%swap3A_784] {strides = array<i32>} : memref<256xf32, #tpu.memory_space<vmem>>, vector<16xf32>,
        tpu.vector_store %arg9[%swap3A_784], %add3A_783 {strides = array<i32>} : memref<256xf32, #tpu.memory_space<vmem>>, vector<16xf32>,
        %mul3A_786 = arith.constant 20 : i32
        %mul3A_787 = arith.muli %scan3A_348, %mul3A_786 : i32
        %add3A_788 = arith.constant 15 : i32
        %add3A_789 = arith.addi %mul3A_787, %add3A_788 : i32
        %get3A_790 = arith.constant 0 : i32
        %get3A_791 = arith.index_cast %get3A_790 : i32 to index
        %get3A_792 = arith.index_cast %add3A_789 : i32 to index
        %get3A_793 = arith.constant 0 : index
        %get3A_794 = tpu.vector_load %arg8[%get3A_791, %get3A_792, %get3A_793] {strides = array<i32>} : memref<2x656x64xbf16, #tpu.memory_space<vmem>>, vector<32xbf16>,
        %unpack3A_795 = tpu.unpack_subelements %get3A_794, 0 {pack_format = #tpu.pack_format<interleaved>} : vector<32xbf16> -> vector<16xf32>
        %unpack3A_796 = tpu.unpack_subelements %get3A_794, 1 {pack_format = #tpu.pack_format<interleaved>} : vector<32xbf16> -> vector<16xf32>
        %get3A_797 = arith.constant 0 : i32
        %get3A_798 = arith.index_cast %get3A_797 : i32 to index
        %get3A_799 = arith.index_cast %add3A_789 : i32 to index
        %get3A_800 = arith.constant 32 : index
        %get3A_801 = tpu.vector_load %arg8[%get3A_798, %get3A_799, %get3A_800] {strides = array<i32>} : memref<2x656x64xbf16, #tpu.memory_space<vmem>>, vector<32xbf16>,
        %unpack3A_802 = tpu.unpack_subelements %get3A_801, 0 {pack_format = #tpu.pack_format<interleaved>} : vector<32xbf16> -> vector<16xf32>
        %unpack3A_803 = tpu.unpack_subelements %get3A_801, 1 {pack_format = #tpu.pack_format<interleaved>} : vector<32xbf16> -> vector<16xf32>
        %mul3A_804 = arith.mulf %unpack3A_795, %gather3A_356 : vector<16xf32>
        %mul3A_805 = arith.mulf %unpack3A_796, %gather3A_365 : vector<16xf32>
        %add3A_806 = arith.addf %mul3A_804, %mul3A_805 : vector<16xf32>
        %mul3A_807 = arith.mulf %unpack3A_802, %gather3A_374 : vector<16xf32>
        %add3A_808 = arith.addf %add3A_806, %mul3A_807 : vector<16xf32>
        %mul3A_809 = arith.mulf %unpack3A_803, %gather3A_383 : vector<16xf32>
        %add3A_810 = arith.addf %add3A_808, %mul3A_809 : vector<16xf32>
        %swap3A_811 = arith.constant 240 : index
        %swap3A_812 = tpu.vector_load %arg9[%swap3A_811] {strides = array<i32>} : memref<256xf32, #tpu.memory_space<vmem>>, vector<16xf32>,
        tpu.vector_store %arg9[%swap3A_811], %add3A_810 {strides = array<i32>} : memref<256xf32, #tpu.memory_space<vmem>>, vector<16xf32>,
        %mul3A_813 = arith.constant 20 : i32
        %mul3A_814 = arith.muli %scan3A_348, %mul3A_813 : i32
        %add3A_815 = arith.constant 16 : i32
        %add3A_816 = arith.addi %mul3A_814, %add3A_815 : i32
        %get3A_817 = arith.constant 0 : i32
        %get3A_818 = arith.index_cast %get3A_817 : i32 to index
        %get3A_819 = arith.index_cast %add3A_816 : i32 to index
        %get3A_820 = arith.constant 0 : index
        %get3A_821 = tpu.vector_load %arg8[%get3A_818, %get3A_819, %get3A_820] {strides = array<i32>} : memref<2x656x64xbf16, #tpu.memory_space<vmem>>, vector<32xbf16>,
        %unpack3A_822 = tpu.unpack_subelements %get3A_821, 0 {pack_format = #tpu.pack_format<interleaved>} : vector<32xbf16> -> vector<16xf32>
        %unpack3A_823 = tpu.unpack_subelements %get3A_821, 1 {pack_format = #tpu.pack_format<interleaved>} : vector<32xbf16> -> vector<16xf32>
        %get3A_824 = arith.constant 0 : i32
        %get3A_825 = arith.index_cast %get3A_824 : i32 to index
        %get3A_826 = arith.index_cast %add3A_816 : i32 to index
        %get3A_827 = arith.constant 32 : index
        %get3A_828 = tpu.vector_load %arg8[%get3A_825, %get3A_826, %get3A_827] {strides = array<i32>} : memref<2x656x64xbf16, #tpu.memory_space<vmem>>, vector<32xbf16>,
        %unpack3A_829 = tpu.unpack_subelements %get3A_828, 0 {pack_format = #tpu.pack_format<interleaved>} : vector<32xbf16> -> vector<16xf32>
        %unpack3A_830 = tpu.unpack_subelements %get3A_828, 1 {pack_format = #tpu.pack_format<interleaved>} : vector<32xbf16> -> vector<16xf32>
        %mul3A_831 = arith.mulf %unpack3A_822, %gather3A_356 : vector<16xf32>
        %mul3A_832 = arith.mulf %unpack3A_823, %gather3A_365 : vector<16xf32>
        %add3A_833 = arith.addf %mul3A_831, %mul3A_832 : vector<16xf32>
        %mul3A_834 = arith.mulf %unpack3A_829, %gather3A_374 : vector<16xf32>
        %add3A_835 = arith.addf %add3A_833, %mul3A_834 : vector<16xf32>
        %mul3A_836 = arith.mulf %unpack3A_830, %gather3A_383 : vector<16xf32>
        %add3A_837 = arith.addf %add3A_835, %mul3A_836 : vector<16xf32>
        %swap3A_838 = arith.constant 0 : index
        %swap3A_839 = tpu.vector_load %arg10[%swap3A_838] {strides = array<i32>} : memref<256xf32, #tpu.memory_space<vmem>>, vector<16xf32>,
        tpu.vector_store %arg10[%swap3A_838], %add3A_837 {strides = array<i32>} : memref<256xf32, #tpu.memory_space<vmem>>, vector<16xf32>,
        %mul3A_840 = arith.constant 20 : i32
        %mul3A_841 = arith.muli %scan3A_348, %mul3A_840 : i32
        %add3A_842 = arith.constant 17 : i32
        %add3A_843 = arith.addi %mul3A_841, %add3A_842 : i32
        %get3A_844 = arith.constant 0 : i32
        %get3A_845 = arith.index_cast %get3A_844 : i32 to index
        %get3A_846 = arith.index_cast %add3A_843 : i32 to index
        %get3A_847 = arith.constant 0 : index
        %get3A_848 = tpu.vector_load %arg8[%get3A_845, %get3A_846, %get3A_847] {strides = array<i32>} : memref<2x656x64xbf16, #tpu.memory_space<vmem>>, vector<32xbf16>,
        %unpack3A_849 = tpu.unpack_subelements %get3A_848, 0 {pack_format = #tpu.pack_format<interleaved>} : vector<32xbf16> -> vector<16xf32>
        %unpack3A_850 = tpu.unpack_subelements %get3A_848, 1 {pack_format = #tpu.pack_format<interleaved>} : vector<32xbf16> -> vector<16xf32>
        %get3A_851 = arith.constant 0 : i32
        %get3A_852 = arith.index_cast %get3A_851 : i32 to index
        %get3A_853 = arith.index_cast %add3A_843 : i32 to index
        %get3A_854 = arith.constant 32 : index
        %get3A_855 = tpu.vector_load %arg8[%get3A_852, %get3A_853, %get3A_854] {strides = array<i32>} : memref<2x656x64xbf16, #tpu.memory_space<vmem>>, vector<32xbf16>,
        %unpack3A_856 = tpu.unpack_subelements %get3A_855, 0 {pack_format = #tpu.pack_format<interleaved>} : vector<32xbf16> -> vector<16xf32>
        %unpack3A_857 = tpu.unpack_subelements %get3A_855, 1 {pack_format = #tpu.pack_format<interleaved>} : vector<32xbf16> -> vector<16xf32>
        %mul3A_858 = arith.mulf %unpack3A_849, %gather3A_356 : vector<16xf32>
        %mul3A_859 = arith.mulf %unpack3A_850, %gather3A_365 : vector<16xf32>
        %add3A_860 = arith.addf %mul3A_858, %mul3A_859 : vector<16xf32>
        %mul3A_861 = arith.mulf %unpack3A_856, %gather3A_374 : vector<16xf32>
        %add3A_862 = arith.addf %add3A_860, %mul3A_861 : vector<16xf32>
        %mul3A_863 = arith.mulf %unpack3A_857, %gather3A_383 : vector<16xf32>
        %add3A_864 = arith.addf %add3A_862, %mul3A_863 : vector<16xf32>
        %swap3A_865 = arith.constant 16 : index
        %swap3A_866 = tpu.vector_load %arg10[%swap3A_865] {strides = array<i32>} : memref<256xf32, #tpu.memory_space<vmem>>, vector<16xf32>,
        tpu.vector_store %arg10[%swap3A_865], %add3A_864 {strides = array<i32>} : memref<256xf32, #tpu.memory_space<vmem>>, vector<16xf32>,
        %mul3A_867 = arith.constant 20 : i32
        %mul3A_868 = arith.muli %scan3A_348, %mul3A_867 : i32
        %add3A_869 = arith.constant 18 : i32
        %add3A_870 = arith.addi %mul3A_868, %add3A_869 : i32
        %get3A_871 = arith.constant 0 : i32
        %get3A_872 = arith.index_cast %get3A_871 : i32 to index
        %get3A_873 = arith.index_cast %add3A_870 : i32 to index
        %get3A_874 = arith.constant 0 : index
        %get3A_875 = tpu.vector_load %arg8[%get3A_872, %get3A_873, %get3A_874] {strides = array<i32>} : memref<2x656x64xbf16, #tpu.memory_space<vmem>>, vector<32xbf16>,
        %unpack3A_876 = tpu.unpack_subelements %get3A_875, 0 {pack_format = #tpu.pack_format<interleaved>} : vector<32xbf16> -> vector<16xf32>
        %unpack3A_877 = tpu.unpack_subelements %get3A_875, 1 {pack_format = #tpu.pack_format<interleaved>} : vector<32xbf16> -> vector<16xf32>
        %get3A_878 = arith.constant 0 : i32
        %get3A_879 = arith.index_cast %get3A_878 : i32 to index
        %get3A_880 = arith.index_cast %add3A_870 : i32 to index
        %get3A_881 = arith.constant 32 : index
        %get3A_882 = tpu.vector_load %arg8[%get3A_879, %get3A_880, %get3A_881] {strides = array<i32>} : memref<2x656x64xbf16, #tpu.memory_space<vmem>>, vector<32xbf16>,
        %unpack3A_883 = tpu.unpack_subelements %get3A_882, 0 {pack_format = #tpu.pack_format<interleaved>} : vector<32xbf16> -> vector<16xf32>
        %unpack3A_884 = tpu.unpack_subelements %get3A_882, 1 {pack_format = #tpu.pack_format<interleaved>} : vector<32xbf16> -> vector<16xf32>
        %mul3A_885 = arith.mulf %unpack3A_876, %gather3A_356 : vector<16xf32>
        %mul3A_886 = arith.mulf %unpack3A_877, %gather3A_365 : vector<16xf32>
        %add3A_887 = arith.addf %mul3A_885, %mul3A_886 : vector<16xf32>
        %mul3A_888 = arith.mulf %unpack3A_883, %gather3A_374 : vector<16xf32>
        %add3A_889 = arith.addf %add3A_887, %mul3A_888 : vector<16xf32>
        %mul3A_890 = arith.mulf %unpack3A_884, %gather3A_383 : vector<16xf32>
        %add3A_891 = arith.addf %add3A_889, %mul3A_890 : vector<16xf32>
        %swap3A_892 = arith.constant 32 : index
        %swap3A_893 = tpu.vector_load %arg10[%swap3A_892] {strides = array<i32>} : memref<256xf32, #tpu.memory_space<vmem>>, vector<16xf32>,
        tpu.vector_store %arg10[%swap3A_892], %add3A_891 {strides = array<i32>} : memref<256xf32, #tpu.memory_space<vmem>>, vector<16xf32>,
        %mul3A_894 = arith.constant 20 : i32
        %mul3A_895 = arith.muli %scan3A_348, %mul3A_894 : i32
        %add3A_896 = arith.constant 19 : i32
        %add3A_897 = arith.addi %mul3A_895, %add3A_896 : i32
        %get3A_898 = arith.constant 0 : i32
        %get3A_899 = arith.index_cast %get3A_898 : i32 to index
        %get3A_900 = arith.index_cast %add3A_897 : i32 to index
        %get3A_901 = arith.constant 0 : index
        %get3A_902 = tpu.vector_load %arg8[%get3A_899, %get3A_900, %get3A_901] {strides = array<i32>} : memref<2x656x64xbf16, #tpu.memory_space<vmem>>, vector<32xbf16>,
        %unpack3A_903 = tpu.unpack_subelements %get3A_902, 0 {pack_format = #tpu.pack_format<interleaved>} : vector<32xbf16> -> vector<16xf32>
        %unpack3A_904 = tpu.unpack_subelements %get3A_902, 1 {pack_format = #tpu.pack_format<interleaved>} : vector<32xbf16> -> vector<16xf32>
        %get3A_905 = arith.constant 0 : i32
        %get3A_906 = arith.index_cast %get3A_905 : i32 to index
        %get3A_907 = arith.index_cast %add3A_897 : i32 to index
        %get3A_908 = arith.constant 32 : index
        %get3A_909 = tpu.vector_load %arg8[%get3A_906, %get3A_907, %get3A_908] {strides = array<i32>} : memref<2x656x64xbf16, #tpu.memory_space<vmem>>, vector<32xbf16>,
        %unpack3A_910 = tpu.unpack_subelements %get3A_909, 0 {pack_format = #tpu.pack_format<interleaved>} : vector<32xbf16> -> vector<16xf32>
        %unpack3A_911 = tpu.unpack_subelements %get3A_909, 1 {pack_format = #tpu.pack_format<interleaved>} : vector<32xbf16> -> vector<16xf32>
        %mul3A_912 = arith.mulf %unpack3A_903, %gather3A_356 : vector<16xf32>
        %mul3A_913 = arith.mulf %unpack3A_904, %gather3A_365 : vector<16xf32>
        %add3A_914 = arith.addf %mul3A_912, %mul3A_913 : vector<16xf32>
        %mul3A_915 = arith.mulf %unpack3A_910, %gather3A_374 : vector<16xf32>
        %add3A_916 = arith.addf %add3A_914, %mul3A_915 : vector<16xf32>
        %mul3A_917 = arith.mulf %unpack3A_911, %gather3A_383 : vector<16xf32>
        %add3A_918 = arith.addf %add3A_916, %mul3A_917 : vector<16xf32>
        %swap3A_919 = arith.constant 48 : index
        %swap3A_920 = tpu.vector_load %arg10[%swap3A_919] {strides = array<i32>} : memref<256xf32, #tpu.memory_space<vmem>>, vector<16xf32>,
        tpu.vector_store %arg10[%swap3A_919], %add3A_918 {strides = array<i32>} : memref<256xf32, #tpu.memory_space<vmem>>, vector<16xf32>,
        %mul3A_921 = arith.constant 16 : i32
        %mul3A_922 = vector.broadcast %mul3A_921 : i32 to vector<16xi32>
        %mul3A_923 = arith.muli %iota3A, %mul3A_922 : vector<16xi32>
        %add3A_924 = arith.constant 0 : i32
        %add3A_925 = vector.broadcast %add3A_924 : i32 to vector<16xi32>
        %add3A_926 = arith.addi %mul3A_923, %add3A_925 : vector<16xi32>
        %gather3A_927 = tpu.vector_load_idx %arg9[%add3A_926] : memref<256xf32, #tpu.memory_space<vmem>>[vector<16xi32>], vector<16xf32>,
        %mul3A_928 = arith.constant 16 : i32
        %mul3A_929 = vector.broadcast %mul3A_928 : i32 to vector<16xi32>
        %mul3A_930 = arith.muli %iota3A, %mul3A_929 : vector<16xi32>
        %add3A_931 = arith.constant 1 : i32
        %add3A_932 = vector.broadcast %add3A_931 : i32 to vector<16xi32>
        %add3A_933 = arith.addi %mul3A_930, %add3A_932 : vector<16xi32>
        %gather3A_934 = tpu.vector_load_idx %arg9[%add3A_933] : memref<256xf32, #tpu.memory_space<vmem>>[vector<16xi32>], vector<16xf32>,
        %mul3A_935 = arith.constant 16 : i32
        %mul3A_936 = vector.broadcast %mul3A_935 : i32 to vector<16xi32>
        %mul3A_937 = arith.muli %iota3A, %mul3A_936 : vector<16xi32>
        %add3A_938 = arith.constant 2 : i32
        %add3A_939 = vector.broadcast %add3A_938 : i32 to vector<16xi32>
        %add3A_940 = arith.addi %mul3A_937, %add3A_939 : vector<16xi32>
        %gather3A_941 = tpu.vector_load_idx %arg9[%add3A_940] : memref<256xf32, #tpu.memory_space<vmem>>[vector<16xi32>], vector<16xf32>,
        %mul3A_942 = arith.constant 16 : i32
        %mul3A_943 = vector.broadcast %mul3A_942 : i32 to vector<16xi32>
        %mul3A_944 = arith.muli %iota3A, %mul3A_943 : vector<16xi32>
        %add3A_945 = arith.constant 3 : i32
        %add3A_946 = vector.broadcast %add3A_945 : i32 to vector<16xi32>
        %add3A_947 = arith.addi %mul3A_944, %add3A_946 : vector<16xi32>
        %gather3A_948 = tpu.vector_load_idx %arg9[%add3A_947] : memref<256xf32, #tpu.memory_space<vmem>>[vector<16xi32>], vector<16xf32>,
        %mul3A_949 = arith.constant 16 : i32
        %mul3A_950 = vector.broadcast %mul3A_949 : i32 to vector<16xi32>
        %mul3A_951 = arith.muli %iota3A, %mul3A_950 : vector<16xi32>
        %add3A_952 = arith.constant 4 : i32
        %add3A_953 = vector.broadcast %add3A_952 : i32 to vector<16xi32>
        %add3A_954 = arith.addi %mul3A_951, %add3A_953 : vector<16xi32>
        %gather3A_955 = tpu.vector_load_idx %arg9[%add3A_954] : memref<256xf32, #tpu.memory_space<vmem>>[vector<16xi32>], vector<16xf32>,
        %mul3A_956 = arith.constant 16 : i32
        %mul3A_957 = vector.broadcast %mul3A_956 : i32 to vector<16xi32>
        %mul3A_958 = arith.muli %iota3A, %mul3A_957 : vector<16xi32>
        %add3A_959 = arith.constant 5 : i32
        %add3A_960 = vector.broadcast %add3A_959 : i32 to vector<16xi32>
        %add3A_961 = arith.addi %mul3A_958, %add3A_960 : vector<16xi32>
        %gather3A_962 = tpu.vector_load_idx %arg9[%add3A_961] : memref<256xf32, #tpu.memory_space<vmem>>[vector<16xi32>], vector<16xf32>,
        %mul3A_963 = arith.constant 16 : i32
        %mul3A_964 = vector.broadcast %mul3A_963 : i32 to vector<16xi32>
        %mul3A_965 = arith.muli %iota3A, %mul3A_964 : vector<16xi32>
        %add3A_966 = arith.constant 6 : i32
        %add3A_967 = vector.broadcast %add3A_966 : i32 to vector<16xi32>
        %add3A_968 = arith.addi %mul3A_965, %add3A_967 : vector<16xi32>
        %gather3A_969 = tpu.vector_load_idx %arg9[%add3A_968] : memref<256xf32, #tpu.memory_space<vmem>>[vector<16xi32>], vector<16xf32>,
        %mul3A_970 = arith.constant 16 : i32
        %mul3A_971 = vector.broadcast %mul3A_970 : i32 to vector<16xi32>
        %mul3A_972 = arith.muli %iota3A, %mul3A_971 : vector<16xi32>
        %add3A_973 = arith.constant 7 : i32
        %add3A_974 = vector.broadcast %add3A_973 : i32 to vector<16xi32>
        %add3A_975 = arith.addi %mul3A_972, %add3A_974 : vector<16xi32>
        %gather3A_976 = tpu.vector_load_idx %arg9[%add3A_975] : memref<256xf32, #tpu.memory_space<vmem>>[vector<16xi32>], vector<16xf32>,
        %mul3A_977 = arith.constant 16 : i32
        %mul3A_978 = vector.broadcast %mul3A_977 : i32 to vector<16xi32>
        %mul3A_979 = arith.muli %iota3A, %mul3A_978 : vector<16xi32>
        %add3A_980 = arith.constant 8 : i32
        %add3A_981 = vector.broadcast %add3A_980 : i32 to vector<16xi32>
        %add3A_982 = arith.addi %mul3A_979, %add3A_981 : vector<16xi32>
        %gather3A_983 = tpu.vector_load_idx %arg9[%add3A_982] : memref<256xf32, #tpu.memory_space<vmem>>[vector<16xi32>], vector<16xf32>,
        %mul3A_984 = arith.constant 16 : i32
        %mul3A_985 = vector.broadcast %mul3A_984 : i32 to vector<16xi32>
        %mul3A_986 = arith.muli %iota3A, %mul3A_985 : vector<16xi32>
        %add3A_987 = arith.constant 9 : i32
        %add3A_988 = vector.broadcast %add3A_987 : i32 to vector<16xi32>
        %add3A_989 = arith.addi %mul3A_986, %add3A_988 : vector<16xi32>
        %gather3A_990 = tpu.vector_load_idx %arg9[%add3A_989] : memref<256xf32, #tpu.memory_space<vmem>>[vector<16xi32>], vector<16xf32>,
        %mul3A_991 = arith.constant 16 : i32
        %mul3A_992 = vector.broadcast %mul3A_991 : i32 to vector<16xi32>
        %mul3A_993 = arith.muli %iota3A, %mul3A_992 : vector<16xi32>
        %add3A_994 = arith.constant 10 : i32
        %add3A_995 = vector.broadcast %add3A_994 : i32 to vector<16xi32>
        %add3A_996 = arith.addi %mul3A_993, %add3A_995 : vector<16xi32>
        %gather3A_997 = tpu.vector_load_idx %arg9[%add3A_996] : memref<256xf32, #tpu.memory_space<vmem>>[vector<16xi32>], vector<16xf32>,
        %mul3A_998 = arith.constant 16 : i32
        %mul3A_999 = vector.broadcast %mul3A_998 : i32 to vector<16xi32>
        %mul3A_1000 = arith.muli %iota3A, %mul3A_999 : vector<16xi32>
        %add3A_1001 = arith.constant 11 : i32
        %add3A_1002 = vector.broadcast %add3A_1001 : i32 to vector<16xi32>
        %add3A_1003 = arith.addi %mul3A_1000, %add3A_1002 : vector<16xi32>
        %gather3A_1004 = tpu.vector_load_idx %arg9[%add3A_1003] : memref<256xf32, #tpu.memory_space<vmem>>[vector<16xi32>], vector<16xf32>,
        %mul3A_1005 = arith.constant 16 : i32
        %mul3A_1006 = vector.broadcast %mul3A_1005 : i32 to vector<16xi32>
        %mul3A_1007 = arith.muli %iota3A, %mul3A_1006 : vector<16xi32>
        %add3A_1008 = arith.constant 12 : i32
        %add3A_1009 = vector.broadcast %add3A_1008 : i32 to vector<16xi32>
        %add3A_1010 = arith.addi %mul3A_1007, %add3A_1009 : vector<16xi32>
        %gather3A_1011 = tpu.vector_load_idx %arg9[%add3A_1010] : memref<256xf32, #tpu.memory_space<vmem>>[vector<16xi32>], vector<16xf32>,
        %mul3A_1012 = arith.constant 16 : i32
        %mul3A_1013 = vector.broadcast %mul3A_1012 : i32 to vector<16xi32>
        %mul3A_1014 = arith.muli %iota3A, %mul3A_1013 : vector<16xi32>
        %add3A_1015 = arith.constant 13 : i32
        %add3A_1016 = vector.broadcast %add3A_1015 : i32 to vector<16xi32>
        %add3A_1017 = arith.addi %mul3A_1014, %add3A_1016 : vector<16xi32>
        %gather3A_1018 = tpu.vector_load_idx %arg9[%add3A_1017] : memref<256xf32, #tpu.memory_space<vmem>>[vector<16xi32>], vector<16xf32>,
        %mul3A_1019 = arith.constant 16 : i32
        %mul3A_1020 = vector.broadcast %mul3A_1019 : i32 to vector<16xi32>
        %mul3A_1021 = arith.muli %iota3A, %mul3A_1020 : vector<16xi32>
        %add3A_1022 = arith.constant 14 : i32
        %add3A_1023 = vector.broadcast %add3A_1022 : i32 to vector<16xi32>
        %add3A_1024 = arith.addi %mul3A_1021, %add3A_1023 : vector<16xi32>
        %gather3A_1025 = tpu.vector_load_idx %arg9[%add3A_1024] : memref<256xf32, #tpu.memory_space<vmem>>[vector<16xi32>], vector<16xf32>,
        %mul3A_1026 = arith.constant 16 : i32
        %mul3A_1027 = vector.broadcast %mul3A_1026 : i32 to vector<16xi32>
        %mul3A_1028 = arith.muli %iota3A, %mul3A_1027 : vector<16xi32>
        %add3A_1029 = arith.constant 15 : i32
        %add3A_1030 = vector.broadcast %add3A_1029 : i32 to vector<16xi32>
        %add3A_1031 = arith.addi %mul3A_1028, %add3A_1030 : vector<16xi32>
        %gather3A_1032 = tpu.vector_load_idx %arg9[%add3A_1031] : memref<256xf32, #tpu.memory_space<vmem>>[vector<16xi32>], vector<16xf32>,
        %add3A_1033 = arith.addf %gather3A_927, %gather3A_934 : vector<16xf32>
        %add3A_1034 = arith.addf %gather3A_941, %gather3A_948 : vector<16xf32>
        %add3A_1035 = arith.addf %gather3A_955, %gather3A_962 : vector<16xf32>
        %add3A_1036 = arith.addf %gather3A_969, %gather3A_976 : vector<16xf32>
        %add3A_1037 = arith.addf %gather3A_983, %gather3A_990 : vector<16xf32>
        %add3A_1038 = arith.addf %gather3A_997, %gather3A_1004 : vector<16xf32>
        %add3A_1039 = arith.addf %gather3A_1011, %gather3A_1018 : vector<16xf32>
        %add3A_1040 = arith.addf %gather3A_1025, %gather3A_1032 : vector<16xf32>
        %add3A_1041 = arith.addf %add3A_1033, %add3A_1034 : vector<16xf32>
        %add3A_1042 = arith.addf %add3A_1035, %add3A_1036 : vector<16xf32>
        %add3A_1043 = arith.addf %add3A_1037, %add3A_1038 : vector<16xf32>
        %add3A_1044 = arith.addf %add3A_1039, %add3A_1040 : vector<16xf32>
        %add3A_1045 = arith.addf %add3A_1041, %add3A_1042 : vector<16xf32>
        %add3A_1046 = arith.addf %add3A_1043, %add3A_1044 : vector<16xf32>
        %add3A_1047 = arith.addf %add3A_1045, %add3A_1046 : vector<16xf32>
        %mul3A_1048 = arith.constant 20 : i32
        %mul3A_1049 = arith.muli %scan3A_348, %mul3A_1048 : i32
        %swap3A_1050 = arith.constant 0 : i32
        %swap3A_1051 = arith.index_cast %swap3A_1050 : i32 to index
        %swap3A_1052 = arith.index_cast %mul3A_1049 : i32 to index
        %swap3A_1053 = tpu.vector_load %arg11[%swap3A_1051, %swap3A_1052] {strides = array<i32>} : memref<2x672xf32, #tpu.memory_space<vmem>>, vector<16xf32>,
        tpu.vector_store %arg11[%swap3A_1051, %swap3A_1052], %add3A_1047 {strides = array<i32>} : memref<2x672xf32, #tpu.memory_space<vmem>>, vector<16xf32>,
        %mul3A_1054 = arith.constant 16 : i32
        %mul3A_1055 = vector.broadcast %mul3A_1054 : i32 to vector<16xi32>
        %mul3A_1056 = arith.muli %iota3A, %mul3A_1055 : vector<16xi32>
        %add3A_1057 = arith.constant 0 : i32
        %add3A_1058 = vector.broadcast %add3A_1057 : i32 to vector<16xi32>
        %add3A_1059 = arith.addi %mul3A_1056, %add3A_1058 : vector<16xi32>
        %gather3A_1060 = tpu.vector_load_idx %arg10[%add3A_1059] : memref<256xf32, #tpu.memory_space<vmem>>[vector<16xi32>], vector<16xf32>,
        %mul3A_1061 = arith.constant 16 : i32
        %mul3A_1062 = vector.broadcast %mul3A_1061 : i32 to vector<16xi32>
        %mul3A_1063 = arith.muli %iota3A, %mul3A_1062 : vector<16xi32>
        %add3A_1064 = arith.constant 1 : i32
        %add3A_1065 = vector.broadcast %add3A_1064 : i32 to vector<16xi32>
        %add3A_1066 = arith.addi %mul3A_1063, %add3A_1065 : vector<16xi32>
        %gather3A_1067 = tpu.vector_load_idx %arg10[%add3A_1066] : memref<256xf32, #tpu.memory_space<vmem>>[vector<16xi32>], vector<16xf32>,
        %mul3A_1068 = arith.constant 16 : i32
        %mul3A_1069 = vector.broadcast %mul3A_1068 : i32 to vector<16xi32>
        %mul3A_1070 = arith.muli %iota3A, %mul3A_1069 : vector<16xi32>
        %add3A_1071 = arith.constant 2 : i32
        %add3A_1072 = vector.broadcast %add3A_1071 : i32 to vector<16xi32>
        %add3A_1073 = arith.addi %mul3A_1070, %add3A_1072 : vector<16xi32>
        %gather3A_1074 = tpu.vector_load_idx %arg10[%add3A_1073] : memref<256xf32, #tpu.memory_space<vmem>>[vector<16xi32>], vector<16xf32>,
        %mul3A_1075 = arith.constant 16 : i32
        %mul3A_1076 = vector.broadcast %mul3A_1075 : i32 to vector<16xi32>
        %mul3A_1077 = arith.muli %iota3A, %mul3A_1076 : vector<16xi32>
        %add3A_1078 = arith.constant 3 : i32
        %add3A_1079 = vector.broadcast %add3A_1078 : i32 to vector<16xi32>
        %add3A_1080 = arith.addi %mul3A_1077, %add3A_1079 : vector<16xi32>
        %gather3A_1081 = tpu.vector_load_idx %arg10[%add3A_1080] : memref<256xf32, #tpu.memory_space<vmem>>[vector<16xi32>], vector<16xf32>,
        %mul3A_1082 = arith.constant 16 : i32
        %mul3A_1083 = vector.broadcast %mul3A_1082 : i32 to vector<16xi32>
        %mul3A_1084 = arith.muli %iota3A, %mul3A_1083 : vector<16xi32>
        %add3A_1085 = arith.constant 4 : i32
        %add3A_1086 = vector.broadcast %add3A_1085 : i32 to vector<16xi32>
        %add3A_1087 = arith.addi %mul3A_1084, %add3A_1086 : vector<16xi32>
        %gather3A_1088 = tpu.vector_load_idx %arg10[%add3A_1087] : memref<256xf32, #tpu.memory_space<vmem>>[vector<16xi32>], vector<16xf32>,
        %mul3A_1089 = arith.constant 16 : i32
        %mul3A_1090 = vector.broadcast %mul3A_1089 : i32 to vector<16xi32>
        %mul3A_1091 = arith.muli %iota3A, %mul3A_1090 : vector<16xi32>
        %add3A_1092 = arith.constant 5 : i32
        %add3A_1093 = vector.broadcast %add3A_1092 : i32 to vector<16xi32>
        %add3A_1094 = arith.addi %mul3A_1091, %add3A_1093 : vector<16xi32>
        %gather3A_1095 = tpu.vector_load_idx %arg10[%add3A_1094] : memref<256xf32, #tpu.memory_space<vmem>>[vector<16xi32>], vector<16xf32>,
        %mul3A_1096 = arith.constant 16 : i32
        %mul3A_1097 = vector.broadcast %mul3A_1096 : i32 to vector<16xi32>
        %mul3A_1098 = arith.muli %iota3A, %mul3A_1097 : vector<16xi32>
        %add3A_1099 = arith.constant 6 : i32
        %add3A_1100 = vector.broadcast %add3A_1099 : i32 to vector<16xi32>
        %add3A_1101 = arith.addi %mul3A_1098, %add3A_1100 : vector<16xi32>
        %gather3A_1102 = tpu.vector_load_idx %arg10[%add3A_1101] : memref<256xf32, #tpu.memory_space<vmem>>[vector<16xi32>], vector<16xf32>,
        %mul3A_1103 = arith.constant 16 : i32
        %mul3A_1104 = vector.broadcast %mul3A_1103 : i32 to vector<16xi32>
        %mul3A_1105 = arith.muli %iota3A, %mul3A_1104 : vector<16xi32>
        %add3A_1106 = arith.constant 7 : i32
        %add3A_1107 = vector.broadcast %add3A_1106 : i32 to vector<16xi32>
        %add3A_1108 = arith.addi %mul3A_1105, %add3A_1107 : vector<16xi32>
        %gather3A_1109 = tpu.vector_load_idx %arg10[%add3A_1108] : memref<256xf32, #tpu.memory_space<vmem>>[vector<16xi32>], vector<16xf32>,
        %mul3A_1110 = arith.constant 16 : i32
        %mul3A_1111 = vector.broadcast %mul3A_1110 : i32 to vector<16xi32>
        %mul3A_1112 = arith.muli %iota3A, %mul3A_1111 : vector<16xi32>
        %add3A_1113 = arith.constant 8 : i32
        %add3A_1114 = vector.broadcast %add3A_1113 : i32 to vector<16xi32>
        %add3A_1115 = arith.addi %mul3A_1112, %add3A_1114 : vector<16xi32>
        %gather3A_1116 = tpu.vector_load_idx %arg10[%add3A_1115] : memref<256xf32, #tpu.memory_space<vmem>>[vector<16xi32>], vector<16xf32>,
        %mul3A_1117 = arith.constant 16 : i32
        %mul3A_1118 = vector.broadcast %mul3A_1117 : i32 to vector<16xi32>
        %mul3A_1119 = arith.muli %iota3A, %mul3A_1118 : vector<16xi32>
        %add3A_1120 = arith.constant 9 : i32
        %add3A_1121 = vector.broadcast %add3A_1120 : i32 to vector<16xi32>
        %add3A_1122 = arith.addi %mul3A_1119, %add3A_1121 : vector<16xi32>
        %gather3A_1123 = tpu.vector_load_idx %arg10[%add3A_1122] : memref<256xf32, #tpu.memory_space<vmem>>[vector<16xi32>], vector<16xf32>,
        %mul3A_1124 = arith.constant 16 : i32
        %mul3A_1125 = vector.broadcast %mul3A_1124 : i32 to vector<16xi32>
        %mul3A_1126 = arith.muli %iota3A, %mul3A_1125 : vector<16xi32>
        %add3A_1127 = arith.constant 10 : i32
        %add3A_1128 = vector.broadcast %add3A_1127 : i32 to vector<16xi32>
        %add3A_1129 = arith.addi %mul3A_1126, %add3A_1128 : vector<16xi32>
        %gather3A_1130 = tpu.vector_load_idx %arg10[%add3A_1129] : memref<256xf32, #tpu.memory_space<vmem>>[vector<16xi32>], vector<16xf32>,
        %mul3A_1131 = arith.constant 16 : i32
        %mul3A_1132 = vector.broadcast %mul3A_1131 : i32 to vector<16xi32>
        %mul3A_1133 = arith.muli %iota3A, %mul3A_1132 : vector<16xi32>
        %add3A_1134 = arith.constant 11 : i32
        %add3A_1135 = vector.broadcast %add3A_1134 : i32 to vector<16xi32>
        %add3A_1136 = arith.addi %mul3A_1133, %add3A_1135 : vector<16xi32>
        %gather3A_1137 = tpu.vector_load_idx %arg10[%add3A_1136] : memref<256xf32, #tpu.memory_space<vmem>>[vector<16xi32>], vector<16xf32>,
        %mul3A_1138 = arith.constant 16 : i32
        %mul3A_1139 = vector.broadcast %mul3A_1138 : i32 to vector<16xi32>
        %mul3A_1140 = arith.muli %iota3A, %mul3A_1139 : vector<16xi32>
        %add3A_1141 = arith.constant 12 : i32
        %add3A_1142 = vector.broadcast %add3A_1141 : i32 to vector<16xi32>
        %add3A_1143 = arith.addi %mul3A_1140, %add3A_1142 : vector<16xi32>
        %gather3A_1144 = tpu.vector_load_idx %arg10[%add3A_1143] : memref<256xf32, #tpu.memory_space<vmem>>[vector<16xi32>], vector<16xf32>,
        %mul3A_1145 = arith.constant 16 : i32
        %mul3A_1146 = vector.broadcast %mul3A_1145 : i32 to vector<16xi32>
        %mul3A_1147 = arith.muli %iota3A, %mul3A_1146 : vector<16xi32>
        %add3A_1148 = arith.constant 13 : i32
        %add3A_1149 = vector.broadcast %add3A_1148 : i32 to vector<16xi32>
        %add3A_1150 = arith.addi %mul3A_1147, %add3A_1149 : vector<16xi32>
        %gather3A_1151 = tpu.vector_load_idx %arg10[%add3A_1150] : memref<256xf32, #tpu.memory_space<vmem>>[vector<16xi32>], vector<16xf32>,
        %mul3A_1152 = arith.constant 16 : i32
        %mul3A_1153 = vector.broadcast %mul3A_1152 : i32 to vector<16xi32>
        %mul3A_1154 = arith.muli %iota3A, %mul3A_1153 : vector<16xi32>
        %add3A_1155 = arith.constant 14 : i32
        %add3A_1156 = vector.broadcast %add3A_1155 : i32 to vector<16xi32>
        %add3A_1157 = arith.addi %mul3A_1154, %add3A_1156 : vector<16xi32>
        %gather3A_1158 = tpu.vector_load_idx %arg10[%add3A_1157] : memref<256xf32, #tpu.memory_space<vmem>>[vector<16xi32>], vector<16xf32>,
        %mul3A_1159 = arith.constant 16 : i32
        %mul3A_1160 = vector.broadcast %mul3A_1159 : i32 to vector<16xi32>
        %mul3A_1161 = arith.muli %iota3A, %mul3A_1160 : vector<16xi32>
        %add3A_1162 = arith.constant 15 : i32
        %add3A_1163 = vector.broadcast %add3A_1162 : i32 to vector<16xi32>
        %add3A_1164 = arith.addi %mul3A_1161, %add3A_1163 : vector<16xi32>
        %gather3A_1165 = tpu.vector_load_idx %arg10[%add3A_1164] : memref<256xf32, #tpu.memory_space<vmem>>[vector<16xi32>], vector<16xf32>,
        %add3A_1166 = arith.addf %gather3A_1060, %gather3A_1067 : vector<16xf32>
        %add3A_1167 = arith.addf %gather3A_1074, %gather3A_1081 : vector<16xf32>
        %add3A_1168 = arith.addf %gather3A_1088, %gather3A_1095 : vector<16xf32>
        %add3A_1169 = arith.addf %gather3A_1102, %gather3A_1109 : vector<16xf32>
        %add3A_1170 = arith.addf %gather3A_1116, %gather3A_1123 : vector<16xf32>
        %add3A_1171 = arith.addf %gather3A_1130, %gather3A_1137 : vector<16xf32>
        %add3A_1172 = arith.addf %gather3A_1144, %gather3A_1151 : vector<16xf32>
        %add3A_1173 = arith.addf %gather3A_1158, %gather3A_1165 : vector<16xf32>
        %add3A_1174 = arith.addf %add3A_1166, %add3A_1167 : vector<16xf32>
        %add3A_1175 = arith.addf %add3A_1168, %add3A_1169 : vector<16xf32>
        %add3A_1176 = arith.addf %add3A_1170, %add3A_1171 : vector<16xf32>
        %add3A_1177 = arith.addf %add3A_1172, %add3A_1173 : vector<16xf32>
        %add3A_1178 = arith.addf %add3A_1174, %add3A_1175 : vector<16xf32>
        %add3A_1179 = arith.addf %add3A_1176, %add3A_1177 : vector<16xf32>
        %add3A_1180 = arith.addf %add3A_1178, %add3A_1179 : vector<16xf32>
        %mul3A_1181 = arith.constant 20 : i32
        %mul3A_1182 = arith.muli %scan3A_348, %mul3A_1181 : i32
        %add3A_1183 = arith.constant 16 : i32
        %add3A_1184 = arith.addi %mul3A_1182, %add3A_1183 : i32
        %swap3A_1185 = arith.constant 0 : i32
        %swap3A_1186 = arith.index_cast %swap3A_1185 : i32 to index
        %swap3A_1187 = arith.index_cast %add3A_1184 : i32 to index
        %swap3A_1188 = tpu.vector_load %arg11[%swap3A_1186, %swap3A_1187] {strides = array<i32>} : memref<2x672xf32, #tpu.memory_space<vmem>>, vector<16xf32>,
        tpu.vector_store %arg11[%swap3A_1186, %swap3A_1187], %add3A_1180 {strides = array<i32>} : memref<2x672xf32, #tpu.memory_space<vmem>>, vector<16xf32>,
      }
      %scan3A_216 = arith.constant 32 : i32
      %mul3A_217 = arith.constant 512 : i32
      %mul3A_218 = arith.muli %add3A, %mul3A_217 : i32
      %mul3A_219 = arith.constant 32 : i32
      %mul3A_220 = arith.muli %add3A_111, %mul3A_219 : i32
      %add3A_221 = arith.addi %mul3A_218, %mul3A_220 : i32
      %mul3A_222 = arith.constant 20 : i32
      %mul3A_223 = arith.muli %add3A_221, %mul3A_222 : i32
      %multiple_of3A_224 = tpu.assume_multiple %mul3A_223, 640 : i32
      %run_scoped3A_225 = arith.constant 0 : i32
      "tpu.region"() ({
        %run_scoped3A_348 = tpu.sem_alloc : memref<!tpu.dma_semaphore, #tpu.memory_space<semaphore_mem>>
        %dma_start3A_349 = arith.constant 0 : i32
        %dma_start3A_350 = tpu.memref_slice %arg11[%run_scoped3A_225, %dma_start3A_349] : memref<2x672xf32, #tpu.memory_space<vmem>> -> memref<1x640xf32, #tpu.memory_space<vmem>>
        %dma_start3A_351 = tpu.memref_squeeze %dma_start3A_350 : memref<1x640xf32, #tpu.memory_space<vmem>> -> memref<640xf32, #tpu.memory_space<vmem>>
        %dma_start3A_352 = tpu.memref_slice %arg5[%multiple_of3A_224] : memref<327680xf32, #tpu.memory_space<hbm>> -> memref<640xf32, #tpu.memory_space<hbm>>
        %dma_start3A_353 = tpu.memref_slice %arg5[%multiple_of3A_224] : memref<327680xf32, #tpu.memory_space<hbm>> -> memref<640xf32, #tpu.memory_space<hbm>>
        %dma_start3A_354 = arith.constant 0 : i32
        %dma_start3A_355 = tpu.memref_slice %arg11[%run_scoped3A_225, %dma_start3A_354] : memref<2x672xf32, #tpu.memory_space<vmem>> -> memref<1x640xf32, #tpu.memory_space<vmem>>
        %dma_start3A_356 = tpu.memref_squeeze %dma_start3A_355 : memref<1x640xf32, #tpu.memory_space<vmem>> -> memref<640xf32, #tpu.memory_space<vmem>>
        tpu.enqueue_dma source(%dma_start3A_356 : memref<640xf32, #tpu.memory_space<vmem>>) target(%dma_start3A_353 : memref<640xf32, #tpu.memory_space<hbm>>) target_semaphore(%run_scoped3A_348 : memref<!tpu.dma_semaphore, #tpu.memory_space<semaphore_mem>>)
        %dma_wait3A_357 = arith.constant 0 : i32
        %dma_wait3A_358 = tpu.memref_slice %arg11[%run_scoped3A_225, %dma_wait3A_357] : memref<2x672xf32, #tpu.memory_space<vmem>> -> memref<1x640xf32, #tpu.memory_space<vmem>>
        %dma_wait3A_359 = tpu.memref_squeeze %dma_wait3A_358 : memref<1x640xf32, #tpu.memory_space<vmem>> -> memref<640xf32, #tpu.memory_space<vmem>>
        %dma_wait3A_360 = tpu.memref_slice %arg5[%multiple_of3A_224] : memref<327680xf32, #tpu.memory_space<hbm>> -> memref<640xf32, #tpu.memory_space<hbm>>
        %dma_wait3A_361 = tpu.memref_slice %arg5[%multiple_of3A_224] : memref<327680xf32, #tpu.memory_space<hbm>> -> memref<640xf32, #tpu.memory_space<hbm>>
        %dma_wait3A_362 = arith.constant 0 : i32
        %dma_wait3A_363 = tpu.memref_slice %arg11[%run_scoped3A_225, %dma_wait3A_362] : memref<2x672xf32, #tpu.memory_space<vmem>> -> memref<1x640xf32, #tpu.memory_space<vmem>>
        %dma_wait3A_364 = tpu.memref_squeeze %dma_wait3A_363 : memref<1x640xf32, #tpu.memory_space<vmem>> -> memref<640xf32, #tpu.memory_space<vmem>>
        tpu.wait_dma2 semaphore(%run_scoped3A_348 : memref<!tpu.dma_semaphore, #tpu.memory_space<semaphore_mem>>) src(%dma_wait3A_364 : memref<640xf32, #tpu.memory_space<vmem>>) dst(%dma_wait3A_361 : memref<640xf32, #tpu.memory_space<hbm>>)
        tpu.yield
      }) : () -> ()
      %mul3A_226 = arith.constant 2 : i32
      %mul3A_227 = arith.muli %scan3A_107, %mul3A_226 : i32
      %add3A_228 = arith.constant 1 : i32
      %add3A_229 = arith.addi %mul3A_227, %add3A_228 : i32
      %add3A_230 = arith.constant 1 : i32
      %add3A_231 = arith.addi %add3A_229, %add3A_230 : i32
      %lt3A_232 = arith.constant 16 : i32
      %lt3A_233 = arith.cmpi slt, %add3A_231, %lt3A_232 : i32
      %convert_element_type3A_234 = arith.extui %lt3A_233 : i1 to i32
      %cond3A_235 = arith.constant 0 : i32
      %cond3A_236 = arith.cmpi ne, %convert_element_type3A_234, %cond3A_235 : i32
      scf.if %cond3A_236 {
        %add3A_348 = arith.constant 1 : i32
        %add3A_349 = arith.addi %add3A_229, %add3A_348 : i32
        %mul3A_350 = arith.constant 512 : i32
        %mul3A_351 = arith.muli %add3A, %mul3A_350 : i32
        %mul3A_352 = arith.constant 32 : i32
        %mul3A_353 = arith.muli %add3A_349, %mul3A_352 : i32
        %add3A_354 = arith.addi %mul3A_351, %mul3A_353 : i32
        %multiple_of3A_355 = tpu.assume_multiple %add3A_354, 32 : i32
        %mul3A_356 = arith.constant 512 : i32
        %mul3A_357 = arith.muli %add3A, %mul3A_356 : i32
        %mul3A_358 = arith.constant 32 : i32
        %mul3A_359 = arith.muli %add3A_349, %mul3A_358 : i32
        %add3A_360 = arith.addi %mul3A_357, %mul3A_359 : i32
        %mul3A_361 = arith.constant 20 : i32
        %mul3A_362 = arith.muli %add3A_360, %mul3A_361 : i32
        %multiple_of3A_363 = tpu.assume_multiple %mul3A_362, 640 : i32
        %run_scoped3A_364 = arith.constant 0 : i32
        "tpu.region"() ({
          %run_scoped3A_456 = tpu.sem_alloc : memref<!tpu.dma_semaphore, #tpu.memory_space<semaphore_mem>>
          %dma_start3A_457 = arith.constant 0 : i32
          %dma_start3A_458 = tpu.memref_slice %arg6[%run_scoped3A_364, %dma_start3A_457] : memref<2x640xi32, #tpu.memory_space<vmem>> -> memref<1x640xi32, #tpu.memory_space<vmem>>
          %dma_start3A_459 = tpu.memref_squeeze %dma_start3A_458 : memref<1x640xi32, #tpu.memory_space<vmem>> -> memref<640xi32, #tpu.memory_space<vmem>>
          %dma_start3A_460 = tpu.memref_slice %arg2[%multiple_of3A_363] : memref<327680xi32, #tpu.memory_space<hbm>> -> memref<640xi32, #tpu.memory_space<hbm>>
          %dma_start3A_461 = arith.constant 0 : i32
          %dma_start3A_462 = tpu.memref_slice %arg6[%run_scoped3A_364, %dma_start3A_461] : memref<2x640xi32, #tpu.memory_space<vmem>> -> memref<1x640xi32, #tpu.memory_space<vmem>>
          %dma_start3A_463 = tpu.memref_squeeze %dma_start3A_462 : memref<1x640xi32, #tpu.memory_space<vmem>> -> memref<640xi32, #tpu.memory_space<vmem>>
          %dma_start3A_464 = tpu.memref_slice %arg2[%multiple_of3A_363] : memref<327680xi32, #tpu.memory_space<hbm>> -> memref<640xi32, #tpu.memory_space<hbm>>
          tpu.enqueue_dma source(%dma_start3A_464 : memref<640xi32, #tpu.memory_space<hbm>>) target(%dma_start3A_463 : memref<640xi32, #tpu.memory_space<vmem>>) target_semaphore(%run_scoped3A_456 : memref<!tpu.dma_semaphore, #tpu.memory_space<semaphore_mem>>)
          %dma_wait3A_465 = arith.constant 0 : i32
          %dma_wait3A_466 = tpu.memref_slice %arg6[%run_scoped3A_364, %dma_wait3A_465] : memref<2x640xi32, #tpu.memory_space<vmem>> -> memref<1x640xi32, #tpu.memory_space<vmem>>
          %dma_wait3A_467 = tpu.memref_squeeze %dma_wait3A_466 : memref<1x640xi32, #tpu.memory_space<vmem>> -> memref<640xi32, #tpu.memory_space<vmem>>
          %dma_wait3A_468 = tpu.memref_slice %arg2[%multiple_of3A_363] : memref<327680xi32, #tpu.memory_space<hbm>> -> memref<640xi32, #tpu.memory_space<hbm>>
          %dma_wait3A_469 = arith.constant 0 : i32
          %dma_wait3A_470 = tpu.memref_slice %arg6[%run_scoped3A_364, %dma_wait3A_469] : memref<2x640xi32, #tpu.memory_space<vmem>> -> memref<1x640xi32, #tpu.memory_space<vmem>>
          %dma_wait3A_471 = tpu.memref_squeeze %dma_wait3A_470 : memref<1x640xi32, #tpu.memory_space<vmem>> -> memref<640xi32, #tpu.memory_space<vmem>>
          %dma_wait3A_472 = tpu.memref_slice %arg2[%multiple_of3A_363] : memref<327680xi32, #tpu.memory_space<hbm>> -> memref<640xi32, #tpu.memory_space<hbm>>
          tpu.wait_dma2 semaphore(%run_scoped3A_456 : memref<!tpu.dma_semaphore, #tpu.memory_space<semaphore_mem>>) src(%dma_wait3A_472 : memref<640xi32, #tpu.memory_space<hbm>>) dst(%dma_wait3A_471 : memref<640xi32, #tpu.memory_space<vmem>>)
          tpu.yield
        }) : () -> ()
        %dma_start3A_365 = arith.constant 0 : i32
        %dma_start3A_366 = arith.constant 0 : i32
        %dma_start3A_367 = arith.constant 0 : i32
        %dma_start3A_368 = arith.constant 0 : i32
        %dma_start3A_369 = tpu.memref_slice %arg7[%dma_start3A_365, %dma_start3A_367, %dma_start3A_368] : memref<2x32x64xf32, #tpu.memory_space<vmem>> -> memref<1x32x64xf32, #tpu.memory_space<vmem>>
        %dma_start3A_370 = tpu.memref_squeeze %dma_start3A_369 : memref<1x32x64xf32, #tpu.memory_space<vmem>> -> memref<32x64xf32, #tpu.memory_space<vmem>>
        %dma_start3A_371 = arith.constant 0 : i32
        %dma_start3A_372 = tpu.memref_slice %arg3[%multiple_of3A_355, %dma_start3A_371] : memref<16384x64xf32, #tpu.memory_space<hbm>> -> memref<32x64xf32, #tpu.memory_space<hbm>>
        %dma_start3A_373 = tpu.memref_slice %arg13[%dma_start3A_366] : memref<2x!tpu.dma_semaphore, #tpu.memory_space<semaphore_mem>> -> memref<1x!tpu.dma_semaphore, #tpu.memory_space<semaphore_mem>>
        %dma_start3A_374 = tpu.memref_squeeze %dma_start3A_373 : memref<1x!tpu.dma_semaphore, #tpu.memory_space<semaphore_mem>> -> memref<!tpu.dma_semaphore, #tpu.memory_space<semaphore_mem>>
        %dma_start3A_375 = arith.constant 0 : i32
        %dma_start3A_376 = arith.constant 0 : i32
        %dma_start3A_377 = tpu.memref_slice %arg7[%dma_start3A_365, %dma_start3A_375, %dma_start3A_376] : memref<2x32x64xf32, #tpu.memory_space<vmem>> -> memref<1x32x64xf32, #tpu.memory_space<vmem>>
        %dma_start3A_378 = tpu.memref_squeeze %dma_start3A_377 : memref<1x32x64xf32, #tpu.memory_space<vmem>> -> memref<32x64xf32, #tpu.memory_space<vmem>>
        %dma_start3A_379 = arith.constant 0 : i32
        %dma_start3A_380 = tpu.memref_slice %arg3[%multiple_of3A_355, %dma_start3A_379] : memref<16384x64xf32, #tpu.memory_space<hbm>> -> memref<32x64xf32, #tpu.memory_space<hbm>>
        tpu.enqueue_dma source(%dma_start3A_380 : memref<32x64xf32, #tpu.memory_space<hbm>>) target(%dma_start3A_378 : memref<32x64xf32, #tpu.memory_space<vmem>>) target_semaphore(%dma_start3A_374 : memref<!tpu.dma_semaphore, #tpu.memory_space<semaphore_mem>>)
        %dma_start3A_381 = arith.constant 0 : i32
        %dma_start3A_382 = arith.constant 0 : i32
        %dma_start3A_383 = arith.constant 0 : i32
        %dma_start3A_384 = arith.constant 0 : i32
        %dma_start3A_385 = arith.constant 0 : i32
        %dma_start3A_386 = tpu.memref_slice %arg8[%dma_start3A_382, %dma_start3A_384, %dma_start3A_385] : memref<2x656x64xbf16, #tpu.memory_space<vmem>> -> memref<1x128x64xbf16, #tpu.memory_space<vmem>>
        %dma_start3A_387 = tpu.memref_squeeze %dma_start3A_386 : memref<1x128x64xbf16, #tpu.memory_space<vmem>> -> memref<128x64xbf16, #tpu.memory_space<vmem>>
        %dma_start3A_388 = arith.constant 0 : i32
        %dma_start3A_389 = tpu.memref_slice %arg6[%dma_start3A_381, %dma_start3A_388] : memref<2x640xi32, #tpu.memory_space<vmem>> -> memref<1x128xi32, #tpu.memory_space<vmem>>
        %dma_start3A_390 = tpu.memref_squeeze %dma_start3A_389 : memref<1x128xi32, #tpu.memory_space<vmem>> -> memref<128xi32, #tpu.memory_space<vmem>>
        %dma_start3A_391 = arith.constant 0 : i32
        %dma_start3A_392 = arith.constant 0 : i32
        %dma_start3A_393 = tpu.memref_slice %arg4[%dma_start3A_391, %dma_start3A_392] : memref<1000000x64xbf16, #tpu.memory_space<hbm>> -> memref<1000000x64xbf16, #tpu.memory_space<hbm>>
        %dma_start3A_394 = tpu.memref_slice %arg12[%dma_start3A_383] : memref<2x!tpu.dma_semaphore, #tpu.memory_space<semaphore_mem>> -> memref<1x!tpu.dma_semaphore, #tpu.memory_space<semaphore_mem>>
        %dma_start3A_395 = tpu.memref_squeeze %dma_start3A_394 : memref<1x!tpu.dma_semaphore, #tpu.memory_space<semaphore_mem>> -> memref<!tpu.dma_semaphore, #tpu.memory_space<semaphore_mem>>
        tpu.enqueue_indirect_dma source(%dma_start3A_393 : memref<1000000x64xbf16, #tpu.memory_space<hbm>>) target(%dma_start3A_387 : memref<128x64xbf16, #tpu.memory_space<vmem>>) offsets(%dma_start3A_390 : memref<128xi32, #tpu.memory_space<vmem>>) semaphore(%dma_start3A_395 : memref<!tpu.dma_semaphore, #tpu.memory_space<semaphore_mem>>)
        %dma_start3A_396 = arith.constant 0 : i32
        %dma_start3A_397 = arith.constant 0 : i32
        %dma_start3A_398 = arith.constant 0 : i32
        %dma_start3A_399 = arith.constant 128 : i32
        %dma_start3A_400 = arith.constant 0 : i32
        %dma_start3A_401 = tpu.memref_slice %arg8[%dma_start3A_397, %dma_start3A_399, %dma_start3A_400] : memref<2x656x64xbf16, #tpu.memory_space<vmem>> -> memref<1x128x64xbf16, #tpu.memory_space<vmem>>
        %dma_start3A_402 = tpu.memref_squeeze %dma_start3A_401 : memref<1x128x64xbf16, #tpu.memory_space<vmem>> -> memref<128x64xbf16, #tpu.memory_space<vmem>>
        %dma_start3A_403 = arith.constant 128 : i32
        %dma_start3A_404 = tpu.memref_slice %arg6[%dma_start3A_396, %dma_start3A_403] : memref<2x640xi32, #tpu.memory_space<vmem>> -> memref<1x128xi32, #tpu.memory_space<vmem>>
        %dma_start3A_405 = tpu.memref_squeeze %dma_start3A_404 : memref<1x128xi32, #tpu.memory_space<vmem>> -> memref<128xi32, #tpu.memory_space<vmem>>
        %dma_start3A_406 = arith.constant 0 : i32
        %dma_start3A_407 = arith.constant 0 : i32
        %dma_start3A_408 = tpu.memref_slice %arg4[%dma_start3A_406, %dma_start3A_407] : memref<1000000x64xbf16, #tpu.memory_space<hbm>> -> memref<1000000x64xbf16, #tpu.memory_space<hbm>>
        %dma_start3A_409 = tpu.memref_slice %arg12[%dma_start3A_398] : memref<2x!tpu.dma_semaphore, #tpu.memory_space<semaphore_mem>> -> memref<1x!tpu.dma_semaphore, #tpu.memory_space<semaphore_mem>>
        %dma_start3A_410 = tpu.memref_squeeze %dma_start3A_409 : memref<1x!tpu.dma_semaphore, #tpu.memory_space<semaphore_mem>> -> memref<!tpu.dma_semaphore, #tpu.memory_space<semaphore_mem>>
        tpu.enqueue_indirect_dma source(%dma_start3A_408 : memref<1000000x64xbf16, #tpu.memory_space<hbm>>) target(%dma_start3A_402 : memref<128x64xbf16, #tpu.memory_space<vmem>>) offsets(%dma_start3A_405 : memref<128xi32, #tpu.memory_space<vmem>>) semaphore(%dma_start3A_410 : memref<!tpu.dma_semaphore, #tpu.memory_space<semaphore_mem>>)
        %dma_start3A_411 = arith.constant 0 : i32
        %dma_start3A_412 = arith.constant 0 : i32
        %dma_start3A_413 = arith.constant 0 : i32
        %dma_start3A_414 = arith.constant 256 : i32
        %dma_start3A_415 = arith.constant 0 : i32
        %dma_start3A_416 = tpu.memref_slice %arg8[%dma_start3A_412, %dma_start3A_414, %dma_start3A_415] : memref<2x656x64xbf16, #tpu.memory_space<vmem>> -> memref<1x128x64xbf16, #tpu.memory_space<vmem>>
        %dma_start3A_417 = tpu.memref_squeeze %dma_start3A_416 : memref<1x128x64xbf16, #tpu.memory_space<vmem>> -> memref<128x64xbf16, #tpu.memory_space<vmem>>
        %dma_start3A_418 = arith.constant 256 : i32
        %dma_start3A_419 = tpu.memref_slice %arg6[%dma_start3A_411, %dma_start3A_418] : memref<2x640xi32, #tpu.memory_space<vmem>> -> memref<1x128xi32, #tpu.memory_space<vmem>>
        %dma_start3A_420 = tpu.memref_squeeze %dma_start3A_419 : memref<1x128xi32, #tpu.memory_space<vmem>> -> memref<128xi32, #tpu.memory_space<vmem>>
        %dma_start3A_421 = arith.constant 0 : i32
        %dma_start3A_422 = arith.constant 0 : i32
        %dma_start3A_423 = tpu.memref_slice %arg4[%dma_start3A_421, %dma_start3A_422] : memref<1000000x64xbf16, #tpu.memory_space<hbm>> -> memref<1000000x64xbf16, #tpu.memory_space<hbm>>
        %dma_start3A_424 = tpu.memref_slice %arg12[%dma_start3A_413] : memref<2x!tpu.dma_semaphore, #tpu.memory_space<semaphore_mem>> -> memref<1x!tpu.dma_semaphore, #tpu.memory_space<semaphore_mem>>
        %dma_start3A_425 = tpu.memref_squeeze %dma_start3A_424 : memref<1x!tpu.dma_semaphore, #tpu.memory_space<semaphore_mem>> -> memref<!tpu.dma_semaphore, #tpu.memory_space<semaphore_mem>>
        tpu.enqueue_indirect_dma source(%dma_start3A_423 : memref<1000000x64xbf16, #tpu.memory_space<hbm>>) target(%dma_start3A_417 : memref<128x64xbf16, #tpu.memory_space<vmem>>) offsets(%dma_start3A_420 : memref<128xi32, #tpu.memory_space<vmem>>) semaphore(%dma_start3A_425 : memref<!tpu.dma_semaphore, #tpu.memory_space<semaphore_mem>>)
        %dma_start3A_426 = arith.constant 0 : i32
        %dma_start3A_427 = arith.constant 0 : i32
        %dma_start3A_428 = arith.constant 0 : i32
        %dma_start3A_429 = arith.constant 384 : i32
        %dma_start3A_430 = arith.constant 0 : i32
        %dma_start3A_431 = tpu.memref_slice %arg8[%dma_start3A_427, %dma_start3A_429, %dma_start3A_430] : memref<2x656x64xbf16, #tpu.memory_space<vmem>> -> memref<1x128x64xbf16, #tpu.memory_space<vmem>>
        %dma_start3A_432 = tpu.memref_squeeze %dma_start3A_431 : memref<1x128x64xbf16, #tpu.memory_space<vmem>> -> memref<128x64xbf16, #tpu.memory_space<vmem>>
        %dma_start3A_433 = arith.constant 384 : i32
        %dma_start3A_434 = tpu.memref_slice %arg6[%dma_start3A_426, %dma_start3A_433] : memref<2x640xi32, #tpu.memory_space<vmem>> -> memref<1x128xi32, #tpu.memory_space<vmem>>
        %dma_start3A_435 = tpu.memref_squeeze %dma_start3A_434 : memref<1x128xi32, #tpu.memory_space<vmem>> -> memref<128xi32, #tpu.memory_space<vmem>>
        %dma_start3A_436 = arith.constant 0 : i32
        %dma_start3A_437 = arith.constant 0 : i32
        %dma_start3A_438 = tpu.memref_slice %arg4[%dma_start3A_436, %dma_start3A_437] : memref<1000000x64xbf16, #tpu.memory_space<hbm>> -> memref<1000000x64xbf16, #tpu.memory_space<hbm>>
        %dma_start3A_439 = tpu.memref_slice %arg12[%dma_start3A_428] : memref<2x!tpu.dma_semaphore, #tpu.memory_space<semaphore_mem>> -> memref<1x!tpu.dma_semaphore, #tpu.memory_space<semaphore_mem>>
        %dma_start3A_440 = tpu.memref_squeeze %dma_start3A_439 : memref<1x!tpu.dma_semaphore, #tpu.memory_space<semaphore_mem>> -> memref<!tpu.dma_semaphore, #tpu.memory_space<semaphore_mem>>
        tpu.enqueue_indirect_dma source(%dma_start3A_438 : memref<1000000x64xbf16, #tpu.memory_space<hbm>>) target(%dma_start3A_432 : memref<128x64xbf16, #tpu.memory_space<vmem>>) offsets(%dma_start3A_435 : memref<128xi32, #tpu.memory_space<vmem>>) semaphore(%dma_start3A_440 : memref<!tpu.dma_semaphore, #tpu.memory_space<semaphore_mem>>)
        %dma_start3A_441 = arith.constant 0 : i32
        %dma_start3A_442 = arith.constant 0 : i32
        %dma_start3A_443 = arith.constant 0 : i32
        %dma_start3A_444 = arith.constant 512 : i32
        %dma_start3A_445 = arith.constant 0 : i32
        %dma_start3A_446 = tpu.memref_slice %arg8[%dma_start3A_442, %dma_start3A_444, %dma_start3A_445] : memref<2x656x64xbf16, #tpu.memory_space<vmem>> -> memref<1x128x64xbf16, #tpu.memory_space<vmem>>
        %dma_start3A_447 = tpu.memref_squeeze %dma_start3A_446 : memref<1x128x64xbf16, #tpu.memory_space<vmem>> -> memref<128x64xbf16, #tpu.memory_space<vmem>>
        %dma_start3A_448 = arith.constant 512 : i32
        %dma_start3A_449 = tpu.memref_slice %arg6[%dma_start3A_441, %dma_start3A_448] : memref<2x640xi32, #tpu.memory_space<vmem>> -> memref<1x128xi32, #tpu.memory_space<vmem>>
        %dma_start3A_450 = tpu.memref_squeeze %dma_start3A_449 : memref<1x128xi32, #tpu.memory_space<vmem>> -> memref<128xi32, #tpu.memory_space<vmem>>
        %dma_start3A_451 = arith.constant 0 : i32
        %dma_start3A_452 = arith.constant 0 : i32
        %dma_start3A_453 = tpu.memref_slice %arg4[%dma_start3A_451, %dma_start3A_452] : memref<1000000x64xbf16, #tpu.memory_space<hbm>> -> memref<1000000x64xbf16, #tpu.memory_space<hbm>>
        %dma_start3A_454 = tpu.memref_slice %arg12[%dma_start3A_443] : memref<2x!tpu.dma_semaphore, #tpu.memory_space<semaphore_mem>> -> memref<1x!tpu.dma_semaphore, #tpu.memory_space<semaphore_mem>>
        %dma_start3A_455 = tpu.memref_squeeze %dma_start3A_454 : memref<1x!tpu.dma_semaphore, #tpu.memory_space<semaphore_mem>> -> memref<!tpu.dma_semaphore, #tpu.memory_space<semaphore_mem>>
        tpu.enqueue_indirect_dma source(%dma_start3A_453 : memref<1000000x64xbf16, #tpu.memory_space<hbm>>) target(%dma_start3A_447 : memref<128x64xbf16, #tpu.memory_space<vmem>>) offsets(%dma_start3A_450 : memref<128xi32, #tpu.memory_space<vmem>>) semaphore(%dma_start3A_455 : memref<!tpu.dma_semaphore, #tpu.memory_space<semaphore_mem>>)
      } else {
      }
      %multiple_of3A_237 = arith.constant 0 : i32
      %multiple_of3A_238 = tpu.assume_multiple %multiple_of3A_237, 32 : i32
      %dma_wait3A_239 = arith.constant 1 : i32
      %dma_wait3A_240 = arith.constant 1 : i32
      %dma_wait3A_241 = arith.constant 0 : i32
      %dma_wait3A_242 = arith.constant 0 : i32
      %dma_wait3A_243 = tpu.memref_slice %arg7[%dma_wait3A_239, %dma_wait3A_241, %dma_wait3A_242] : memref<2x32x64xf32, #tpu.memory_space<vmem>> -> memref<1x32x64xf32, #tpu.memory_space<vmem>>
      %dma_wait3A_244 = tpu.memref_squeeze %dma_wait3A_243 : memref<1x32x64xf32, #tpu.memory_space<vmem>> -> memref<32x64xf32, #tpu.memory_space<vmem>>
      %dma_wait3A_245 = arith.constant 0 : i32
      %dma_wait3A_246 = tpu.memref_slice %arg3[%multiple_of3A_238, %dma_wait3A_245] : memref<16384x64xf32, #tpu.memory_space<hbm>> -> memref<32x64xf32, #tpu.memory_space<hbm>>
      %dma_wait3A_247 = tpu.memref_slice %arg13[%dma_wait3A_240] : memref<2x!tpu.dma_semaphore, #tpu.memory_space<semaphore_mem>> -> memref<1x!tpu.dma_semaphore, #tpu.memory_space<semaphore_mem>>
      %dma_wait3A_248 = tpu.memref_squeeze %dma_wait3A_247 : memref<1x!tpu.dma_semaphore, #tpu.memory_space<semaphore_mem>> -> memref<!tpu.dma_semaphore, #tpu.memory_space<semaphore_mem>>
      %dma_wait3A_249 = arith.constant 0 : i32
      %dma_wait3A_250 = arith.constant 0 : i32
      %dma_wait3A_251 = tpu.memref_slice %arg7[%dma_wait3A_239, %dma_wait3A_249, %dma_wait3A_250] : memref<2x32x64xf32, #tpu.memory_space<vmem>> -> memref<1x32x64xf32, #tpu.memory_space<vmem>>
      %dma_wait3A_252 = tpu.memref_squeeze %dma_wait3A_251 : memref<1x32x64xf32, #tpu.memory_space<vmem>> -> memref<32x64xf32, #tpu.memory_space<vmem>>
      %dma_wait3A_253 = arith.constant 0 : i32
      %dma_wait3A_254 = tpu.memref_slice %arg3[%multiple_of3A_238, %dma_wait3A_253] : memref<16384x64xf32, #tpu.memory_space<hbm>> -> memref<32x64xf32, #tpu.memory_space<hbm>>
      tpu.wait_dma2 semaphore(%dma_wait3A_248 : memref<!tpu.dma_semaphore, #tpu.memory_space<semaphore_mem>>) src(%dma_wait3A_254 : memref<32x64xf32, #tpu.memory_space<hbm>>) dst(%dma_wait3A_252 : memref<32x64xf32, #tpu.memory_space<vmem>>)
      %dma_wait3A_255 = arith.constant 1 : i32
      %dma_wait3A_256 = arith.constant 1 : i32
      %dma_wait3A_257 = arith.constant 1 : i32
      %dma_wait3A_258 = arith.constant 0 : i32
      %dma_wait3A_259 = arith.constant 0 : i32
      %dma_wait3A_260 = tpu.memref_slice %arg8[%dma_wait3A_256, %dma_wait3A_258, %dma_wait3A_259] : memref<2x656x64xbf16, #tpu.memory_space<vmem>> -> memref<1x128x64xbf16, #tpu.memory_space<vmem>>
      %dma_wait3A_261 = tpu.memref_squeeze %dma_wait3A_260 : memref<1x128x64xbf16, #tpu.memory_space<vmem>> -> memref<128x64xbf16, #tpu.memory_space<vmem>>
      %dma_wait3A_262 = arith.constant 0 : i32
      %dma_wait3A_263 = tpu.memref_slice %arg6[%dma_wait3A_255, %dma_wait3A_262] : memref<2x640xi32, #tpu.memory_space<vmem>> -> memref<1x128xi32, #tpu.memory_space<vmem>>
      %dma_wait3A_264 = tpu.memref_squeeze %dma_wait3A_263 : memref<1x128xi32, #tpu.memory_space<vmem>> -> memref<128xi32, #tpu.memory_space<vmem>>
      %dma_wait3A_265 = arith.constant 0 : i32
      %dma_wait3A_266 = arith.constant 0 : i32
      %dma_wait3A_267 = tpu.memref_slice %arg4[%dma_wait3A_265, %dma_wait3A_266] : memref<1000000x64xbf16, #tpu.memory_space<hbm>> -> memref<1000000x64xbf16, #tpu.memory_space<hbm>>
      %dma_wait3A_268 = tpu.memref_slice %arg12[%dma_wait3A_257] : memref<2x!tpu.dma_semaphore, #tpu.memory_space<semaphore_mem>> -> memref<1x!tpu.dma_semaphore, #tpu.memory_space<semaphore_mem>>
      %dma_wait3A_269 = tpu.memref_squeeze %dma_wait3A_268 : memref<1x!tpu.dma_semaphore, #tpu.memory_space<semaphore_mem>> -> memref<!tpu.dma_semaphore, #tpu.memory_space<semaphore_mem>>
      tpu.wait_indirect_dma semaphore(%dma_wait3A_269 : memref<!tpu.dma_semaphore, #tpu.memory_space<semaphore_mem>>) src(%dma_wait3A_267 : memref<1000000x64xbf16, #tpu.memory_space<hbm>>) dst(%dma_wait3A_261 : memref<128x64xbf16, #tpu.memory_space<vmem>>)
      %dma_wait3A_270 = arith.constant 1 : i32
      %dma_wait3A_271 = arith.constant 1 : i32
      %dma_wait3A_272 = arith.constant 1 : i32
      %dma_wait3A_273 = arith.constant 128 : i32
      %dma_wait3A_274 = arith.constant 0 : i32
      %dma_wait3A_275 = tpu.memref_slice %arg8[%dma_wait3A_271, %dma_wait3A_273, %dma_wait3A_274] : memref<2x656x64xbf16, #tpu.memory_space<vmem>> -> memref<1x128x64xbf16, #tpu.memory_space<vmem>>
      %dma_wait3A_276 = tpu.memref_squeeze %dma_wait3A_275 : memref<1x128x64xbf16, #tpu.memory_space<vmem>> -> memref<128x64xbf16, #tpu.memory_space<vmem>>
      %dma_wait3A_277 = arith.constant 128 : i32
      %dma_wait3A_278 = tpu.memref_slice %arg6[%dma_wait3A_270, %dma_wait3A_277] : memref<2x640xi32, #tpu.memory_space<vmem>> -> memref<1x128xi32, #tpu.memory_space<vmem>>
      %dma_wait3A_279 = tpu.memref_squeeze %dma_wait3A_278 : memref<1x128xi32, #tpu.memory_space<vmem>> -> memref<128xi32, #tpu.memory_space<vmem>>
      %dma_wait3A_280 = arith.constant 0 : i32
      %dma_wait3A_281 = arith.constant 0 : i32
      %dma_wait3A_282 = tpu.memref_slice %arg4[%dma_wait3A_280, %dma_wait3A_281] : memref<1000000x64xbf16, #tpu.memory_space<hbm>> -> memref<1000000x64xbf16, #tpu.memory_space<hbm>>
      %dma_wait3A_283 = tpu.memref_slice %arg12[%dma_wait3A_272] : memref<2x!tpu.dma_semaphore, #tpu.memory_space<semaphore_mem>> -> memref<1x!tpu.dma_semaphore, #tpu.memory_space<semaphore_mem>>
      %dma_wait3A_284 = tpu.memref_squeeze %dma_wait3A_283 : memref<1x!tpu.dma_semaphore, #tpu.memory_space<semaphore_mem>> -> memref<!tpu.dma_semaphore, #tpu.memory_space<semaphore_mem>>
      tpu.wait_indirect_dma semaphore(%dma_wait3A_284 : memref<!tpu.dma_semaphore, #tpu.memory_space<semaphore_mem>>) src(%dma_wait3A_282 : memref<1000000x64xbf16, #tpu.memory_space<hbm>>) dst(%dma_wait3A_276 : memref<128x64xbf16, #tpu.memory_space<vmem>>)
      %dma_wait3A_285 = arith.constant 1 : i32
      %dma_wait3A_286 = arith.constant 1 : i32
      %dma_wait3A_287 = arith.constant 1 : i32
      %dma_wait3A_288 = arith.constant 256 : i32
      %dma_wait3A_289 = arith.constant 0 : i32
      %dma_wait3A_290 = tpu.memref_slice %arg8[%dma_wait3A_286, %dma_wait3A_288, %dma_wait3A_289] : memref<2x656x64xbf16, #tpu.memory_space<vmem>> -> memref<1x128x64xbf16, #tpu.memory_space<vmem>>
      %dma_wait3A_291 = tpu.memref_squeeze %dma_wait3A_290 : memref<1x128x64xbf16, #tpu.memory_space<vmem>> -> memref<128x64xbf16, #tpu.memory_space<vmem>>
      %dma_wait3A_292 = arith.constant 256 : i32
      %dma_wait3A_293 = tpu.memref_slice %arg6[%dma_wait3A_285, %dma_wait3A_292] : memref<2x640xi32, #tpu.memory_space<vmem>> -> memref<1x128xi32, #tpu.memory_space<vmem>>
      %dma_wait3A_294 = tpu.memref_squeeze %dma_wait3A_293 : memref<1x128xi32, #tpu.memory_space<vmem>> -> memref<128xi32, #tpu.memory_space<vmem>>
      %dma_wait3A_295 = arith.constant 0 : i32
      %dma_wait3A_296 = arith.constant 0 : i32
      %dma_wait3A_297 = tpu.memref_slice %arg4[%dma_wait3A_295, %dma_wait3A_296] : memref<1000000x64xbf16, #tpu.memory_space<hbm>> -> memref<1000000x64xbf16, #tpu.memory_space<hbm>>
      %dma_wait3A_298 = tpu.memref_slice %arg12[%dma_wait3A_287] : memref<2x!tpu.dma_semaphore, #tpu.memory_space<semaphore_mem>> -> memref<1x!tpu.dma_semaphore, #tpu.memory_space<semaphore_mem>>
      %dma_wait3A_299 = tpu.memref_squeeze %dma_wait3A_298 : memref<1x!tpu.dma_semaphore, #tpu.memory_space<semaphore_mem>> -> memref<!tpu.dma_semaphore, #tpu.memory_space<semaphore_mem>>
      tpu.wait_indirect_dma semaphore(%dma_wait3A_299 : memref<!tpu.dma_semaphore, #tpu.memory_space<semaphore_mem>>) src(%dma_wait3A_297 : memref<1000000x64xbf16, #tpu.memory_space<hbm>>) dst(%dma_wait3A_291 : memref<128x64xbf16, #tpu.memory_space<vmem>>)
      %dma_wait3A_300 = arith.constant 1 : i32
      %dma_wait3A_301 = arith.constant 1 : i32
      %dma_wait3A_302 = arith.constant 1 : i32
      %dma_wait3A_303 = arith.constant 384 : i32
      %dma_wait3A_304 = arith.constant 0 : i32
      %dma_wait3A_305 = tpu.memref_slice %arg8[%dma_wait3A_301, %dma_wait3A_303, %dma_wait3A_304] : memref<2x656x64xbf16, #tpu.memory_space<vmem>> -> memref<1x128x64xbf16, #tpu.memory_space<vmem>>
      %dma_wait3A_306 = tpu.memref_squeeze %dma_wait3A_305 : memref<1x128x64xbf16, #tpu.memory_space<vmem>> -> memref<128x64xbf16, #tpu.memory_space<vmem>>
      %dma_wait3A_307 = arith.constant 384 : i32
      %dma_wait3A_308 = tpu.memref_slice %arg6[%dma_wait3A_300, %dma_wait3A_307] : memref<2x640xi32, #tpu.memory_space<vmem>> -> memref<1x128xi32, #tpu.memory_space<vmem>>
      %dma_wait3A_309 = tpu.memref_squeeze %dma_wait3A_308 : memref<1x128xi32, #tpu.memory_space<vmem>> -> memref<128xi32, #tpu.memory_space<vmem>>
      %dma_wait3A_310 = arith.constant 0 : i32
      %dma_wait3A_311 = arith.constant 0 : i32
      %dma_wait3A_312 = tpu.memref_slice %arg4[%dma_wait3A_310, %dma_wait3A_311] : memref<1000000x64xbf16, #tpu.memory_space<hbm>> -> memref<1000000x64xbf16, #tpu.memory_space<hbm>>
      %dma_wait3A_313 = tpu.memref_slice %arg12[%dma_wait3A_302] : memref<2x!tpu.dma_semaphore, #tpu.memory_space<semaphore_mem>> -> memref<1x!tpu.dma_semaphore, #tpu.memory_space<semaphore_mem>>
      %dma_wait3A_314 = tpu.memref_squeeze %dma_wait3A_313 : memref<1x!tpu.dma_semaphore, #tpu.memory_space<semaphore_mem>> -> memref<!tpu.dma_semaphore, #tpu.memory_space<semaphore_mem>>
      tpu.wait_indirect_dma semaphore(%dma_wait3A_314 : memref<!tpu.dma_semaphore, #tpu.memory_space<semaphore_mem>>) src(%dma_wait3A_312 : memref<1000000x64xbf16, #tpu.memory_space<hbm>>) dst(%dma_wait3A_306 : memref<128x64xbf16, #tpu.memory_space<vmem>>)
      %dma_wait3A_315 = arith.constant 1 : i32
      %dma_wait3A_316 = arith.constant 1 : i32
      %dma_wait3A_317 = arith.constant 1 : i32
      %dma_wait3A_318 = arith.constant 512 : i32
      %dma_wait3A_319 = arith.constant 0 : i32
      %dma_wait3A_320 = tpu.memref_slice %arg8[%dma_wait3A_316, %dma_wait3A_318, %dma_wait3A_319] : memref<2x656x64xbf16, #tpu.memory_space<vmem>> -> memref<1x128x64xbf16, #tpu.memory_space<vmem>>
      %dma_wait3A_321 = tpu.memref_squeeze %dma_wait3A_320 : memref<1x128x64xbf16, #tpu.memory_space<vmem>> -> memref<128x64xbf16, #tpu.memory_space<vmem>>
      %dma_wait3A_322 = arith.constant 512 : i32
      %dma_wait3A_323 = tpu.memref_slice %arg6[%dma_wait3A_315, %dma_wait3A_322] : memref<2x640xi32, #tpu.memory_space<vmem>> -> memref<1x128xi32, #tpu.memory_space<vmem>>
      %dma_wait3A_324 = tpu.memref_squeeze %dma_wait3A_323 : memref<1x128xi32, #tpu.memory_space<vmem>> -> memref<128xi32, #tpu.memory_space<vmem>>
      %dma_wait3A_325 = arith.constant 0 : i32
      %dma_wait3A_326 = arith.constant 0 : i32
      %dma_wait3A_327 = tpu.memref_slice %arg4[%dma_wait3A_325, %dma_wait3A_326] : memref<1000000x64xbf16, #tpu.memory_space<hbm>> -> memref<1000000x64xbf16, #tpu.memory_space<hbm>>
      %dma_wait3A_328 = tpu.memref_slice %arg12[%dma_wait3A_317] : memref<2x!tpu.dma_semaphore, #tpu.memory_space<semaphore_mem>> -> memref<1x!tpu.dma_semaphore, #tpu.memory_space<semaphore_mem>>
      %dma_wait3A_329 = tpu.memref_squeeze %dma_wait3A_328 : memref<1x!tpu.dma_semaphore, #tpu.memory_space<semaphore_mem>> -> memref<!tpu.dma_semaphore, #tpu.memory_space<semaphore_mem>>
      tpu.wait_indirect_dma semaphore(%dma_wait3A_329 : memref<!tpu.dma_semaphore, #tpu.memory_space<semaphore_mem>>) src(%dma_wait3A_327 : memref<1000000x64xbf16, #tpu.memory_space<hbm>>) dst(%dma_wait3A_321 : memref<128x64xbf16, #tpu.memory_space<vmem>>)
      %mul3A_330 = arith.constant 2 : i32
      %mul3A_331 = vector.broadcast %mul3A_330 : i32 to vector<16xi32>
      %mul3A_332 = arith.muli %iota3A, %mul3A_331 : vector<16xi32>
      %scan3A_333 = arith.constant 0 : i32
      %scan3A_334 = arith.constant 0 : i32
      %scan3A_335 = arith.constant 32 : i32
      %scan3A_336 = arith.addi %scan3A_334, %scan3A_335 : i32
      %scan3A_337 = arith.constant 1 : i32
      scf.for %scan3A_348 = %scan3A_334 to %scan3A_336 step %scan3A_337  : i32 {
        %broadcast_in_dim3A = arith.constant 0 : i32
        %broadcast_in_dim3A_349 = vector.broadcast %broadcast_in_dim3A : i32 to vector<16xi32>
        %add3A_350 = vector.broadcast %scan3A_348 : i32 to vector<16xi32>
        %add3A_351 = arith.addi %broadcast_in_dim3A_349, %add3A_350 : vector<16xi32>
        %gather3A = arith.constant 1 : i32
        %gather3A_352 = arith.constant 0 : i32
        %gather3A_353 = arith.constant 0 : i32
        %gather3A_354 = tpu.memref_slice %arg7[%gather3A, %gather3A_352, %gather3A_353] : memref<2x32x64xf32, #tpu.memory_space<vmem>> -> memref<1x32x64xf32, #tpu.memory_space<vmem>>
        %gather3A_355 = tpu.memref_squeeze %gather3A_354 : memref<1x32x64xf32, #tpu.memory_space<vmem>> -> memref<32x64xf32, #tpu.memory_space<vmem>>
        %gather3A_356 = tpu.vector_load_idx %gather3A_355[%add3A_351, %mul3A_332] : memref<32x64xf32, #tpu.memory_space<vmem>>[vector<16xi32>, vector<16xi32>], vector<16xf32>,
        %add3A_357 = arith.constant 1 : i32
        %add3A_358 = vector.broadcast %add3A_357 : i32 to vector<16xi32>
        %add3A_359 = arith.addi %mul3A_332, %add3A_358 : vector<16xi32>
        %gather3A_360 = arith.constant 1 : i32
        %gather3A_361 = arith.constant 0 : i32
        %gather3A_362 = arith.constant 0 : i32
        %gather3A_363 = tpu.memref_slice %arg7[%gather3A_360, %gather3A_361, %gather3A_362] : memref<2x32x64xf32, #tpu.memory_space<vmem>> -> memref<1x32x64xf32, #tpu.memory_space<vmem>>
        %gather3A_364 = tpu.memref_squeeze %gather3A_363 : memref<1x32x64xf32, #tpu.memory_space<vmem>> -> memref<32x64xf32, #tpu.memory_space<vmem>>
        %gather3A_365 = tpu.vector_load_idx %gather3A_364[%add3A_351, %add3A_359] : memref<32x64xf32, #tpu.memory_space<vmem>>[vector<16xi32>, vector<16xi32>], vector<16xf32>,
        %add3A_366 = arith.constant 32 : i32
        %add3A_367 = vector.broadcast %add3A_366 : i32 to vector<16xi32>
        %add3A_368 = arith.addi %mul3A_332, %add3A_367 : vector<16xi32>
        %gather3A_369 = arith.constant 1 : i32
        %gather3A_370 = arith.constant 0 : i32
        %gather3A_371 = arith.constant 0 : i32
        %gather3A_372 = tpu.memref_slice %arg7[%gather3A_369, %gather3A_370, %gather3A_371] : memref<2x32x64xf32, #tpu.memory_space<vmem>> -> memref<1x32x64xf32, #tpu.memory_space<vmem>>
        %gather3A_373 = tpu.memref_squeeze %gather3A_372 : memref<1x32x64xf32, #tpu.memory_space<vmem>> -> memref<32x64xf32, #tpu.memory_space<vmem>>
        %gather3A_374 = tpu.vector_load_idx %gather3A_373[%add3A_351, %add3A_368] : memref<32x64xf32, #tpu.memory_space<vmem>>[vector<16xi32>, vector<16xi32>], vector<16xf32>,
        %add3A_375 = arith.constant 33 : i32
        %add3A_376 = vector.broadcast %add3A_375 : i32 to vector<16xi32>
        %add3A_377 = arith.addi %mul3A_332, %add3A_376 : vector<16xi32>
        %gather3A_378 = arith.constant 1 : i32
        %gather3A_379 = arith.constant 0 : i32
        %gather3A_380 = arith.constant 0 : i32
        %gather3A_381 = tpu.memref_slice %arg7[%gather3A_378, %gather3A_379, %gather3A_380] : memref<2x32x64xf32, #tpu.memory_space<vmem>> -> memref<1x32x64xf32, #tpu.memory_space<vmem>>
        %gather3A_382 = tpu.memref_squeeze %gather3A_381 : memref<1x32x64xf32, #tpu.memory_space<vmem>> -> memref<32x64xf32, #tpu.memory_space<vmem>>
        %gather3A_383 = tpu.vector_load_idx %gather3A_382[%add3A_351, %add3A_377] : memref<32x64xf32, #tpu.memory_space<vmem>>[vector<16xi32>, vector<16xi32>], vector<16xf32>,
        %mul3A_384 = arith.constant 20 : i32
        %mul3A_385 = arith.muli %scan3A_348, %mul3A_384 : i32
        %add3A_386 = arith.constant 0 : i32
        %add3A_387 = arith.addi %mul3A_385, %add3A_386 : i32
        %get3A = arith.constant 1 : i32
        %get3A_388 = arith.index_cast %get3A : i32 to index
        %get3A_389 = arith.index_cast %add3A_387 : i32 to index
        %get3A_390 = arith.constant 0 : index
        %get3A_391 = tpu.vector_load %arg8[%get3A_388, %get3A_389, %get3A_390] {strides = array<i32>} : memref<2x656x64xbf16, #tpu.memory_space<vmem>>, vector<32xbf16>,
        %unpack3A = tpu.unpack_subelements %get3A_391, 0 {pack_format = #tpu.pack_format<interleaved>} : vector<32xbf16> -> vector<16xf32>
        %unpack3A_392 = tpu.unpack_subelements %get3A_391, 1 {pack_format = #tpu.pack_format<interleaved>} : vector<32xbf16> -> vector<16xf32>
        %get3A_393 = arith.constant 1 : i32
        %get3A_394 = arith.index_cast %get3A_393 : i32 to index
        %get3A_395 = arith.index_cast %add3A_387 : i32 to index
        %get3A_396 = arith.constant 32 : index
        %get3A_397 = tpu.vector_load %arg8[%get3A_394, %get3A_395, %get3A_396] {strides = array<i32>} : memref<2x656x64xbf16, #tpu.memory_space<vmem>>, vector<32xbf16>,
        %unpack3A_398 = tpu.unpack_subelements %get3A_397, 0 {pack_format = #tpu.pack_format<interleaved>} : vector<32xbf16> -> vector<16xf32>
        %unpack3A_399 = tpu.unpack_subelements %get3A_397, 1 {pack_format = #tpu.pack_format<interleaved>} : vector<32xbf16> -> vector<16xf32>
        %mul3A_400 = arith.mulf %unpack3A, %gather3A_356 : vector<16xf32>
        %mul3A_401 = arith.mulf %unpack3A_392, %gather3A_365 : vector<16xf32>
        %add3A_402 = arith.addf %mul3A_400, %mul3A_401 : vector<16xf32>
        %mul3A_403 = arith.mulf %unpack3A_398, %gather3A_374 : vector<16xf32>
        %add3A_404 = arith.addf %add3A_402, %mul3A_403 : vector<16xf32>
        %mul3A_405 = arith.mulf %unpack3A_399, %gather3A_383 : vector<16xf32>
        %add3A_406 = arith.addf %add3A_404, %mul3A_405 : vector<16xf32>
        %swap3A = arith.constant 0 : index
        %swap3A_407 = tpu.vector_load %arg9[%swap3A] {strides = array<i32>} : memref<256xf32, #tpu.memory_space<vmem>>, vector<16xf32>,
        tpu.vector_store %arg9[%swap3A], %add3A_406 {strides = array<i32>} : memref<256xf32, #tpu.memory_space<vmem>>, vector<16xf32>,
        %mul3A_408 = arith.constant 20 : i32
        %mul3A_409 = arith.muli %scan3A_348, %mul3A_408 : i32
        %add3A_410 = arith.constant 1 : i32
        %add3A_411 = arith.addi %mul3A_409, %add3A_410 : i32
        %get3A_412 = arith.constant 1 : i32
        %get3A_413 = arith.index_cast %get3A_412 : i32 to index
        %get3A_414 = arith.index_cast %add3A_411 : i32 to index
        %get3A_415 = arith.constant 0 : index
        %get3A_416 = tpu.vector_load %arg8[%get3A_413, %get3A_414, %get3A_415] {strides = array<i32>} : memref<2x656x64xbf16, #tpu.memory_space<vmem>>, vector<32xbf16>,
        %unpack3A_417 = tpu.unpack_subelements %get3A_416, 0 {pack_format = #tpu.pack_format<interleaved>} : vector<32xbf16> -> vector<16xf32>
        %unpack3A_418 = tpu.unpack_subelements %get3A_416, 1 {pack_format = #tpu.pack_format<interleaved>} : vector<32xbf16> -> vector<16xf32>
        %get3A_419 = arith.constant 1 : i32
        %get3A_420 = arith.index_cast %get3A_419 : i32 to index
        %get3A_421 = arith.index_cast %add3A_411 : i32 to index
        %get3A_422 = arith.constant 32 : index
        %get3A_423 = tpu.vector_load %arg8[%get3A_420, %get3A_421, %get3A_422] {strides = array<i32>} : memref<2x656x64xbf16, #tpu.memory_space<vmem>>, vector<32xbf16>,
        %unpack3A_424 = tpu.unpack_subelements %get3A_423, 0 {pack_format = #tpu.pack_format<interleaved>} : vector<32xbf16> -> vector<16xf32>
        %unpack3A_425 = tpu.unpack_subelements %get3A_423, 1 {pack_format = #tpu.pack_format<interleaved>} : vector<32xbf16> -> vector<16xf32>
        %mul3A_426 = arith.mulf %unpack3A_417, %gather3A_356 : vector<16xf32>
        %mul3A_427 = arith.mulf %unpack3A_418, %gather3A_365 : vector<16xf32>
        %add3A_428 = arith.addf %mul3A_426, %mul3A_427 : vector<16xf32>
        %mul3A_429 = arith.mulf %unpack3A_424, %gather3A_374 : vector<16xf32>
        %add3A_430 = arith.addf %add3A_428, %mul3A_429 : vector<16xf32>
        %mul3A_431 = arith.mulf %unpack3A_425, %gather3A_383 : vector<16xf32>
        %add3A_432 = arith.addf %add3A_430, %mul3A_431 : vector<16xf32>
        %swap3A_433 = arith.constant 16 : index
        %swap3A_434 = tpu.vector_load %arg9[%swap3A_433] {strides = array<i32>} : memref<256xf32, #tpu.memory_space<vmem>>, vector<16xf32>,
        tpu.vector_store %arg9[%swap3A_433], %add3A_432 {strides = array<i32>} : memref<256xf32, #tpu.memory_space<vmem>>, vector<16xf32>,
        %mul3A_435 = arith.constant 20 : i32
        %mul3A_436 = arith.muli %scan3A_348, %mul3A_435 : i32
        %add3A_437 = arith.constant 2 : i32
        %add3A_438 = arith.addi %mul3A_436, %add3A_437 : i32
        %get3A_439 = arith.constant 1 : i32
        %get3A_440 = arith.index_cast %get3A_439 : i32 to index
        %get3A_441 = arith.index_cast %add3A_438 : i32 to index
        %get3A_442 = arith.constant 0 : index
        %get3A_443 = tpu.vector_load %arg8[%get3A_440, %get3A_441, %get3A_442] {strides = array<i32>} : memref<2x656x64xbf16, #tpu.memory_space<vmem>>, vector<32xbf16>,
        %unpack3A_444 = tpu.unpack_subelements %get3A_443, 0 {pack_format = #tpu.pack_format<interleaved>} : vector<32xbf16> -> vector<16xf32>
        %unpack3A_445 = tpu.unpack_subelements %get3A_443, 1 {pack_format = #tpu.pack_format<interleaved>} : vector<32xbf16> -> vector<16xf32>
        %get3A_446 = arith.constant 1 : i32
        %get3A_447 = arith.index_cast %get3A_446 : i32 to index
        %get3A_448 = arith.index_cast %add3A_438 : i32 to index
        %get3A_449 = arith.constant 32 : index
        %get3A_450 = tpu.vector_load %arg8[%get3A_447, %get3A_448, %get3A_449] {strides = array<i32>} : memref<2x656x64xbf16, #tpu.memory_space<vmem>>, vector<32xbf16>,
        %unpack3A_451 = tpu.unpack_subelements %get3A_450, 0 {pack_format = #tpu.pack_format<interleaved>} : vector<32xbf16> -> vector<16xf32>
        %unpack3A_452 = tpu.unpack_subelements %get3A_450, 1 {pack_format = #tpu.pack_format<interleaved>} : vector<32xbf16> -> vector<16xf32>
        %mul3A_453 = arith.mulf %unpack3A_444, %gather3A_356 : vector<16xf32>
        %mul3A_454 = arith.mulf %unpack3A_445, %gather3A_365 : vector<16xf32>
        %add3A_455 = arith.addf %mul3A_453, %mul3A_454 : vector<16xf32>
        %mul3A_456 = arith.mulf %unpack3A_451, %gather3A_374 : vector<16xf32>
        %add3A_457 = arith.addf %add3A_455, %mul3A_456 : vector<16xf32>
        %mul3A_458 = arith.mulf %unpack3A_452, %gather3A_383 : vector<16xf32>
        %add3A_459 = arith.addf %add3A_457, %mul3A_458 : vector<16xf32>
        %swap3A_460 = arith.constant 32 : index
        %swap3A_461 = tpu.vector_load %arg9[%swap3A_460] {strides = array<i32>} : memref<256xf32, #tpu.memory_space<vmem>>, vector<16xf32>,
        tpu.vector_store %arg9[%swap3A_460], %add3A_459 {strides = array<i32>} : memref<256xf32, #tpu.memory_space<vmem>>, vector<16xf32>,
        %mul3A_462 = arith.constant 20 : i32
        %mul3A_463 = arith.muli %scan3A_348, %mul3A_462 : i32
        %add3A_464 = arith.constant 3 : i32
        %add3A_465 = arith.addi %mul3A_463, %add3A_464 : i32
        %get3A_466 = arith.constant 1 : i32
        %get3A_467 = arith.index_cast %get3A_466 : i32 to index
        %get3A_468 = arith.index_cast %add3A_465 : i32 to index
        %get3A_469 = arith.constant 0 : index
        %get3A_470 = tpu.vector_load %arg8[%get3A_467, %get3A_468, %get3A_469] {strides = array<i32>} : memref<2x656x64xbf16, #tpu.memory_space<vmem>>, vector<32xbf16>,
        %unpack3A_471 = tpu.unpack_subelements %get3A_470, 0 {pack_format = #tpu.pack_format<interleaved>} : vector<32xbf16> -> vector<16xf32>
        %unpack3A_472 = tpu.unpack_subelements %get3A_470, 1 {pack_format = #tpu.pack_format<interleaved>} : vector<32xbf16> -> vector<16xf32>
        %get3A_473 = arith.constant 1 : i32
        %get3A_474 = arith.index_cast %get3A_473 : i32 to index
        %get3A_475 = arith.index_cast %add3A_465 : i32 to index
        %get3A_476 = arith.constant 32 : index
        %get3A_477 = tpu.vector_load %arg8[%get3A_474, %get3A_475, %get3A_476] {strides = array<i32>} : memref<2x656x64xbf16, #tpu.memory_space<vmem>>, vector<32xbf16>,
        %unpack3A_478 = tpu.unpack_subelements %get3A_477, 0 {pack_format = #tpu.pack_format<interleaved>} : vector<32xbf16> -> vector<16xf32>
        %unpack3A_479 = tpu.unpack_subelements %get3A_477, 1 {pack_format = #tpu.pack_format<interleaved>} : vector<32xbf16> -> vector<16xf32>
        %mul3A_480 = arith.mulf %unpack3A_471, %gather3A_356 : vector<16xf32>
        %mul3A_481 = arith.mulf %unpack3A_472, %gather3A_365 : vector<16xf32>
        %add3A_482 = arith.addf %mul3A_480, %mul3A_481 : vector<16xf32>
        %mul3A_483 = arith.mulf %unpack3A_478, %gather3A_374 : vector<16xf32>
        %add3A_484 = arith.addf %add3A_482, %mul3A_483 : vector<16xf32>
        %mul3A_485 = arith.mulf %unpack3A_479, %gather3A_383 : vector<16xf32>
        %add3A_486 = arith.addf %add3A_484, %mul3A_485 : vector<16xf32>
        %swap3A_487 = arith.constant 48 : index
        %swap3A_488 = tpu.vector_load %arg9[%swap3A_487] {strides = array<i32>} : memref<256xf32, #tpu.memory_space<vmem>>, vector<16xf32>,
        tpu.vector_store %arg9[%swap3A_487], %add3A_486 {strides = array<i32>} : memref<256xf32, #tpu.memory_space<vmem>>, vector<16xf32>,
        %mul3A_489 = arith.constant 20 : i32
        %mul3A_490 = arith.muli %scan3A_348, %mul3A_489 : i32
        %add3A_491 = arith.constant 4 : i32
        %add3A_492 = arith.addi %mul3A_490, %add3A_491 : i32
        %get3A_493 = arith.constant 1 : i32
        %get3A_494 = arith.index_cast %get3A_493 : i32 to index
        %get3A_495 = arith.index_cast %add3A_492 : i32 to index
        %get3A_496 = arith.constant 0 : index
        %get3A_497 = tpu.vector_load %arg8[%get3A_494, %get3A_495, %get3A_496] {strides = array<i32>} : memref<2x656x64xbf16, #tpu.memory_space<vmem>>, vector<32xbf16>,
        %unpack3A_498 = tpu.unpack_subelements %get3A_497, 0 {pack_format = #tpu.pack_format<interleaved>} : vector<32xbf16> -> vector<16xf32>
        %unpack3A_499 = tpu.unpack_subelements %get3A_497, 1 {pack_format = #tpu.pack_format<interleaved>} : vector<32xbf16> -> vector<16xf32>
        %get3A_500 = arith.constant 1 : i32
        %get3A_501 = arith.index_cast %get3A_500 : i32 to index
        %get3A_502 = arith.index_cast %add3A_492 : i32 to index
        %get3A_503 = arith.constant 32 : index
        %get3A_504 = tpu.vector_load %arg8[%get3A_501, %get3A_502, %get3A_503] {strides = array<i32>} : memref<2x656x64xbf16, #tpu.memory_space<vmem>>, vector<32xbf16>,
        %unpack3A_505 = tpu.unpack_subelements %get3A_504, 0 {pack_format = #tpu.pack_format<interleaved>} : vector<32xbf16> -> vector<16xf32>
        %unpack3A_506 = tpu.unpack_subelements %get3A_504, 1 {pack_format = #tpu.pack_format<interleaved>} : vector<32xbf16> -> vector<16xf32>
        %mul3A_507 = arith.mulf %unpack3A_498, %gather3A_356 : vector<16xf32>
        %mul3A_508 = arith.mulf %unpack3A_499, %gather3A_365 : vector<16xf32>
        %add3A_509 = arith.addf %mul3A_507, %mul3A_508 : vector<16xf32>
        %mul3A_510 = arith.mulf %unpack3A_505, %gather3A_374 : vector<16xf32>
        %add3A_511 = arith.addf %add3A_509, %mul3A_510 : vector<16xf32>
        %mul3A_512 = arith.mulf %unpack3A_506, %gather3A_383 : vector<16xf32>
        %add3A_513 = arith.addf %add3A_511, %mul3A_512 : vector<16xf32>
        %swap3A_514 = arith.constant 64 : index
        %swap3A_515 = tpu.vector_load %arg9[%swap3A_514] {strides = array<i32>} : memref<256xf32, #tpu.memory_space<vmem>>, vector<16xf32>,
        tpu.vector_store %arg9[%swap3A_514], %add3A_513 {strides = array<i32>} : memref<256xf32, #tpu.memory_space<vmem>>, vector<16xf32>,
        %mul3A_516 = arith.constant 20 : i32
        %mul3A_517 = arith.muli %scan3A_348, %mul3A_516 : i32
        %add3A_518 = arith.constant 5 : i32
        %add3A_519 = arith.addi %mul3A_517, %add3A_518 : i32
        %get3A_520 = arith.constant 1 : i32
        %get3A_521 = arith.index_cast %get3A_520 : i32 to index
        %get3A_522 = arith.index_cast %add3A_519 : i32 to index
        %get3A_523 = arith.constant 0 : index
        %get3A_524 = tpu.vector_load %arg8[%get3A_521, %get3A_522, %get3A_523] {strides = array<i32>} : memref<2x656x64xbf16, #tpu.memory_space<vmem>>, vector<32xbf16>,
        %unpack3A_525 = tpu.unpack_subelements %get3A_524, 0 {pack_format = #tpu.pack_format<interleaved>} : vector<32xbf16> -> vector<16xf32>
        %unpack3A_526 = tpu.unpack_subelements %get3A_524, 1 {pack_format = #tpu.pack_format<interleaved>} : vector<32xbf16> -> vector<16xf32>
        %get3A_527 = arith.constant 1 : i32
        %get3A_528 = arith.index_cast %get3A_527 : i32 to index
        %get3A_529 = arith.index_cast %add3A_519 : i32 to index
        %get3A_530 = arith.constant 32 : index
        %get3A_531 = tpu.vector_load %arg8[%get3A_528, %get3A_529, %get3A_530] {strides = array<i32>} : memref<2x656x64xbf16, #tpu.memory_space<vmem>>, vector<32xbf16>,
        %unpack3A_532 = tpu.unpack_subelements %get3A_531, 0 {pack_format = #tpu.pack_format<interleaved>} : vector<32xbf16> -> vector<16xf32>
        %unpack3A_533 = tpu.unpack_subelements %get3A_531, 1 {pack_format = #tpu.pack_format<interleaved>} : vector<32xbf16> -> vector<16xf32>
        %mul3A_534 = arith.mulf %unpack3A_525, %gather3A_356 : vector<16xf32>
        %mul3A_535 = arith.mulf %unpack3A_526, %gather3A_365 : vector<16xf32>
        %add3A_536 = arith.addf %mul3A_534, %mul3A_535 : vector<16xf32>
        %mul3A_537 = arith.mulf %unpack3A_532, %gather3A_374 : vector<16xf32>
        %add3A_538 = arith.addf %add3A_536, %mul3A_537 : vector<16xf32>
        %mul3A_539 = arith.mulf %unpack3A_533, %gather3A_383 : vector<16xf32>
        %add3A_540 = arith.addf %add3A_538, %mul3A_539 : vector<16xf32>
        %swap3A_541 = arith.constant 80 : index
        %swap3A_542 = tpu.vector_load %arg9[%swap3A_541] {strides = array<i32>} : memref<256xf32, #tpu.memory_space<vmem>>, vector<16xf32>,
        tpu.vector_store %arg9[%swap3A_541], %add3A_540 {strides = array<i32>} : memref<256xf32, #tpu.memory_space<vmem>>, vector<16xf32>,
        %mul3A_543 = arith.constant 20 : i32
        %mul3A_544 = arith.muli %scan3A_348, %mul3A_543 : i32
        %add3A_545 = arith.constant 6 : i32
        %add3A_546 = arith.addi %mul3A_544, %add3A_545 : i32
        %get3A_547 = arith.constant 1 : i32
        %get3A_548 = arith.index_cast %get3A_547 : i32 to index
        %get3A_549 = arith.index_cast %add3A_546 : i32 to index
        %get3A_550 = arith.constant 0 : index
        %get3A_551 = tpu.vector_load %arg8[%get3A_548, %get3A_549, %get3A_550] {strides = array<i32>} : memref<2x656x64xbf16, #tpu.memory_space<vmem>>, vector<32xbf16>,
        %unpack3A_552 = tpu.unpack_subelements %get3A_551, 0 {pack_format = #tpu.pack_format<interleaved>} : vector<32xbf16> -> vector<16xf32>
        %unpack3A_553 = tpu.unpack_subelements %get3A_551, 1 {pack_format = #tpu.pack_format<interleaved>} : vector<32xbf16> -> vector<16xf32>
        %get3A_554 = arith.constant 1 : i32
        %get3A_555 = arith.index_cast %get3A_554 : i32 to index
        %get3A_556 = arith.index_cast %add3A_546 : i32 to index
        %get3A_557 = arith.constant 32 : index
        %get3A_558 = tpu.vector_load %arg8[%get3A_555, %get3A_556, %get3A_557] {strides = array<i32>} : memref<2x656x64xbf16, #tpu.memory_space<vmem>>, vector<32xbf16>,
        %unpack3A_559 = tpu.unpack_subelements %get3A_558, 0 {pack_format = #tpu.pack_format<interleaved>} : vector<32xbf16> -> vector<16xf32>
        %unpack3A_560 = tpu.unpack_subelements %get3A_558, 1 {pack_format = #tpu.pack_format<interleaved>} : vector<32xbf16> -> vector<16xf32>
        %mul3A_561 = arith.mulf %unpack3A_552, %gather3A_356 : vector<16xf32>
        %mul3A_562 = arith.mulf %unpack3A_553, %gather3A_365 : vector<16xf32>
        %add3A_563 = arith.addf %mul3A_561, %mul3A_562 : vector<16xf32>
        %mul3A_564 = arith.mulf %unpack3A_559, %gather3A_374 : vector<16xf32>
        %add3A_565 = arith.addf %add3A_563, %mul3A_564 : vector<16xf32>
        %mul3A_566 = arith.mulf %unpack3A_560, %gather3A_383 : vector<16xf32>
        %add3A_567 = arith.addf %add3A_565, %mul3A_566 : vector<16xf32>
        %swap3A_568 = arith.constant 96 : index
        %swap3A_569 = tpu.vector_load %arg9[%swap3A_568] {strides = array<i32>} : memref<256xf32, #tpu.memory_space<vmem>>, vector<16xf32>,
        tpu.vector_store %arg9[%swap3A_568], %add3A_567 {strides = array<i32>} : memref<256xf32, #tpu.memory_space<vmem>>, vector<16xf32>,
        %mul3A_570 = arith.constant 20 : i32
        %mul3A_571 = arith.muli %scan3A_348, %mul3A_570 : i32
        %add3A_572 = arith.constant 7 : i32
        %add3A_573 = arith.addi %mul3A_571, %add3A_572 : i32
        %get3A_574 = arith.constant 1 : i32
        %get3A_575 = arith.index_cast %get3A_574 : i32 to index
        %get3A_576 = arith.index_cast %add3A_573 : i32 to index
        %get3A_577 = arith.constant 0 : index
        %get3A_578 = tpu.vector_load %arg8[%get3A_575, %get3A_576, %get3A_577] {strides = array<i32>} : memref<2x656x64xbf16, #tpu.memory_space<vmem>>, vector<32xbf16>,
        %unpack3A_579 = tpu.unpack_subelements %get3A_578, 0 {pack_format = #tpu.pack_format<interleaved>} : vector<32xbf16> -> vector<16xf32>
        %unpack3A_580 = tpu.unpack_subelements %get3A_578, 1 {pack_format = #tpu.pack_format<interleaved>} : vector<32xbf16> -> vector<16xf32>
        %get3A_581 = arith.constant 1 : i32
        %get3A_582 = arith.index_cast %get3A_581 : i32 to index
        %get3A_583 = arith.index_cast %add3A_573 : i32 to index
        %get3A_584 = arith.constant 32 : index
        %get3A_585 = tpu.vector_load %arg8[%get3A_582, %get3A_583, %get3A_584] {strides = array<i32>} : memref<2x656x64xbf16, #tpu.memory_space<vmem>>, vector<32xbf16>,
        %unpack3A_586 = tpu.unpack_subelements %get3A_585, 0 {pack_format = #tpu.pack_format<interleaved>} : vector<32xbf16> -> vector<16xf32>
        %unpack3A_587 = tpu.unpack_subelements %get3A_585, 1 {pack_format = #tpu.pack_format<interleaved>} : vector<32xbf16> -> vector<16xf32>
        %mul3A_588 = arith.mulf %unpack3A_579, %gather3A_356 : vector<16xf32>
        %mul3A_589 = arith.mulf %unpack3A_580, %gather3A_365 : vector<16xf32>
        %add3A_590 = arith.addf %mul3A_588, %mul3A_589 : vector<16xf32>
        %mul3A_591 = arith.mulf %unpack3A_586, %gather3A_374 : vector<16xf32>
        %add3A_592 = arith.addf %add3A_590, %mul3A_591 : vector<16xf32>
        %mul3A_593 = arith.mulf %unpack3A_587, %gather3A_383 : vector<16xf32>
        %add3A_594 = arith.addf %add3A_592, %mul3A_593 : vector<16xf32>
        %swap3A_595 = arith.constant 112 : index
        %swap3A_596 = tpu.vector_load %arg9[%swap3A_595] {strides = array<i32>} : memref<256xf32, #tpu.memory_space<vmem>>, vector<16xf32>,
        tpu.vector_store %arg9[%swap3A_595], %add3A_594 {strides = array<i32>} : memref<256xf32, #tpu.memory_space<vmem>>, vector<16xf32>,
        %mul3A_597 = arith.constant 20 : i32
        %mul3A_598 = arith.muli %scan3A_348, %mul3A_597 : i32
        %add3A_599 = arith.constant 8 : i32
        %add3A_600 = arith.addi %mul3A_598, %add3A_599 : i32
        %get3A_601 = arith.constant 1 : i32
        %get3A_602 = arith.index_cast %get3A_601 : i32 to index
        %get3A_603 = arith.index_cast %add3A_600 : i32 to index
        %get3A_604 = arith.constant 0 : index
        %get3A_605 = tpu.vector_load %arg8[%get3A_602, %get3A_603, %get3A_604] {strides = array<i32>} : memref<2x656x64xbf16, #tpu.memory_space<vmem>>, vector<32xbf16>,
        %unpack3A_606 = tpu.unpack_subelements %get3A_605, 0 {pack_format = #tpu.pack_format<interleaved>} : vector<32xbf16> -> vector<16xf32>
        %unpack3A_607 = tpu.unpack_subelements %get3A_605, 1 {pack_format = #tpu.pack_format<interleaved>} : vector<32xbf16> -> vector<16xf32>
        %get3A_608 = arith.constant 1 : i32
        %get3A_609 = arith.index_cast %get3A_608 : i32 to index
        %get3A_610 = arith.index_cast %add3A_600 : i32 to index
        %get3A_611 = arith.constant 32 : index
        %get3A_612 = tpu.vector_load %arg8[%get3A_609, %get3A_610, %get3A_611] {strides = array<i32>} : memref<2x656x64xbf16, #tpu.memory_space<vmem>>, vector<32xbf16>,
        %unpack3A_613 = tpu.unpack_subelements %get3A_612, 0 {pack_format = #tpu.pack_format<interleaved>} : vector<32xbf16> -> vector<16xf32>
        %unpack3A_614 = tpu.unpack_subelements %get3A_612, 1 {pack_format = #tpu.pack_format<interleaved>} : vector<32xbf16> -> vector<16xf32>
        %mul3A_615 = arith.mulf %unpack3A_606, %gather3A_356 : vector<16xf32>
        %mul3A_616 = arith.mulf %unpack3A_607, %gather3A_365 : vector<16xf32>
        %add3A_617 = arith.addf %mul3A_615, %mul3A_616 : vector<16xf32>
        %mul3A_618 = arith.mulf %unpack3A_613, %gather3A_374 : vector<16xf32>
        %add3A_619 = arith.addf %add3A_617, %mul3A_618 : vector<16xf32>
        %mul3A_620 = arith.mulf %unpack3A_614, %gather3A_383 : vector<16xf32>
        %add3A_621 = arith.addf %add3A_619, %mul3A_620 : vector<16xf32>
        %swap3A_622 = arith.constant 128 : index
        %swap3A_623 = tpu.vector_load %arg9[%swap3A_622] {strides = array<i32>} : memref<256xf32, #tpu.memory_space<vmem>>, vector<16xf32>,
        tpu.vector_store %arg9[%swap3A_622], %add3A_621 {strides = array<i32>} : memref<256xf32, #tpu.memory_space<vmem>>, vector<16xf32>,
        %mul3A_624 = arith.constant 20 : i32
        %mul3A_625 = arith.muli %scan3A_348, %mul3A_624 : i32
        %add3A_626 = arith.constant 9 : i32
        %add3A_627 = arith.addi %mul3A_625, %add3A_626 : i32
        %get3A_628 = arith.constant 1 : i32
        %get3A_629 = arith.index_cast %get3A_628 : i32 to index
        %get3A_630 = arith.index_cast %add3A_627 : i32 to index
        %get3A_631 = arith.constant 0 : index
        %get3A_632 = tpu.vector_load %arg8[%get3A_629, %get3A_630, %get3A_631] {strides = array<i32>} : memref<2x656x64xbf16, #tpu.memory_space<vmem>>, vector<32xbf16>,
        %unpack3A_633 = tpu.unpack_subelements %get3A_632, 0 {pack_format = #tpu.pack_format<interleaved>} : vector<32xbf16> -> vector<16xf32>
        %unpack3A_634 = tpu.unpack_subelements %get3A_632, 1 {pack_format = #tpu.pack_format<interleaved>} : vector<32xbf16> -> vector<16xf32>
        %get3A_635 = arith.constant 1 : i32
        %get3A_636 = arith.index_cast %get3A_635 : i32 to index
        %get3A_637 = arith.index_cast %add3A_627 : i32 to index
        %get3A_638 = arith.constant 32 : index
        %get3A_639 = tpu.vector_load %arg8[%get3A_636, %get3A_637, %get3A_638] {strides = array<i32>} : memref<2x656x64xbf16, #tpu.memory_space<vmem>>, vector<32xbf16>,
        %unpack3A_640 = tpu.unpack_subelements %get3A_639, 0 {pack_format = #tpu.pack_format<interleaved>} : vector<32xbf16> -> vector<16xf32>
        %unpack3A_641 = tpu.unpack_subelements %get3A_639, 1 {pack_format = #tpu.pack_format<interleaved>} : vector<32xbf16> -> vector<16xf32>
        %mul3A_642 = arith.mulf %unpack3A_633, %gather3A_356 : vector<16xf32>
        %mul3A_643 = arith.mulf %unpack3A_634, %gather3A_365 : vector<16xf32>
        %add3A_644 = arith.addf %mul3A_642, %mul3A_643 : vector<16xf32>
        %mul3A_645 = arith.mulf %unpack3A_640, %gather3A_374 : vector<16xf32>
        %add3A_646 = arith.addf %add3A_644, %mul3A_645 : vector<16xf32>
        %mul3A_647 = arith.mulf %unpack3A_641, %gather3A_383 : vector<16xf32>
        %add3A_648 = arith.addf %add3A_646, %mul3A_647 : vector<16xf32>
        %swap3A_649 = arith.constant 144 : index
        %swap3A_650 = tpu.vector_load %arg9[%swap3A_649] {strides = array<i32>} : memref<256xf32, #tpu.memory_space<vmem>>, vector<16xf32>,
        tpu.vector_store %arg9[%swap3A_649], %add3A_648 {strides = array<i32>} : memref<256xf32, #tpu.memory_space<vmem>>, vector<16xf32>,
        %mul3A_651 = arith.constant 20 : i32
        %mul3A_652 = arith.muli %scan3A_348, %mul3A_651 : i32
        %add3A_653 = arith.constant 10 : i32
        %add3A_654 = arith.addi %mul3A_652, %add3A_653 : i32
        %get3A_655 = arith.constant 1 : i32
        %get3A_656 = arith.index_cast %get3A_655 : i32 to index
        %get3A_657 = arith.index_cast %add3A_654 : i32 to index
        %get3A_658 = arith.constant 0 : index
        %get3A_659 = tpu.vector_load %arg8[%get3A_656, %get3A_657, %get3A_658] {strides = array<i32>} : memref<2x656x64xbf16, #tpu.memory_space<vmem>>, vector<32xbf16>,
        %unpack3A_660 = tpu.unpack_subelements %get3A_659, 0 {pack_format = #tpu.pack_format<interleaved>} : vector<32xbf16> -> vector<16xf32>
        %unpack3A_661 = tpu.unpack_subelements %get3A_659, 1 {pack_format = #tpu.pack_format<interleaved>} : vector<32xbf16> -> vector<16xf32>
        %get3A_662 = arith.constant 1 : i32
        %get3A_663 = arith.index_cast %get3A_662 : i32 to index
        %get3A_664 = arith.index_cast %add3A_654 : i32 to index
        %get3A_665 = arith.constant 32 : index
        %get3A_666 = tpu.vector_load %arg8[%get3A_663, %get3A_664, %get3A_665] {strides = array<i32>} : memref<2x656x64xbf16, #tpu.memory_space<vmem>>, vector<32xbf16>,
        %unpack3A_667 = tpu.unpack_subelements %get3A_666, 0 {pack_format = #tpu.pack_format<interleaved>} : vector<32xbf16> -> vector<16xf32>
        %unpack3A_668 = tpu.unpack_subelements %get3A_666, 1 {pack_format = #tpu.pack_format<interleaved>} : vector<32xbf16> -> vector<16xf32>
        %mul3A_669 = arith.mulf %unpack3A_660, %gather3A_356 : vector<16xf32>
        %mul3A_670 = arith.mulf %unpack3A_661, %gather3A_365 : vector<16xf32>
        %add3A_671 = arith.addf %mul3A_669, %mul3A_670 : vector<16xf32>
        %mul3A_672 = arith.mulf %unpack3A_667, %gather3A_374 : vector<16xf32>
        %add3A_673 = arith.addf %add3A_671, %mul3A_672 : vector<16xf32>
        %mul3A_674 = arith.mulf %unpack3A_668, %gather3A_383 : vector<16xf32>
        %add3A_675 = arith.addf %add3A_673, %mul3A_674 : vector<16xf32>
        %swap3A_676 = arith.constant 160 : index
        %swap3A_677 = tpu.vector_load %arg9[%swap3A_676] {strides = array<i32>} : memref<256xf32, #tpu.memory_space<vmem>>, vector<16xf32>,
        tpu.vector_store %arg9[%swap3A_676], %add3A_675 {strides = array<i32>} : memref<256xf32, #tpu.memory_space<vmem>>, vector<16xf32>,
        %mul3A_678 = arith.constant 20 : i32
        %mul3A_679 = arith.muli %scan3A_348, %mul3A_678 : i32
        %add3A_680 = arith.constant 11 : i32
        %add3A_681 = arith.addi %mul3A_679, %add3A_680 : i32
        %get3A_682 = arith.constant 1 : i32
        %get3A_683 = arith.index_cast %get3A_682 : i32 to index
        %get3A_684 = arith.index_cast %add3A_681 : i32 to index
        %get3A_685 = arith.constant 0 : index
        %get3A_686 = tpu.vector_load %arg8[%get3A_683, %get3A_684, %get3A_685] {strides = array<i32>} : memref<2x656x64xbf16, #tpu.memory_space<vmem>>, vector<32xbf16>,
        %unpack3A_687 = tpu.unpack_subelements %get3A_686, 0 {pack_format = #tpu.pack_format<interleaved>} : vector<32xbf16> -> vector<16xf32>
        %unpack3A_688 = tpu.unpack_subelements %get3A_686, 1 {pack_format = #tpu.pack_format<interleaved>} : vector<32xbf16> -> vector<16xf32>
        %get3A_689 = arith.constant 1 : i32
        %get3A_690 = arith.index_cast %get3A_689 : i32 to index
        %get3A_691 = arith.index_cast %add3A_681 : i32 to index
        %get3A_692 = arith.constant 32 : index
        %get3A_693 = tpu.vector_load %arg8[%get3A_690, %get3A_691, %get3A_692] {strides = array<i32>} : memref<2x656x64xbf16, #tpu.memory_space<vmem>>, vector<32xbf16>,
        %unpack3A_694 = tpu.unpack_subelements %get3A_693, 0 {pack_format = #tpu.pack_format<interleaved>} : vector<32xbf16> -> vector<16xf32>
        %unpack3A_695 = tpu.unpack_subelements %get3A_693, 1 {pack_format = #tpu.pack_format<interleaved>} : vector<32xbf16> -> vector<16xf32>
        %mul3A_696 = arith.mulf %unpack3A_687, %gather3A_356 : vector<16xf32>
        %mul3A_697 = arith.mulf %unpack3A_688, %gather3A_365 : vector<16xf32>
        %add3A_698 = arith.addf %mul3A_696, %mul3A_697 : vector<16xf32>
        %mul3A_699 = arith.mulf %unpack3A_694, %gather3A_374 : vector<16xf32>
        %add3A_700 = arith.addf %add3A_698, %mul3A_699 : vector<16xf32>
        %mul3A_701 = arith.mulf %unpack3A_695, %gather3A_383 : vector<16xf32>
        %add3A_702 = arith.addf %add3A_700, %mul3A_701 : vector<16xf32>
        %swap3A_703 = arith.constant 176 : index
        %swap3A_704 = tpu.vector_load %arg9[%swap3A_703] {strides = array<i32>} : memref<256xf32, #tpu.memory_space<vmem>>, vector<16xf32>,
        tpu.vector_store %arg9[%swap3A_703], %add3A_702 {strides = array<i32>} : memref<256xf32, #tpu.memory_space<vmem>>, vector<16xf32>,
        %mul3A_705 = arith.constant 20 : i32
        %mul3A_706 = arith.muli %scan3A_348, %mul3A_705 : i32
        %add3A_707 = arith.constant 12 : i32
        %add3A_708 = arith.addi %mul3A_706, %add3A_707 : i32
        %get3A_709 = arith.constant 1 : i32
        %get3A_710 = arith.index_cast %get3A_709 : i32 to index
        %get3A_711 = arith.index_cast %add3A_708 : i32 to index
        %get3A_712 = arith.constant 0 : index
        %get3A_713 = tpu.vector_load %arg8[%get3A_710, %get3A_711, %get3A_712] {strides = array<i32>} : memref<2x656x64xbf16, #tpu.memory_space<vmem>>, vector<32xbf16>,
        %unpack3A_714 = tpu.unpack_subelements %get3A_713, 0 {pack_format = #tpu.pack_format<interleaved>} : vector<32xbf16> -> vector<16xf32>
        %unpack3A_715 = tpu.unpack_subelements %get3A_713, 1 {pack_format = #tpu.pack_format<interleaved>} : vector<32xbf16> -> vector<16xf32>
        %get3A_716 = arith.constant 1 : i32
        %get3A_717 = arith.index_cast %get3A_716 : i32 to index
        %get3A_718 = arith.index_cast %add3A_708 : i32 to index
        %get3A_719 = arith.constant 32 : index
        %get3A_720 = tpu.vector_load %arg8[%get3A_717, %get3A_718, %get3A_719] {strides = array<i32>} : memref<2x656x64xbf16, #tpu.memory_space<vmem>>, vector<32xbf16>,
        %unpack3A_721 = tpu.unpack_subelements %get3A_720, 0 {pack_format = #tpu.pack_format<interleaved>} : vector<32xbf16> -> vector<16xf32>
        %unpack3A_722 = tpu.unpack_subelements %get3A_720, 1 {pack_format = #tpu.pack_format<interleaved>} : vector<32xbf16> -> vector<16xf32>
        %mul3A_723 = arith.mulf %unpack3A_714, %gather3A_356 : vector<16xf32>
        %mul3A_724 = arith.mulf %unpack3A_715, %gather3A_365 : vector<16xf32>
        %add3A_725 = arith.addf %mul3A_723, %mul3A_724 : vector<16xf32>
        %mul3A_726 = arith.mulf %unpack3A_721, %gather3A_374 : vector<16xf32>
        %add3A_727 = arith.addf %add3A_725, %mul3A_726 : vector<16xf32>
        %mul3A_728 = arith.mulf %unpack3A_722, %gather3A_383 : vector<16xf32>
        %add3A_729 = arith.addf %add3A_727, %mul3A_728 : vector<16xf32>
        %swap3A_730 = arith.constant 192 : index
        %swap3A_731 = tpu.vector_load %arg9[%swap3A_730] {strides = array<i32>} : memref<256xf32, #tpu.memory_space<vmem>>, vector<16xf32>,
        tpu.vector_store %arg9[%swap3A_730], %add3A_729 {strides = array<i32>} : memref<256xf32, #tpu.memory_space<vmem>>, vector<16xf32>,
        %mul3A_732 = arith.constant 20 : i32
        %mul3A_733 = arith.muli %scan3A_348, %mul3A_732 : i32
        %add3A_734 = arith.constant 13 : i32
        %add3A_735 = arith.addi %mul3A_733, %add3A_734 : i32
        %get3A_736 = arith.constant 1 : i32
        %get3A_737 = arith.index_cast %get3A_736 : i32 to index
        %get3A_738 = arith.index_cast %add3A_735 : i32 to index
        %get3A_739 = arith.constant 0 : index
        %get3A_740 = tpu.vector_load %arg8[%get3A_737, %get3A_738, %get3A_739] {strides = array<i32>} : memref<2x656x64xbf16, #tpu.memory_space<vmem>>, vector<32xbf16>,
        %unpack3A_741 = tpu.unpack_subelements %get3A_740, 0 {pack_format = #tpu.pack_format<interleaved>} : vector<32xbf16> -> vector<16xf32>
        %unpack3A_742 = tpu.unpack_subelements %get3A_740, 1 {pack_format = #tpu.pack_format<interleaved>} : vector<32xbf16> -> vector<16xf32>
        %get3A_743 = arith.constant 1 : i32
        %get3A_744 = arith.index_cast %get3A_743 : i32 to index
        %get3A_745 = arith.index_cast %add3A_735 : i32 to index
        %get3A_746 = arith.constant 32 : index
        %get3A_747 = tpu.vector_load %arg8[%get3A_744, %get3A_745, %get3A_746] {strides = array<i32>} : memref<2x656x64xbf16, #tpu.memory_space<vmem>>, vector<32xbf16>,
        %unpack3A_748 = tpu.unpack_subelements %get3A_747, 0 {pack_format = #tpu.pack_format<interleaved>} : vector<32xbf16> -> vector<16xf32>
        %unpack3A_749 = tpu.unpack_subelements %get3A_747, 1 {pack_format = #tpu.pack_format<interleaved>} : vector<32xbf16> -> vector<16xf32>
        %mul3A_750 = arith.mulf %unpack3A_741, %gather3A_356 : vector<16xf32>
        %mul3A_751 = arith.mulf %unpack3A_742, %gather3A_365 : vector<16xf32>
        %add3A_752 = arith.addf %mul3A_750, %mul3A_751 : vector<16xf32>
        %mul3A_753 = arith.mulf %unpack3A_748, %gather3A_374 : vector<16xf32>
        %add3A_754 = arith.addf %add3A_752, %mul3A_753 : vector<16xf32>
        %mul3A_755 = arith.mulf %unpack3A_749, %gather3A_383 : vector<16xf32>
        %add3A_756 = arith.addf %add3A_754, %mul3A_755 : vector<16xf32>
        %swap3A_757 = arith.constant 208 : index
        %swap3A_758 = tpu.vector_load %arg9[%swap3A_757] {strides = array<i32>} : memref<256xf32, #tpu.memory_space<vmem>>, vector<16xf32>,
        tpu.vector_store %arg9[%swap3A_757], %add3A_756 {strides = array<i32>} : memref<256xf32, #tpu.memory_space<vmem>>, vector<16xf32>,
        %mul3A_759 = arith.constant 20 : i32
        %mul3A_760 = arith.muli %scan3A_348, %mul3A_759 : i32
        %add3A_761 = arith.constant 14 : i32
        %add3A_762 = arith.addi %mul3A_760, %add3A_761 : i32
        %get3A_763 = arith.constant 1 : i32
        %get3A_764 = arith.index_cast %get3A_763 : i32 to index
        %get3A_765 = arith.index_cast %add3A_762 : i32 to index
        %get3A_766 = arith.constant 0 : index
        %get3A_767 = tpu.vector_load %arg8[%get3A_764, %get3A_765, %get3A_766] {strides = array<i32>} : memref<2x656x64xbf16, #tpu.memory_space<vmem>>, vector<32xbf16>,
        %unpack3A_768 = tpu.unpack_subelements %get3A_767, 0 {pack_format = #tpu.pack_format<interleaved>} : vector<32xbf16> -> vector<16xf32>
        %unpack3A_769 = tpu.unpack_subelements %get3A_767, 1 {pack_format = #tpu.pack_format<interleaved>} : vector<32xbf16> -> vector<16xf32>
        %get3A_770 = arith.constant 1 : i32
        %get3A_771 = arith.index_cast %get3A_770 : i32 to index
        %get3A_772 = arith.index_cast %add3A_762 : i32 to index
        %get3A_773 = arith.constant 32 : index
        %get3A_774 = tpu.vector_load %arg8[%get3A_771, %get3A_772, %get3A_773] {strides = array<i32>} : memref<2x656x64xbf16, #tpu.memory_space<vmem>>, vector<32xbf16>,
        %unpack3A_775 = tpu.unpack_subelements %get3A_774, 0 {pack_format = #tpu.pack_format<interleaved>} : vector<32xbf16> -> vector<16xf32>
        %unpack3A_776 = tpu.unpack_subelements %get3A_774, 1 {pack_format = #tpu.pack_format<interleaved>} : vector<32xbf16> -> vector<16xf32>
        %mul3A_777 = arith.mulf %unpack3A_768, %gather3A_356 : vector<16xf32>
        %mul3A_778 = arith.mulf %unpack3A_769, %gather3A_365 : vector<16xf32>
        %add3A_779 = arith.addf %mul3A_777, %mul3A_778 : vector<16xf32>
        %mul3A_780 = arith.mulf %unpack3A_775, %gather3A_374 : vector<16xf32>
        %add3A_781 = arith.addf %add3A_779, %mul3A_780 : vector<16xf32>
        %mul3A_782 = arith.mulf %unpack3A_776, %gather3A_383 : vector<16xf32>
        %add3A_783 = arith.addf %add3A_781, %mul3A_782 : vector<16xf32>
        %swap3A_784 = arith.constant 224 : index
        %swap3A_785 = tpu.vector_load %arg9[%swap3A_784] {strides = array<i32>} : memref<256xf32, #tpu.memory_space<vmem>>, vector<16xf32>,
        tpu.vector_store %arg9[%swap3A_784], %add3A_783 {strides = array<i32>} : memref<256xf32, #tpu.memory_space<vmem>>, vector<16xf32>,
        %mul3A_786 = arith.constant 20 : i32
        %mul3A_787 = arith.muli %scan3A_348, %mul3A_786 : i32
        %add3A_788 = arith.constant 15 : i32
        %add3A_789 = arith.addi %mul3A_787, %add3A_788 : i32
        %get3A_790 = arith.constant 1 : i32
        %get3A_791 = arith.index_cast %get3A_790 : i32 to index
        %get3A_792 = arith.index_cast %add3A_789 : i32 to index
        %get3A_793 = arith.constant 0 : index
        %get3A_794 = tpu.vector_load %arg8[%get3A_791, %get3A_792, %get3A_793] {strides = array<i32>} : memref<2x656x64xbf16, #tpu.memory_space<vmem>>, vector<32xbf16>,
        %unpack3A_795 = tpu.unpack_subelements %get3A_794, 0 {pack_format = #tpu.pack_format<interleaved>} : vector<32xbf16> -> vector<16xf32>
        %unpack3A_796 = tpu.unpack_subelements %get3A_794, 1 {pack_format = #tpu.pack_format<interleaved>} : vector<32xbf16> -> vector<16xf32>
        %get3A_797 = arith.constant 1 : i32
        %get3A_798 = arith.index_cast %get3A_797 : i32 to index
        %get3A_799 = arith.index_cast %add3A_789 : i32 to index
        %get3A_800 = arith.constant 32 : index
        %get3A_801 = tpu.vector_load %arg8[%get3A_798, %get3A_799, %get3A_800] {strides = array<i32>} : memref<2x656x64xbf16, #tpu.memory_space<vmem>>, vector<32xbf16>,
        %unpack3A_802 = tpu.unpack_subelements %get3A_801, 0 {pack_format = #tpu.pack_format<interleaved>} : vector<32xbf16> -> vector<16xf32>
        %unpack3A_803 = tpu.unpack_subelements %get3A_801, 1 {pack_format = #tpu.pack_format<interleaved>} : vector<32xbf16> -> vector<16xf32>
        %mul3A_804 = arith.mulf %unpack3A_795, %gather3A_356 : vector<16xf32>
        %mul3A_805 = arith.mulf %unpack3A_796, %gather3A_365 : vector<16xf32>
        %add3A_806 = arith.addf %mul3A_804, %mul3A_805 : vector<16xf32>
        %mul3A_807 = arith.mulf %unpack3A_802, %gather3A_374 : vector<16xf32>
        %add3A_808 = arith.addf %add3A_806, %mul3A_807 : vector<16xf32>
        %mul3A_809 = arith.mulf %unpack3A_803, %gather3A_383 : vector<16xf32>
        %add3A_810 = arith.addf %add3A_808, %mul3A_809 : vector<16xf32>
        %swap3A_811 = arith.constant 240 : index
        %swap3A_812 = tpu.vector_load %arg9[%swap3A_811] {strides = array<i32>} : memref<256xf32, #tpu.memory_space<vmem>>, vector<16xf32>,
        tpu.vector_store %arg9[%swap3A_811], %add3A_810 {strides = array<i32>} : memref<256xf32, #tpu.memory_space<vmem>>, vector<16xf32>,
        %mul3A_813 = arith.constant 20 : i32
        %mul3A_814 = arith.muli %scan3A_348, %mul3A_813 : i32
        %add3A_815 = arith.constant 16 : i32
        %add3A_816 = arith.addi %mul3A_814, %add3A_815 : i32
        %get3A_817 = arith.constant 1 : i32
        %get3A_818 = arith.index_cast %get3A_817 : i32 to index
        %get3A_819 = arith.index_cast %add3A_816 : i32 to index
        %get3A_820 = arith.constant 0 : index
        %get3A_821 = tpu.vector_load %arg8[%get3A_818, %get3A_819, %get3A_820] {strides = array<i32>} : memref<2x656x64xbf16, #tpu.memory_space<vmem>>, vector<32xbf16>,
        %unpack3A_822 = tpu.unpack_subelements %get3A_821, 0 {pack_format = #tpu.pack_format<interleaved>} : vector<32xbf16> -> vector<16xf32>
        %unpack3A_823 = tpu.unpack_subelements %get3A_821, 1 {pack_format = #tpu.pack_format<interleaved>} : vector<32xbf16> -> vector<16xf32>
        %get3A_824 = arith.constant 1 : i32
        %get3A_825 = arith.index_cast %get3A_824 : i32 to index
        %get3A_826 = arith.index_cast %add3A_816 : i32 to index
        %get3A_827 = arith.constant 32 : index
        %get3A_828 = tpu.vector_load %arg8[%get3A_825, %get3A_826, %get3A_827] {strides = array<i32>} : memref<2x656x64xbf16, #tpu.memory_space<vmem>>, vector<32xbf16>,
        %unpack3A_829 = tpu.unpack_subelements %get3A_828, 0 {pack_format = #tpu.pack_format<interleaved>} : vector<32xbf16> -> vector<16xf32>
        %unpack3A_830 = tpu.unpack_subelements %get3A_828, 1 {pack_format = #tpu.pack_format<interleaved>} : vector<32xbf16> -> vector<16xf32>
        %mul3A_831 = arith.mulf %unpack3A_822, %gather3A_356 : vector<16xf32>
        %mul3A_832 = arith.mulf %unpack3A_823, %gather3A_365 : vector<16xf32>
        %add3A_833 = arith.addf %mul3A_831, %mul3A_832 : vector<16xf32>
        %mul3A_834 = arith.mulf %unpack3A_829, %gather3A_374 : vector<16xf32>
        %add3A_835 = arith.addf %add3A_833, %mul3A_834 : vector<16xf32>
        %mul3A_836 = arith.mulf %unpack3A_830, %gather3A_383 : vector<16xf32>
        %add3A_837 = arith.addf %add3A_835, %mul3A_836 : vector<16xf32>
        %swap3A_838 = arith.constant 0 : index
        %swap3A_839 = tpu.vector_load %arg10[%swap3A_838] {strides = array<i32>} : memref<256xf32, #tpu.memory_space<vmem>>, vector<16xf32>,
        tpu.vector_store %arg10[%swap3A_838], %add3A_837 {strides = array<i32>} : memref<256xf32, #tpu.memory_space<vmem>>, vector<16xf32>,
        %mul3A_840 = arith.constant 20 : i32
        %mul3A_841 = arith.muli %scan3A_348, %mul3A_840 : i32
        %add3A_842 = arith.constant 17 : i32
        %add3A_843 = arith.addi %mul3A_841, %add3A_842 : i32
        %get3A_844 = arith.constant 1 : i32
        %get3A_845 = arith.index_cast %get3A_844 : i32 to index
        %get3A_846 = arith.index_cast %add3A_843 : i32 to index
        %get3A_847 = arith.constant 0 : index
        %get3A_848 = tpu.vector_load %arg8[%get3A_845, %get3A_846, %get3A_847] {strides = array<i32>} : memref<2x656x64xbf16, #tpu.memory_space<vmem>>, vector<32xbf16>,
        %unpack3A_849 = tpu.unpack_subelements %get3A_848, 0 {pack_format = #tpu.pack_format<interleaved>} : vector<32xbf16> -> vector<16xf32>
        %unpack3A_850 = tpu.unpack_subelements %get3A_848, 1 {pack_format = #tpu.pack_format<interleaved>} : vector<32xbf16> -> vector<16xf32>
        %get3A_851 = arith.constant 1 : i32
        %get3A_852 = arith.index_cast %get3A_851 : i32 to index
        %get3A_853 = arith.index_cast %add3A_843 : i32 to index
        %get3A_854 = arith.constant 32 : index
        %get3A_855 = tpu.vector_load %arg8[%get3A_852, %get3A_853, %get3A_854] {strides = array<i32>} : memref<2x656x64xbf16, #tpu.memory_space<vmem>>, vector<32xbf16>,
        %unpack3A_856 = tpu.unpack_subelements %get3A_855, 0 {pack_format = #tpu.pack_format<interleaved>} : vector<32xbf16> -> vector<16xf32>
        %unpack3A_857 = tpu.unpack_subelements %get3A_855, 1 {pack_format = #tpu.pack_format<interleaved>} : vector<32xbf16> -> vector<16xf32>
        %mul3A_858 = arith.mulf %unpack3A_849, %gather3A_356 : vector<16xf32>
        %mul3A_859 = arith.mulf %unpack3A_850, %gather3A_365 : vector<16xf32>
        %add3A_860 = arith.addf %mul3A_858, %mul3A_859 : vector<16xf32>
        %mul3A_861 = arith.mulf %unpack3A_856, %gather3A_374 : vector<16xf32>
        %add3A_862 = arith.addf %add3A_860, %mul3A_861 : vector<16xf32>
        %mul3A_863 = arith.mulf %unpack3A_857, %gather3A_383 : vector<16xf32>
        %add3A_864 = arith.addf %add3A_862, %mul3A_863 : vector<16xf32>
        %swap3A_865 = arith.constant 16 : index
        %swap3A_866 = tpu.vector_load %arg10[%swap3A_865] {strides = array<i32>} : memref<256xf32, #tpu.memory_space<vmem>>, vector<16xf32>,
        tpu.vector_store %arg10[%swap3A_865], %add3A_864 {strides = array<i32>} : memref<256xf32, #tpu.memory_space<vmem>>, vector<16xf32>,
        %mul3A_867 = arith.constant 20 : i32
        %mul3A_868 = arith.muli %scan3A_348, %mul3A_867 : i32
        %add3A_869 = arith.constant 18 : i32
        %add3A_870 = arith.addi %mul3A_868, %add3A_869 : i32
        %get3A_871 = arith.constant 1 : i32
        %get3A_872 = arith.index_cast %get3A_871 : i32 to index
        %get3A_873 = arith.index_cast %add3A_870 : i32 to index
        %get3A_874 = arith.constant 0 : index
        %get3A_875 = tpu.vector_load %arg8[%get3A_872, %get3A_873, %get3A_874] {strides = array<i32>} : memref<2x656x64xbf16, #tpu.memory_space<vmem>>, vector<32xbf16>,
        %unpack3A_876 = tpu.unpack_subelements %get3A_875, 0 {pack_format = #tpu.pack_format<interleaved>} : vector<32xbf16> -> vector<16xf32>
        %unpack3A_877 = tpu.unpack_subelements %get3A_875, 1 {pack_format = #tpu.pack_format<interleaved>} : vector<32xbf16> -> vector<16xf32>
        %get3A_878 = arith.constant 1 : i32
        %get3A_879 = arith.index_cast %get3A_878 : i32 to index
        %get3A_880 = arith.index_cast %add3A_870 : i32 to index
        %get3A_881 = arith.constant 32 : index
        %get3A_882 = tpu.vector_load %arg8[%get3A_879, %get3A_880, %get3A_881] {strides = array<i32>} : memref<2x656x64xbf16, #tpu.memory_space<vmem>>, vector<32xbf16>,
        %unpack3A_883 = tpu.unpack_subelements %get3A_882, 0 {pack_format = #tpu.pack_format<interleaved>} : vector<32xbf16> -> vector<16xf32>
        %unpack3A_884 = tpu.unpack_subelements %get3A_882, 1 {pack_format = #tpu.pack_format<interleaved>} : vector<32xbf16> -> vector<16xf32>
        %mul3A_885 = arith.mulf %unpack3A_876, %gather3A_356 : vector<16xf32>
        %mul3A_886 = arith.mulf %unpack3A_877, %gather3A_365 : vector<16xf32>
        %add3A_887 = arith.addf %mul3A_885, %mul3A_886 : vector<16xf32>
        %mul3A_888 = arith.mulf %unpack3A_883, %gather3A_374 : vector<16xf32>
        %add3A_889 = arith.addf %add3A_887, %mul3A_888 : vector<16xf32>
        %mul3A_890 = arith.mulf %unpack3A_884, %gather3A_383 : vector<16xf32>
        %add3A_891 = arith.addf %add3A_889, %mul3A_890 : vector<16xf32>
        %swap3A_892 = arith.constant 32 : index
        %swap3A_893 = tpu.vector_load %arg10[%swap3A_892] {strides = array<i32>} : memref<256xf32, #tpu.memory_space<vmem>>, vector<16xf32>,
        tpu.vector_store %arg10[%swap3A_892], %add3A_891 {strides = array<i32>} : memref<256xf32, #tpu.memory_space<vmem>>, vector<16xf32>,
        %mul3A_894 = arith.constant 20 : i32
        %mul3A_895 = arith.muli %scan3A_348, %mul3A_894 : i32
        %add3A_896 = arith.constant 19 : i32
        %add3A_897 = arith.addi %mul3A_895, %add3A_896 : i32
        %get3A_898 = arith.constant 1 : i32
        %get3A_899 = arith.index_cast %get3A_898 : i32 to index
        %get3A_900 = arith.index_cast %add3A_897 : i32 to index
        %get3A_901 = arith.constant 0 : index
        %get3A_902 = tpu.vector_load %arg8[%get3A_899, %get3A_900, %get3A_901] {strides = array<i32>} : memref<2x656x64xbf16, #tpu.memory_space<vmem>>, vector<32xbf16>,
        %unpack3A_903 = tpu.unpack_subelements %get3A_902, 0 {pack_format = #tpu.pack_format<interleaved>} : vector<32xbf16> -> vector<16xf32>
        %unpack3A_904 = tpu.unpack_subelements %get3A_902, 1 {pack_format = #tpu.pack_format<interleaved>} : vector<32xbf16> -> vector<16xf32>
        %get3A_905 = arith.constant 1 : i32
        %get3A_906 = arith.index_cast %get3A_905 : i32 to index
        %get3A_907 = arith.index_cast %add3A_897 : i32 to index
        %get3A_908 = arith.constant 32 : index
        %get3A_909 = tpu.vector_load %arg8[%get3A_906, %get3A_907, %get3A_908] {strides = array<i32>} : memref<2x656x64xbf16, #tpu.memory_space<vmem>>, vector<32xbf16>,
        %unpack3A_910 = tpu.unpack_subelements %get3A_909, 0 {pack_format = #tpu.pack_format<interleaved>} : vector<32xbf16> -> vector<16xf32>
        %unpack3A_911 = tpu.unpack_subelements %get3A_909, 1 {pack_format = #tpu.pack_format<interleaved>} : vector<32xbf16> -> vector<16xf32>
        %mul3A_912 = arith.mulf %unpack3A_903, %gather3A_356 : vector<16xf32>
        %mul3A_913 = arith.mulf %unpack3A_904, %gather3A_365 : vector<16xf32>
        %add3A_914 = arith.addf %mul3A_912, %mul3A_913 : vector<16xf32>
        %mul3A_915 = arith.mulf %unpack3A_910, %gather3A_374 : vector<16xf32>
        %add3A_916 = arith.addf %add3A_914, %mul3A_915 : vector<16xf32>
        %mul3A_917 = arith.mulf %unpack3A_911, %gather3A_383 : vector<16xf32>
        %add3A_918 = arith.addf %add3A_916, %mul3A_917 : vector<16xf32>
        %swap3A_919 = arith.constant 48 : index
        %swap3A_920 = tpu.vector_load %arg10[%swap3A_919] {strides = array<i32>} : memref<256xf32, #tpu.memory_space<vmem>>, vector<16xf32>,
        tpu.vector_store %arg10[%swap3A_919], %add3A_918 {strides = array<i32>} : memref<256xf32, #tpu.memory_space<vmem>>, vector<16xf32>,
        %mul3A_921 = arith.constant 16 : i32
        %mul3A_922 = vector.broadcast %mul3A_921 : i32 to vector<16xi32>
        %mul3A_923 = arith.muli %iota3A, %mul3A_922 : vector<16xi32>
        %add3A_924 = arith.constant 0 : i32
        %add3A_925 = vector.broadcast %add3A_924 : i32 to vector<16xi32>
        %add3A_926 = arith.addi %mul3A_923, %add3A_925 : vector<16xi32>
        %gather3A_927 = tpu.vector_load_idx %arg9[%add3A_926] : memref<256xf32, #tpu.memory_space<vmem>>[vector<16xi32>], vector<16xf32>,
        %mul3A_928 = arith.constant 16 : i32
        %mul3A_929 = vector.broadcast %mul3A_928 : i32 to vector<16xi32>
        %mul3A_930 = arith.muli %iota3A, %mul3A_929 : vector<16xi32>
        %add3A_931 = arith.constant 1 : i32
        %add3A_932 = vector.broadcast %add3A_931 : i32 to vector<16xi32>
        %add3A_933 = arith.addi %mul3A_930, %add3A_932 : vector<16xi32>
        %gather3A_934 = tpu.vector_load_idx %arg9[%add3A_933] : memref<256xf32, #tpu.memory_space<vmem>>[vector<16xi32>], vector<16xf32>,
        %mul3A_935 = arith.constant 16 : i32
        %mul3A_936 = vector.broadcast %mul3A_935 : i32 to vector<16xi32>
        %mul3A_937 = arith.muli %iota3A, %mul3A_936 : vector<16xi32>
        %add3A_938 = arith.constant 2 : i32
        %add3A_939 = vector.broadcast %add3A_938 : i32 to vector<16xi32>
        %add3A_940 = arith.addi %mul3A_937, %add3A_939 : vector<16xi32>
        %gather3A_941 = tpu.vector_load_idx %arg9[%add3A_940] : memref<256xf32, #tpu.memory_space<vmem>>[vector<16xi32>], vector<16xf32>,
        %mul3A_942 = arith.constant 16 : i32
        %mul3A_943 = vector.broadcast %mul3A_942 : i32 to vector<16xi32>
        %mul3A_944 = arith.muli %iota3A, %mul3A_943 : vector<16xi32>
        %add3A_945 = arith.constant 3 : i32
        %add3A_946 = vector.broadcast %add3A_945 : i32 to vector<16xi32>
        %add3A_947 = arith.addi %mul3A_944, %add3A_946 : vector<16xi32>
        %gather3A_948 = tpu.vector_load_idx %arg9[%add3A_947] : memref<256xf32, #tpu.memory_space<vmem>>[vector<16xi32>], vector<16xf32>,
        %mul3A_949 = arith.constant 16 : i32
        %mul3A_950 = vector.broadcast %mul3A_949 : i32 to vector<16xi32>
        %mul3A_951 = arith.muli %iota3A, %mul3A_950 : vector<16xi32>
        %add3A_952 = arith.constant 4 : i32
        %add3A_953 = vector.broadcast %add3A_952 : i32 to vector<16xi32>
        %add3A_954 = arith.addi %mul3A_951, %add3A_953 : vector<16xi32>
        %gather3A_955 = tpu.vector_load_idx %arg9[%add3A_954] : memref<256xf32, #tpu.memory_space<vmem>>[vector<16xi32>], vector<16xf32>,
        %mul3A_956 = arith.constant 16 : i32
        %mul3A_957 = vector.broadcast %mul3A_956 : i32 to vector<16xi32>
        %mul3A_958 = arith.muli %iota3A, %mul3A_957 : vector<16xi32>
        %add3A_959 = arith.constant 5 : i32
        %add3A_960 = vector.broadcast %add3A_959 : i32 to vector<16xi32>
        %add3A_961 = arith.addi %mul3A_958, %add3A_960 : vector<16xi32>
        %gather3A_962 = tpu.vector_load_idx %arg9[%add3A_961] : memref<256xf32, #tpu.memory_space<vmem>>[vector<16xi32>], vector<16xf32>,
        %mul3A_963 = arith.constant 16 : i32
        %mul3A_964 = vector.broadcast %mul3A_963 : i32 to vector<16xi32>
        %mul3A_965 = arith.muli %iota3A, %mul3A_964 : vector<16xi32>
        %add3A_966 = arith.constant 6 : i32
        %add3A_967 = vector.broadcast %add3A_966 : i32 to vector<16xi32>
        %add3A_968 = arith.addi %mul3A_965, %add3A_967 : vector<16xi32>
        %gather3A_969 = tpu.vector_load_idx %arg9[%add3A_968] : memref<256xf32, #tpu.memory_space<vmem>>[vector<16xi32>], vector<16xf32>,
        %mul3A_970 = arith.constant 16 : i32
        %mul3A_971 = vector.broadcast %mul3A_970 : i32 to vector<16xi32>
        %mul3A_972 = arith.muli %iota3A, %mul3A_971 : vector<16xi32>
        %add3A_973 = arith.constant 7 : i32
        %add3A_974 = vector.broadcast %add3A_973 : i32 to vector<16xi32>
        %add3A_975 = arith.addi %mul3A_972, %add3A_974 : vector<16xi32>
        %gather3A_976 = tpu.vector_load_idx %arg9[%add3A_975] : memref<256xf32, #tpu.memory_space<vmem>>[vector<16xi32>], vector<16xf32>,
        %mul3A_977 = arith.constant 16 : i32
        %mul3A_978 = vector.broadcast %mul3A_977 : i32 to vector<16xi32>
        %mul3A_979 = arith.muli %iota3A, %mul3A_978 : vector<16xi32>
        %add3A_980 = arith.constant 8 : i32
        %add3A_981 = vector.broadcast %add3A_980 : i32 to vector<16xi32>
        %add3A_982 = arith.addi %mul3A_979, %add3A_981 : vector<16xi32>
        %gather3A_983 = tpu.vector_load_idx %arg9[%add3A_982] : memref<256xf32, #tpu.memory_space<vmem>>[vector<16xi32>], vector<16xf32>,
        %mul3A_984 = arith.constant 16 : i32
        %mul3A_985 = vector.broadcast %mul3A_984 : i32 to vector<16xi32>
        %mul3A_986 = arith.muli %iota3A, %mul3A_985 : vector<16xi32>
        %add3A_987 = arith.constant 9 : i32
        %add3A_988 = vector.broadcast %add3A_987 : i32 to vector<16xi32>
        %add3A_989 = arith.addi %mul3A_986, %add3A_988 : vector<16xi32>
        %gather3A_990 = tpu.vector_load_idx %arg9[%add3A_989] : memref<256xf32, #tpu.memory_space<vmem>>[vector<16xi32>], vector<16xf32>,
        %mul3A_991 = arith.constant 16 : i32
        %mul3A_992 = vector.broadcast %mul3A_991 : i32 to vector<16xi32>
        %mul3A_993 = arith.muli %iota3A, %mul3A_992 : vector<16xi32>
        %add3A_994 = arith.constant 10 : i32
        %add3A_995 = vector.broadcast %add3A_994 : i32 to vector<16xi32>
        %add3A_996 = arith.addi %mul3A_993, %add3A_995 : vector<16xi32>
        %gather3A_997 = tpu.vector_load_idx %arg9[%add3A_996] : memref<256xf32, #tpu.memory_space<vmem>>[vector<16xi32>], vector<16xf32>,
        %mul3A_998 = arith.constant 16 : i32
        %mul3A_999 = vector.broadcast %mul3A_998 : i32 to vector<16xi32>
        %mul3A_1000 = arith.muli %iota3A, %mul3A_999 : vector<16xi32>
        %add3A_1001 = arith.constant 11 : i32
        %add3A_1002 = vector.broadcast %add3A_1001 : i32 to vector<16xi32>
        %add3A_1003 = arith.addi %mul3A_1000, %add3A_1002 : vector<16xi32>
        %gather3A_1004 = tpu.vector_load_idx %arg9[%add3A_1003] : memref<256xf32, #tpu.memory_space<vmem>>[vector<16xi32>], vector<16xf32>,
        %mul3A_1005 = arith.constant 16 : i32
        %mul3A_1006 = vector.broadcast %mul3A_1005 : i32 to vector<16xi32>
        %mul3A_1007 = arith.muli %iota3A, %mul3A_1006 : vector<16xi32>
        %add3A_1008 = arith.constant 12 : i32
        %add3A_1009 = vector.broadcast %add3A_1008 : i32 to vector<16xi32>
        %add3A_1010 = arith.addi %mul3A_1007, %add3A_1009 : vector<16xi32>
        %gather3A_1011 = tpu.vector_load_idx %arg9[%add3A_1010] : memref<256xf32, #tpu.memory_space<vmem>>[vector<16xi32>], vector<16xf32>,
        %mul3A_1012 = arith.constant 16 : i32
        %mul3A_1013 = vector.broadcast %mul3A_1012 : i32 to vector<16xi32>
        %mul3A_1014 = arith.muli %iota3A, %mul3A_1013 : vector<16xi32>
        %add3A_1015 = arith.constant 13 : i32
        %add3A_1016 = vector.broadcast %add3A_1015 : i32 to vector<16xi32>
        %add3A_1017 = arith.addi %mul3A_1014, %add3A_1016 : vector<16xi32>
        %gather3A_1018 = tpu.vector_load_idx %arg9[%add3A_1017] : memref<256xf32, #tpu.memory_space<vmem>>[vector<16xi32>], vector<16xf32>,
        %mul3A_1019 = arith.constant 16 : i32
        %mul3A_1020 = vector.broadcast %mul3A_1019 : i32 to vector<16xi32>
        %mul3A_1021 = arith.muli %iota3A, %mul3A_1020 : vector<16xi32>
        %add3A_1022 = arith.constant 14 : i32
        %add3A_1023 = vector.broadcast %add3A_1022 : i32 to vector<16xi32>
        %add3A_1024 = arith.addi %mul3A_1021, %add3A_1023 : vector<16xi32>
        %gather3A_1025 = tpu.vector_load_idx %arg9[%add3A_1024] : memref<256xf32, #tpu.memory_space<vmem>>[vector<16xi32>], vector<16xf32>,
        %mul3A_1026 = arith.constant 16 : i32
        %mul3A_1027 = vector.broadcast %mul3A_1026 : i32 to vector<16xi32>
        %mul3A_1028 = arith.muli %iota3A, %mul3A_1027 : vector<16xi32>
        %add3A_1029 = arith.constant 15 : i32
        %add3A_1030 = vector.broadcast %add3A_1029 : i32 to vector<16xi32>
        %add3A_1031 = arith.addi %mul3A_1028, %add3A_1030 : vector<16xi32>
        %gather3A_1032 = tpu.vector_load_idx %arg9[%add3A_1031] : memref<256xf32, #tpu.memory_space<vmem>>[vector<16xi32>], vector<16xf32>,
        %add3A_1033 = arith.addf %gather3A_927, %gather3A_934 : vector<16xf32>
        %add3A_1034 = arith.addf %gather3A_941, %gather3A_948 : vector<16xf32>
        %add3A_1035 = arith.addf %gather3A_955, %gather3A_962 : vector<16xf32>
        %add3A_1036 = arith.addf %gather3A_969, %gather3A_976 : vector<16xf32>
        %add3A_1037 = arith.addf %gather3A_983, %gather3A_990 : vector<16xf32>
        %add3A_1038 = arith.addf %gather3A_997, %gather3A_1004 : vector<16xf32>
        %add3A_1039 = arith.addf %gather3A_1011, %gather3A_1018 : vector<16xf32>
        %add3A_1040 = arith.addf %gather3A_1025, %gather3A_1032 : vector<16xf32>
        %add3A_1041 = arith.addf %add3A_1033, %add3A_1034 : vector<16xf32>
        %add3A_1042 = arith.addf %add3A_1035, %add3A_1036 : vector<16xf32>
        %add3A_1043 = arith.addf %add3A_1037, %add3A_1038 : vector<16xf32>
        %add3A_1044 = arith.addf %add3A_1039, %add3A_1040 : vector<16xf32>
        %add3A_1045 = arith.addf %add3A_1041, %add3A_1042 : vector<16xf32>
        %add3A_1046 = arith.addf %add3A_1043, %add3A_1044 : vector<16xf32>
        %add3A_1047 = arith.addf %add3A_1045, %add3A_1046 : vector<16xf32>
        %mul3A_1048 = arith.constant 20 : i32
        %mul3A_1049 = arith.muli %scan3A_348, %mul3A_1048 : i32
        %swap3A_1050 = arith.constant 1 : i32
        %swap3A_1051 = arith.index_cast %swap3A_1050 : i32 to index
        %swap3A_1052 = arith.index_cast %mul3A_1049 : i32 to index
        %swap3A_1053 = tpu.vector_load %arg11[%swap3A_1051, %swap3A_1052] {strides = array<i32>} : memref<2x672xf32, #tpu.memory_space<vmem>>, vector<16xf32>,
        tpu.vector_store %arg11[%swap3A_1051, %swap3A_1052], %add3A_1047 {strides = array<i32>} : memref<2x672xf32, #tpu.memory_space<vmem>>, vector<16xf32>,
        %mul3A_1054 = arith.constant 16 : i32
        %mul3A_1055 = vector.broadcast %mul3A_1054 : i32 to vector<16xi32>
        %mul3A_1056 = arith.muli %iota3A, %mul3A_1055 : vector<16xi32>
        %add3A_1057 = arith.constant 0 : i32
        %add3A_1058 = vector.broadcast %add3A_1057 : i32 to vector<16xi32>
        %add3A_1059 = arith.addi %mul3A_1056, %add3A_1058 : vector<16xi32>
        %gather3A_1060 = tpu.vector_load_idx %arg10[%add3A_1059] : memref<256xf32, #tpu.memory_space<vmem>>[vector<16xi32>], vector<16xf32>,
        %mul3A_1061 = arith.constant 16 : i32
        %mul3A_1062 = vector.broadcast %mul3A_1061 : i32 to vector<16xi32>
        %mul3A_1063 = arith.muli %iota3A, %mul3A_1062 : vector<16xi32>
        %add3A_1064 = arith.constant 1 : i32
        %add3A_1065 = vector.broadcast %add3A_1064 : i32 to vector<16xi32>
        %add3A_1066 = arith.addi %mul3A_1063, %add3A_1065 : vector<16xi32>
        %gather3A_1067 = tpu.vector_load_idx %arg10[%add3A_1066] : memref<256xf32, #tpu.memory_space<vmem>>[vector<16xi32>], vector<16xf32>,
        %mul3A_1068 = arith.constant 16 : i32
        %mul3A_1069 = vector.broadcast %mul3A_1068 : i32 to vector<16xi32>
        %mul3A_1070 = arith.muli %iota3A, %mul3A_1069 : vector<16xi32>
        %add3A_1071 = arith.constant 2 : i32
        %add3A_1072 = vector.broadcast %add3A_1071 : i32 to vector<16xi32>
        %add3A_1073 = arith.addi %mul3A_1070, %add3A_1072 : vector<16xi32>
        %gather3A_1074 = tpu.vector_load_idx %arg10[%add3A_1073] : memref<256xf32, #tpu.memory_space<vmem>>[vector<16xi32>], vector<16xf32>,
        %mul3A_1075 = arith.constant 16 : i32
        %mul3A_1076 = vector.broadcast %mul3A_1075 : i32 to vector<16xi32>
        %mul3A_1077 = arith.muli %iota3A, %mul3A_1076 : vector<16xi32>
        %add3A_1078 = arith.constant 3 : i32
        %add3A_1079 = vector.broadcast %add3A_1078 : i32 to vector<16xi32>
        %add3A_1080 = arith.addi %mul3A_1077, %add3A_1079 : vector<16xi32>
        %gather3A_1081 = tpu.vector_load_idx %arg10[%add3A_1080] : memref<256xf32, #tpu.memory_space<vmem>>[vector<16xi32>], vector<16xf32>,
        %mul3A_1082 = arith.constant 16 : i32
        %mul3A_1083 = vector.broadcast %mul3A_1082 : i32 to vector<16xi32>
        %mul3A_1084 = arith.muli %iota3A, %mul3A_1083 : vector<16xi32>
        %add3A_1085 = arith.constant 4 : i32
        %add3A_1086 = vector.broadcast %add3A_1085 : i32 to vector<16xi32>
        %add3A_1087 = arith.addi %mul3A_1084, %add3A_1086 : vector<16xi32>
        %gather3A_1088 = tpu.vector_load_idx %arg10[%add3A_1087] : memref<256xf32, #tpu.memory_space<vmem>>[vector<16xi32>], vector<16xf32>,
        %mul3A_1089 = arith.constant 16 : i32
        %mul3A_1090 = vector.broadcast %mul3A_1089 : i32 to vector<16xi32>
        %mul3A_1091 = arith.muli %iota3A, %mul3A_1090 : vector<16xi32>
        %add3A_1092 = arith.constant 5 : i32
        %add3A_1093 = vector.broadcast %add3A_1092 : i32 to vector<16xi32>
        %add3A_1094 = arith.addi %mul3A_1091, %add3A_1093 : vector<16xi32>
        %gather3A_1095 = tpu.vector_load_idx %arg10[%add3A_1094] : memref<256xf32, #tpu.memory_space<vmem>>[vector<16xi32>], vector<16xf32>,
        %mul3A_1096 = arith.constant 16 : i32
        %mul3A_1097 = vector.broadcast %mul3A_1096 : i32 to vector<16xi32>
        %mul3A_1098 = arith.muli %iota3A, %mul3A_1097 : vector<16xi32>
        %add3A_1099 = arith.constant 6 : i32
        %add3A_1100 = vector.broadcast %add3A_1099 : i32 to vector<16xi32>
        %add3A_1101 = arith.addi %mul3A_1098, %add3A_1100 : vector<16xi32>
        %gather3A_1102 = tpu.vector_load_idx %arg10[%add3A_1101] : memref<256xf32, #tpu.memory_space<vmem>>[vector<16xi32>], vector<16xf32>,
        %mul3A_1103 = arith.constant 16 : i32
        %mul3A_1104 = vector.broadcast %mul3A_1103 : i32 to vector<16xi32>
        %mul3A_1105 = arith.muli %iota3A, %mul3A_1104 : vector<16xi32>
        %add3A_1106 = arith.constant 7 : i32
        %add3A_1107 = vector.broadcast %add3A_1106 : i32 to vector<16xi32>
        %add3A_1108 = arith.addi %mul3A_1105, %add3A_1107 : vector<16xi32>
        %gather3A_1109 = tpu.vector_load_idx %arg10[%add3A_1108] : memref<256xf32, #tpu.memory_space<vmem>>[vector<16xi32>], vector<16xf32>,
        %mul3A_1110 = arith.constant 16 : i32
        %mul3A_1111 = vector.broadcast %mul3A_1110 : i32 to vector<16xi32>
        %mul3A_1112 = arith.muli %iota3A, %mul3A_1111 : vector<16xi32>
        %add3A_1113 = arith.constant 8 : i32
        %add3A_1114 = vector.broadcast %add3A_1113 : i32 to vector<16xi32>
        %add3A_1115 = arith.addi %mul3A_1112, %add3A_1114 : vector<16xi32>
        %gather3A_1116 = tpu.vector_load_idx %arg10[%add3A_1115] : memref<256xf32, #tpu.memory_space<vmem>>[vector<16xi32>], vector<16xf32>,
        %mul3A_1117 = arith.constant 16 : i32
        %mul3A_1118 = vector.broadcast %mul3A_1117 : i32 to vector<16xi32>
        %mul3A_1119 = arith.muli %iota3A, %mul3A_1118 : vector<16xi32>
        %add3A_1120 = arith.constant 9 : i32
        %add3A_1121 = vector.broadcast %add3A_1120 : i32 to vector<16xi32>
        %add3A_1122 = arith.addi %mul3A_1119, %add3A_1121 : vector<16xi32>
        %gather3A_1123 = tpu.vector_load_idx %arg10[%add3A_1122] : memref<256xf32, #tpu.memory_space<vmem>>[vector<16xi32>], vector<16xf32>,
        %mul3A_1124 = arith.constant 16 : i32
        %mul3A_1125 = vector.broadcast %mul3A_1124 : i32 to vector<16xi32>
        %mul3A_1126 = arith.muli %iota3A, %mul3A_1125 : vector<16xi32>
        %add3A_1127 = arith.constant 10 : i32
        %add3A_1128 = vector.broadcast %add3A_1127 : i32 to vector<16xi32>
        %add3A_1129 = arith.addi %mul3A_1126, %add3A_1128 : vector<16xi32>
        %gather3A_1130 = tpu.vector_load_idx %arg10[%add3A_1129] : memref<256xf32, #tpu.memory_space<vmem>>[vector<16xi32>], vector<16xf32>,
        %mul3A_1131 = arith.constant 16 : i32
        %mul3A_1132 = vector.broadcast %mul3A_1131 : i32 to vector<16xi32>
        %mul3A_1133 = arith.muli %iota3A, %mul3A_1132 : vector<16xi32>
        %add3A_1134 = arith.constant 11 : i32
        %add3A_1135 = vector.broadcast %add3A_1134 : i32 to vector<16xi32>
        %add3A_1136 = arith.addi %mul3A_1133, %add3A_1135 : vector<16xi32>
        %gather3A_1137 = tpu.vector_load_idx %arg10[%add3A_1136] : memref<256xf32, #tpu.memory_space<vmem>>[vector<16xi32>], vector<16xf32>,
        %mul3A_1138 = arith.constant 16 : i32
        %mul3A_1139 = vector.broadcast %mul3A_1138 : i32 to vector<16xi32>
        %mul3A_1140 = arith.muli %iota3A, %mul3A_1139 : vector<16xi32>
        %add3A_1141 = arith.constant 12 : i32
        %add3A_1142 = vector.broadcast %add3A_1141 : i32 to vector<16xi32>
        %add3A_1143 = arith.addi %mul3A_1140, %add3A_1142 : vector<16xi32>
        %gather3A_1144 = tpu.vector_load_idx %arg10[%add3A_1143] : memref<256xf32, #tpu.memory_space<vmem>>[vector<16xi32>], vector<16xf32>,
        %mul3A_1145 = arith.constant 16 : i32
        %mul3A_1146 = vector.broadcast %mul3A_1145 : i32 to vector<16xi32>
        %mul3A_1147 = arith.muli %iota3A, %mul3A_1146 : vector<16xi32>
        %add3A_1148 = arith.constant 13 : i32
        %add3A_1149 = vector.broadcast %add3A_1148 : i32 to vector<16xi32>
        %add3A_1150 = arith.addi %mul3A_1147, %add3A_1149 : vector<16xi32>
        %gather3A_1151 = tpu.vector_load_idx %arg10[%add3A_1150] : memref<256xf32, #tpu.memory_space<vmem>>[vector<16xi32>], vector<16xf32>,
        %mul3A_1152 = arith.constant 16 : i32
        %mul3A_1153 = vector.broadcast %mul3A_1152 : i32 to vector<16xi32>
        %mul3A_1154 = arith.muli %iota3A, %mul3A_1153 : vector<16xi32>
        %add3A_1155 = arith.constant 14 : i32
        %add3A_1156 = vector.broadcast %add3A_1155 : i32 to vector<16xi32>
        %add3A_1157 = arith.addi %mul3A_1154, %add3A_1156 : vector<16xi32>
        %gather3A_1158 = tpu.vector_load_idx %arg10[%add3A_1157] : memref<256xf32, #tpu.memory_space<vmem>>[vector<16xi32>], vector<16xf32>,
        %mul3A_1159 = arith.constant 16 : i32
        %mul3A_1160 = vector.broadcast %mul3A_1159 : i32 to vector<16xi32>
        %mul3A_1161 = arith.muli %iota3A, %mul3A_1160 : vector<16xi32>
        %add3A_1162 = arith.constant 15 : i32
        %add3A_1163 = vector.broadcast %add3A_1162 : i32 to vector<16xi32>
        %add3A_1164 = arith.addi %mul3A_1161, %add3A_1163 : vector<16xi32>
        %gather3A_1165 = tpu.vector_load_idx %arg10[%add3A_1164] : memref<256xf32, #tpu.memory_space<vmem>>[vector<16xi32>], vector<16xf32>,
        %add3A_1166 = arith.addf %gather3A_1060, %gather3A_1067 : vector<16xf32>
        %add3A_1167 = arith.addf %gather3A_1074, %gather3A_1081 : vector<16xf32>
        %add3A_1168 = arith.addf %gather3A_1088, %gather3A_1095 : vector<16xf32>
        %add3A_1169 = arith.addf %gather3A_1102, %gather3A_1109 : vector<16xf32>
        %add3A_1170 = arith.addf %gather3A_1116, %gather3A_1123 : vector<16xf32>
        %add3A_1171 = arith.addf %gather3A_1130, %gather3A_1137 : vector<16xf32>
        %add3A_1172 = arith.addf %gather3A_1144, %gather3A_1151 : vector<16xf32>
        %add3A_1173 = arith.addf %gather3A_1158, %gather3A_1165 : vector<16xf32>
        %add3A_1174 = arith.addf %add3A_1166, %add3A_1167 : vector<16xf32>
        %add3A_1175 = arith.addf %add3A_1168, %add3A_1169 : vector<16xf32>
        %add3A_1176 = arith.addf %add3A_1170, %add3A_1171 : vector<16xf32>
        %add3A_1177 = arith.addf %add3A_1172, %add3A_1173 : vector<16xf32>
        %add3A_1178 = arith.addf %add3A_1174, %add3A_1175 : vector<16xf32>
        %add3A_1179 = arith.addf %add3A_1176, %add3A_1177 : vector<16xf32>
        %add3A_1180 = arith.addf %add3A_1178, %add3A_1179 : vector<16xf32>
        %mul3A_1181 = arith.constant 20 : i32
        %mul3A_1182 = arith.muli %scan3A_348, %mul3A_1181 : i32
        %add3A_1183 = arith.constant 16 : i32
        %add3A_1184 = arith.addi %mul3A_1182, %add3A_1183 : i32
        %swap3A_1185 = arith.constant 1 : i32
        %swap3A_1186 = arith.index_cast %swap3A_1185 : i32 to index
        %swap3A_1187 = arith.index_cast %add3A_1184 : i32 to index
        %swap3A_1188 = tpu.vector_load %arg11[%swap3A_1186, %swap3A_1187] {strides = array<i32>} : memref<2x672xf32, #tpu.memory_space<vmem>>, vector<16xf32>,
        tpu.vector_store %arg11[%swap3A_1186, %swap3A_1187], %add3A_1180 {strides = array<i32>} : memref<2x672xf32, #tpu.memory_space<vmem>>, vector<16xf32>,
      }
      %scan3A_338 = arith.constant 32 : i32
      %mul3A_339 = arith.constant 512 : i32
      %mul3A_340 = arith.muli %add3A, %mul3A_339 : i32
      %mul3A_341 = arith.constant 32 : i32
      %mul3A_342 = arith.muli %add3A_229, %mul3A_341 : i32
      %add3A_343 = arith.addi %mul3A_340, %mul3A_342 : i32
      %mul3A_344 = arith.constant 20 : i32
      %mul3A_345 = arith.muli %add3A_343, %mul3A_344 : i32
      %multiple_of3A_346 = tpu.assume_multiple %mul3A_345, 640 : i32
      %run_scoped3A_347 = arith.constant 1 : i32
      "tpu.region"() ({
        %run_scoped3A_348 = tpu.sem_alloc : memref<!tpu.dma_semaphore, #tpu.memory_space<semaphore_mem>>
        %dma_start3A_349 = arith.constant 0 : i32
        %dma_start3A_350 = tpu.memref_slice %arg11[%run_scoped3A_347, %dma_start3A_349] : memref<2x672xf32, #tpu.memory_space<vmem>> -> memref<1x640xf32, #tpu.memory_space<vmem>>
        %dma_start3A_351 = tpu.memref_squeeze %dma_start3A_350 : memref<1x640xf32, #tpu.memory_space<vmem>> -> memref<640xf32, #tpu.memory_space<vmem>>
        %dma_start3A_352 = tpu.memref_slice %arg5[%multiple_of3A_346] : memref<327680xf32, #tpu.memory_space<hbm>> -> memref<640xf32, #tpu.memory_space<hbm>>
        %dma_start3A_353 = tpu.memref_slice %arg5[%multiple_of3A_346] : memref<327680xf32, #tpu.memory_space<hbm>> -> memref<640xf32, #tpu.memory_space<hbm>>
        %dma_start3A_354 = arith.constant 0 : i32
        %dma_start3A_355 = tpu.memref_slice %arg11[%run_scoped3A_347, %dma_start3A_354] : memref<2x672xf32, #tpu.memory_space<vmem>> -> memref<1x640xf32, #tpu.memory_space<vmem>>
        %dma_start3A_356 = tpu.memref_squeeze %dma_start3A_355 : memref<1x640xf32, #tpu.memory_space<vmem>> -> memref<640xf32, #tpu.memory_space<vmem>>
        tpu.enqueue_dma source(%dma_start3A_356 : memref<640xf32, #tpu.memory_space<vmem>>) target(%dma_start3A_353 : memref<640xf32, #tpu.memory_space<hbm>>) target_semaphore(%run_scoped3A_348 : memref<!tpu.dma_semaphore, #tpu.memory_space<semaphore_mem>>)
        %dma_wait3A_357 = arith.constant 0 : i32
        %dma_wait3A_358 = tpu.memref_slice %arg11[%run_scoped3A_347, %dma_wait3A_357] : memref<2x672xf32, #tpu.memory_space<vmem>> -> memref<1x640xf32, #tpu.memory_space<vmem>>
        %dma_wait3A_359 = tpu.memref_squeeze %dma_wait3A_358 : memref<1x640xf32, #tpu.memory_space<vmem>> -> memref<640xf32, #tpu.memory_space<vmem>>
        %dma_wait3A_360 = tpu.memref_slice %arg5[%multiple_of3A_346] : memref<327680xf32, #tpu.memory_space<hbm>> -> memref<640xf32, #tpu.memory_space<hbm>>
        %dma_wait3A_361 = tpu.memref_slice %arg5[%multiple_of3A_346] : memref<327680xf32, #tpu.memory_space<hbm>> -> memref<640xf32, #tpu.memory_space<hbm>>
        %dma_wait3A_362 = arith.constant 0 : i32
        %dma_wait3A_363 = tpu.memref_slice %arg11[%run_scoped3A_347, %dma_wait3A_362] : memref<2x672xf32, #tpu.memory_space<vmem>> -> memref<1x640xf32, #tpu.memory_space<vmem>>
        %dma_wait3A_364 = tpu.memref_squeeze %dma_wait3A_363 : memref<1x640xf32, #tpu.memory_space<vmem>> -> memref<640xf32, #tpu.memory_space<vmem>>
        tpu.wait_dma2 semaphore(%run_scoped3A_348 : memref<!tpu.dma_semaphore, #tpu.memory_space<semaphore_mem>>) src(%dma_wait3A_364 : memref<640xf32, #tpu.memory_space<vmem>>) dst(%dma_wait3A_361 : memref<640xf32, #tpu.memory_space<hbm>>)
        tpu.yield
      }) : () -> ()
    }
    %scan3A_106 = arith.constant 8 : i32
    return
  }
}

module attributes {stable_mosaic.version = 14 : i64} {
  func.func @_loss_body(%arg0: memref<2560x128xf32, #tpu.memory_space<vmem>>, %arg1: memref<2560x128xf32, #tpu.memory_space<vmem>>, %arg2: memref<2560x128xf32, #tpu.memory_space<vmem>>, %arg3: memref<1x1xf32, #tpu.memory_space<smem>>) attributes {dimension_semantics = [], scalar_prefetch = 0 : i64, scratch_operands = 0 : i64, tpu.core_type = #tpu.core_type<tc>} {
    %get3A = arith.constant 0 : index
    %get3A_0 = arith.constant 0 : index
    %get3A_1 = vector.load %arg0[%get3A, %get3A_0] : memref<2560x128xf32, #tpu.memory_space<vmem>>, vector<2560x128xf32>
    %get3A_2 = arith.constant 0 : index
    %get3A_3 = arith.constant 0 : index
    %get3A_4 = vector.load %arg1[%get3A_2, %get3A_3] : memref<2560x128xf32, #tpu.memory_space<vmem>>, vector<2560x128xf32>
    %get3A_5 = arith.constant 0 : index
    %get3A_6 = arith.constant 0 : index
    %get3A_7 = vector.load %arg2[%get3A_5, %get3A_6] : memref<2560x128xf32, #tpu.memory_space<vmem>>, vector<2560x128xf32>
    %max3A = arith.constant 0.000000e+00 : f32
    %max3A_8 = vector.broadcast %max3A : f32 to vector<2560x128xf32>
    %max3A_9 = arith.maximumf %get3A_1, %max3A_8 : vector<2560x128xf32>
    %mul3A = arith.mulf %get3A_1, %get3A_4 : vector<2560x128xf32>
    %sub3A = arith.subf %max3A_9, %mul3A : vector<2560x128xf32>
    %abs3A = math.absf %get3A_1 : vector<2560x128xf32>
    %neg3A = arith.constant 0.000000e+00 : f32
    %neg3A_10 = vector.broadcast %neg3A : f32 to vector<2560x128xf32>
    %neg3A_11 = arith.subf %neg3A_10, %abs3A : vector<2560x128xf32>
    %exp3A = math.exp %neg3A_11 : vector<2560x128xf32>
    %log1p3A = math.log1p %exp3A : vector<2560x128xf32>
    %add3A = arith.addf %sub3A, %log1p3A : vector<2560x128xf32>
    %mul3A_12 = arith.mulf %add3A, %get3A_7 : vector<2560x128xf32>
    %reduce_sum3A = vector.shape_cast %mul3A_12 : vector<2560x128xf32> to vector<1x2560x128xf32>
    %reduce_sum3A_13 = arith.constant dense<0.000000e+00> : vector<1xf32>
    %reduce_sum3A_14 = vector.multi_reduction <add>, %reduce_sum3A, %reduce_sum3A_13 [1, 2] : vector<1x2560x128xf32> to vector<1xf32>
    %reduce_sum3A_15 = vector.shape_cast %reduce_sum3A_14 : vector<1xf32> to vector<1x1x1xf32>
    %reduce_sum3A_16 = vector.extract %reduce_sum3A_15[0, 0, 0] : f32 from vector<1x1x1xf32>
    %reduce_sum3A_17 = vector.shape_cast %get3A_7 : vector<2560x128xf32> to vector<1x2560x128xf32>
    %reduce_sum3A_18 = arith.constant dense<0.000000e+00> : vector<1xf32>
    %reduce_sum3A_19 = vector.multi_reduction <add>, %reduce_sum3A_17, %reduce_sum3A_18 [1, 2] : vector<1x2560x128xf32> to vector<1xf32>
    %reduce_sum3A_20 = vector.shape_cast %reduce_sum3A_19 : vector<1xf32> to vector<1x1x1xf32>
    %reduce_sum3A_21 = vector.extract %reduce_sum3A_20[0, 0, 0] : f32 from vector<1x1x1xf32>
    %max3A_22 = arith.constant 1.000000e+00 : f32
    %max3A_23 = arith.maximumf %reduce_sum3A_21, %max3A_22 : f32
    %div3A = arith.divf %reduce_sum3A_16, %max3A_23 : f32
    %swap3A = arith.constant 0 : index
    %swap3A_24 = arith.constant 0 : index
    %swap3A_25 = memref.load %arg3[%swap3A, %swap3A_24] : memref<1x1xf32, #tpu.memory_space<smem>>
    memref.store %div3A, %arg3[%swap3A, %swap3A_24] : memref<1x1xf32, #tpu.memory_space<smem>>
    return
  }
}

</mosaic_0001>

<sc_bundles>
// kernel: gather_offload_async_start
scs
__scs_entry_jumppad:
0x0: {  	(pc) =	sbr.rel $0x88, $3  }
0x1: {  	(tag) =	ssettag $0x0;
	lr =	simm.s32 $0x1  }
0x2: {  	[smem:$0x3F9B] =	sst lr;
	_ =	strace $0xD0000000  }
0x3: {  	_ = 	snop  }
0x4: {  	_ = 	snop  }
0x5: {  	_ = 	snop  }
0x6: {  	_ = 	snop  }
0x7: {  	_ = 	snop  }
__scs_overlays_trampoline_lowered:
0x8: {  	[smem:$0x3FAA] =	sst s0  }
0x9: {  	[smem:$0x3FAB] =	sst s1  }
0xa: {  	[smem:$0x3FAC] =	sst s2  }
0xb: {  	[smem:$0x3FAD] =	sst s3  }
0xc: {  	[smem:$0x3FAE] =	sst s4  }
0xd: {  	[smem:$0x3FAF] =	sst s5  }
0xe: {  	[smem:$0x3FB0] =	sst s6  }
0xf: {  	[smem:$0x3FB1] =	sst s7  }
0x10: {  	[smem:$0x3FB2] =	sst s8  }
0x11: {  	[smem:$0x3FB3] =	sst s9;
	s0 =	simm.s32 @!p0 $0x0  }
0x12: {  	s1 =	sld [smem:$0x3F99];
	s0 =	simm.s32 @p0 $0x1  }
0x13: {  	[smem:$0x3FB4] =	sst s0;
	s0 =	simm.s32 @!p1 $0x0  }
0x14: {  	s2 =	sld [smem:$0x3F98];
	s0 =	simm.s32 @p1 $0x1  }
0x15: {  	[smem:$0x3FB5] =	sst s0;
	s0 =	simm.s32 @!p2 $0x0  }
0x16: {  	s3 =	sld [smem:$0x3FDB];
	s0 =	simm.s32 @p2 $0x1  }
0x17: {  	s4 =	simm.s32 $0x1BF5;
	[smem:$0x3FB7] =	sst s0  }
0x18: {  	s0 =	sld [smem:$0x3F9A];
	_ =	swait.ge [sflag:s4], $0x0  }
0x19: {  	s7 =	sld [smem:$0x3F9B]  }
0x1a: {  	s8 =	sadd.s32 $0xFFFFE003, lr  }
0x1b: {  	s9 =	sadd.s32 $0xFFFFFEF7, lr;
	s5 =	simm.s32 $0xFFFFFFFF;
	p2 =	slt.u32 s8, $0xFFFFF086  }
0x1c: {  	p1 =	slt.u32 s9, $0xF7A;
	s5 =	simm.s32 @!p2 $0x0  }
0x1d: {  	s5 =	simm.s32 @p1 $0x1;
	p0 =	seq.s32 s7, s2  }
0x1e: {  	s7 =	smul.u32 @!p0 $0xF7A, s2;
	p2 =	seq.s32 @!p0 s5, $0x0  }
0x1f: {  	s9 =	smul.u32 $0xF7A, s1;
	s8 =	simm.s32 @!p0 $0x1BF5;
	p2 =	por !p2, p0  }
0x20: {  	[sflag:s8] =	ssyncset.s32 @!p0 $0xFFFFF086;
	s6 =	sadd.s32 @!p0 s3, s7;
	s7 =	simm.s32 @!p0 $0x108  }
0x21: {  	s3 =	sadd.s32 s3, s9;
	s6 =	sadd.s32 @!p0 $0x88, s6;
	s7 =	simm.s32 @p2 $0x1082  }
0x22: {  	[simem:s7], [sflag:s8] =	dma.local @!p0 [hbm:s6], $0xF7A  }
0x23: {  	s9 =	sor.u32 $0xD0000000, s2;
	s6 =	simm.s32 $0x108;
	_ =	swait.ge @!p0 [sflag:s8], $0x0  }
0x24: {  	s3 =	sadd.s32 $0x88, s3;
	s6 =	simm.s32 @!p1 $0x1082;
	[sflag:s4] =	ssyncset.s32 $0xFFFFF086  }
0x25: {  	[simem:s6], [sflag:s4] =	dma.local [hbm:s3], $0xF7A  }
0x26: {  	[smem:$0x3F9B] =	sst s1;
	(tag) =	ssettag s2;
	_ =	strace s9  }
0x27: {  	s1 =	sld [smem:$0x3FAB]  }
0x28: {  	s2 =	sld [smem:$0x3FAC]  }
0x29: {  	s4 =	sld [smem:$0x3FAE]  }
0x2a: {  	p0 =	seq.s32 s5, $0x0;
	s5 =	sld [smem:$0x3FAF]  }
0x2b: {  	s6 =	sld [smem:$0x3FB0]  }
0x2c: {  	s7 =	sld [smem:$0x3FB1]  }
0x2d: {  	s3 =	simm.s32 $0x108;
	s8 =	sld [smem:$0x3FB2]  }
0x2e: {  	s3 =	simm.s32 @!p0 $0x1082;
	s9 =	sld [smem:$0x3FB3]  }
0x2f: {  	lr =	sadd.s32 s0, s3;
	s0 =	sld [smem:$0x3FAA]  }
0x30: {  	s3 =	sld [smem:$0x3FAD]  }
0x31: {  	[smem:$0x3FB6] =	sst s10  }
0x32: {  	s10 =	sld [smem:$0x3FB4];
	_ =	sdelay $0x3  }
0x33: {  	p0 =	seq.s32 s10, $0x1;
	s10 =	sld [smem:$0x3FB6];
	_ =	sdelay $0x3  }
0x34: {  	[smem:$0x3FB6] =	sst s10  }
0x35: {  	s10 =	sld [smem:$0x3FB5];
	_ =	sdelay $0x3  }
0x36: {  	p1 =	seq.s32 s10, $0x1;
	s10 =	sld [smem:$0x3FB6];
	_ =	sdelay $0x3  }
0x37: {  	[smem:$0x3FB6] =	sst s10  }
0x38: {  	s10 =	sld [smem:$0x3FB7]  }
0x39: {  	_ = 	snop;
	(pc) =	sbr.ind lr, $3  }
0x3a: {  	_ = 	snop  }
0x3b: {  	_ = 	snop  }
0x3c: {  	p2 =	seq.s32 s10, $0x1;
	s10 =	sld [smem:$0x3FB6]  }
0x3d: {  	_ =	shalt  }
0x3e: {  	_ =	shalt  }
0x3f: {  	_ =	shalt  }
0x40: {  	_ =	shalt  }
0x41: {  	_ =	shalt  }
0x42: {  	_ =	shalt  }
0x43: {  	_ =	shalt  }
0x44: {  	_ =	shalt  }
0x45: {  	_ =	shalt  }
0x46: {  	_ =	shalt  }
0x47: {  	_ =	shalt  }
0x48: {  	_ =	shalt  }
0x49: {  	_ =	shalt  }
0x4a: {  	_ =	shalt  }
0x4b: {  	_ =	shalt  }
0x4c: {  	_ =	shalt  }
0x4d: {  	_ =	shalt  }
0x4e: {  	_ =	shalt  }
0x4f: {  	_ =	shalt  }
0x50: {  	_ =	shalt  }
0x51: {  	_ =	shalt  }
0x52: {  	_ =	shalt  }
0x53: {  	_ =	shalt  }
0x54: {  	_ =	shalt  }
0x55: {  	_ =	shalt  }
0x56: {  	_ =	shalt  }
0x57: {  	_ =	shalt  }
0x58: {  	_ =	shalt  }
0x59: {  	_ =	shalt  }
0x5a: {  	_ =	shalt  }
0x5b: {  	_ =	shalt  }
0x5c: {  	_ =	shalt  }
0x5d: {  	_ =	shalt  }
0x5e: {  	_ =	shalt  }
0x5f: {  	_ =	shalt  }
0x60: {  	_ =	shalt  }
0x61: {  	_ =	shalt  }
0x62: {  	_ =	shalt  }
0x63: {  	_ =	shalt  }
0x64: {  	_ =	shalt  }
0x65: {  	_ =	shalt  }
0x66: {  	_ =	shalt  }
0x67: {  	_ =	shalt  }
0x68: {  	_ =	shalt  }
0x69: {  	_ =	shalt  }
0x6a: {  	_ =	shalt  }
0x6b: {  	_ =	shalt  }
0x6c: {  	_ =	shalt  }
0x6d: {  	_ =	shalt  }
0x6e: {  	_ =	shalt  }
0x6f: {  	_ =	shalt  }
0x70: {  	_ =	shalt  }
0x71: {  	_ =	shalt  }
0x72: {  	_ =	shalt  }
0x73: {  	_ =	shalt  }
0x74: {  	_ =	shalt  }
0x75: {  	_ =	shalt  }
0x76: {  	_ =	shalt  }
0x77: {  	_ =	shalt  }
0x78: {  	_ =	shalt  }
0x79: {  	_ =	shalt  }
0x7a: {  	_ =	shalt  }
0x7b: {  	_ =	shalt  }
0x7c: {  	_ =	shalt  }
0x7d: {  	_ =	shalt  }
0x7e: {  	_ =	shalt  }
0x7f: {  	_ =	shalt  }
0x80: {  	_ =	shalt  }
0x81: {  	_ =	shalt  }
0x82: {  	_ =	shalt  }
0x83: {  	_ =	shalt  }
0x84: {  	_ =	shalt  }
0x85: {  	_ =	shalt  }
0x86: {  	_ =	shalt  }
0x87: {  	_ =	shalt  }
.Lfunc_end0:
.L_simem_size_0:
called_computation.2_lowered:
.L_overlay_start_0:
0x88: {  	s2 =	sld [smem:$0x3FD9]  }
0x89: {  	s3 =	sld [smem:$0x3FFE];
	_ =	sdelay $0x1  }
0x8a: {  	s1 =	srdreg.scid  }
0x8b: {  	s0 =	sand.u32 $0x1, s1  }
0x8c: {  	s16 =	sshll.u32 s0, $0xA;
	s2 =	sadd.s32 s3, s2  }
0x8d: {  	s2 =	sadd.s32 s2, s16  }
0x8e: {  	[smem:$0x3FC2] =	sst s2  }
0x8f: {  	_ = 	snop  }
0x90: {  	(tm) =	ssettm $0x1  }
0x91: {  	s17 =	sld [smem:$0x3FFB];
	_ =	sdelay $0x3  }
0x92: {  	_ =	strace s17  }
0x93: {  	s2 =	sld [smem:$0x3FFC];
	_ =	sdelay $0x3  }
0x94: {  	_ =	strace s2  }
0x95: {  	s2 =	sld [smem:$0x3FFD];
	_ =	sdelay $0x3  }
0x96: {  	_ =	strace s2  }
0x97: {  	_ =	strace $0x8FFFFFFF  }
0x98: {  	s18 =	sld [smem:$0x3FDB];
	_ =	sdelay $0x1  }
0x99: {  	s19 =	simm.s32 $_scs_section_size  }
0x9a: {  	s4 =	simm.s32 $_size__tile_overlayer_lowered;
	s5 =	simm.s32 $_tile_overlayer_lowered  }
0x9b: {  	s22 =	simm.s32 $0x1BFF;
	s21 =	sshll.u32 s5, $0x1;
	s2 =	sadd.s32 s19, s18  }
0x9c: {  	s6 =	simm.s32 $0x0;
	s20 =	sshll.u32 s4, $0x1;
	s4 =	sadd.s32 s21, s2  }
0x9d: {  	[timem:s6], [sflag:s22] =	dma.local [hbm:s4], s20  }
0x9e: {  	_ =	swait.ge [sflag:s22], s20  }
0x9f: {  	s3 =	ssub.s32 $0x0, s20;
	[sflag:s22] =	ssyncset.done $0x0  }
0xa0: {  	[sflag:s22] =	ssyncadd.s32 s3;
	_ =	sdelay $0x1  }
0xa1: {  	s23 =	simm.s32 $0x1B8B  }
0xa2: {  	_ =	swait.ge [sflag:s23], $0x1  }
0xa3: {  	[sflag:s23] =	ssyncset.done $0x0  }
0xa4: {  	s25 =	simm.s32 $0x1B8E;
	s24 =	sld [smem:$0x3FFE];
	[sflag:s23] =	ssyncadd.s32 $0xFFFFFFFF  }
0xa5: {  	s26 =	simm.s32 $execute0_lowered;
	[smem:$0x3FD2] =	sst s25  }
0xa6: {  	s4 =	sshll.u32 s26, $0x1;
	_ =	strace $0x80000049;
	[dreg:$0x1] =	wrdreg $0xFFFFFFFF  }
0xa7: {  	s28 =	simm.s32 $_size_execute0_lowered;
	s2 =	sadd.s32 s2, s4;
	[dreg:$0x0] =	wrdreg $0x0  }
0xa8: {  	s4 =	sshll.u32 s28, $0x1;
	[dreg:$0x2] =	wrdreg s2  }
0xa9: {  	[dreg:$0x3] =	wrdreg s4  }
0xaa: {  	[dreg:$0x4] =	wrdreg $0xC0  }
0xab: {  	_ =	task [dreg:s6], $0x5FFFF  }
0xac: {  	[dreg:$0x1] =	wrdreg $0xFFFFFFFF  }
0xad: {  	[dreg:$0x0] =	wrdreg $0x60  }
0xae: {  	[dreg:$0x2] =	wrdreg s24  }
0xaf: {  	[dreg:$0x3] =	wrdreg $0xA  }
0xb0: {  	_ =	task.clear_ibuf [dreg:s6], $0x4FFFF;
	_ =	strace $0x90000049  }
0xb1: {  	s29 =	simm.s32 $0xA;
	_ =	strace $0x8000004B  }
0xb2: {  	_ =	swait.ge [sflag:s29], $0x1  }
0xb3: {  	[sflag:s29] =	ssyncadd.s32 $0xFFFFFFFF  }
0xb4: {  	_ =	strace $0x9000004B  }
0xb5: {  	_ =	sfence  }
0xb6: {  	s30 =	sld [smem:$0x0];
	_ =	sdelay $0x2  }
0xb7: {  	s31 =	sshll.u32 s1, $0xD;
	s1 =	sshrl.u32 s1, $0x2  }
0xb8: {  	s3 =	sand.u32 $0x4000, s31;
	s1 =	sadd.s32 s1, s30  }
0xb9: {  	s0 =	sor.u32 s3, s0;
	s1 =	sshll.u32 s1, $0x11  }
0xba: {  	s0 =	sor.u32 s1, s0  }
0xbb: {  	s0 =	sadd.s32 $0x8F2B, s0  }
0xbc: {  	[sflag:s0] =	ssyncadd.remote.s32 $0x1  }
0xbd: {  	_ =	sfence.sel $0xFFFF  }
0xbe: {  	[dreg:$0x0] =	wrdreg $0xFFFFFFFF;
	(pc) =	sbr.abs _section_cstart, $3  }
0xbf: {  	[dreg:$0x1] =	wrdreg $0xFFFFFFFF  }
0xc0: {  	_ =	task.clear_ibuf [dreg:s6], $0x2FFFF;
	_ =	strace $0x9FFFFFFF  }
0xc1: {  	(tm) =	ssettm $0x7FFFFFFF  }
tec
execute0_lowered:
.L_overlay_start_1:
0x0: {  	(tag) =	ssettag $0x1  }
0x1: {  	s7 =	rddreg [dreg:$0x0]  }
0x2: {  	s0 =	rddreg [dreg:$0x1];
	_ =	strace $0x8000004A  }
0x3: {  	s1 =	srdreg.scid;
	s4 =	simm.s32 $0x1;
	s9 =	simm.s32 $0x3  }
0x4: {  	s11 =	simm.s32 $0x0;
	p0 =	por $0x0, $0x0;
	s5 =	sshll.u32 s1, $0x4  }
.Ltmp0:
0x5: {  	s1 =	stileid.u32;
	s5 =	sand.u32 $0x10, s5;
	(pc) =	sbr.rel .LBB2_1-.Ltmp0, $4  }
0x6: {  	s2 =	sadd.s32 $0xB73600, s7;
	s3 =	sadd.s32 $0x1AB5C00, s7;
	s6 =	sor.u32 s1, s5  }
0x7: {  	[sflag:s4] =	ssyncpa.u1 $0x0;
	s5 =	simm.s32 $0x2;
	s6 =	sshll.u32 s6, $0x9  }
0x8: {  	s7 =	sadd.s32 $0x3D2400, s7;
	[sflag:s5] =	ssyncpa.u1 $0x0;
	s8 =	sadd.s32 $0x200, s6  }
0x9: {  	vm0 =	vmmov $0xff;
	vm1 =	vcmask $0x3F20;
	[sflag:s9] =	ssyncpa.u1 $0x0;
	s10 =	smov.u32 s6;
	s9 =	simm.s32 $0x0  }
.LBB2_7:
0xa: {  	p1 =	slt.u32 s9, $0x2;
	s11 =	sadd.s32 $0x100, s10  }
0xb: {  	s13 =	smov.u32 s6;
	s9 =	sadd.s32 $0x1, s9;
	p2 =	slt.s32 s11, s8  }
0xc: {  	s13 =	smov.u32 @p2 s11;
	p2 =	sne.s32 s9, $0x4  }
.Ltmp1:
0xd: {  	_ = 	snop;
	(pc) =	sbr.rel @!p2 .LBB2_8-.Ltmp1, $4  }
0xe: {  	s12 =	simm.s32 @!p1 $0x3  }
0xf: {  	_ =	swait.ge @!p1 [sflag:s12], $0x8000  }
0x10: {  	p0 =	por !p0, !p0;
	[sflag:s12] =	ssyncset.done @!p1 $0x0  }
0x11: {  	s11 =	smov.u32 s10;
	s10 =	smov.u32 s13;
	[sflag:s12] =	ssyncadd.s32 @!p1 $0xFFFF8000  }
.LBB2_1:
0x12: {  	p1 =	sgt.u32 s9, $0x1  }
0x13: {  	s12 =	sshll.u32 @!p1 s9, $0x8;
	s13 =	sshrl.u32 @!p1 s10, $0x3  }
0x14: {  	s14 =	sand.u32 @!p1 $0x7, s10;
	s12 =	sxor.u32 @!p1 $0x100, s12;
	s13 =	sadd.s32 @!p1 s3, s13  }
0x15: {  	[tilespmem:s12], [sflag:$0x2] =	stream.linear.gather @!p1 [hbm4b:s13+s14], $0x100, $0x38;
	[tilespmem:$0x10200] =	vst v63  }
0x16: {  	p1 =	seq.s32 s9, $0x0  }
0x17: {  	p2 =	seq.s32 @!p1 s9, $0x3  }
0x18: {  	p1 =	por p1, p2  }
.Ltmp2:
0x19: {  	_ = 	snop;
	(pc) =	sbr.rel @p1 .LBB2_7-.Ltmp2, $1  }
0x1a: {  	_ =	sdelay $0x3  }
0x1b: {  	s12 =	simm.s32 $0x1  }
0x1c: {  	_ =	swait.ge [sflag:s5], $0x100;
	s12 =	simm.s32 @!p0 $0x0  }
0x1d: {  	[sflag:s5] =	ssyncset.done $0x0;
	s14 =	sshll.u32 s12, $0x8  }
0x1e: {  	[sflag:s5] =	ssyncadd.s32 $0xFFFFFF00;
	s13 =	sadd.s32 $0x0, s14  }
0x1f: {  	v0 =	vld.msk [tilespmem:s13+$0x0 ss:$0x1], $0xffff;
	_ =	sdelay $0x4  }
0x20: {  	vm2 =	vgt.s32 v0, $0x0  }
0x21: {  	v0 =	vnsel vm2, $0x0, v0  }
0x22: {  	v0 =	vmin.u32 v0, $0xF423F  }
0x23: {  	v0 =	vshll.u32 v0, $0x4;
	_ =	sdelay $0x2  }
0x24: {  	s12 =	sshll.u32 s12, $0xF  }
0x25: {  	s12 =	sor.u32 $0x200, s12  }
0x26: {  	[tilespmem:s12], [sflag:$0x1] =	stream.indirect_vreg.gather [hbm:s2], $0x80, v0, vm0, $0x38;
	[tilespmem:$0x10200] =	vst v63  }
0x27: {  	s15 =	sadd.s32 $0x10, s14;
	s13 =	sadd.s32 $0x400, s12  }
0x28: {  	[tilespmem:s13], [sflag:$0x1] =	stream.indirect_vreg.gather [hbm:s2], $0x80, v0, vm1, $0x38;
	[tilespmem:$0x10200] =	vst v63  }
0x29: {  	s16 =	simm.s32 $0x80;
	v0 =	vld.msk [tilespmem:s15+$0x0 ss:$0x1], $0xffff;
	s15 =	smov.u32 s12  }
.LBB2_3:
0x2a: {  	p1 =	sne.s32 s16, $0x3C0;
	_ =	sdelay $0x4  }
0x2b: {  	vm2 =	vgt.s32 v0, $0x0  }
0x2c: {  	v0 =	vnsel vm2, $0x0, v0  }
0x2d: {  	v0 =	vmin.u32 v0, $0xF423F  }
0x2e: {  	v0 =	vshll.u32 v0, $0x4;
	_ =	sdelay $0x3  }
.Ltmp3:
0x2f: {  	s17 =	sshra.s32 s16, $0x2;
	s15 =	sadd.s32 $0x800, s15;
	(pc) =	sbr.rel @p1 .LBB2_3-.Ltmp3, $4  }
0x30: {  	[tilespmem:s15], [sflag:$0x1] =	stream.indirect_vreg.gather [hbm:s2], $0x80, v0, vm0, $0x38;
	[tilespmem:$0x10200] =	vst v63  }
0x31: {  	s17 =	sadd.s32 s17, s14;
	s18 =	sadd.s32 $0x400, s15  }
0x32: {  	[tilespmem:s18], [sflag:$0x1] =	stream.indirect_vreg.gather [hbm:s2], $0x80, v0, vm1, $0x38;
	[tilespmem:$0x10200] =	vst v63  }
0x33: {  	s16 =	sadd.s32 $0x40, s16;
	v0 =	vld.msk [tilespmem:s17+$0x0 ss:$0x1], $0xffff  }
0x34: {  	_ =	sdelay $0x3  }
0x35: {  	vm2 =	vgt.s32 v0, $0x0  }
0x36: {  	v0 =	vnsel vm2, $0x0, v0  }
0x37: {  	v0 =	vmin.u32 v0, $0xF423F  }
0x38: {  	v0 =	vshll.u32 v0, $0x4;
	_ =	sdelay $0x3  }
0x39: {  	s14 =	sadd.s32 $0x800, s15  }
0x3a: {  	[tilespmem:s14], [sflag:$0x1] =	stream.indirect_vreg.gather [hbm:s2], $0x80, v0, vm0, $0x38;
	[tilespmem:$0x10200] =	vst v63  }
0x3b: {  	s14 =	sadd.s32 $0x400, s14  }
0x3c: {  	[tilespmem:s14], [sflag:$0x1] =	stream.indirect_vreg.gather [hbm:s2], $0x80, v0, vm1, $0x38;
	[tilespmem:$0x10200] =	vst v63  }
0x3d: {  	s11 =	sshll.u32 s11, $0x4;
	_ =	swait.ge [sflag:s4], $0x8000  }
0x3e: {  	s11 =	sadd.s32 s11, s7;
	[sflag:s4] =	ssyncset.done $0x0  }
0x3f: {  	s15 =	sadd.s32 $0x0, s11;
	s14 =	simm.s32 $0x80;
	[sflag:s4] =	ssyncadd.s32 $0xFFFF8000  }
.LBB2_5:
0x40: {  	[hbm:s15] =	stream.linear.scatter [tilespmem:s12], [sflag:$0x3], $0x400, $0x38;
	[tilespmem:$0x10200] =	vst v63  }
0x41: {  	s15 =	smov.u32 s14;
	s12 =	smov.u32 s13;
	p1 =	sne.s32 s14, $0xF80  }
.Ltmp4:
0x42: {  	s14 =	sadd.s32 $0x80, s14;
	(pc) =	sbr.rel @p1 .LBB2_5-.Ltmp4, $2  }
0x43: {  	_ =	sdelay $0x2  }
0x44: {  	s13 =	sadd.s32 $0x400, s13;
	s15 =	sadd.s32 s15, s11  }
.Ltmp5:
0x45: {  	(pc) =	sbr.rel .LBB2_7-.Ltmp5, $2  }
0x46: {  	_ =	sdelay $0x2  }
0x47: {  	[hbm:s15] =	stream.linear.scatter [tilespmem:s12], [sflag:$0x3], $0x400, $0x38;
	[tilespmem:$0x10200] =	vst v63  }
.LBB2_8:
0x48: {  	_ =	sfence.sel $0x180000  }
0x49: {  	s2 =	simm.s32 $0x2;
	[bflag:$0x0] =	sbarrier.arrive $0xFFFF  }
0x4a: {  	s30 =	simm.s32 $0x3;
	[sflag:s2] =	ssyncpa.u1 $0x1  }
0x4b: {  	s31 =	simm.s32 $0x1;
	[sflag:s30] =	ssyncpa.u1 $0x1  }
0x4c: {  	[sflag:s31] =	ssyncpa.u1 $0x1  }
0x4d: {  	p0 =	sne.s32 s1, $0x0;
	_ =	strace $0x9000004A  }
0x4e: {  	s0 =	sadd.s32 @!p0 $0x100000, s0;
	[bflag:$0x2] =	sbarrier.arrive $0xFFFF  }
0x4f: {  	[sflag:s0] =	ssyncadd.tile.s32 @!p0 $0x1;
	_ =	shalt  }
.Lfunc_end2:
_tile_overlayer_lowered:
.L_overlay_start_2:
0x50: {  	(tag) =	ssettag $0x2  }
0x51: {  	s0 =	rddreg [dreg:$0x0];
	s2 =	stileid.u32  }
0x52: {  	s1 =	rddreg [dreg:$0x1];
	p0 =	sne.s32 s2, $0x0  }
0x53: {  	s3 =	rddreg [dreg:$0x2];
	[bflag:$0x3] =	sbarrier.arrive $0xFFFF;
	s2 =	simm.s32 @!p0 $0x1C01  }
0x54: {  	[timem:s3], [sflag:s2] =	dma.local @!p0 [hbm:s0], s1  }
0x55: {  	s0 =	simm.s32 @!p0 $0x1  }
0x56: {  	_ =	swait.ge @!p0 [sflag:s0], s1  }
0x57: {  	s1 =	ssub.s32 @!p0 $0x0, s1;
	[sflag:s0] =	ssyncset.done @!p0 $0x0  }
0x58: {  	[sflag:s0] =	ssyncadd.s32 @!p0 s1  }
0x59: {  	[bflag:$0x3] =	sbarrier.arrive $0xFFFF  }
0x5a: {  	_ =	shalt  }

// kernel: kernel.4.cloned.1.call-start
scs
__scs_entry_jumppad:
0x0: {  	(pc) =	sbr.rel $0x88, $3  }
0x1: {  	(tag) =	ssettag $0x0;
	lr =	simm.s32 $0x1  }
0x2: {  	[smem:$0x3F9B] =	sst lr;
	_ =	strace $0xD0000000  }
0x3: {  	_ = 	snop  }
0x4: {  	_ = 	snop  }
0x5: {  	_ = 	snop  }
0x6: {  	_ = 	snop  }
0x7: {  	_ = 	snop  }
__scs_overlays_trampoline_lowered:
0x8: {  	[smem:$0x3FAA] =	sst s0  }
0x9: {  	[smem:$0x3FAB] =	sst s1  }
0xa: {  	[smem:$0x3FAC] =	sst s2  }
0xb: {  	[smem:$0x3FAD] =	sst s3  }
0xc: {  	[smem:$0x3FAE] =	sst s4  }
0xd: {  	[smem:$0x3FAF] =	sst s5  }
0xe: {  	[smem:$0x3FB0] =	sst s6  }
0xf: {  	[smem:$0x3FB1] =	sst s7  }
0x10: {  	[smem:$0x3FB2] =	sst s8  }
0x11: {  	[smem:$0x3FB3] =	sst s9;
	s0 =	simm.s32 @!p0 $0x0  }
0x12: {  	s1 =	sld [smem:$0x3F99];
	s0 =	simm.s32 @p0 $0x1  }
0x13: {  	[smem:$0x3FB4] =	sst s0;
	s0 =	simm.s32 @!p1 $0x0  }
0x14: {  	s2 =	sld [smem:$0x3F98];
	s0 =	simm.s32 @p1 $0x1  }
0x15: {  	[smem:$0x3FB5] =	sst s0;
	s0 =	simm.s32 @!p2 $0x0  }
0x16: {  	s3 =	sld [smem:$0x3FDB];
	s0 =	simm.s32 @p2 $0x1  }
0x17: {  	s4 =	simm.s32 $0x1BF5;
	[smem:$0x3FB7] =	sst s0  }
0x18: {  	s0 =	sld [smem:$0x3F9A];
	_ =	swait.ge [sflag:s4], $0x0  }
0x19: {  	s7 =	sld [smem:$0x3F9B]  }
0x1a: {  	s8 =	sadd.s32 $0xFFFFE003, lr  }
0x1b: {  	s9 =	sadd.s32 $0xFFFFFEF7, lr;
	s5 =	simm.s32 $0xFFFFFFFF;
	p2 =	slt.u32 s8, $0xFFFFF086  }
0x1c: {  	p1 =	slt.u32 s9, $0xF7A;
	s5 =	simm.s32 @!p2 $0x0  }
0x1d: {  	s5 =	simm.s32 @p1 $0x1;
	p0 =	seq.s32 s7, s2  }
0x1e: {  	s7 =	smul.u32 @!p0 $0xF7A, s2;
	p2 =	seq.s32 @!p0 s5, $0x0  }
0x1f: {  	s9 =	smul.u32 $0xF7A, s1;
	s8 =	simm.s32 @!p0 $0x1BF5;
	p2 =	por !p2, p0  }
0x20: {  	[sflag:s8] =	ssyncset.s32 @!p0 $0xFFFFF086;
	s6 =	sadd.s32 @!p0 s3, s7;
	s7 =	simm.s32 @!p0 $0x108  }
0x21: {  	s3 =	sadd.s32 s3, s9;
	s6 =	sadd.s32 @!p0 $0x88, s6;
	s7 =	simm.s32 @p2 $0x1082  }
0x22: {  	[simem:s7], [sflag:s8] =	dma.local @!p0 [hbm:s6], $0xF7A  }
0x23: {  	s9 =	sor.u32 $0xD0000000, s2;
	s6 =	simm.s32 $0x108;
	_ =	swait.ge @!p0 [sflag:s8], $0x0  }
0x24: {  	s3 =	sadd.s32 $0x88, s3;
	s6 =	simm.s32 @!p1 $0x1082;
	[sflag:s4] =	ssyncset.s32 $0xFFFFF086  }
0x25: {  	[simem:s6], [sflag:s4] =	dma.local [hbm:s3], $0xF7A  }
0x26: {  	[smem:$0x3F9B] =	sst s1;
	(tag) =	ssettag s2;
	_ =	strace s9  }
0x27: {  	s1 =	sld [smem:$0x3FAB]  }
0x28: {  	s2 =	sld [smem:$0x3FAC]  }
0x29: {  	s4 =	sld [smem:$0x3FAE]  }
0x2a: {  	p0 =	seq.s32 s5, $0x0;
	s5 =	sld [smem:$0x3FAF]  }
0x2b: {  	s6 =	sld [smem:$0x3FB0]  }
0x2c: {  	s7 =	sld [smem:$0x3FB1]  }
0x2d: {  	s3 =	simm.s32 $0x108;
	s8 =	sld [smem:$0x3FB2]  }
0x2e: {  	s3 =	simm.s32 @!p0 $0x1082;
	s9 =	sld [smem:$0x3FB3]  }
0x2f: {  	lr =	sadd.s32 s0, s3;
	s0 =	sld [smem:$0x3FAA]  }
0x30: {  	s3 =	sld [smem:$0x3FAD]  }
0x31: {  	[smem:$0x3FB6] =	sst s10  }
0x32: {  	s10 =	sld [smem:$0x3FB4];
	_ =	sdelay $0x3  }
0x33: {  	p0 =	seq.s32 s10, $0x1;
	s10 =	sld [smem:$0x3FB6];
	_ =	sdelay $0x3  }
0x34: {  	[smem:$0x3FB6] =	sst s10  }
0x35: {  	s10 =	sld [smem:$0x3FB5];
	_ =	sdelay $0x3  }
0x36: {  	p1 =	seq.s32 s10, $0x1;
	s10 =	sld [smem:$0x3FB6];
	_ =	sdelay $0x3  }
0x37: {  	[smem:$0x3FB6] =	sst s10  }
0x38: {  	s10 =	sld [smem:$0x3FB7]  }
0x39: {  	_ = 	snop;
	(pc) =	sbr.ind lr, $3  }
0x3a: {  	_ = 	snop  }
0x3b: {  	_ = 	snop  }
0x3c: {  	p2 =	seq.s32 s10, $0x1;
	s10 =	sld [smem:$0x3FB6]  }
0x3d: {  	_ =	shalt  }
0x3e: {  	_ =	shalt  }
0x3f: {  	_ =	shalt  }
0x40: {  	_ =	shalt  }
0x41: {  	_ =	shalt  }
0x42: {  	_ =	shalt  }
0x43: {  	_ =	shalt  }
0x44: {  	_ =	shalt  }
0x45: {  	_ =	shalt  }
0x46: {  	_ =	shalt  }
0x47: {  	_ =	shalt  }
0x48: {  	_ =	shalt  }
0x49: {  	_ =	shalt  }
0x4a: {  	_ =	shalt  }
0x4b: {  	_ =	shalt  }
0x4c: {  	_ =	shalt  }
0x4d: {  	_ =	shalt  }
0x4e: {  	_ =	shalt  }
0x4f: {  	_ =	shalt  }
0x50: {  	_ =	shalt  }
0x51: {  	_ =	shalt  }
0x52: {  	_ =	shalt  }
0x53: {  	_ =	shalt  }
0x54: {  	_ =	shalt  }
0x55: {  	_ =	shalt  }
0x56: {  	_ =	shalt  }
0x57: {  	_ =	shalt  }
0x58: {  	_ =	shalt  }
0x59: {  	_ =	shalt  }
0x5a: {  	_ =	shalt  }
0x5b: {  	_ =	shalt  }
0x5c: {  	_ =	shalt  }
0x5d: {  	_ =	shalt  }
0x5e: {  	_ =	shalt  }
0x5f: {  	_ =	shalt  }
0x60: {  	_ =	shalt  }
0x61: {  	_ =	shalt  }
0x62: {  	_ =	shalt  }
0x63: {  	_ =	shalt  }
0x64: {  	_ =	shalt  }
0x65: {  	_ =	shalt  }
0x66: {  	_ =	shalt  }
0x67: {  	_ =	shalt  }
0x68: {  	_ =	shalt  }
0x69: {  	_ =	shalt  }
0x6a: {  	_ =	shalt  }
0x6b: {  	_ =	shalt  }
0x6c: {  	_ =	shalt  }
0x6d: {  	_ =	shalt  }
0x6e: {  	_ =	shalt  }
0x6f: {  	_ =	shalt  }
0x70: {  	_ =	shalt  }
0x71: {  	_ =	shalt  }
0x72: {  	_ =	shalt  }
0x73: {  	_ =	shalt  }
0x74: {  	_ =	shalt  }
0x75: {  	_ =	shalt  }
0x76: {  	_ =	shalt  }
0x77: {  	_ =	shalt  }
0x78: {  	_ =	shalt  }
0x79: {  	_ =	shalt  }
0x7a: {  	_ =	shalt  }
0x7b: {  	_ =	shalt  }
0x7c: {  	_ =	shalt  }
0x7d: {  	_ =	shalt  }
0x7e: {  	_ =	shalt  }
0x7f: {  	_ =	shalt  }
0x80: {  	_ =	shalt  }
0x81: {  	_ =	shalt  }
0x82: {  	_ =	shalt  }
0x83: {  	_ =	shalt  }
0x84: {  	_ =	shalt  }
0x85: {  	_ =	shalt  }
0x86: {  	_ =	shalt  }
0x87: {  	_ =	shalt  }
.Lfunc_end0:
.L_simem_size_0:
called_computation.3_lowered:
.L_overlay_start_0:
0x88: {  	s2 =	sld [smem:$0x3FD9]  }
0x89: {  	s3 =	sld [smem:$0x3FFE];
	_ =	sdelay $0x1  }
0x8a: {  	s1 =	srdreg.scid  }
0x8b: {  	s0 =	sand.u32 $0x1, s1  }
0x8c: {  	s16 =	sshll.u32 s0, $0xA;
	s2 =	sadd.s32 s3, s2  }
0x8d: {  	s2 =	sadd.s32 s2, s16  }
0x8e: {  	[smem:$0x3FC2] =	sst s2  }
0x8f: {  	_ = 	snop  }
0x90: {  	(tm) =	ssettm $0x1  }
0x91: {  	s17 =	sld [smem:$0x3FFB];
	_ =	sdelay $0x3  }
0x92: {  	_ =	strace s17  }
0x93: {  	s2 =	sld [smem:$0x3FFC];
	_ =	sdelay $0x3  }
0x94: {  	_ =	strace s2  }
0x95: {  	s2 =	sld [smem:$0x3FFD];
	_ =	sdelay $0x3  }
0x96: {  	_ =	strace s2  }
0x97: {  	_ =	strace $0x8FFFFFFF  }
0x98: {  	s18 =	sld [smem:$0x3FDB];
	_ =	sdelay $0x1  }
0x99: {  	s19 =	simm.s32 $_scs_section_size  }
0x9a: {  	s4 =	simm.s32 $_size__tile_overlayer_lowered;
	s5 =	simm.s32 $_tile_overlayer_lowered  }
0x9b: {  	s22 =	simm.s32 $0x1BFF;
	s21 =	sshll.u32 s5, $0x1;
	s2 =	sadd.s32 s19, s18  }
0x9c: {  	s6 =	simm.s32 $0x0;
	s20 =	sshll.u32 s4, $0x1;
	s4 =	sadd.s32 s21, s2  }
0x9d: {  	[timem:s6], [sflag:s22] =	dma.local [hbm:s4], s20  }
0x9e: {  	_ =	swait.ge [sflag:s22], s20  }
0x9f: {  	s3 =	ssub.s32 $0x0, s20;
	[sflag:s22] =	ssyncset.done $0x0  }
0xa0: {  	[sflag:s22] =	ssyncadd.s32 s3;
	_ =	sdelay $0x1  }
0xa1: {  	s23 =	simm.s32 $0x1B8B  }
0xa2: {  	_ =	swait.ge [sflag:s23], $0x1  }
0xa3: {  	[sflag:s23] =	ssyncset.done $0x0  }
0xa4: {  	s25 =	simm.s32 $0x1B8E;
	s24 =	sld [smem:$0x3FFE];
	[sflag:s23] =	ssyncadd.s32 $0xFFFFFFFF  }
0xa5: {  	s26 =	simm.s32 $execute0_lowered;
	[smem:$0x3FD2] =	sst s25  }
0xa6: {  	s4 =	sshll.u32 s26, $0x1;
	_ =	strace $0x8000004F;
	[dreg:$0x1] =	wrdreg $0xFFFFFFFF  }
0xa7: {  	s28 =	simm.s32 $_size_execute0_lowered;
	s2 =	sadd.s32 s2, s4;
	[dreg:$0x0] =	wrdreg $0x0  }
0xa8: {  	s4 =	sshll.u32 s28, $0x1;
	[dreg:$0x2] =	wrdreg s2  }
0xa9: {  	[dreg:$0x3] =	wrdreg s4  }
0xaa: {  	[dreg:$0x4] =	wrdreg $0xC0  }
0xab: {  	_ =	task [dreg:s6], $0x5FFFF  }
0xac: {  	[dreg:$0x1] =	wrdreg $0xFFFFFFFF  }
0xad: {  	[dreg:$0x0] =	wrdreg $0x60  }
0xae: {  	[dreg:$0x2] =	wrdreg s24  }
0xaf: {  	[dreg:$0x3] =	wrdreg $0x9  }
0xb0: {  	_ =	task.clear_ibuf [dreg:s6], $0x4FFFF;
	_ =	strace $0x9000004F  }
0xb1: {  	s29 =	simm.s32 $0x9;
	_ =	strace $0x80000051  }
0xb2: {  	_ =	swait.ge [sflag:s29], $0x1  }
0xb3: {  	[sflag:s29] =	ssyncadd.s32 $0xFFFFFFFF  }
0xb4: {  	_ =	strace $0x90000051  }
0xb5: {  	_ =	sfence  }
0xb6: {  	s30 =	sld [smem:$0x0];
	_ =	sdelay $0x2  }
0xb7: {  	s31 =	sshll.u32 s1, $0xD;
	s1 =	sshrl.u32 s1, $0x2  }
0xb8: {  	s3 =	sand.u32 $0x4000, s31;
	s1 =	sadd.s32 s1, s30  }
0xb9: {  	s0 =	sor.u32 s3, s0;
	s1 =	sshll.u32 s1, $0x11  }
0xba: {  	s0 =	sor.u32 s1, s0  }
0xbb: {  	s0 =	sadd.s32 $0x8F2B, s0  }
0xbc: {  	[sflag:s0] =	ssyncadd.remote.s32 $0x1  }
0xbd: {  	_ =	sfence.sel $0xFFFF  }
0xbe: {  	[dreg:$0x0] =	wrdreg $0xFFFFFFFF;
	(pc) =	sbr.abs _section_cstart, $3  }
0xbf: {  	[dreg:$0x1] =	wrdreg $0xFFFFFFFF  }
0xc0: {  	_ =	task.clear_ibuf [dreg:s6], $0x2FFFF;
	_ =	strace $0x9FFFFFFF  }
0xc1: {  	(tm) =	ssettm $0x7FFFFFFF  }
tec
execute0_lowered:
.L_overlay_start_1:
0x0: {  	(tag) =	ssettag $0x1  }
0x1: {  	s0 =	rddreg [dreg:$0x0];
	s1 =	simm.s32 $0x0;
	s2 =	srdreg.scid  }
0x2: {  	s5 =	stileid.u32;
	s13 =	simm.s32 $0x5;
	s14 =	simm.s32 $0x500  }
0x3: {  	s15 =	simm.s32 $0x80;
	s24 =	simm.s32 $0x280;
	s25 =	simm.s32 $0xD00  }
0x4: {  	s17 =	simm.s32 $0xA700;
	s18 =	simm.s32 $0x3;
	s19 =	simm.s32 $0x1  }
0x5: {  	s20 =	simm.s32 $0xB900;
	s21 =	simm.s32 $0xBA00;
	s22 =	simm.s32 $0xBB00  }
0x6: {  	v1 =	vlaneseq.u32;
	s23 =	simm.s32 $0x4;
	s9 =	simm.s32 $0xBDA0;
	[smem:$0x7FF] =	sst s1  }
0x7: {  	s3 =	sadd.s32 $0x7E2E00, s0;
	s2 =	sand.u32 $0x1, s2;
	s6 =	sshll.u32 s5, $0x1;
	v0 =	vmul.u32 $0x2, v1  }
0x8: {  	s4 =	sadd.s32 $0x3D2400, s0;
	v1 =	vmul.u32 $0x10, v1;
	s7 =	ssub.s32 $0x2, s2;
	s2 =	sor.u32 s2, s6  }
0x9: {  	s5 =	sadd.s32 $0x1A00, s0;
	s31 =	sshrl.u32 s7, $0x1;
	s8 =	smul.u32 $0x500, s2;
	v2 =	vor.u32 $0x1, v0;
	v3 =	vor.u32 $0x20, v0;
	v4 =	vor.u32 $0x21, v0  }
0xa: {  	_ =	strace $0x80000050;
	s6 =	sadd.s32 $0x3F2400, s0;
	v5 =	vor.u32 $0x1, v1;
	v6 =	vor.u32 $0x2, v1;
	v7 =	vor.u32 $0x3, v1;
	s0 =	ssub.s32 s7, s31  }
0xb: {  	v8 =	vor.u32 $0x4, v1;
	v9 =	vor.u32 $0x5, v1;
	v10 =	vor.u32 $0x6, v1;
	s7 =	sshll.u32 s2, $0x9;
	s2 =	sshll.u32 s2, $0xC;
	s8 =	sadd.s32 s3, s8  }
0xc: {  	v11 =	vor.u32 $0x7, v1;
	v12 =	vor.u32 $0x8, v1;
	v13 =	vor.u32 $0x9, v1;
	s2 =	sadd.s32 s4, s2;
	s10 =	sor.u32 $0x20, s7;
	[dreg:$0x2] =	wrdreg s8  }
0xd: {  	v14 =	vor.u32 $0xA, v1;
	v15 =	vor.u32 $0xB, v1;
	v16 =	vor.u32 $0xC, v1;
	s11 =	sor.u32 $0x40, s7;
	s0 =	smax.u32 s0, $0x1;
	[dreg:$0x3] =	wrdreg s2  }
0xe: {  	v17 =	vor.u32 $0xD, v1;
	v18 =	vor.u32 $0xE, v1;
	v19 =	vor.u32 $0xF, v1;
	[dreg:$0x4] =	wrdreg s0;
	s8 =	simm.s32 $0x2;
	s2 =	simm.s32 $0x0  }
.LBB2_1:
0xf: {  	[dreg:$0x5] =	wrdreg s2  }
0x10: {  	s0 =	rddreg [dreg:$0x2]  }
0x11: {  	[tilespmem:s1], [sflag:$0x5] =	stream.linear.gather [hbm4b:s0+s1], $0x280, $0x38;
	[tilespmem:$0xC040] =	vst v63  }
0x12: {  	_ =	swait.ge [sflag:s13], $0x280  }
0x13: {  	[sflag:s13] =	ssyncset.done $0x0  }
0x14: {  	s31 =	rddreg [dreg:$0x3];
	[sflag:s13] =	ssyncadd.s32 $0xFFFFFD80  }
0x15: {  	[tilespmem:s14], [sflag:$0x3] =	stream.linear.gather [hbm4b:s31+s1], $0x800, $0x38;
	[tilespmem:$0xC040] =	vst v63  }
0x16: {  	s2 =	simm.s32 $0x1500  }
0x17: {  	[tilespmem:s2], [sflag:$0x1] =	stream.indirect.gather [hbm4b:s5+s15], $0x20, s1, s15, $0xb8;
	[tilespmem:$0xC040] =	vst v63  }
0x18: {  	s12 =	simm.s32 $0x2500  }
0x19: {  	[tilespmem:s12], [sflag:$0x1] =	stream.indirect.gather [hbm4b:s5+s15], $0x20, s15, s15, $0xb8;
	[tilespmem:$0xC040] =	vst v63  }
0x1a: {  	s16 =	simm.s32 $0x100;
	s26 =	simm.s32 $0x3500  }
0x1b: {  	[tilespmem:s26], [sflag:$0x1] =	stream.indirect.gather [hbm4b:s5+s15], $0x20, s16, s15, $0xb8;
	[tilespmem:$0xC040] =	vst v63  }
0x1c: {  	s28 =	simm.s32 $0x180;
	s29 =	simm.s32 $0x4500  }
0x1d: {  	[tilespmem:s29], [sflag:$0x1] =	stream.indirect.gather [hbm4b:s5+s15], $0x20, s28, s15, $0xb8;
	[tilespmem:$0xC040] =	vst v63  }
0x1e: {  	s30 =	simm.s32 $0x200;
	s31 =	simm.s32 $0x5500;
	s12 =	simm.s32 $0x0  }
0x1f: {  	[tilespmem:s31], [sflag:$0x1] =	stream.indirect.gather [hbm4b:s5+s15], $0x20, s30, s15, $0xb8;
	[tilespmem:$0xC040] =	vst v63  }
.LBB2_2:
0x20: {  	s28 =	sshll.u32 s12, $0x6  }
0x21: {  	s0 =	sadd.s32 s10, s28  }
0x22: {  	s26 =	smul.u32 $0x14, s0;
	_ =	sdelay $0x1  }
0x23: {  	s26 =	sshrl.u32 s26, $0x3  }
0x24: {  	s29 =	simm.s32 $0x0;
	s30 =	sadd.s32 s3, s26  }
0x25: {  	[tilespmem:s24], [sflag:$0x5] =	stream.linear.gather [hbm4b:s30+s29], $0x280, $0x38;
	[tilespmem:$0xC040] =	vst v63  }
0x26: {  	s0 =	sshll.u32 s0, $0x3;
	_ =	swait.ge [sflag:s13], $0x280  }
0x27: {  	s0 =	sand.u32 $0x1FFFFF00, s0;
	[sflag:s13] =	ssyncset.done $0x0  }
0x28: {  	s0 =	sadd.s32 s4, s0;
	[sflag:s13] =	ssyncadd.s32 $0xFFFFFD80  }
0x29: {  	[tilespmem:s25], [sflag:$0x4] =	stream.linear.gather [hbm4b:s0+s29], $0x800, $0x38;
	[tilespmem:$0xC040] =	vst v63  }
0x2a: {  	s2 =	simm.s32 $0x6700  }
0x2b: {  	[tilespmem:s2], [sflag:$0x2] =	stream.indirect.gather [hbm4b:s5+s15], $0x20, s24, s15, $0xb8;
	[tilespmem:$0xC040] =	vst v63  }
0x2c: {  	s16 =	simm.s32 $0x300;
	s2 =	simm.s32 $0x7700  }
0x2d: {  	[tilespmem:s2], [sflag:$0x2] =	stream.indirect.gather [hbm4b:s5+s15], $0x20, s16, s15, $0xb8;
	[tilespmem:$0xC040] =	vst v63  }
0x2e: {  	s2 =	simm.s32 $0x380;
	s16 =	simm.s32 $0x8700  }
0x2f: {  	[tilespmem:s16], [sflag:$0x2] =	stream.indirect.gather [hbm4b:s5+s15], $0x20, s2, s15, $0xb8;
	[tilespmem:$0xC040] =	vst v63  }
0x30: {  	s2 =	simm.s32 $0x400;
	s16 =	simm.s32 $0x9700  }
0x31: {  	[tilespmem:s16], [sflag:$0x2] =	stream.indirect.gather [hbm4b:s5+s15], $0x20, s2, s15, $0xb8;
	[tilespmem:$0xC040] =	vst v63  }
0x32: {  	s16 =	simm.s32 $0x480  }
0x33: {  	[tilespmem:s17], [sflag:$0x2] =	stream.indirect.gather [hbm4b:s5+s15], $0x20, s16, s15, $0xb8;
	[tilespmem:$0xC040] =	vst v63  }
0x34: {  	_ =	swait.ge [sflag:s18], $0x800  }
0x35: {  	[sflag:s18] =	ssyncset.done $0x0  }
0x36: {  	[sflag:s18] =	ssyncadd.s32 $0xFFFFF800  }
0x37: {  	_ =	swait.ge [sflag:s19], $0x1000  }
0x38: {  	[sflag:s19] =	ssyncset.done $0x0  }
0x39: {  	[sflag:s19] =	ssyncadd.s32 $0xFFFFF000  }
0x3a: {  	_ =	swait.ge [sflag:s19], $0x1000  }
0x3b: {  	[sflag:s19] =	ssyncset.done $0x0  }
0x3c: {  	[sflag:s19] =	ssyncadd.s32 $0xFFFFF000  }
0x3d: {  	_ =	swait.ge [sflag:s19], $0x1000  }
0x3e: {  	[sflag:s19] =	ssyncset.done $0x0  }
0x3f: {  	[sflag:s19] =	ssyncadd.s32 $0xFFFFF000  }
0x40: {  	_ =	swait.ge [sflag:s19], $0x1000  }
0x41: {  	[sflag:s19] =	ssyncset.done $0x0  }
0x42: {  	[sflag:s19] =	ssyncadd.s32 $0xFFFFF000  }
0x43: {  	_ =	swait.ge [sflag:s19], $0x1000  }
0x44: {  	s31 =	simm.s32 $0x1640;
	[sflag:s19] =	ssyncset.done $0x0  }
0x45: {  	s30 =	simm.s32 $0xBB00;
	s0 =	simm.s32 $0x0;
	[sflag:s19] =	ssyncadd.s32 $0xFFFFF000  }
.LBB2_3:
0x46: {  	s2 =	sshll.u32 s0, $0x6  }
0x47: {  	v20 =	vor.u32 s2, v0  }
0x48: {  	v22 =	vor.u32 s2, v2;
	_ =	sdelay $0x1  }
0x49: {  	v24 =	vor.u32 s2, v3  }
0x4a: {  	v25 =	vld [tilespmem:s31+$0xFFFFFEC0]  }
0x4b: {  	v21 =	vld.idx.msk [tilespmem:v20+s14+$0x0], $0xffff;
	v20 =	vor.u32 s2, v4  }
0x4c: {  	v23 =	vld.idx.msk [tilespmem:v22+s14+$0x0], $0xffff  }
0x4d: {  	v26 =	vld [tilespmem:s31+$0xFFFFFED0]  }
0x4e: {  	v22 =	vld.idx.msk [tilespmem:v24+s14+$0x0], $0xffff;
	_ =	sdelay $0x1  }
0x4f: {  	v42 =	vunpack.i.u.bf16.f32 v25;
	v25 =	vunpack.i.l.bf16.f32 v25;
	v20 =	vld.idx.msk [tilespmem:v20+s14+$0x0], $0xffff  }
0x50: {  	v25 =	vmul.f32 v25, v21;
	v24 =	vmul.f32 v42, v23  }
0x51: {  	v27 =	vunpack.i.l.bf16.f32 v26  }
0x52: {  	v43 =	vmul.f32 v27, v22;
	v24 =	vadd.f32 v25, v24  }
0x53: {  	v26 =	vunpack.i.u.bf16.f32 v26  }
0x54: {  	v24 =	vadd.f32 v43, v24;
	v44 =	vmul.f32 v26, v20;
	_ =	sdelay $0x1  }
0x55: {  	v24 =	vadd.f32 v24, v44;
	_ =	sdelay $0x1  }
0x56: {  	[tilespmem:$0xB900] =	vst v24  }
0x57: {  	v24 =	vld [tilespmem:s31+$0xFFFFFEE0];
	_ =	sdelay $0x1  }
0x58: {  	v45 =	vld [tilespmem:s31+$0xFFFFFEF0];
	_ =	sdelay $0x2  }
0x59: {  	v46 =	vunpack.i.u.bf16.f32 v24;
	v24 =	vunpack.i.l.bf16.f32 v24  }
0x5a: {  	v24 =	vmul.f32 v24, v21;
	v26 =	vmul.f32 v46, v23  }
0x5b: {  	v47 =	vunpack.i.l.bf16.f32 v45  }
0x5c: {  	v48 =	vmul.f32 v47, v22;
	v24 =	vadd.f32 v24, v26  }
0x5d: {  	v25 =	vunpack.i.u.bf16.f32 v45  }
0x5e: {  	v25 =	vmul.f32 v25, v20;
	v24 =	vadd.f32 v48, v24;
	_ =	sdelay $0x1  }
0x5f: {  	v24 =	vadd.f32 v24, v25;
	_ =	sdelay $0x1  }
0x60: {  	[tilespmem:$0xB910] =	vst v24  }
0x61: {  	v24 =	vld [tilespmem:s31+$0xFFFFFF00];
	_ =	sdelay $0x1  }
0x62: {  	v49 =	vld [tilespmem:s31+$0xFFFFFF10];
	_ =	sdelay $0x2  }
0x63: {  	v50 =	vunpack.i.u.bf16.f32 v24;
	v24 =	vunpack.i.l.bf16.f32 v24  }
0x64: {  	v24 =	vmul.f32 v24, v21;
	v26 =	vmul.f32 v50, v23  }
0x65: {  	v51 =	vunpack.i.l.bf16.f32 v49  }
0x66: {  	v52 =	vmul.f32 v51, v22;
	v24 =	vadd.f32 v24, v26  }
0x67: {  	v25 =	vunpack.i.u.bf16.f32 v49  }
0x68: {  	v25 =	vmul.f32 v25, v20;
	v24 =	vadd.f32 v52, v24;
	_ =	sdelay $0x1  }
0x69: {  	v24 =	vadd.f32 v24, v25;
	_ =	sdelay $0x1  }
0x6a: {  	[tilespmem:$0xB920] =	vst v24  }
0x6b: {  	v24 =	vld [tilespmem:s31+$0xFFFFFF20];
	_ =	sdelay $0x1  }
0x6c: {  	v53 =	vld [tilespmem:s31+$0xFFFFFF30];
	_ =	sdelay $0x2  }
0x6d: {  	v54 =	vunpack.i.u.bf16.f32 v24;
	v24 =	vunpack.i.l.bf16.f32 v24  }
0x6e: {  	v24 =	vmul.f32 v24, v21;
	v26 =	vmul.f32 v54, v23  }
0x6f: {  	v55 =	vunpack.i.l.bf16.f32 v53  }
0x70: {  	v56 =	vmul.f32 v55, v22;
	v24 =	vadd.f32 v24, v26  }
0x71: {  	v25 =	vunpack.i.u.bf16.f32 v53  }
0x72: {  	v25 =	vmul.f32 v25, v20;
	v24 =	vadd.f32 v56, v24;
	_ =	sdelay $0x1  }
0x73: {  	v24 =	vadd.f32 v24, v25;
	_ =	sdelay $0x1  }
0x74: {  	[tilespmem:$0xB930] =	vst v24  }
0x75: {  	v24 =	vld [tilespmem:s31+$0xFFFFFF40];
	_ =	sdelay $0x1  }
0x76: {  	v57 =	vld [tilespmem:s31+$0xFFFFFF50];
	_ =	sdelay $0x2  }
0x77: {  	v58 =	vunpack.i.u.bf16.f32 v24;
	v24 =	vunpack.i.l.bf16.f32 v24  }
0x78: {  	v24 =	vmul.f32 v24, v21;
	v26 =	vmul.f32 v58, v23  }
0x79: {  	v59 =	vunpack.i.l.bf16.f32 v57  }
0x7a: {  	v60 =	vmul.f32 v59, v22;
	v24 =	vadd.f32 v24, v26  }
0x7b: {  	v25 =	vunpack.i.u.bf16.f32 v57  }
0x7c: {  	v25 =	vmul.f32 v25, v20;
	v24 =	vadd.f32 v60, v24;
	_ =	sdelay $0x1  }
0x7d: {  	v24 =	vadd.f32 v24, v25;
	_ =	sdelay $0x1  }
0x7e: {  	[tilespmem:$0xB940] =	vst v24  }
0x7f: {  	v24 =	vld [tilespmem:s31+$0xFFFFFF60];
	_ =	sdelay $0x1  }
0x80: {  	v61 =	vld [tilespmem:s31+$0xFFFFFF70];
	_ =	sdelay $0x2  }
0x81: {  	v62 =	vunpack.i.u.bf16.f32 v24;
	v24 =	vunpack.i.l.bf16.f32 v24  }
0x82: {  	v24 =	vmul.f32 v24, v21;
	v26 =	vmul.f32 v62, v23  }
0x83: {  	v63 =	vunpack.i.l.bf16.f32 v61  }
0x84: {  	v30 =	vmul.f32 v63, v22;
	v24 =	vadd.f32 v24, v26  }
0x85: {  	v25 =	vunpack.i.u.bf16.f32 v61  }
0x86: {  	v25 =	vmul.f32 v25, v20;
	v24 =	vadd.f32 v30, v24;
	_ =	sdelay $0x1  }
0x87: {  	v24 =	vadd.f32 v24, v25;
	_ =	sdelay $0x1  }
0x88: {  	[tilespmem:$0xB950] =	vst v24  }
0x89: {  	v24 =	vld [tilespmem:s31+$0xFFFFFF80];
	_ =	sdelay $0x1  }
0x8a: {  	v31 =	vld [tilespmem:s31+$0xFFFFFF90];
	_ =	sdelay $0x2  }
0x8b: {  	v32 =	vunpack.i.u.bf16.f32 v24;
	v24 =	vunpack.i.l.bf16.f32 v24  }
0x8c: {  	v24 =	vmul.f32 v24, v21;
	v26 =	vmul.f32 v32, v23  }
0x8d: {  	v33 =	vunpack.i.l.bf16.f32 v31  }
0x8e: {  	v34 =	vmul.f32 v33, v22;
	v24 =	vadd.f32 v24, v26  }
0x8f: {  	v25 =	vunpack.i.u.bf16.f32 v31  }
0x90: {  	v25 =	vmul.f32 v25, v20;
	v24 =	vadd.f32 v34, v24;
	_ =	sdelay $0x1  }
0x91: {  	v24 =	vadd.f32 v24, v25;
	_ =	sdelay $0x1  }
0x92: {  	[tilespmem:$0xB960] =	vst v24  }
0x93: {  	v24 =	vld [tilespmem:s31+$0xFFFFFFA0];
	_ =	sdelay $0x1  }
0x94: {  	v35 =	vld [tilespmem:s31+$0xFFFFFFB0];
	_ =	sdelay $0x2  }
0x95: {  	v36 =	vunpack.i.u.bf16.f32 v24;
	v24 =	vunpack.i.l.bf16.f32 v24  }
0x96: {  	v24 =	vmul.f32 v24, v21;
	v26 =	vmul.f32 v36, v23  }
0x97: {  	v37 =	vunpack.i.l.bf16.f32 v35  }
0x98: {  	v38 =	vmul.f32 v37, v22;
	v24 =	vadd.f32 v24, v26  }
0x99: {  	v25 =	vunpack.i.u.bf16.f32 v35  }
0x9a: {  	v25 =	vmul.f32 v25, v20;
	v24 =	vadd.f32 v38, v24;
	_ =	sdelay $0x1  }
0x9b: {  	v24 =	vadd.f32 v24, v25;
	_ =	sdelay $0x1  }
0x9c: {  	[tilespmem:$0xB970] =	vst v24  }
0x9d: {  	v24 =	vld [tilespmem:s31+$0xFFFFFFC0];
	_ =	sdelay $0x1  }
0x9e: {  	v39 =	vld [tilespmem:s31+$0xFFFFFFD0];
	_ =	sdelay $0x2  }
0x9f: {  	v40 =	vunpack.i.u.bf16.f32 v24;
	v24 =	vunpack.i.l.bf16.f32 v24  }
0xa0: {  	v24 =	vmul.f32 v24, v21;
	v26 =	vmul.f32 v40, v23  }
0xa1: {  	v41 =	vunpack.i.l.bf16.f32 v39  }
0xa2: {  	v42 =	vmul.f32 v41, v22;
	v24 =	vadd.f32 v24, v26  }
0xa3: {  	v25 =	vunpack.i.u.bf16.f32 v39  }
0xa4: {  	v25 =	vmul.f32 v25, v20;
	v24 =	vadd.f32 v42, v24;
	_ =	sdelay $0x1  }
0xa5: {  	v24 =	vadd.f32 v24, v25;
	_ =	sdelay $0x1  }
0xa6: {  	[tilespmem:$0xB980] =	vst v24  }
0xa7: {  	v24 =	vld [tilespmem:s31+$0xFFFFFFE0];
	_ =	sdelay $0x1  }
0xa8: {  	v43 =	vld [tilespmem:s31+$0xFFFFFFF0];
	_ =	sdelay $0x2  }
0xa9: {  	v44 =	vunpack.i.u.bf16.f32 v24;
	v24 =	vunpack.i.l.bf16.f32 v24  }
0xaa: {  	v24 =	vmul.f32 v24, v21;
	v26 =	vmul.f32 v44, v23  }
0xab: {  	v45 =	vunpack.i.l.bf16.f32 v43  }
0xac: {  	v46 =	vmul.f32 v45, v22;
	v24 =	vadd.f32 v24, v26  }
0xad: {  	v25 =	vunpack.i.u.bf16.f32 v43  }
0xae: {  	v25 =	vmul.f32 v25, v20;
	v24 =	vadd.f32 v46, v24;
	_ =	sdelay $0x1  }
0xaf: {  	v24 =	vadd.f32 v24, v25;
	_ =	sdelay $0x1  }
0xb0: {  	[tilespmem:$0xB990] =	vst v24  }
0xb1: {  	v24 =	vld [tilespmem:s31+$0x0];
	_ =	sdelay $0x1  }
0xb2: {  	v47 =	vld [tilespmem:s31+$0x10];
	_ =	sdelay $0x2  }
0xb3: {  	v48 =	vunpack.i.u.bf16.f32 v24;
	v24 =	vunpack.i.l.bf16.f32 v24  }
0xb4: {  	v24 =	vmul.f32 v24, v21;
	v26 =	vmul.f32 v48, v23  }
0xb5: {  	v49 =	vunpack.i.l.bf16.f32 v47  }
0xb6: {  	v50 =	vmul.f32 v49, v22;
	v24 =	vadd.f32 v24, v26  }
0xb7: {  	v25 =	vunpack.i.u.bf16.f32 v47  }
0xb8: {  	v25 =	vmul.f32 v25, v20;
	v24 =	vadd.f32 v50, v24;
	_ =	sdelay $0x1  }
0xb9: {  	v24 =	vadd.f32 v24, v25;
	_ =	sdelay $0x1  }
0xba: {  	[tilespmem:$0xB9A0] =	vst v24  }
0xbb: {  	v24 =	vld [tilespmem:s31+$0x20];
	_ =	sdelay $0x1  }
0xbc: {  	v51 =	vld [tilespmem:s31+$0x30];
	_ =	sdelay $0x2  }
0xbd: {  	v52 =	vunpack.i.u.bf16.f32 v24;
	v24 =	vunpack.i.l.bf16.f32 v24  }
0xbe: {  	v24 =	vmul.f32 v24, v21;
	v26 =	vmul.f32 v52, v23  }
0xbf: {  	v53 =	vunpack.i.l.bf16.f32 v51  }
0xc0: {  	v54 =	vmul.f32 v53, v22;
	v24 =	vadd.f32 v24, v26  }
0xc1: {  	v25 =	vunpack.i.u.bf16.f32 v51  }
0xc2: {  	v25 =	vmul.f32 v25, v20;
	v24 =	vadd.f32 v54, v24;
	_ =	sdelay $0x1  }
0xc3: {  	v24 =	vadd.f32 v24, v25;
	_ =	sdelay $0x1  }
0xc4: {  	[tilespmem:$0xB9B0] =	vst v24  }
0xc5: {  	v24 =	vld [tilespmem:s31+$0x40];
	_ =	sdelay $0x1  }
0xc6: {  	v55 =	vld [tilespmem:s31+$0x50];
	_ =	sdelay $0x2  }
0xc7: {  	v56 =	vunpack.i.u.bf16.f32 v24;
	v24 =	vunpack.i.l.bf16.f32 v24  }
0xc8: {  	v24 =	vmul.f32 v24, v21;
	v26 =	vmul.f32 v56, v23  }
0xc9: {  	v57 =	vunpack.i.l.bf16.f32 v55  }
0xca: {  	v58 =	vmul.f32 v57, v22;
	v24 =	vadd.f32 v24, v26  }
0xcb: {  	v25 =	vunpack.i.u.bf16.f32 v55  }
0xcc: {  	v25 =	vmul.f32 v25, v20;
	v24 =	vadd.f32 v58, v24;
	_ =	sdelay $0x1  }
0xcd: {  	v24 =	vadd.f32 v24, v25;
	_ =	sdelay $0x1  }
0xce: {  	[tilespmem:$0xB9C0] =	vst v24  }
0xcf: {  	v24 =	vld [tilespmem:s31+$0x60];
	_ =	sdelay $0x1  }
0xd0: {  	v59 =	vld [tilespmem:s31+$0x70];
	_ =	sdelay $0x2  }
0xd1: {  	v60 =	vunpack.i.u.bf16.f32 v24;
	v24 =	vunpack.i.l.bf16.f32 v24  }
0xd2: {  	v24 =	vmul.f32 v24, v21;
	v26 =	vmul.f32 v60, v23  }
0xd3: {  	v61 =	vunpack.i.l.bf16.f32 v59  }
0xd4: {  	v62 =	vmul.f32 v61, v22;
	v24 =	vadd.f32 v24, v26  }
0xd5: {  	v25 =	vunpack.i.u.bf16.f32 v59  }
0xd6: {  	v25 =	vmul.f32 v25, v20;
	v24 =	vadd.f32 v62, v24;
	_ =	sdelay $0x1  }
0xd7: {  	v24 =	vadd.f32 v24, v25;
	_ =	sdelay $0x1  }
0xd8: {  	[tilespmem:$0xB9D0] =	vst v24  }
0xd9: {  	v24 =	vld [tilespmem:s31+$0x80];
	_ =	sdelay $0x1  }
0xda: {  	v63 =	vld [tilespmem:s31+$0x90];
	_ =	sdelay $0x2  }
0xdb: {  	v30 =	vunpack.i.u.bf16.f32 v24;
	v24 =	vunpack.i.l.bf16.f32 v24  }
0xdc: {  	v24 =	vmul.f32 v24, v21;
	v26 =	vmul.f32 v30, v23  }
0xdd: {  	v31 =	vunpack.i.l.bf16.f32 v63  }
0xde: {  	v32 =	vmul.f32 v31, v22;
	v24 =	vadd.f32 v24, v26  }
0xdf: {  	v25 =	vunpack.i.u.bf16.f32 v63  }
0xe0: {  	v25 =	vmul.f32 v25, v20;
	v24 =	vadd.f32 v32, v24;
	_ =	sdelay $0x1  }
0xe1: {  	v24 =	vadd.f32 v24, v25;
	_ =	sdelay $0x1  }
0xe2: {  	[tilespmem:$0xB9E0] =	vst v24  }
0xe3: {  	v24 =	vld [tilespmem:s31+$0xA0];
	_ =	sdelay $0x1  }
0xe4: {  	v33 =	vld [tilespmem:s31+$0xB0];
	_ =	sdelay $0x2  }
0xe5: {  	v34 =	vunpack.i.u.bf16.f32 v24;
	v24 =	vunpack.i.l.bf16.f32 v24  }
0xe6: {  	v24 =	vmul.f32 v24, v21;
	v26 =	vmul.f32 v34, v23  }
0xe7: {  	v35 =	vunpack.i.l.bf16.f32 v33  }
0xe8: {  	v36 =	vmul.f32 v35, v22;
	v24 =	vadd.f32 v24, v26  }
0xe9: {  	v25 =	vunpack.i.u.bf16.f32 v33  }
0xea: {  	v25 =	vmul.f32 v25, v20;
	v24 =	vadd.f32 v36, v24;
	_ =	sdelay $0x1  }
0xeb: {  	v24 =	vadd.f32 v24, v25;
	_ =	sdelay $0x1  }
0xec: {  	[tilespmem:$0xB9F0] =	vst v24  }
0xed: {  	v24 =	vld [tilespmem:s31+$0xC0];
	_ =	sdelay $0x1  }
0xee: {  	v37 =	vld [tilespmem:s31+$0xD0];
	_ =	sdelay $0x2  }
0xef: {  	v38 =	vunpack.i.u.bf16.f32 v24;
	v24 =	vunpack.i.l.bf16.f32 v24  }
0xf0: {  	v24 =	vmul.f32 v24, v21;
	v26 =	vmul.f32 v38, v23  }
0xf1: {  	v39 =	vunpack.i.l.bf16.f32 v37  }
0xf2: {  	v40 =	vmul.f32 v39, v22;
	v24 =	vadd.f32 v24, v26  }
0xf3: {  	v25 =	vunpack.i.u.bf16.f32 v37  }
0xf4: {  	v25 =	vmul.f32 v25, v20;
	v24 =	vadd.f32 v40, v24;
	_ =	sdelay $0x1  }
0xf5: {  	v24 =	vadd.f32 v24, v25;
	_ =	sdelay $0x1  }
0xf6: {  	[tilespmem:$0xBA00] =	vst v24  }
0xf7: {  	v24 =	vld [tilespmem:s31+$0xE0];
	_ =	sdelay $0x1  }
0xf8: {  	v41 =	vld [tilespmem:s31+$0xF0];
	_ =	sdelay $0x2  }
0xf9: {  	v42 =	vunpack.i.u.bf16.f32 v24;
	v24 =	vunpack.i.l.bf16.f32 v24  }
0xfa: {  	v24 =	vmul.f32 v24, v21;
	v26 =	vmul.f32 v42, v23  }
0xfb: {  	v43 =	vunpack.i.l.bf16.f32 v41  }
0xfc: {  	v44 =	vmul.f32 v43, v22;
	v24 =	vadd.f32 v24, v26  }
0xfd: {  	v25 =	vunpack.i.u.bf16.f32 v41  }
0xfe: {  	v25 =	vmul.f32 v25, v20;
	v24 =	vadd.f32 v44, v24;
	_ =	sdelay $0x1  }
0xff: {  	v24 =	vadd.f32 v24, v25;
	_ =	sdelay $0x1  }
0x100: {  	[tilespmem:$0xBA10] =	vst v24  }
0x101: {  	v24 =	vld [tilespmem:s31+$0x100];
	_ =	sdelay $0x1  }
0x102: {  	v45 =	vld [tilespmem:s31+$0x110];
	_ =	sdelay $0x2  }
0x103: {  	v46 =	vunpack.i.u.bf16.f32 v24;
	v24 =	vunpack.i.l.bf16.f32 v24  }
0x104: {  	v24 =	vmul.f32 v24, v21;
	v26 =	vmul.f32 v46, v23  }
0x105: {  	v47 =	vunpack.i.l.bf16.f32 v45  }
0x106: {  	v48 =	vmul.f32 v47, v22;
	v24 =	vadd.f32 v24, v26  }
0x107: {  	v25 =	vunpack.i.u.bf16.f32 v45  }
0x108: {  	v25 =	vmul.f32 v25, v20;
	v24 =	vadd.f32 v48, v24;
	_ =	sdelay $0x1  }
0x109: {  	v24 =	vadd.f32 v24, v25;
	_ =	sdelay $0x1  }
0x10a: {  	[tilespmem:$0xBA20] =	vst v24  }
0x10b: {  	v24 =	vld [tilespmem:s31+$0x120];
	_ =	sdelay $0x1  }
0x10c: {  	v49 =	vld [tilespmem:s31+$0x130];
	_ =	sdelay $0x2  }
0x10d: {  	v50 =	vunpack.i.u.bf16.f32 v24;
	v24 =	vunpack.i.l.bf16.f32 v24  }
0x10e: {  	v21 =	vmul.f32 v24, v21;
	v23 =	vmul.f32 v50, v23  }
0x10f: {  	v51 =	vunpack.i.l.bf16.f32 v49  }
0x110: {  	v22 =	vmul.f32 v51, v22;
	v21 =	vadd.f32 v21, v23  }
0x111: {  	v52 =	vunpack.i.u.bf16.f32 v49  }
0x112: {  	v20 =	vmul.f32 v52, v20;
	v21 =	vadd.f32 v22, v21;
	_ =	sdelay $0x1  }
0x113: {  	v20 =	vadd.f32 v21, v20;
	_ =	sdelay $0x1  }
0x114: {  	[tilespmem:$0xBA30] =	vst v20  }
0x115: {  	v20 =	vld.idx.msk [tilespmem:v1+s20+$0x0], $0xffff  }
0x116: {  	v53 =	vld.idx.msk [tilespmem:v5+s20+$0x0], $0xffff  }
0x117: {  	v54 =	vld.idx.msk [tilespmem:v6+s20+$0x0], $0xffff  }
0x118: {  	v55 =	vld.idx.msk [tilespmem:v7+s20+$0x0], $0xffff  }
0x119: {  	v56 =	vld.idx.msk [tilespmem:v8+s20+$0x0], $0xffff  }
0x11a: {  	v57 =	vld.idx.msk [tilespmem:v9+s20+$0x0], $0xffff  }
0x11b: {  	v58 =	vld.idx.msk [tilespmem:v10+s20+$0x0], $0xffff  }
0x11c: {  	v59 =	vld.idx.msk [tilespmem:v11+s20+$0x0], $0xffff  }
0x11d: {  	v28 =	vld.idx.msk [tilespmem:v12+s20+$0x0], $0xffff  }
0x11e: {  	v29 =	vld.idx.msk [tilespmem:v13+s20+$0x0], $0xffff  }
0x11f: {  	v30 =	vld.idx.msk [tilespmem:v14+s20+$0x0], $0xffff  }
0x120: {  	v31 =	vld.idx.msk [tilespmem:v15+s20+$0x0], $0xffff  }
0x121: {  	v32 =	vld.idx.msk [tilespmem:v16+s20+$0x0], $0xffff  }
0x122: {  	v33 =	vld.idx.msk [tilespmem:v17+s20+$0x0], $0xffff  }
0x123: {  	v34 =	vld.idx.msk [tilespmem:v18+s20+$0x0], $0xffff  }
0x124: {  	v35 =	vld.idx.msk [tilespmem:v19+s20+$0x0], $0xffff;
	_ =	sdelay $0x1  }
0x125: {  	v20 =	vadd.f32 v53, v20;
	v60 =	vadd.f32 v55, v54  }
0x126: {  	v61 =	vadd.f32 v57, v56;
	v62 =	vadd.f32 v59, v58  }
0x127: {  	v63 =	vadd.f32 v29, v28;
	v31 =	vadd.f32 v31, v30  }
0x128: {  	v32 =	vadd.f32 v33, v32;
	v33 =	vadd.f32 v35, v34  }
0x129: {  	v20 =	vadd.f32 v60, v20;
	v34 =	vadd.f32 v62, v61  }
0x12a: {  	v35 =	vadd.f32 v31, v63;
	v36 =	vadd.f32 v33, v32;
	_ =	sdelay $0x1  }
0x12b: {  	v20 =	vadd.f32 v34, v20;
	v37 =	vadd.f32 v36, v35;
	_ =	sdelay $0x1  }
0x12c: {  	v20 =	vadd.f32 v37, v20;
	_ =	sdelay $0x1  }
0x12d: {  	[tilespmem:s30+$0x0] =	vst v20  }
0x12e: {  	v20 =	vld.idx.msk [tilespmem:v1+s21+$0x0], $0xffff  }
0x12f: {  	v38 =	vld.idx.msk [tilespmem:v5+s21+$0x0], $0xffff  }
0x130: {  	v39 =	vld.idx.msk [tilespmem:v6+s21+$0x0], $0xffff  }
0x131: {  	v40 =	vld.idx.msk [tilespmem:v7+s21+$0x0], $0xffff  }
0x132: {  	v41 =	vld.idx.msk [tilespmem:v8+s21+$0x0], $0xffff  }
0x133: {  	v42 =	vld.idx.msk [tilespmem:v9+s21+$0x0], $0xffff  }
0x134: {  	v43 =	vld.idx.msk [tilespmem:v10+s21+$0x0], $0xffff  }
0x135: {  	v44 =	vld.idx.msk [tilespmem:v11+s21+$0x0], $0xffff  }
0x136: {  	v45 =	vld.idx.msk [tilespmem:v12+s21+$0x0], $0xffff  }
0x137: {  	v46 =	vld.idx.msk [tilespmem:v13+s21+$0x0], $0xffff  }
0x138: {  	v47 =	vld.idx.msk [tilespmem:v14+s21+$0x0], $0xffff  }
0x139: {  	v48 =	vld.idx.msk [tilespmem:v15+s21+$0x0], $0xffff  }
0x13a: {  	v49 =	vld.idx.msk [tilespmem:v16+s21+$0x0], $0xffff  }
0x13b: {  	v50 =	vld.idx.msk [tilespmem:v17+s21+$0x0], $0xffff  }
0x13c: {  	v51 =	vld.idx.msk [tilespmem:v18+s21+$0x0], $0xffff  }
0x13d: {  	v52 =	vld.idx.msk [tilespmem:v19+s21+$0x0], $0xffff;
	_ =	sdelay $0x1  }
0x13e: {  	v20 =	vadd.f32 v38, v20;
	v53 =	vadd.f32 v40, v39  }
0x13f: {  	v54 =	vadd.f32 v42, v41;
	v55 =	vadd.f32 v44, v43  }
0x140: {  	v56 =	vadd.f32 v46, v45;
	v57 =	vadd.f32 v48, v47  }
0x141: {  	v58 =	vadd.f32 v50, v49;
	v59 =	vadd.f32 v52, v51  }
0x142: {  	v20 =	vadd.f32 v53, v20;
	v60 =	vadd.f32 v55, v54  }
0x143: {  	v61 =	vadd.f32 v57, v56;
	v62 =	vadd.f32 v59, v58  }
0x144: {  	p0 =	sne.s32 s0, $0x1F  }
.Ltmp0:
0x145: {  	v20 =	vadd.f32 v60, v20;
	v63 =	vadd.f32 v62, v61;
	(pc) =	sbr.rel @p0 .LBB2_3-.Ltmp0, $4  }
0x146: {  	s16 =	sadd.s32 $0x10, s29  }
0x147: {  	s2 =	sand.u32 $0x7F8, s16;
	s16 =	sand.u32 $0x4, s29;
	v20 =	vadd.f32 v63, v20  }
0x148: {  	s0 =	sadd.s32 $0x1, s0;
	s2 =	sor.u32 s16, s2  }
0x149: {  	s29 =	sadd.s32 $0x14, s29;
	s31 =	sadd.s32 $0x280, s31;
	s30 =	sadd.s32 $0x14, s30;
	[tilespmem:s2+$0xBB00] =	vst v20  }
0x14a: {  	s0 =	sor.u32 s7, s28  }
0x14b: {  	s0 =	smul.u32 $0x14, s0;
	_ =	sdelay $0x1  }
0x14c: {  	s0 =	sshrl.u32 s0, $0x3  }
0x14d: {  	p0 =	seq.s32 s12, $0x7;
	s0 =	sadd.s32 s6, s0  }
0x14e: {  	[hbm4b:s0+s1] =	stream.linear.scatter [tilespmem:s22], [sflag:$0x5], $0x280, $0x38;
	[tilespmem:$0xC040] =	vst v63  }
0x14f: {  	s0 =	sadd.s32 @!p0 s28, s11  }
0x150: {  	s2 =	smul.u32 @!p0 $0x14, s0  }
0x151: {  	_ =	swait.ge [sflag:s13], $0x280  }
0x152: {  	[sflag:s13] =	ssyncset.done $0x0;
	s2 =	sshrl.u32 @!p0 s2, $0x3  }
0x153: {  	s16 =	simm.s32 @!p0 $0x0;
	[sflag:s13] =	ssyncadd.s32 $0xFFFFFD80;
	s2 =	sadd.s32 @!p0 s3, s2  }
0x154: {  	[tilespmem:s16], [sflag:$0x5] =	stream.linear.gather @!p0 [hbm4b:s2+s16], $0x280, $0x38;
	[tilespmem:$0xC040] =	vst v63  }
0x155: {  	s2 =	simm.s32 @!p0 $0x5  }
0x156: {  	s0 =	sshll.u32 @!p0 s0, $0x3;
	_ =	swait.ge @!p0 [sflag:s2], $0x280  }
0x157: {  	s0 =	sand.u32 @!p0 $0x1FFFFE00, s0;
	[sflag:s2] =	ssyncset.done @!p0 $0x0  }
0x158: {  	s0 =	sadd.s32 @!p0 s4, s0;
	[sflag:s2] =	ssyncadd.s32 @!p0 $0xFFFFFD80;
	s2 =	simm.s32 @!p0 $0x500  }
0x159: {  	[tilespmem:s2], [sflag:$0x3] =	stream.linear.gather @!p0 [hbm4b:s0+s16], $0x800, $0x38;
	[tilespmem:$0xC040] =	vst v63  }
0x15a: {  	s0 =	simm.s32 @!p0 $0x80;
	s2 =	simm.s32 @!p0 $0x1500  }
0x15b: {  	[tilespmem:s2], [sflag:$0x1] =	stream.indirect.gather @!p0 [hbm4b:s5+s0], $0x20, s16, s0, $0xb8;
	[tilespmem:$0xC040] =	vst v63  }
0x15c: {  	s2 =	simm.s32 @!p0 $0x2500  }
0x15d: {  	[tilespmem:s2], [sflag:$0x1] =	stream.indirect.gather @!p0 [hbm4b:s5+s0], $0x20, s0, s0, $0xb8;
	[tilespmem:$0xC040] =	vst v63  }
0x15e: {  	s16 =	simm.s32 @!p0 $0x3500;
	s2 =	simm.s32 @!p0 $0x100  }
0x15f: {  	[tilespmem:s16], [sflag:$0x1] =	stream.indirect.gather @!p0 [hbm4b:s5+s0], $0x20, s2, s0, $0xb8;
	[tilespmem:$0xC040] =	vst v63  }
0x160: {  	s2 =	simm.s32 @!p0 $0x180;
	s16 =	simm.s32 @!p0 $0x4500  }
0x161: {  	[tilespmem:s16], [sflag:$0x1] =	stream.indirect.gather @!p0 [hbm4b:s5+s0], $0x20, s2, s0, $0xb8;
	[tilespmem:$0xC040] =	vst v63  }
0x162: {  	s2 =	simm.s32 @!p0 $0x200;
	s16 =	simm.s32 @!p0 $0x5500  }
0x163: {  	[tilespmem:s16], [sflag:$0x1] =	stream.indirect.gather @!p0 [hbm4b:s5+s0], $0x20, s2, s0, $0xb8;
	[tilespmem:$0xC040] =	vst v63  }
0x164: {  	_ =	swait.ge [sflag:s23], $0x800  }
0x165: {  	[sflag:s23] =	ssyncset.done $0x0  }
0x166: {  	[sflag:s23] =	ssyncadd.s32 $0xFFFFF800  }
0x167: {  	_ =	swait.ge [sflag:s8], $0x1000  }
0x168: {  	[sflag:s8] =	ssyncset.done $0x0  }
0x169: {  	[sflag:s8] =	ssyncadd.s32 $0xFFFFF000  }
0x16a: {  	_ =	swait.ge [sflag:s8], $0x1000  }
0x16b: {  	[sflag:s8] =	ssyncset.done $0x0  }
0x16c: {  	[sflag:s8] =	ssyncadd.s32 $0xFFFFF000  }
0x16d: {  	_ =	swait.ge [sflag:s8], $0x1000  }
0x16e: {  	[sflag:s8] =	ssyncset.done $0x0  }
0x16f: {  	[sflag:s8] =	ssyncadd.s32 $0xFFFFF000  }
0x170: {  	_ =	swait.ge [sflag:s8], $0x1000  }
0x171: {  	[sflag:s8] =	ssyncset.done $0x0  }
0x172: {  	[sflag:s8] =	ssyncadd.s32 $0xFFFFF000  }
0x173: {  	_ =	swait.ge [sflag:s8], $0x1000  }
0x174: {  	s29 =	simm.s32 $0x0;
	[sflag:s8] =	ssyncset.done $0x0  }
0x175: {  	s30 =	simm.s32 $0x0;
	s28 =	simm.s32 $0x0;
	[sflag:s8] =	ssyncadd.s32 $0xFFFFF000  }
.LBB2_5:
0x176: {  	s2 =	sshll.u32 s30, $0x6  }
0x177: {  	v20 =	vor.u32 s2, v0  }
0x178: {  	v21 =	vor.u32 s2, v2;
	_ =	sdelay $0x1  }
0x179: {  	s0 =	sshra.s32 s29, $0x2;
	v22 =	vor.u32 s2, v3  }
0x17a: {  	v25 =	vld [tilespmem:s0+$0x6700]  }
0x17b: {  	v24 =	vor.u32 s2, v4;
	v20 =	vld.idx.msk [tilespmem:v20+s25+$0x0], $0xffff  }
0x17c: {  	v23 =	vld.idx.msk [tilespmem:v21+s25+$0x0], $0xffff  }
0x17d: {  	v26 =	vld [tilespmem:s0+$0x6710]  }
0x17e: {  	v22 =	vld.idx.msk [tilespmem:v22+s25+$0x0], $0xffff;
	_ =	sdelay $0x1  }
0x17f: {  	v21 =	vld.idx.msk [tilespmem:v24+s25+$0x0], $0xffff;
	v42 =	vunpack.i.u.bf16.f32 v25;
	v25 =	vunpack.i.l.bf16.f32 v25  }
0x180: {  	v25 =	vmul.f32 v25, v20;
	v24 =	vmul.f32 v42, v23  }
0x181: {  	v27 =	vunpack.i.l.bf16.f32 v26  }
0x182: {  	v43 =	vmul.f32 v27, v22;
	v24 =	vadd.f32 v25, v24  }
0x183: {  	v26 =	vunpack.i.u.bf16.f32 v26  }
0x184: {  	v44 =	vmul.f32 v26, v21;
	v24 =	vadd.f32 v43, v24;
	_ =	sdelay $0x1  }
0x185: {  	v24 =	vadd.f32 v24, v44;
	_ =	sdelay $0x1  }
0x186: {  	[tilespmem:$0xB900] =	vst v24  }
0x187: {  	v24 =	vld [tilespmem:s0+$0x6720];
	_ =	sdelay $0x1  }
0x188: {  	v45 =	vld [tilespmem:s0+$0x6730];
	_ =	sdelay $0x2  }
0x189: {  	v46 =	vunpack.i.u.bf16.f32 v24;
	v24 =	vunpack.i.l.bf16.f32 v24  }
0x18a: {  	v24 =	vmul.f32 v24, v20;
	v26 =	vmul.f32 v46, v23  }
0x18b: {  	v47 =	vunpack.i.l.bf16.f32 v45  }
0x18c: {  	v48 =	vmul.f32 v47, v22;
	v24 =	vadd.f32 v24, v26  }
0x18d: {  	v25 =	vunpack.i.u.bf16.f32 v45  }
0x18e: {  	v25 =	vmul.f32 v25, v21;
	v24 =	vadd.f32 v48, v24;
	_ =	sdelay $0x1  }
0x18f: {  	v24 =	vadd.f32 v24, v25;
	_ =	sdelay $0x1  }
0x190: {  	[tilespmem:$0xB910] =	vst v24  }
0x191: {  	v24 =	vld [tilespmem:s0+$0x6740];
	_ =	sdelay $0x1  }
0x192: {  	v49 =	vld [tilespmem:s0+$0x6750];
	_ =	sdelay $0x2  }
0x193: {  	v50 =	vunpack.i.u.bf16.f32 v24;
	v24 =	vunpack.i.l.bf16.f32 v24  }
0x194: {  	v24 =	vmul.f32 v24, v20;
	v26 =	vmul.f32 v50, v23  }
0x195: {  	v51 =	vunpack.i.l.bf16.f32 v49  }
0x196: {  	v52 =	vmul.f32 v51, v22;
	v24 =	vadd.f32 v24, v26  }
0x197: {  	v25 =	vunpack.i.u.bf16.f32 v49  }
0x198: {  	v25 =	vmul.f32 v25, v21;
	v24 =	vadd.f32 v52, v24;
	_ =	sdelay $0x1  }
0x199: {  	v24 =	vadd.f32 v24, v25;
	_ =	sdelay $0x1  }
0x19a: {  	[tilespmem:$0xB920] =	vst v24  }
0x19b: {  	v24 =	vld [tilespmem:s0+$0x6760];
	_ =	sdelay $0x1  }
0x19c: {  	v53 =	vld [tilespmem:s0+$0x6770];
	_ =	sdelay $0x2  }
0x19d: {  	v54 =	vunpack.i.u.bf16.f32 v24;
	v24 =	vunpack.i.l.bf16.f32 v24  }
0x19e: {  	v24 =	vmul.f32 v24, v20;
	v26 =	vmul.f32 v54, v23  }
0x19f: {  	v55 =	vunpack.i.l.bf16.f32 v53  }
0x1a0: {  	v56 =	vmul.f32 v55, v22;
	v24 =	vadd.f32 v24, v26  }
0x1a1: {  	v25 =	vunpack.i.u.bf16.f32 v53  }
0x1a2: {  	v25 =	vmul.f32 v25, v21;
	v24 =	vadd.f32 v56, v24;
	_ =	sdelay $0x1  }
0x1a3: {  	v24 =	vadd.f32 v24, v25;
	_ =	sdelay $0x1  }
0x1a4: {  	[tilespmem:$0xB930] =	vst v24  }
0x1a5: {  	v24 =	vld [tilespmem:s0+$0x6780];
	_ =	sdelay $0x1  }
0x1a6: {  	v57 =	vld [tilespmem:s0+$0x6790];
	_ =	sdelay $0x2  }
0x1a7: {  	v58 =	vunpack.i.u.bf16.f32 v24;
	v24 =	vunpack.i.l.bf16.f32 v24  }
0x1a8: {  	v24 =	vmul.f32 v24, v20;
	v26 =	vmul.f32 v58, v23  }
0x1a9: {  	v59 =	vunpack.i.l.bf16.f32 v57  }
0x1aa: {  	v60 =	vmul.f32 v59, v22;
	v24 =	vadd.f32 v24, v26  }
0x1ab: {  	v25 =	vunpack.i.u.bf16.f32 v57  }
0x1ac: {  	v25 =	vmul.f32 v25, v21;
	v24 =	vadd.f32 v60, v24;
	_ =	sdelay $0x1  }
0x1ad: {  	v24 =	vadd.f32 v24, v25;
	_ =	sdelay $0x1  }
0x1ae: {  	[tilespmem:$0xB940] =	vst v24  }
0x1af: {  	v24 =	vld [tilespmem:s0+$0x67A0];
	_ =	sdelay $0x1  }
0x1b0: {  	v61 =	vld [tilespmem:s0+$0x67B0];
	_ =	sdelay $0x2  }
0x1b1: {  	v62 =	vunpack.i.u.bf16.f32 v24;
	v24 =	vunpack.i.l.bf16.f32 v24  }
0x1b2: {  	v24 =	vmul.f32 v24, v20;
	v26 =	vmul.f32 v62, v23  }
0x1b3: {  	v63 =	vunpack.i.l.bf16.f32 v61  }
0x1b4: {  	v30 =	vmul.f32 v63, v22;
	v24 =	vadd.f32 v24, v26  }
0x1b5: {  	v25 =	vunpack.i.u.bf16.f32 v61  }
0x1b6: {  	v25 =	vmul.f32 v25, v21;
	v24 =	vadd.f32 v30, v24;
	_ =	sdelay $0x1  }
0x1b7: {  	v24 =	vadd.f32 v24, v25;
	_ =	sdelay $0x1  }
0x1b8: {  	[tilespmem:$0xB950] =	vst v24  }
0x1b9: {  	v24 =	vld [tilespmem:s0+$0x67C0];
	_ =	sdelay $0x1  }
0x1ba: {  	v31 =	vld [tilespmem:s0+$0x67D0];
	_ =	sdelay $0x2  }
0x1bb: {  	v32 =	vunpack.i.u.bf16.f32 v24;
	v24 =	vunpack.i.l.bf16.f32 v24  }
0x1bc: {  	v24 =	vmul.f32 v24, v20;
	v26 =	vmul.f32 v32, v23  }
0x1bd: {  	v33 =	vunpack.i.l.bf16.f32 v31  }
0x1be: {  	v34 =	vmul.f32 v33, v22;
	v24 =	vadd.f32 v24, v26  }
0x1bf: {  	v25 =	vunpack.i.u.bf16.f32 v31  }
0x1c0: {  	v25 =	vmul.f32 v25, v21;
	v24 =	vadd.f32 v34, v24;
	_ =	sdelay $0x1  }
0x1c1: {  	v24 =	vadd.f32 v24, v25;
	_ =	sdelay $0x1  }
0x1c2: {  	[tilespmem:$0xB960] =	vst v24  }
0x1c3: {  	v24 =	vld [tilespmem:s0+$0x67E0];
	_ =	sdelay $0x1  }
0x1c4: {  	v35 =	vld [tilespmem:s0+$0x67F0];
	_ =	sdelay $0x2  }
0x1c5: {  	v36 =	vunpack.i.u.bf16.f32 v24;
	v24 =	vunpack.i.l.bf16.f32 v24  }
0x1c6: {  	v24 =	vmul.f32 v24, v20;
	v26 =	vmul.f32 v36, v23  }
0x1c7: {  	v37 =	vunpack.i.l.bf16.f32 v35  }
0x1c8: {  	v38 =	vmul.f32 v37, v22;
	v24 =	vadd.f32 v24, v26  }
0x1c9: {  	v25 =	vunpack.i.u.bf16.f32 v35  }
0x1ca: {  	v25 =	vmul.f32 v25, v21;
	v24 =	vadd.f32 v38, v24;
	_ =	sdelay $0x1  }
0x1cb: {  	v24 =	vadd.f32 v24, v25;
	_ =	sdelay $0x1  }
0x1cc: {  	[tilespmem:$0xB970] =	vst v24  }
0x1cd: {  	v24 =	vld [tilespmem:s0+$0x6800];
	_ =	sdelay $0x1  }
0x1ce: {  	v39 =	vld [tilespmem:s0+$0x6810];
	_ =	sdelay $0x2  }
0x1cf: {  	v40 =	vunpack.i.u.bf16.f32 v24;
	v24 =	vunpack.i.l.bf16.f32 v24  }
0x1d0: {  	v24 =	vmul.f32 v24, v20;
	v26 =	vmul.f32 v40, v23  }
0x1d1: {  	v41 =	vunpack.i.l.bf16.f32 v39  }
0x1d2: {  	v42 =	vmul.f32 v41, v22;
	v24 =	vadd.f32 v24, v26  }
0x1d3: {  	v25 =	vunpack.i.u.bf16.f32 v39  }
0x1d4: {  	v25 =	vmul.f32 v25, v21;
	v24 =	vadd.f32 v42, v24;
	_ =	sdelay $0x1  }
0x1d5: {  	v24 =	vadd.f32 v24, v25;
	_ =	sdelay $0x1  }
0x1d6: {  	[tilespmem:$0xB980] =	vst v24  }
0x1d7: {  	v24 =	vld [tilespmem:s0+$0x6820];
	_ =	sdelay $0x1  }
0x1d8: {  	v43 =	vld [tilespmem:s0+$0x6830];
	_ =	sdelay $0x2  }
0x1d9: {  	v44 =	vunpack.i.u.bf16.f32 v24;
	v24 =	vunpack.i.l.bf16.f32 v24  }
0x1da: {  	v24 =	vmul.f32 v24, v20;
	v26 =	vmul.f32 v44, v23  }
0x1db: {  	v45 =	vunpack.i.l.bf16.f32 v43  }
0x1dc: {  	v46 =	vmul.f32 v45, v22;
	v24 =	vadd.f32 v24, v26  }
0x1dd: {  	v25 =	vunpack.i.u.bf16.f32 v43  }
0x1de: {  	v25 =	vmul.f32 v25, v21;
	v24 =	vadd.f32 v46, v24;
	_ =	sdelay $0x1  }
0x1df: {  	v24 =	vadd.f32 v24, v25;
	_ =	sdelay $0x1  }
0x1e0: {  	[tilespmem:$0xB990] =	vst v24  }
0x1e1: {  	v24 =	vld [tilespmem:s0+$0x6840];
	_ =	sdelay $0x1  }
0x1e2: {  	v47 =	vld [tilespmem:s0+$0x6850];
	_ =	sdelay $0x2  }
0x1e3: {  	v48 =	vunpack.i.u.bf16.f32 v24;
	v24 =	vunpack.i.l.bf16.f32 v24  }
0x1e4: {  	v24 =	vmul.f32 v24, v20;
	v26 =	vmul.f32 v48, v23  }
0x1e5: {  	v49 =	vunpack.i.l.bf16.f32 v47  }
0x1e6: {  	v50 =	vmul.f32 v49, v22;
	v24 =	vadd.f32 v24, v26  }
0x1e7: {  	v25 =	vunpack.i.u.bf16.f32 v47  }
0x1e8: {  	v25 =	vmul.f32 v25, v21;
	v24 =	vadd.f32 v50, v24;
	_ =	sdelay $0x1  }
0x1e9: {  	v24 =	vadd.f32 v24, v25;
	_ =	sdelay $0x1  }
0x1ea: {  	[tilespmem:$0xB9A0] =	vst v24  }
0x1eb: {  	v24 =	vld [tilespmem:s0+$0x6860];
	_ =	sdelay $0x1  }
0x1ec: {  	v51 =	vld [tilespmem:s0+$0x6870];
	_ =	sdelay $0x2  }
0x1ed: {  	v52 =	vunpack.i.u.bf16.f32 v24;
	v24 =	vunpack.i.l.bf16.f32 v24  }
0x1ee: {  	v24 =	vmul.f32 v24, v20;
	v26 =	vmul.f32 v52, v23  }
0x1ef: {  	v53 =	vunpack.i.l.bf16.f32 v51  }
0x1f0: {  	v54 =	vmul.f32 v53, v22;
	v24 =	vadd.f32 v24, v26  }
0x1f1: {  	v25 =	vunpack.i.u.bf16.f32 v51  }
0x1f2: {  	v25 =	vmul.f32 v25, v21;
	v24 =	vadd.f32 v54, v24;
	_ =	sdelay $0x1  }
0x1f3: {  	v24 =	vadd.f32 v24, v25;
	_ =	sdelay $0x1  }
0x1f4: {  	[tilespmem:$0xB9B0] =	vst v24  }
0x1f5: {  	v24 =	vld [tilespmem:s0+$0x6880];
	_ =	sdelay $0x1  }
0x1f6: {  	v55 =	vld [tilespmem:s0+$0x6890];
	_ =	sdelay $0x2  }
0x1f7: {  	v56 =	vunpack.i.u.bf16.f32 v24;
	v24 =	vunpack.i.l.bf16.f32 v24  }
0x1f8: {  	v24 =	vmul.f32 v24, v20;
	v26 =	vmul.f32 v56, v23  }
0x1f9: {  	v57 =	vunpack.i.l.bf16.f32 v55  }
0x1fa: {  	v58 =	vmul.f32 v57, v22;
	v24 =	vadd.f32 v24, v26  }
0x1fb: {  	v25 =	vunpack.i.u.bf16.f32 v55  }
0x1fc: {  	v25 =	vmul.f32 v25, v21;
	v24 =	vadd.f32 v58, v24;
	_ =	sdelay $0x1  }
0x1fd: {  	v24 =	vadd.f32 v24, v25;
	_ =	sdelay $0x1  }
0x1fe: {  	[tilespmem:$0xB9C0] =	vst v24  }
0x1ff: {  	v24 =	vld [tilespmem:s0+$0x68A0];
	_ =	sdelay $0x1  }
0x200: {  	v59 =	vld [tilespmem:s0+$0x68B0];
	_ =	sdelay $0x2  }
0x201: {  	v60 =	vunpack.i.u.bf16.f32 v24;
	v24 =	vunpack.i.l.bf16.f32 v24  }
0x202: {  	v24 =	vmul.f32 v24, v20;
	v26 =	vmul.f32 v60, v23  }
0x203: {  	v61 =	vunpack.i.l.bf16.f32 v59  }
0x204: {  	v62 =	vmul.f32 v61, v22;
	v24 =	vadd.f32 v24, v26  }
0x205: {  	v25 =	vunpack.i.u.bf16.f32 v59  }
0x206: {  	v25 =	vmul.f32 v25, v21;
	v24 =	vadd.f32 v62, v24;
	_ =	sdelay $0x1  }
0x207: {  	v24 =	vadd.f32 v24, v25;
	_ =	sdelay $0x1  }
0x208: {  	[tilespmem:$0xB9D0] =	vst v24  }
0x209: {  	v24 =	vld [tilespmem:s0+$0x68C0];
	_ =	sdelay $0x1  }
0x20a: {  	v63 =	vld [tilespmem:s0+$0x68D0];
	_ =	sdelay $0x2  }
0x20b: {  	v30 =	vunpack.i.u.bf16.f32 v24;
	v24 =	vunpack.i.l.bf16.f32 v24  }
0x20c: {  	v24 =	vmul.f32 v24, v20;
	v26 =	vmul.f32 v30, v23  }
0x20d: {  	v31 =	vunpack.i.l.bf16.f32 v63  }
0x20e: {  	v32 =	vmul.f32 v31, v22;
	v24 =	vadd.f32 v24, v26  }
0x20f: {  	v25 =	vunpack.i.u.bf16.f32 v63  }
0x210: {  	v25 =	vmul.f32 v25, v21;
	v24 =	vadd.f32 v32, v24;
	_ =	sdelay $0x1  }
0x211: {  	v24 =	vadd.f32 v24, v25;
	_ =	sdelay $0x1  }
0x212: {  	[tilespmem:$0xB9E0] =	vst v24  }
0x213: {  	v24 =	vld [tilespmem:s0+$0x68E0];
	_ =	sdelay $0x1  }
0x214: {  	v33 =	vld [tilespmem:s0+$0x68F0];
	_ =	sdelay $0x2  }
0x215: {  	v34 =	vunpack.i.u.bf16.f32 v24;
	v24 =	vunpack.i.l.bf16.f32 v24  }
0x216: {  	v24 =	vmul.f32 v24, v20;
	v26 =	vmul.f32 v34, v23  }
0x217: {  	v35 =	vunpack.i.l.bf16.f32 v33  }
0x218: {  	v36 =	vmul.f32 v35, v22;
	v24 =	vadd.f32 v24, v26  }
0x219: {  	v25 =	vunpack.i.u.bf16.f32 v33  }
0x21a: {  	v25 =	vmul.f32 v25, v21;
	v24 =	vadd.f32 v36, v24;
	_ =	sdelay $0x1  }
0x21b: {  	v24 =	vadd.f32 v24, v25;
	_ =	sdelay $0x1  }
0x21c: {  	[tilespmem:$0xB9F0] =	vst v24  }
0x21d: {  	v24 =	vld [tilespmem:s0+$0x6900];
	_ =	sdelay $0x1  }
0x21e: {  	v37 =	vld [tilespmem:s0+$0x6910];
	_ =	sdelay $0x2  }
0x21f: {  	v38 =	vunpack.i.u.bf16.f32 v24;
	v24 =	vunpack.i.l.bf16.f32 v24  }
0x220: {  	v24 =	vmul.f32 v24, v20;
	v26 =	vmul.f32 v38, v23  }
0x221: {  	v39 =	vunpack.i.l.bf16.f32 v37  }
0x222: {  	v40 =	vmul.f32 v39, v22;
	v24 =	vadd.f32 v24, v26  }
0x223: {  	v25 =	vunpack.i.u.bf16.f32 v37  }
0x224: {  	v25 =	vmul.f32 v25, v21;
	v24 =	vadd.f32 v40, v24;
	_ =	sdelay $0x1  }
0x225: {  	v24 =	vadd.f32 v24, v25;
	_ =	sdelay $0x1  }
0x226: {  	[tilespmem:$0xBA00] =	vst v24  }
0x227: {  	v24 =	vld [tilespmem:s0+$0x6920];
	_ =	sdelay $0x1  }
0x228: {  	v41 =	vld [tilespmem:s0+$0x6930];
	_ =	sdelay $0x2  }
0x229: {  	v42 =	vunpack.i.u.bf16.f32 v24;
	v24 =	vunpack.i.l.bf16.f32 v24  }
0x22a: {  	v24 =	vmul.f32 v24, v20;
	v26 =	vmul.f32 v42, v23  }
0x22b: {  	v43 =	vunpack.i.l.bf16.f32 v41  }
0x22c: {  	v44 =	vmul.f32 v43, v22;
	v24 =	vadd.f32 v24, v26  }
0x22d: {  	v25 =	vunpack.i.u.bf16.f32 v41  }
0x22e: {  	v25 =	vmul.f32 v25, v21;
	v24 =	vadd.f32 v44, v24;
	_ =	sdelay $0x1  }
0x22f: {  	v24 =	vadd.f32 v24, v25;
	_ =	sdelay $0x1  }
0x230: {  	[tilespmem:$0xBA10] =	vst v24  }
0x231: {  	v24 =	vld [tilespmem:s0+$0x6940];
	_ =	sdelay $0x1  }
0x232: {  	v45 =	vld [tilespmem:s0+$0x6950];
	_ =	sdelay $0x2  }
0x233: {  	v46 =	vunpack.i.u.bf16.f32 v24;
	v24 =	vunpack.i.l.bf16.f32 v24  }
0x234: {  	v24 =	vmul.f32 v24, v20;
	v26 =	vmul.f32 v46, v23  }
0x235: {  	v47 =	vunpack.i.l.bf16.f32 v45  }
0x236: {  	v48 =	vmul.f32 v47, v22;
	v24 =	vadd.f32 v24, v26  }
0x237: {  	v25 =	vunpack.i.u.bf16.f32 v45  }
0x238: {  	v25 =	vmul.f32 v25, v21;
	v24 =	vadd.f32 v48, v24;
	_ =	sdelay $0x1  }
0x239: {  	v24 =	vadd.f32 v24, v25;
	_ =	sdelay $0x1  }
0x23a: {  	[tilespmem:$0xBA20] =	vst v24  }
0x23b: {  	v24 =	vld [tilespmem:s0+$0x6960];
	_ =	sdelay $0x1  }
0x23c: {  	v49 =	vld [tilespmem:s0+$0x6970];
	_ =	sdelay $0x2  }
0x23d: {  	v50 =	vunpack.i.u.bf16.f32 v24;
	v24 =	vunpack.i.l.bf16.f32 v24  }
0x23e: {  	v20 =	vmul.f32 v24, v20;
	v23 =	vmul.f32 v50, v23  }
0x23f: {  	v51 =	vunpack.i.l.bf16.f32 v49  }
0x240: {  	v22 =	vmul.f32 v51, v22;
	v20 =	vadd.f32 v20, v23  }
0x241: {  	v52 =	vunpack.i.u.bf16.f32 v49  }
0x242: {  	v21 =	vmul.f32 v52, v21;
	v20 =	vadd.f32 v22, v20;
	_ =	sdelay $0x1  }
0x243: {  	v20 =	vadd.f32 v20, v21;
	_ =	sdelay $0x1  }
0x244: {  	[tilespmem:$0xBA30] =	vst v20  }
0x245: {  	v20 =	vld.idx.msk [tilespmem:v1+s20+$0x0], $0xffff  }
0x246: {  	v53 =	vld.idx.msk [tilespmem:v5+s20+$0x0], $0xffff  }
0x247: {  	v54 =	vld.idx.msk [tilespmem:v6+s20+$0x0], $0xffff  }
0x248: {  	v55 =	vld.idx.msk [tilespmem:v7+s20+$0x0], $0xffff  }
0x249: {  	v56 =	vld.idx.msk [tilespmem:v8+s20+$0x0], $0xffff  }
0x24a: {  	v57 =	vld.idx.msk [tilespmem:v9+s20+$0x0], $0xffff  }
0x24b: {  	v58 =	vld.idx.msk [tilespmem:v10+s20+$0x0], $0xffff  }
0x24c: {  	v59 =	vld.idx.msk [tilespmem:v11+s20+$0x0], $0xffff  }
0x24d: {  	v28 =	vld.idx.msk [tilespmem:v12+s20+$0x0], $0xffff  }
0x24e: {  	v29 =	vld.idx.msk [tilespmem:v13+s20+$0x0], $0xffff  }
0x24f: {  	v30 =	vld.idx.msk [tilespmem:v14+s20+$0x0], $0xffff  }
0x250: {  	v31 =	vld.idx.msk [tilespmem:v15+s20+$0x0], $0xffff  }
0x251: {  	v32 =	vld.idx.msk [tilespmem:v16+s20+$0x0], $0xffff  }
0x252: {  	v33 =	vld.idx.msk [tilespmem:v17+s20+$0x0], $0xffff  }
0x253: {  	v34 =	vld.idx.msk [tilespmem:v18+s20+$0x0], $0xffff  }
0x254: {  	v35 =	vld.idx.msk [tilespmem:v19+s20+$0x0], $0xffff;
	_ =	sdelay $0x1  }
0x255: {  	v20 =	vadd.f32 v53, v20;
	v60 =	vadd.f32 v55, v54  }
0x256: {  	v61 =	vadd.f32 v57, v56;
	v62 =	vadd.f32 v59, v58  }
0x257: {  	v63 =	vadd.f32 v29, v28;
	v31 =	vadd.f32 v31, v30  }
0x258: {  	v32 =	vadd.f32 v33, v32;
	v33 =	vadd.f32 v35, v34  }
0x259: {  	v20 =	vadd.f32 v60, v20;
	v34 =	vadd.f32 v62, v61  }
0x25a: {  	v35 =	vadd.f32 v31, v63;
	v36 =	vadd.f32 v33, v32;
	_ =	sdelay $0x1  }
0x25b: {  	v20 =	vadd.f32 v34, v20;
	v37 =	vadd.f32 v36, v35;
	_ =	sdelay $0x1  }
0x25c: {  	v20 =	vadd.f32 v37, v20  }
0x25d: {  	s2 =	sand.u32 $0x3FC, s28  }
0x25e: {  	[tilespmem:s2+$0xBDA0] =	vst v20  }
0x25f: {  	v20 =	vld.idx.msk [tilespmem:v1+s21+$0x0], $0xffff  }
0x260: {  	v38 =	vld.idx.msk [tilespmem:v5+s21+$0x0], $0xffff  }
0x261: {  	v39 =	vld.idx.msk [tilespmem:v6+s21+$0x0], $0xffff  }
0x262: {  	v40 =	vld.idx.msk [tilespmem:v7+s21+$0x0], $0xffff  }
0x263: {  	v41 =	vld.idx.msk [tilespmem:v8+s21+$0x0], $0xffff  }
0x264: {  	v42 =	vld.idx.msk [tilespmem:v9+s21+$0x0], $0xffff  }
0x265: {  	v43 =	vld.idx.msk [tilespmem:v10+s21+$0x0], $0xffff  }
0x266: {  	v44 =	vld.idx.msk [tilespmem:v11+s21+$0x0], $0xffff  }
0x267: {  	v45 =	vld.idx.msk [tilespmem:v12+s21+$0x0], $0xffff  }
0x268: {  	v46 =	vld.idx.msk [tilespmem:v13+s21+$0x0], $0xffff  }
0x269: {  	v47 =	vld.idx.msk [tilespmem:v14+s21+$0x0], $0xffff  }
0x26a: {  	v48 =	vld.idx.msk [tilespmem:v15+s21+$0x0], $0xffff  }
0x26b: {  	v49 =	vld.idx.msk [tilespmem:v16+s21+$0x0], $0xffff  }
0x26c: {  	v50 =	vld.idx.msk [tilespmem:v17+s21+$0x0], $0xffff  }
0x26d: {  	v51 =	vld.idx.msk [tilespmem:v18+s21+$0x0], $0xffff  }
0x26e: {  	v52 =	vld.idx.msk [tilespmem:v19+s21+$0x0], $0xffff;
	_ =	sdelay $0x1  }
0x26f: {  	v20 =	vadd.f32 v38, v20;
	v53 =	vadd.f32 v40, v39  }
0x270: {  	v54 =	vadd.f32 v42, v41;
	v55 =	vadd.f32 v44, v43  }
0x271: {  	v56 =	vadd.f32 v46, v45;
	v57 =	vadd.f32 v48, v47  }
0x272: {  	v58 =	vadd.f32 v50, v49;
	v59 =	vadd.f32 v52, v51  }
0x273: {  	v20 =	vadd.f32 v53, v20;
	v60 =	vadd.f32 v55, v54  }
0x274: {  	v61 =	vadd.f32 v57, v56;
	v62 =	vadd.f32 v59, v58  }
0x275: {  	p0 =	sne.s32 s29, $0x13600  }
.Ltmp1:
0x276: {  	v20 =	vadd.f32 v60, v20;
	v63 =	vadd.f32 v62, v61;
	(pc) =	sbr.rel @p0 .LBB2_5-.Ltmp1, $4  }
0x277: {  	s16 =	sadd.s32 $0x10, s28  }
0x278: {  	s31 =	sand.u32 $0x4, s28;
	s0 =	sand.u32 $0x7F8, s16;
	v20 =	vadd.f32 v63, v20  }
0x279: {  	s0 =	sor.u32 s31, s0  }
0x27a: {  	s30 =	sadd.s32 $0x1, s30;
	s29 =	sadd.s32 $0xA00, s29;
	s28 =	sadd.s32 $0x14, s28;
	[tilespmem:s0+$0xBDA0] =	vst v20  }
0x27b: {  	s12 =	sadd.s32 $0x1, s12  }
0x27c: {  	p0 =	sne.s32 s12, $0x8  }
.Ltmp2:
0x27d: {  	s0 =	sadd.s32 s6, s26;
	(pc) =	sbr.rel @p0 .LBB2_2-.Ltmp2, $4  }
0x27e: {  	[hbm4b:s0+s1] =	stream.linear.scatter [tilespmem:s9], [sflag:$0x5], $0x280, $0x38;
	[tilespmem:$0xC040] =	vst v63  }
0x27f: {  	_ =	swait.ge [sflag:s13], $0x280  }
0x280: {  	[sflag:s13] =	ssyncset.done $0x0  }
0x281: {  	[sflag:s13] =	ssyncadd.s32 $0xFFFFFD80  }
0x282: {  	s2 =	rddreg [dreg:$0x5]  }
0x283: {  	s0 =	rddreg [dreg:$0x4];
	s2 =	sadd.s32 $0x1, s2  }
0x284: {  	p0 =	sne.s32 s2, s0  }
.Ltmp3:
0x285: {  	_ = 	snop;
	(pc) =	sbr.rel @p0 .LBB2_1-.Ltmp3, $1  }
0x286: {  	_ =	sdelay $0x3  }
0x287: {  	_ =	sfence.sel $0x180000  }
0x288: {  	[bflag:$0x0] =	sbarrier.arrive $0xFFFF  }
0x289: {  	_ =	strace $0x90000050  }
0x28a: {  	s0 =	stileid.u32;
	[bflag:$0x2] =	sbarrier.arrive $0xFFFF  }
0x28b: {  	p0 =	sne.s32 s0, $0x0;
	s0 =	rddreg [dreg:$0x1]  }
0x28c: {  	s0 =	sadd.s32 @!p0 $0x100000, s0  }
0x28d: {  	[sflag:s0] =	ssyncadd.tile.s32 @!p0 $0x1;
	_ =	shalt  }
.Lfunc_end2:
_tile_overlayer_lowered:
.L_overlay_start_2:
0x28e: {  	(tag) =	ssettag $0x2  }
0x28f: {  	s0 =	rddreg [dreg:$0x0];
	s2 =	stileid.u32  }
0x290: {  	s1 =	rddreg [dreg:$0x1];
	p0 =	sne.s32 s2, $0x0  }
0x291: {  	s3 =	rddreg [dreg:$0x2];
	[bflag:$0x3] =	sbarrier.arrive $0xFFFF;
	s2 =	simm.s32 @!p0 $0x1C05  }
0x292: {  	[timem:s3], [sflag:s2] =	dma.local @!p0 [hbm:s0], s1  }
0x293: {  	s0 =	simm.s32 @!p0 $0x5  }
0x294: {  	_ =	swait.ge @!p0 [sflag:s0], s1  }
0x295: {  	s1 =	ssub.s32 @!p0 $0x0, s1;
	[sflag:s0] =	ssyncset.done @!p0 $0x0  }
0x296: {  	[sflag:s0] =	ssyncadd.s32 @!p0 s1  }
0x297: {  	[bflag:$0x3] =	sbarrier.arrive $0xFFFF  }
0x298: {  	_ =	shalt  }

// kernel: sparse-core-data-format-call.1.cloned.1.call-start
scs
called_computation.1_lowered:
.L_overlay_start_0:
0x0: {  	s1 =	sld [smem:$0x3FD9]  }
0x1: {  	s2 =	sld [smem:$0x3FFE];
	_ =	sdelay $0x1  }
0x2: {  	s3 =	srdreg.scid  }
0x3: {  	s0 =	sand.u32 $0x1, s3  }
0x4: {  	s17 =	sshll.u32 s0, $0xA;
	s1 =	sadd.s32 s2, s1  }
0x5: {  	s1 =	sadd.s32 s1, s17  }
0x6: {  	[smem:$0x3FC2] =	sst s1  }
0x7: {  	_ = 	snop  }
0x8: {  	(tm) =	ssettm $0x1  }
0x9: {  	s18 =	sld [smem:$0x3FFB];
	_ =	sdelay $0x3  }
0xa: {  	_ =	strace s18  }
0xb: {  	s1 =	sld [smem:$0x3FFC];
	_ =	sdelay $0x3  }
0xc: {  	_ =	strace s1  }
0xd: {  	s1 =	sld [smem:$0x3FFD];
	_ =	sdelay $0x3  }
0xe: {  	_ =	strace s1  }
0xf: {  	_ =	strace $0x8FFFFFFF  }
0x10: {  	s19 =	sld [smem:$0x3FDB];
	_ =	sdelay $0x1  }
0x11: {  	s20 =	simm.s32 $_scs_section_size  }
0x12: {  	s4 =	simm.s32 $_size__tile_overlayer_lowered;
	s5 =	simm.s32 $_tile_overlayer_lowered  }
0x13: {  	s23 =	simm.s32 $0x1BFF;
	s22 =	sshll.u32 s5, $0x1;
	s1 =	sadd.s32 s20, s19  }
0x14: {  	s6 =	simm.s32 $0x0;
	s21 =	sshll.u32 s4, $0x1;
	s4 =	sadd.s32 s22, s1  }
0x15: {  	[timem:s6], [sflag:s23] =	dma.local [hbm:s4], s21  }
0x16: {  	_ =	swait.ge [sflag:s23], s21  }
0x17: {  	s2 =	ssub.s32 $0x0, s21;
	[sflag:s23] =	ssyncset.done $0x0  }
0x18: {  	[sflag:s23] =	ssyncadd.s32 s2;
	_ =	sdelay $0x1  }
0x19: {  	s24 =	simm.s32 $0x1B8B  }
0x1a: {  	_ =	swait.ge [sflag:s24], $0x1  }
0x1b: {  	[sflag:s24] =	ssyncset.done $0x0  }
0x1c: {  	s26 =	simm.s32 $0x1B8E;
	s25 =	sld [smem:$0x3FFE];
	[sflag:s24] =	ssyncadd.s32 $0xFFFFFFFF  }
0x1d: {  	s27 =	simm.s32 $execute0_lowered;
	[smem:$0x3FD2] =	sst s26  }
0x1e: {  	s4 =	sshll.u32 s27, $0x1;
	_ =	strace $0x80000046;
	[dreg:$0x1] =	wrdreg $0xFFFFFFFF  }
0x1f: {  	s28 =	simm.s32 $_size_execute0_lowered;
	s1 =	sadd.s32 s1, s4;
	[dreg:$0x0] =	wrdreg $0x0  }
0x20: {  	s4 =	sshll.u32 s28, $0x1;
	[dreg:$0x2] =	wrdreg s1  }
0x21: {  	[dreg:$0x3] =	wrdreg s4  }
0x22: {  	[dreg:$0x4] =	wrdreg $0xC0  }
0x23: {  	_ =	task [dreg:s6], $0x5FFFF  }
0x24: {  	[dreg:$0x1] =	wrdreg $0xFFFFFFFF  }
0x25: {  	[dreg:$0x0] =	wrdreg $0x60  }
0x26: {  	[dreg:$0x2] =	wrdreg s25  }
0x27: {  	[dreg:$0x3] =	wrdreg $0x9  }
0x28: {  	_ =	task.clear_ibuf [dreg:s6], $0x4FFFF;
	_ =	strace $0x90000046  }
0x29: {  	s29 =	simm.s32 $0x9;
	_ =	strace $0x80000048  }
0x2a: {  	_ =	swait.ge [sflag:s29], $0x1  }
0x2b: {  	[sflag:s29] =	ssyncadd.s32 $0xFFFFFFFF  }
0x2c: {  	_ =	strace $0x90000048  }
0x2d: {  	_ =	sfence  }
0x2e: {  	s30 =	sld [smem:$0x0];
	_ =	sdelay $0x2  }
0x2f: {  	s31 =	sshll.u32 s3, $0xD;
	s3 =	sshrl.u32 s3, $0x2  }
0x30: {  	s2 =	sand.u32 $0x4000, s31;
	s1 =	sadd.s32 s3, s30  }
0x31: {  	s0 =	sor.u32 s2, s0;
	s1 =	sshll.u32 s1, $0x11  }
0x32: {  	s0 =	sor.u32 s1, s0  }
0x33: {  	s0 =	sadd.s32 $0x8F2B, s0  }
0x34: {  	[sflag:s0] =	ssyncadd.remote.s32 $0x1  }
0x35: {  	_ =	sfence.sel $0xFFFF  }
0x36: {  	[dreg:$0x0] =	wrdreg $0xFFFFFFFF;
	(pc) =	sbr.abs _section_cstart, $3  }
0x37: {  	[dreg:$0x1] =	wrdreg $0xFFFFFFFF  }
0x38: {  	_ =	task.clear_ibuf [dreg:s6], $0x2FFFF;
	_ =	strace $0x9FFFFFFF  }
0x39: {  	(tm) =	ssettm $0x7FFFFFFF  }
tec
execute0_lowered:
.L_overlay_start_1:
0x0: {  	(tag) =	ssettag $0x1  }
0x1: {  	s0 =	srdreg.scid  }
0x2: {  	s5 =	rddreg [dreg:$0x0];
	s1 =	stileid.u32;
	s4 =	simm.s32 $0x1  }
0x3: {  	s6 =	simm.s32 $0x2;
	s15 =	simm.s32 $0x0;
	p0 =	por $0x0, $0x0  }
0x4: {  	s8 =	simm.s32 $0x80;
	s14 =	simm.s32 $0x0;
	s2 =	sshll.u32 s0, $0x4  }
0x5: {  	s9 =	simm.s32 $0x0;
	s10 =	simm.s32 $0x0;
	s2 =	sand.u32 $0x10, s2  }
.Ltmp0:
0x6: {  	s12 =	simm.s32 $0x0;
	s3 =	sor.u32 s1, s2;
	(pc) =	sbr.rel .LBB1_1-.Ltmp0, $4  }
0x7: {  	s0 =	rddreg [dreg:$0x1];
	_ =	strace $0x80000047;
	s3 =	sshll.u32 s3, $0x7  }
0x8: {  	s13 =	simm.s32 $0x0;
	[sflag:s4] =	ssyncpa.u1 $0x0;
	s7 =	ssub.s32 $0xF4200, s3  }
0x9: {  	s2 =	sadd.s32 $0x1A00, s5;
	[sflag:s6] =	ssyncpa.u1 $0x0;
	s6 =	sshrl.u32 s7, $0xC  }
0xa: {  	s5 =	sadd.s32 $0x3D2400, s5;
	s11 =	smov.u32 s3;
	s7 =	sadd.s32 $0x2, s6  }
.LBB1_5:
0xb: {  	p1 =	slt.u32 s13, $0x2  }
0xc: {  	s17 =	smov.u32 s15;
	p2 =	sgt.s32 @!p1 s15, $0xF41C0;
	s16 =	sshra.s32 @!p1 s15, $0x1F  }
0xd: {  	p3 =	sgt.s32 @!p1 s14, $0x40;
	s18 =	sshra.s32 @!p1 s14, $0x1F;
	p2 =	por !p2, p1  }
0xe: {  	s15 =	sand.u32 @!p1 s16, s15;
	p3 =	por !p3, p1;
	s16 =	smov.u32 s14  }
0xf: {  	s14 =	sand.u32 @!p1 s18, s14;
	s17 =	simm.s32 @p2 $0xF41C0;
	s16 =	simm.s32 @p3 $0x40  }
0x10: {  	s15 =	ssub.s32 @!p1 s17, s15;
	s14 =	ssub.s32 @!p1 s16, s14  }
0x11: {  	s18 =	smov.u32 s12;
	s16 =	sadd.s32 @!p1 $0xFFF0BE40, s15;
	s17 =	sadd.s32 @!p1 $0xFFFFFFC0, s14  }
0x12: {  	s15 =	ssub.s32 @!p1 $0xF4240, s15;
	p2 =	sgt.s32 @!p1 s16, $0x7F;
	p3 =	sgt.s32 @!p1 s17, $0x3F  }
0x13: {  	s14 =	ssub.s32 @!p1 $0x80, s14;
	p2 =	por !p2, p1;
	p3 =	por !p3, p1  }
0x14: {  	s16 =	sadd.s32 $0x1000, s11;
	s15 =	simm.s32 @!p2 $0x0;
	s14 =	simm.s32 @!p3 $0x0  }
0x15: {  	p2 =	sgt.s32 s16, $0xF423F;
	s14 =	smul.u32 @!p1 s14, s15;
	s15 =	sadd.s32 $0x40, s12  }
0x16: {  	s18 =	smov.u32 @p2 s15  }
0x17: {  	s16 =	smov.u32 @p2 s3;
	p2 =	sgt.s32 s18, $0x3F  }
0x18: {  	p0 =	por !p0, !p0;
	s18 =	simm.s32 @p2 $0x0;
	p2 =	sne.s32 s13, s7  }
.Ltmp1:
0x19: {  	s17 =	simm.s32 @!p1 $0x2;
	s14 =	sshrl.u32 @!p1 s14, $0x1;
	(pc) =	sbr.rel @!p2 .LBB1_6-.Ltmp1, $4  }
0x1a: {  	s15 =	smov.u32 s9;
	s9 =	smov.u32 s11;
	s14 =	sand.u32 @!p1 $0x3FFFFFFF, s14  }
0x1b: {  	s11 =	smov.u32 s16;
	s13 =	sadd.s32 $0x1, s13;
	_ =	swait.ge @!p1 [sflag:s17], s14  }
0x1c: {  	s19 =	ssub.s32 @!p1 $0x0, s14;
	s14 =	smov.u32 s10;
	[sflag:s17] =	ssyncset.done @!p1 $0x0  }
0x1d: {  	s10 =	smov.u32 s12;
	s12 =	smov.u32 s18;
	[sflag:s17] =	ssyncadd.s32 @!p1 s19  }
.LBB1_1:
0x1e: {  	p1 =	sgt.u32 s13, s6  }
0x1f: {  	s16 =	sshrl.u32 @!p1 s12, $0x4  }
0x20: {  	s17 =	sshll.u32 @!p1 s11, $0x4;
	s16 =	smul.u32 @!p1 $0xF42800, s16  }
0x21: {  	s18 =	sshll.u32 @!p1 s12, $0x7;
	s17 =	sand.u32 @!p1 $0xFFFFF800, s17  }
0x22: {  	s16 =	sadd.s32 @!p1 s16, s17;
	s17 =	sand.u32 @!p1 $0x700, s18;
	s18 =	sshll.u32 @!p1 s11, $0x1  }
0x23: {  	s16 =	sor.u32 @!p1 s17, s16;
	s17 =	sand.u32 @!p1 $0xFE, s18  }
0x24: {  	s18 =	sand.u32 @!p1 $0x1, s12;
	s16 =	sor.u32 @!p1 s17, s16  }
0x25: {  	s17 =	sor.u32 @!p1 s18, s16  }
0x26: {  	s18 =	smulhi.u32 @!p1 $0x218D6287, s17;
	_ =	sdelay $0x1  }
0x27: {  	s16 =	smulhi.u32 @!p1 $0x218D6287, s16;
	s18 =	sshrl.u32 @!p1 s18, $0x11  }
0x28: {  	s18 =	smul.u32 @!p1 $0xF4280, s18  }
0x29: {  	s16 =	sshrl.u32 @!p1 s16, $0x11  }
0x2a: {  	s16 =	sand.u32 @!p1 $0x3F, s16;
	s17 =	ssub.s32 @!p1 s17, s18  }
0x2b: {  	s16 =	smul.u32 @!p1 $0xF428, s16;
	s18 =	sshrl.u32 @!p1 s17, $0x4  }
0x2c: {  	s19 =	sxor.u32 @!p1 $0xFFFFFFFF, s13;
	s17 =	sshll.u32 @!p1 s17, $0x11;
	s18 =	sadd.s32 @!p1 s2, s18  }
0x2d: {  	s17 =	sand.u32 @!p1 $0x1C0000, s17;
	s16 =	sadd.s32 @!p1 s16, s18;
	s18 =	sshll.u32 @!p1 s19, $0xC  }
0x2e: {  	s17 =	sor.u32 @!p1 $0x400, s17;
	s19 =	simm.s32 @!p1 $0x7A1400;
	s18 =	sand.u32 @!p1 $0x1000, s18  }
0x2f: {  	[tilespmem:s18], [sflag:$0x1] =	stream.strided.gather @!p1 [hbm4b:s16+s17], $0x1000, s19, s17, $0x38;
	[tilespmem:$0x4080] =	vst v63  }
0x30: {  	p1 =	seq.s32 s13, $0x0  }
0x31: {  	p2 =	sge.u32 @!p1 s13, s7  }
0x32: {  	p1 =	por p1, p2  }
.Ltmp2:
0x33: {  	_ = 	snop;
	(pc) =	sbr.rel @p1 .LBB1_5-.Ltmp2, $1  }
0x34: {  	_ =	sdelay $0x3  }
0x35: {  	s16 =	simm.s32 $0x1  }
0x36: {  	_ =	swait.ge [sflag:s4], $0x1000;
	s16 =	simm.s32 @!p0 $0x0  }
0x37: {  	[sflag:s4] =	ssyncset.done $0x0;
	s16 =	sshll.u32 s16, $0xC  }
0x38: {  	[sflag:s4] =	ssyncadd.s32 $0xFFFFF000;
	s16 =	sor.u32 $0x40, s16  }
0x39: {  	v0 =	vld [tilespmem:s16+$0x20]  }
0x3a: {  	v1 =	vld [tilespmem:s16+$0x30]  }
0x3b: {  	v2 =	vld [tilespmem:s16+$0xFFFFFFD0]  }
0x3c: {  	v5 =	vld [tilespmem:s16+$0x0]  }
0x3d: {  	v6 =	vld [tilespmem:s16+$0x10]  }
0x3e: {  	s17 =	sand.u32 $0x1, s13;
	v3 =	vld [tilespmem:s16+$0xFFFFFFE0]  }
0x3f: {  	s17 =	smul.u32 $0x4100, s17;
	v4 =	vld [tilespmem:s16+$0xFFFFFFF0]  }
0x40: {  	s18 =	simm.s32 $0x0;
	v1 =	vperm.xlane.i2c.b16 v1  }
0x41: {  	s19 =	sand.u32 $0x3C, s18;
	s17 =	sshrl.u32 s17, $0x2;
	v8 =	vld [tilespmem:s16+$0xFFFFFFC0];
	s20 =	sadd.s32 $0x80, s16;
	v7 =	vperm.xlane.i2c.b16 v0;
	v0 =	vperm.xlane.i2c.b16 v2  }
0x42: {  	s30 =	sand.u32 $0x40, s18;
	s31 =	sshrl.u32 s19, $0x1;
	s16 =	sor.u32 $0x2000, s17;
	v11 =	vld [tilespmem:s20+$0x30];
	v10 =	vperm.xlane.i2c.b16 v5;
	v13 =	vperm.xlane.i2c.b16 v6  }
0x43: {  	s17 =	sshrl.u32 s30, $0x1;
	s18 =	sadd.s32 s31, s16;
	v2 =	vld [tilespmem:s20+$0x20];
	v3 =	vperm.xlane.i2c.b16 v3;
	v9 =	vcombine.low v7, v1  }
0x44: {  	v12 =	vld [tilespmem:s20+$0xFFFFFFD0];
	s17 =	sadd.s32 s17, s18;
	v4 =	vperm.xlane.i2c.b16 v4;
	v14 =	vcombine.low v10, v13  }
0x45: {  	v1 =	vcombine.high v7, v1;
	v7 =	vld [tilespmem:s20+$0xFFFFFFE0];
	[tilespmem:s17+$0xC30 ss:$0x41] =	vst.msk $0xffff, v9  }
0x46: {  	v6 =	vld [tilespmem:s20+$0xFFFFFFF0];
	v5 =	vperm.xlane.i2c.b16 v8;
	v9 =	vcombine.low v3, v4;
	[tilespmem:s17+$0x820 ss:$0x41] =	vst.msk $0xffff, v14  }
0x47: {  	s18 =	simm.s32 $0x4;
	v8 =	vperm.xlane.i2c.b16 v11;
	[tilespmem:s17+$0xC31 ss:$0x41] =	vst.msk $0xffff, v1;
	v1 =	vcombine.high v3, v4;
	v4 =	vld [tilespmem:s20+$0x0]  }
0x48: {  	s19 =	simm.s32 $0x2;
	s22 =	sand.u32 $0x3C, s18;
	v10 =	vcombine.high v10, v13;
	v3 =	vld [tilespmem:s20+$0x10];
	[tilespmem:s17+$0x410 ss:$0x41] =	vst.msk $0xffff, v9;
	v9 =	vperm.xlane.i2c.b16 v2  }
0x49: {  	s21 =	sand.u32 $0x40, s18;
	s22 =	sshrl.u32 s22, $0x1;
	v11 =	vcombine.low v5, v0;
	v2 =	vld [tilespmem:s20+$0xFFFFFFC0];
	s20 =	sadd.s32 $0x80, s20;
	[tilespmem:s17+$0x411 ss:$0x41] =	vst.msk $0xffff, v1;
	v1 =	vperm.xlane.i2c.b16 v12  }
.LBB1_3:
0x4a: {  	v12 =	vld [tilespmem:s20+$0x20];
	s22 =	sadd.s32 s22, s16;
	s21 =	sshrl.u32 s21, $0x1;
	v13 =	vperm.xlane.i2c.b16 v7;
	v7 =	vcombine.low v9, v8;
	[tilespmem:s17+$0x821 ss:$0x41] =	vst.msk $0xffff, v10  }
0x4b: {  	s19 =	sadd.s32 $0x2, s19;
	v14 =	vld [tilespmem:s20+$0x30];
	s21 =	sadd.s32 s21, s22;
	v10 =	vperm.xlane.i2c.b16 v6;
	v6 =	vcombine.high v9, v8;
	[tilespmem:s17+$0x0 ss:$0x41] =	vst.msk $0xffff, v11  }
0x4c: {  	p1 =	slt.u32 s19, $0x3E;
	v11 =	vld [tilespmem:s20+$0xFFFFFFD0];
	v8 =	vperm.xlane.i2c.b16 v4;
	[tilespmem:s21+$0xC30 ss:$0x41] =	vst.msk $0xffff, v7;
	v4 =	vcombine.high v5, v0;
	v0 =	vmov v1  }
.Ltmp3:
0x4d: {  	v7 =	vld [tilespmem:s20+$0xFFFFFFE0];
	v1 =	vcombine.low v13, v10;
	v3 =	vperm.xlane.i2c.b16 v3;
	[tilespmem:s21+$0xC31 ss:$0x41] =	vst.msk $0xffff, v6;
	(pc) =	sbr.rel @p1 .LBB1_3-.Ltmp3, $4  }
0x4e: {  	v6 =	vld [tilespmem:s20+$0xFFFFFFF0];
	v5 =	vperm.xlane.i2c.b16 v2;
	v2 =	vcombine.high v13, v10;
	[tilespmem:s17+$0x1 ss:$0x41] =	vst.msk $0xffff, v4;
	s17 =	smov.u32 s21  }
0x4f: {  	s18 =	sadd.s32 $0x4, s18;
	v4 =	vld [tilespmem:s20+$0x0];
	[tilespmem:s17+$0x410 ss:$0x41] =	vst.msk $0xffff, v1;
	v13 =	vcombine.low v8, v3;
	v10 =	vcombine.high v8, v3  }
0x50: {  	s22 =	sand.u32 $0x3C, s18;
	v9 =	vperm.xlane.i2c.b16 v12;
	v3 =	vld [tilespmem:s20+$0x10];
	v8 =	vperm.xlane.i2c.b16 v14;
	[tilespmem:s17+$0x411 ss:$0x41] =	vst.msk $0xffff, v2  }
0x51: {  	s22 =	sshrl.u32 s22, $0x1;
	s21 =	sand.u32 $0x40, s18;
	v2 =	vld [tilespmem:s20+$0xFFFFFFC0];
	v1 =	vperm.xlane.i2c.b16 v11;
	s20 =	sadd.s32 $0x80, s20;
	v11 =	vcombine.low v5, v0;
	[tilespmem:s17+$0x820 ss:$0x41] =	vst.msk $0xffff, v13  }
0x52: {  	s18 =	sadd.s32 s22, s16;
	s19 =	sshll.u32 s9, $0x7;
	s20 =	sshll.u32 s10, $0x4  }
0x53: {  	s21 =	sshrl.u32 s21, $0x1;
	s24 =	sshll.u32 s10, $0x1;
	p1 =	sgt.s32 s9, $0xF41C0  }
0x54: {  	s22 =	smov.u32 s9;
	s26 =	sshra.s32 s9, $0x1F;
	s23 =	sand.u32 $0xFFFFF800, s19  }
0x55: {  	s20 =	sand.u32 $0xFFFFF800, s20;
	s19 =	sand.u32 $0x700, s19;
	s25 =	sand.u32 $0x80, s24  }
0x56: {  	s18 =	sadd.s32 s21, s18;
	s22 =	simm.s32 @!p1 $0xF41C0;
	p1 =	sgt.s32 s10, $0x40  }
0x57: {  	s21 =	smov.u32 s10;
	s20 =	sadd.s32 s20, s23;
	s23 =	sshra.s32 s10, $0x1F  }
0x58: {  	s21 =	simm.s32 @!p1 $0x40;
	s19 =	sor.u32 s19, s20;
	s20 =	sand.u32 s26, s9  }
0x59: {  	v7 =	vperm.xlane.i2c.b16 v7;
	[tilespmem:s17+$0x821 ss:$0x41] =	vst.msk $0xffff, v10;
	v0 =	vcombine.high v5, v0;
	s23 =	sand.u32 s23, s10;
	s19 =	sor.u32 s25, s19;
	s20 =	ssub.s32 s22, s20  }
0x5a: {  	v57 =	vcombine.low v9, v8;
	v6 =	vperm.xlane.i2c.b16 v6;
	[tilespmem:s17+$0x0 ss:$0x41] =	vst.msk $0xffff, v11;
	s21 =	ssub.s32 s21, s23;
	s19 =	sshrl.u32 s19, $0x7;
	s22 =	sadd.s32 $0xFFF0BE40, s20  }
0x5b: {  	v58 =	vcombine.high v9, v8;
	v4 =	vperm.xlane.i2c.b16 v4;
	[tilespmem:s17+$0x1 ss:$0x41] =	vst.msk $0xffff, v0;
	s23 =	sadd.s32 $0xFFFFFFC0, s21;
	s20 =	ssub.s32 $0xF4240, s20;
	s21 =	ssub.s32 $0x80, s21  }
0x5c: {  	[tilespmem:s18+$0xC30 ss:$0x41] =	vst.msk $0xffff, v57;
	v59 =	vcombine.low v7, v6;
	v3 =	vperm.xlane.i2c.b16 v3;
	s27 =	smulhi.u32 $0x218DEF5, s19;
	p1 =	sgt.s32 s22, $0x7F;
	p2 =	sgt.s32 s23, $0x3F  }
0x5d: {  	[tilespmem:s18+$0xC31 ss:$0x41] =	vst.msk $0xffff, v58;
	v60 =	vcombine.high v7, v6;
	s20 =	simm.s32 @p1 $0x0;
	s21 =	simm.s32 @p2 $0x0  }
0x5e: {  	v2 =	vperm.xlane.i2c.b16 v2;
	[tilespmem:s18+$0x410 ss:$0x41] =	vst.msk $0xffff, v59;
	v61 =	vcombine.low v4, v3;
	s17 =	sshrl.u32 s27, $0xD;
	s20 =	smul.u32 s21, s20  }
0x5f: {  	v3 =	vcombine.high v4, v3;
	[tilespmem:s18+$0x411 ss:$0x41] =	vst.msk $0xffff, v60;
	s17 =	smul.u32 $0xF4240, s17  }
.Ltmp4:
0x60: {  	s28 =	sshrl.u32 s10, $0x3;
	s29 =	sand.u32 $0x7, s10;
	v62 =	vcombine.low v2, v1;
	[tilespmem:s18+$0x820 ss:$0x41] =	vst.msk $0xffff, v61;
	(pc) =	sbr.rel .LBB1_5-.Ltmp4, $4  }
0x61: {  	v63 =	vcombine.high v2, v1;
	[tilespmem:s18+$0x821 ss:$0x41] =	vst.msk $0xffff, v3;
	s21 =	sshll.u32 s29, $0x12;
	s17 =	ssub.s32 s19, s17;
	s19 =	sand.u32 $0x7, s28  }
0x62: {  	[tilespmem:s18+$0x0 ss:$0x41] =	vst.msk $0xffff, v62;
	s20 =	sshrl.u32 s20, $0x1;
	s17 =	sshll.u32 s17, $0x3;
	s19 =	sadd.s32 s5, s19  }
0x63: {  	[tilespmem:s18+$0x1 ss:$0x41] =	vst.msk $0xffff, v63;
	s31 =	sor.u32 $0x40, s21;
	s30 =	sand.u32 $0x3FFFFFFF, s20;
	s17 =	sadd.s32 s17, s19  }
0x64: {  	[hbm4b:s17+s31] =	stream.strided.scatter [tilespmem:s16], [sflag:$0x2], s30, s8, s31, $0x18;
	[tilespmem:$0x4080] =	vst v63  }
.LBB1_6:
0x65: {  	_ =	sfence.sel $0x180000  }
0x66: {  	s2 =	simm.s32 $0x1;
	[bflag:$0x0] =	sbarrier.arrive $0xFFFF  }
0x67: {  	s31 =	simm.s32 $0x2;
	[sflag:s2] =	ssyncpa.u1 $0x1  }
0x68: {  	[sflag:s31] =	ssyncpa.u1 $0x1  }
0x69: {  	p0 =	sne.s32 s1, $0x0;
	_ =	strace $0x90000047  }
0x6a: {  	s0 =	sadd.s32 @!p0 $0x100000, s0;
	[bflag:$0x2] =	sbarrier.arrive $0xFFFF  }
0x6b: {  	[sflag:s0] =	ssyncadd.tile.s32 @!p0 $0x1;
	_ =	shalt  }
.Lfunc_end1:
_tile_overlayer_lowered:
.L_overlay_start_2:
0x6c: {  	(tag) =	ssettag $0x2  }
0x6d: {  	s0 =	rddreg [dreg:$0x0];
	s2 =	stileid.u32  }
0x6e: {  	s1 =	rddreg [dreg:$0x1];
	p0 =	sne.s32 s2, $0x0  }
0x6f: {  	s3 =	rddreg [dreg:$0x2];
	[bflag:$0x3] =	sbarrier.arrive $0xFFFF;
	s2 =	simm.s32 @!p0 $0x1C01  }
0x70: {  	[timem:s3], [sflag:s2] =	dma.local @!p0 [hbm:s0], s1  }
0x71: {  	s0 =	simm.s32 @!p0 $0x1  }
0x72: {  	_ =	swait.ge @!p0 [sflag:s0], s1  }
0x73: {  	s1 =	ssub.s32 @!p0 $0x0, s1;
	[sflag:s0] =	ssyncset.done @!p0 $0x0  }
0x74: {  	[sflag:s0] =	ssyncadd.s32 @!p0 s1  }
0x75: {  	[bflag:$0x3] =	sbarrier.arrive $0xFFFF  }
0x76: {  	_ =	shalt  }

// kernel: sparse-core-data-format-call.cloned.1.call-start
scs
called_computation_lowered:
.L_overlay_start_0:
0x0: {  	s2 =	sld [smem:$0x3FD9]  }
0x1: {  	s3 =	sld [smem:$0x3FFE];
	_ =	sdelay $0x1  }
0x2: {  	s1 =	srdreg.scid  }
0x3: {  	s0 =	sand.u32 $0x1, s1  }
0x4: {  	s18 =	sshll.u32 s0, $0xA;
	s2 =	sadd.s32 s3, s2  }
0x5: {  	s2 =	sadd.s32 s2, s18  }
0x6: {  	[smem:$0x3FC2] =	sst s2  }
0x7: {  	_ = 	snop  }
0x8: {  	(tm) =	ssettm $0x1  }
0x9: {  	s19 =	sld [smem:$0x3FFB];
	_ =	sdelay $0x3  }
0xa: {  	_ =	strace s19  }
0xb: {  	s2 =	sld [smem:$0x3FFC];
	_ =	sdelay $0x3  }
0xc: {  	_ =	strace s2  }
0xd: {  	s2 =	sld [smem:$0x3FFD];
	_ =	sdelay $0x3  }
0xe: {  	_ =	strace s2  }
0xf: {  	_ =	strace $0x8FFFFFFF  }
0x10: {  	s20 =	sld [smem:$0x3FDB];
	_ =	sdelay $0x1  }
0x11: {  	s21 =	simm.s32 $_scs_section_size  }
0x12: {  	s4 =	simm.s32 $_size__tile_overlayer_lowered;
	s5 =	simm.s32 $_tile_overlayer_lowered  }
0x13: {  	s6 =	simm.s32 $0x1BFF;
	s22 =	sshll.u32 s5, $0x1;
	s3 =	sadd.s32 s21, s20  }
0x14: {  	s23 =	simm.s32 $0x0;
	s4 =	sshll.u32 s4, $0x1;
	s5 =	sadd.s32 s22, s3  }
0x15: {  	[timem:s23], [sflag:s6] =	dma.local [hbm:s5], s4  }
0x16: {  	_ =	swait.ge [sflag:s6], s4  }
0x17: {  	s4 =	ssub.s32 $0x0, s4;
	[sflag:s6] =	ssyncset.done $0x0  }
0x18: {  	[sflag:s6] =	ssyncadd.s32 s4;
	_ =	sdelay $0x1  }
0x19: {  	s24 =	simm.s32 $0x1B8B  }
0x1a: {  	_ =	swait.ge [sflag:s24], $0x1  }
0x1b: {  	[sflag:s24] =	ssyncset.done $0x0  }
0x1c: {  	[sflag:s24] =	ssyncadd.s32 $0xFFFFFFFF  }
0x1d: {  	s4 =	sld [smem:$0x0]  }
0x1e: {  	s5 =	sand.u32 $0xFFFFFFFE, s1  }
0x1f: {  	p0 =	sne.s32 s1, s5  }
0x20: {  	s5 =	sshll.u32 @p0 s5, $0xE  }
0x21: {  	s5 =	sadd.s32 @p0 $0x11B8D, s5;
	s6 =	sshll.u32 @p0 s4, $0x11  }
0x22: {  	s5 =	sor.u32 @p0 s6, s5  }
0x23: {  	[sflag:s5] =	ssyncadd.remote.s32 @p0 $0x1;
	_ =	sdelay $0x1  }
0x24: {  	s5 =	simm.s32 @p0 $0x1B8D  }
0x25: {  	_ =	swait.eq @p0 [sflag:s5], $0x1  }
0x26: {  	[sflag:s5] =	ssyncadd.s32 @p0 $0xFFFFFFFF  }
0x27: {  	s6 =	sshll.u32 @!p0 s1, $0xE  }
0x28: {  	s6 =	sor.u32 @!p0 $0x4000, s6;
	s5 =	simm.s32 @!p0 $0x1B8D  }
0x29: {  	s4 =	sshll.u32 @!p0 s4, $0x11;
	s6 =	sadd.s32 @!p0 $0x11B8D, s6;
	_ =	swait.eq @!p0 [sflag:s5], $0x1  }
0x2a: {  	s4 =	sor.u32 @!p0 s4, s6;
	[sflag:s5] =	ssyncadd.s32 @!p0 $0xFFFFFFFF  }
0x2b: {  	s26 =	simm.s32 $0x1B8E;
	s25 =	sld [smem:$0x3FFE];
	[sflag:s4] =	ssyncadd.remote.s32 @!p0 $0x1  }
0x2c: {  	s27 =	simm.s32 $execute0_lowered;
	[smem:$0x3FD2] =	sst s26  }
0x2d: {  	s5 =	sshll.u32 s27, $0x1;
	_ =	strace $0x8000004C;
	[dreg:$0x1] =	wrdreg $0xFFFFFFFF  }
0x2e: {  	s28 =	simm.s32 $_size_execute0_lowered;
	s3 =	sadd.s32 s3, s5;
	[dreg:$0x0] =	wrdreg $0x0  }
0x2f: {  	s5 =	sshll.u32 s28, $0x1;
	[dreg:$0x2] =	wrdreg s3  }
0x30: {  	[dreg:$0x3] =	wrdreg s5  }
0x31: {  	[dreg:$0x4] =	wrdreg $0xC0  }
0x32: {  	_ =	task [dreg:s23], $0x5FFFF  }
0x33: {  	[dreg:$0x1] =	wrdreg $0xFFFFFFFF  }
0x34: {  	[dreg:$0x0] =	wrdreg $0x60  }
0x35: {  	[dreg:$0x2] =	wrdreg s25  }
0x36: {  	[dreg:$0x3] =	wrdreg $0x9  }
0x37: {  	_ =	task.clear_ibuf [dreg:s23], $0x4FFFF;
	_ =	strace $0x9000004C  }
0x38: {  	s29 =	simm.s32 $0x9;
	_ =	strace $0x8000004E  }
0x39: {  	_ =	swait.ge [sflag:s29], $0x1  }
0x3a: {  	[sflag:s29] =	ssyncadd.s32 $0xFFFFFFFF  }
0x3b: {  	_ =	strace $0x9000004E  }
0x3c: {  	_ =	sfence  }
0x3d: {  	s30 =	sld [smem:$0x0];
	_ =	sdelay $0x2  }
0x3e: {  	s31 =	sshll.u32 s1, $0xD;
	s1 =	sshrl.u32 s1, $0x2  }
0x3f: {  	s4 =	sand.u32 $0x4000, s31;
	s1 =	sadd.s32 s1, s30  }
0x40: {  	s0 =	sor.u32 s4, s0;
	s1 =	sshll.u32 s1, $0x11  }
0x41: {  	s0 =	sor.u32 s1, s0  }
0x42: {  	s0 =	sadd.s32 $0x8F2B, s0  }
0x43: {  	[sflag:s0] =	ssyncadd.remote.s32 $0x1  }
0x44: {  	_ =	sfence.sel $0xFFFF  }
0x45: {  	[dreg:$0x0] =	wrdreg $0xFFFFFFFF;
	(pc) =	sbr.abs _section_cstart, $3  }
0x46: {  	[dreg:$0x1] =	wrdreg $0xFFFFFFFF  }
0x47: {  	_ =	task.clear_ibuf [dreg:s23], $0x2FFFF;
	_ =	strace $0x9FFFFFFF  }
0x48: {  	(tm) =	ssettm $0x7FFFFFFF  }
0x49: {  	_ =	shalt  }
tec
execute0_lowered:
.L_overlay_start_1:
0x0: {  	(tag) =	ssettag $0x1  }
0x1: {  	s0 =	srdreg.scid  }
0x2: {  	s5 =	rddreg [dreg:$0x0];
	s1 =	stileid.u32;
	s4 =	simm.s32 $0x1  }
0x3: {  	s6 =	simm.s32 $0x2;
	s8 =	simm.s32 $0x0;
	s2 =	sshll.u32 s0, $0x4  }
0x4: {  	s9 =	simm.s32 $0x0;
	s13 =	simm.s32 $0x0;
	s2 =	sand.u32 $0x10, s2  }
.Ltmp0:
0x5: {  	s10 =	simm.s32 $0x0;
	s3 =	sor.u32 s1, s2;
	(pc) =	sbr.rel .LBB1_1-.Ltmp0, $4  }
0x6: {  	s0 =	rddreg [dreg:$0x1];
	_ =	strace $0x8000004D;
	s3 =	sshll.u32 s3, $0x4  }
0x7: {  	s12 =	simm.s32 $0x0;
	[sflag:s4] =	ssyncpa.u1 $0x0;
	s7 =	ssub.s32 $0x7A10, s3  }
0x8: {  	s2 =	sadd.s32 $0x412400, s5;
	[sflag:s6] =	ssyncpa.u1 $0x0;
	s6 =	sshrl.u32 s7, $0x9  }
0x9: {  	s5 =	sadd.s32 $0x1A00, s5;
	s11 =	smov.u32 s3;
	s7 =	sor.u32 $0x2, s6  }
.LBB1_7:
0xa: {  	s15 =	sshll.u32 s12, $0xF  }
0xb: {  	s15 =	sand.u32 $0x8000, s15  }
0xc: {  	s16 =	sshll.u32 s10, $0x7;
	s15 =	sshrl.u32 s15, $0x1  }
0xd: {  	s16 =	sadd.s32 s5, s16;
	s15 =	sor.u32 $0x8000, s15  }
0xe: {  	[hbm4b:s16+s8] =	stream.linear.scatter [tilespmem:s15], [sflag:$0x2], s14, $0x38;
	[tilespmem:$0x10000] =	vst v63  }
.LBB1_8:
0xf: {  	p0 =	slt.u32 s12, $0x2  }
0x10: {  	p1 =	sgt.s32 @!p0 s13, $0x7A02  }
0x11: {  	s14 =	smov.u32 s13;
	s15 =	sshra.s32 @!p0 s13, $0x1F;
	p1 =	por !p1, p0  }
0x12: {  	s13 =	sand.u32 @!p0 s15, s13;
	s14 =	simm.s32 @p1 $0x7A02  }
0x13: {  	s13 =	ssub.s32 @!p0 s14, s13  }
0x14: {  	s13 =	sadd.s32 @!p0 $0xFFFF85FE, s13  }
0x15: {  	s14 =	sshll.u32 @!p0 s13, $0xC  }
0x16: {  	p1 =	sgt.s32 @!p0 s13, $0xF;
	s13 =	ssub.s32 @!p0 $0x10000, s14  }
0x17: {  	s15 =	sadd.s32 $0x200, s11;
	p1 =	por !p1, p0;
	s13 =	sshrl.u32 @!p0 s13, $0x2  }
0x18: {  	s13 =	simm.s32 @!p1 $0x0;
	p1 =	sgt.s32 s15, $0x7A11  }
0x19: {  	s15 =	smov.u32 @p1 s3;
	p1 =	sne.s32 s12, s7  }
.Ltmp1:
0x1a: {  	_ = 	snop;
	(pc) =	sbr.rel @!p1 .LBB1_9-.Ltmp1, $4  }
0x1b: {  	s14 =	simm.s32 @!p0 $0x2  }
0x1c: {  	s9 =	sadd.s32 $0x8000, s9;
	_ =	swait.ge @!p0 [sflag:s14], s13;
	s16 =	ssub.s32 @!p0 $0x0, s13  }
0x1d: {  	s13 =	smov.u32 s10;
	s12 =	sadd.s32 $0x1, s12;
	[sflag:s14] =	ssyncset.done @!p0 $0x0  }
0x1e: {  	s10 =	smov.u32 s11;
	s11 =	smov.u32 s15;
	[sflag:s14] =	ssyncadd.s32 @!p0 s16  }
.LBB1_1:
0x1f: {  	p0 =	sgt.u32 s12, s6  }
0x20: {  	p1 =	sgt.s32 @!p0 s11, $0x7A02  }
0x21: {  	s14 =	smov.u32 s11;
	s15 =	sshra.s32 @!p0 s11, $0x1F;
	p1 =	por !p1, p0  }
0x22: {  	s15 =	sand.u32 @!p0 s15, s11;
	s14 =	simm.s32 @p1 $0x7A02  }
0x23: {  	s14 =	ssub.s32 @!p0 s14, s15  }
0x24: {  	s14 =	sadd.s32 @!p0 $0xFFFF85FE, s14  }
0x25: {  	s16 =	sshll.u32 @!p0 s11, $0x7;
	s17 =	simm.s32 @!p0 $0x0;
	s15 =	sshll.u32 @!p0 s14, $0xC  }
0x26: {  	p1 =	sgt.s32 @!p0 s14, $0xF;
	s14 =	ssub.s32 @!p0 $0x10000, s15;
	s15 =	sxor.u32 @!p0 $0xFFFFFFFF, s12  }
0x27: {  	p1 =	por !p1, p0;
	s14 =	sshrl.u32 @!p0 s14, $0x2;
	s15 =	sshll.u32 @!p0 s15, $0xE  }
0x28: {  	s16 =	sadd.s32 @!p0 s2, s16;
	s14 =	simm.s32 @!p1 $0x0;
	s15 =	sand.u32 @!p0 $0x4000, s15  }
0x29: {  	[tilespmem:s15], [sflag:$0x1] =	stream.linear.gather @!p0 [hbm4b:s16+s17], s14, $0x38;
	[tilespmem:$0x10000] =	vst v63  }
0x2a: {  	p0 =	seq.s32 s12, $0x0  }
0x2b: {  	p1 =	sge.u32 @!p0 s12, s7  }
0x2c: {  	p0 =	por p0, p1  }
.Ltmp2:
0x2d: {  	_ = 	snop;
	(pc) =	sbr.rel @p0 .LBB1_8-.Ltmp2, $1  }
0x2e: {  	_ =	sdelay $0x3  }
0x2f: {  	p0 =	sgt.s32 s10, $0x7A02;
	s14 =	smov.u32 s10;
	s15 =	sshra.s32 s10, $0x1F  }
0x30: {  	s14 =	simm.s32 @!p0 $0x7A02;
	s15 =	sand.u32 s15, s10  }
0x31: {  	s14 =	ssub.s32 s14, s15  }
0x32: {  	s16 =	sadd.s32 $0x10, s10;
	s14 =	sadd.s32 $0xFFFF85FE, s14  }
0x33: {  	p1 =	slt.s32 s16, $0x7A12;
	s30 =	sshll.u32 s14, $0xC  }
0x34: {  	s16 =	simm.s32 @!p1 $0x7A12;
	s15 =	ssub.s32 $0x10000, s30  }
0x35: {  	p0 =	sgt.s32 s14, $0xF;
	s14 =	sshrl.u32 s15, $0x2;
	s15 =	ssub.s32 s16, s10  }
0x36: {  	s14 =	simm.s32 @p0 $0x0;
	p0 =	slt.s32 s15, $0x1  }
.Ltmp3:
0x37: {  	_ = 	snop;
	(pc) =	sbr.rel @p0 .LBB1_7-.Ltmp3, $4  }
0x38: {  	_ = 	snop  }
0x39: {  	_ =	swait.ge [sflag:s4], s14  }
0x3a: {  	s31 =	ssub.s32 $0x0, s14;
	[sflag:s4] =	ssyncset.done $0x0  }
0x3b: {  	[sflag:s4] =	ssyncadd.s32 s31  }
0x3c: {  	s16 =	sshrl.u32 s9, $0x1  }
0x3d: {  	s17 =	sand.u32 $0x4000, s16  }
0x3e: {  	s18 =	simm.s32 $0x0;
	s16 =	sor.u32 $0x200, s17;
	s17 =	sor.u32 $0x8080, s17  }
.LBB1_4:
0x3f: {  	v0 =	vld [tilespmem:s16+$0xFFFFFE70]  }
0x40: {  	v1 =	vld [tilespmem:s16+$0x70]  }
0x41: {  	v2 =	vld [tilespmem:s16+$0x0]  }
0x42: {  	v3 =	vld [tilespmem:s16+$0xFFFFFE10]  }
0x43: {  	v4 =	vld [tilespmem:s16+$0x10]  }
0x44: {  	v5 =	vld [tilespmem:s16+$0xFFFFFE20]  }
0x45: {  	v7 =	vld [tilespmem:s16+$0x20]  }
0x46: {  	v11 =	vld [tilespmem:s16+$0x30];
	v6 =	vunpack.i.l.s16.s32 v0;
	v8 =	vunpack.i.u.s16.s32 v0;
	v9 =	vunpack.i.u.s16.s32 v1  }
0x47: {  	v10 =	vunpack.i.l.s16.s32 v1;
	v0 =	vunpack.i.u.s16.s32 v2;
	v1 =	vunpack.i.l.s16.s32 v2;
	v2 =	vld [tilespmem:s16+$0xFFFFFE30]  }
0x48: {  	v8 =	vpack.i.b32.b16 v9, v8;
	v9 =	vunpack.i.u.s16.s32 v3;
	v3 =	vunpack.i.l.s16.s32 v3  }
0x49: {  	v12 =	vld [tilespmem:s16+$0xFFFFFE40];
	v6 =	vpack.i.b32.b16 v10, v6;
	[tilespmem:s17+$0x70] =	vst v8;
	v8 =	vunpack.i.u.s16.s32 v4;
	v4 =	vunpack.i.l.s16.s32 v4  }
0x4a: {  	v13 =	vld [tilespmem:s16+$0x40];
	v10 =	vunpack.i.u.s16.s32 v5;
	v5 =	vunpack.i.l.s16.s32 v5;
	[tilespmem:s17+$0xFFFFFFF0] =	vst v6;
	v3 =	vpack.i.b32.b16 v4, v3  }
0x4b: {  	v6 =	vunpack.i.l.s16.s32 v7;
	v4 =	vld [tilespmem:s16+$0xFFFFFE50];
	[tilespmem:s17+$0xFFFFFF90] =	vst v3;
	v3 =	vpack.i.b32.b16 v8, v9;
	v8 =	vunpack.i.u.s16.s32 v7  }
0x4c: {  	v7 =	vunpack.i.l.s16.s32 v11;
	[tilespmem:s17+$0x10] =	vst v3;
	v3 =	vpack.i.b32.b16 v6, v5;
	v9 =	vunpack.i.u.s16.s32 v2;
	v6 =	vld [tilespmem:s16+$0x50]  }
0x4d: {  	v5 =	vunpack.i.l.s16.s32 v2;
	v2 =	vld [tilespmem:s16+$0xFFFFFE60];
	[tilespmem:s17+$0xFFFFFFA0] =	vst v3;
	v3 =	vpack.i.b32.b16 v8, v10;
	v10 =	vunpack.i.u.s16.s32 v11  }
0x4e: {  	s21 =	simm.s32 $0x0;
	v11 =	vpack.i.b32.b16 v7, v5;
	v7 =	vunpack.i.u.s16.s32 v12;
	v8 =	vunpack.i.l.s16.s32 v12;
	[tilespmem:s17+$0x20] =	vst v3;
	v3 =	vld [tilespmem:s16+$0x60]  }
0x4f: {  	s22 =	sadd.s32 $0x80, s16;
	s20 =	smov.u32 s17;
	s19 =	smov.u32 s17;
	v5 =	vld [tilespmem:s16+$0xFFFFFE00];
	[tilespmem:s17+$0xFFFFFFB0] =	vst v11;
	v10 =	vpack.i.b32.b16 v10, v9;
	v9 =	vunpack.i.u.s16.s32 v13;
	v11 =	vunpack.i.l.s16.s32 v13  }
.LBB1_5:
0x50: {  	v12 =	vld [tilespmem:s22+$0xFFFFFE70];
	[tilespmem:s20+$0x30] =	vst v10;
	v8 =	vpack.i.b32.b16 v11, v8;
	v10 =	vunpack.i.u.s16.s32 v4;
	v4 =	vunpack.i.l.s16.s32 v4  }
0x51: {  	s21 =	sadd.s32 $0x2, s21;
	v7 =	vpack.i.b32.b16 v9, v7;
	v11 =	vld [tilespmem:s22+$0x70];
	[tilespmem:s20+$0xFFFFFFC0] =	vst v8;
	v8 =	vunpack.i.u.s16.s32 v6;
	v6 =	vunpack.i.l.s16.s32 v6  }
0x52: {  	p0 =	slt.u32 s21, $0x6;
	v9 =	vld [tilespmem:s22+$0x0];
	[tilespmem:s20+$0x40] =	vst v7;
	v4 =	vpack.i.b32.b16 v6, v4;
	v6 =	vunpack.i.u.s16.s32 v2;
	v2 =	vunpack.i.l.s16.s32 v2  }
0x53: {  	v7 =	vld [tilespmem:s22+$0xFFFFFE10];
	[tilespmem:s20+$0xFFFFFFD0] =	vst v4;
	v4 =	vpack.i.b32.b16 v8, v10;
	v8 =	vunpack.i.u.s16.s32 v3;
	v3 =	vunpack.i.l.s16.s32 v3  }
0x54: {  	v10 =	vld [tilespmem:s22+$0x10];
	v13 =	vunpack.i.u.s16.s32 v5;
	v5 =	vunpack.i.l.s16.s32 v5;
	[tilespmem:s20+$0x50] =	vst v4;
	v2 =	vpack.i.b32.b16 v3, v2  }
0x55: {  	v3 =	vld [tilespmem:s22+$0xFFFFFE20];
	v4 =	vunpack.i.l.s16.s32 v12;
	v1 =	vpack.i.b32.b16 v1, v5;
	v5 =	vpack.i.b32.b16 v0, v13;
	[tilespmem:s20+$0xFFFFFFE0] =	vst v2  }
0x56: {  	v12 =	vunpack.i.u.s16.s32 v12;
	v2 =	vld [tilespmem:s22+$0x20];
	v13 =	vunpack.i.u.s16.s32 v11;
	v11 =	vunpack.i.l.s16.s32 v11;
	[tilespmem:s20+$0xFFFFFF80] =	vst v1  }
0x57: {  	s20 =	sadd.s32 $0x100, s20;
	v0 =	vunpack.i.u.s16.s32 v9;
	v1 =	vunpack.i.l.s16.s32 v9;
	v9 =	vld [tilespmem:s22+$0xFFFFFE30];
	v12 =	vpack.i.b32.b16 v13, v12;
	[tilespmem:s19+$0x0] =	vst v5  }
0x58: {  	v6 =	vpack.i.b32.b16 v8, v6;
	v5 =	vunpack.i.u.s16.s32 v7;
	v7 =	vunpack.i.l.s16.s32 v7;
	v13 =	vld [tilespmem:s22+$0x30];
	[tilespmem:s20+$0x70] =	vst v12  }
0x59: {  	v4 =	vpack.i.b32.b16 v11, v4;
	v8 =	vunpack.i.u.s16.s32 v10;
	v10 =	vunpack.i.l.s16.s32 v10;
	v12 =	vld [tilespmem:s22+$0xFFFFFE40];
	[tilespmem:s19+$0x60] =	vst v6;
	s19 =	smov.u32 s20  }
0x5a: {  	v6 =	vpack.i.b32.b16 v10, v7;
	v7 =	vunpack.i.u.s16.s32 v3;
	v3 =	vunpack.i.l.s16.s32 v3;
	v11 =	vld [tilespmem:s22+$0x40];
	[tilespmem:s20+$0xFFFFFFF0] =	vst v4  }
.Ltmp4:
0x5b: {  	v5 =	vpack.i.b32.b16 v8, v5;
	[tilespmem:s20+$0xFFFFFF90] =	vst v6;
	v8 =	vunpack.i.u.s16.s32 v2;
	v2 =	vunpack.i.l.s16.s32 v2;
	v4 =	vld [tilespmem:s22+$0xFFFFFE50];
	(pc) =	sbr.rel @p0 .LBB1_5-.Ltmp4, $4  }
0x5c: {  	[tilespmem:s20+$0x10] =	vst v5;
	v2 =	vpack.i.b32.b16 v2, v3;
	v10 =	vunpack.i.u.s16.s32 v9;
	v3 =	vunpack.i.l.s16.s32 v9;
	v6 =	vld [tilespmem:s22+$0x50]  }
0x5d: {  	v5 =	vpack.i.b32.b16 v8, v7;
	[tilespmem:s20+$0xFFFFFFA0] =	vst v2;
	v9 =	vunpack.i.u.s16.s32 v13;
	v7 =	vunpack.i.l.s16.s32 v13;
	v2 =	vld [tilespmem:s22+$0xFFFFFE60]  }
0x5e: {  	[tilespmem:s20+$0x20] =	vst v5;
	v13 =	vpack.i.b32.b16 v7, v3;
	v7 =	vunpack.i.u.s16.s32 v12;
	v8 =	vunpack.i.l.s16.s32 v12;
	v3 =	vld [tilespmem:s22+$0x60]  }
0x5f: {  	v10 =	vpack.i.b32.b16 v9, v10;
	v5 =	vld [tilespmem:s22+$0xFFFFFE00];
	[tilespmem:s20+$0xFFFFFFB0] =	vst v13;
	v9 =	vunpack.i.u.s16.s32 v11;
	v11 =	vunpack.i.l.s16.s32 v11;
	s22 =	sadd.s32 $0x80, s22  }
0x60: {  	[tilespmem:s20+$0x30] =	vst v10;
	v8 =	vpack.i.b32.b16 v11, v8  }
0x61: {  	v51 =	vunpack.i.l.s16.s32 v4;
	v7 =	vpack.i.b32.b16 v9, v7;
	[tilespmem:s20+$0xFFFFFFC0] =	vst v8;
	v52 =	vunpack.i.l.s16.s32 v6  }
0x62: {  	v53 =	vunpack.i.u.s16.s32 v4;
	s18 =	sadd.s32 $0x1, s18;
	v54 =	vunpack.i.u.s16.s32 v6;
	[tilespmem:s20+$0x40] =	vst v7;
	v55 =	vpack.i.b32.b16 v52, v51  }
0x63: {  	p0 =	sne.s32 s18, s15;
	v56 =	vunpack.i.l.s16.s32 v2;
	v4 =	vpack.i.b32.b16 v54, v53;
	[tilespmem:s20+$0xFFFFFFD0] =	vst v55;
	v57 =	vunpack.i.l.s16.s32 v3  }
.Ltmp5:
0x64: {  	[tilespmem:s20+$0x50] =	vst v4;
	v58 =	vunpack.i.l.s16.s32 v5;
	v59 =	vpack.i.b32.b16 v57, v56;
	(pc) =	sbr.rel @p0 .LBB1_4-.Ltmp5, $4  }
.Ltmp6:
0x65: {  	v61 =	vunpack.i.u.s16.s32 v2;
	v62 =	vunpack.i.u.s16.s32 v3;
	v1 =	vpack.i.b32.b16 v1, v58;
	[tilespmem:s20+$0xFFFFFFE0] =	vst v59;
	(pc) =	sbr.rel @!p0 .LBB1_7-.Ltmp6, $4  }
0x66: {  	v60 =	vunpack.i.u.s16.s32 v5;
	v63 =	vpack.i.b32.b16 v62, v61;
	[tilespmem:s20+$0xFFFFFF80] =	vst v1  }
0x67: {  	v0 =	vpack.i.b32.b16 v0, v60;
	[tilespmem:s19+$0x60] =	vst v63  }
0x68: {  	s16 =	sadd.s32 $0x400, s16;
	s17 =	sadd.s32 $0x400, s17;
	[tilespmem:s19+$0x0] =	vst v0  }
0x69: {  	_ = 	snop  }
.LBB1_9:
0x6a: {  	_ =	sfence.sel $0x180000  }
0x6b: {  	s2 =	simm.s32 $0x1;
	[bflag:$0x0] =	sbarrier.arrive $0xFFFF  }
0x6c: {  	s31 =	simm.s32 $0x2;
	[sflag:s2] =	ssyncpa.u1 $0x1  }
0x6d: {  	[sflag:s31] =	ssyncpa.u1 $0x1  }
0x6e: {  	p0 =	sne.s32 s1, $0x0;
	_ =	strace $0x9000004D  }
0x6f: {  	s0 =	sadd.s32 @!p0 $0x100000, s0;
	[bflag:$0x2] =	sbarrier.arrive $0xFFFF  }
0x70: {  	[sflag:s0] =	ssyncadd.tile.s32 @!p0 $0x1;
	_ =	shalt  }
.Lfunc_end1:
_tile_overlayer_lowered:
.L_overlay_start_2:
0x71: {  	(tag) =	ssettag $0x2  }
0x72: {  	s0 =	rddreg [dreg:$0x0];
	s2 =	stileid.u32  }
0x73: {  	s1 =	rddreg [dreg:$0x1];
	p0 =	sne.s32 s2, $0x0  }
0x74: {  	s3 =	rddreg [dreg:$0x2];
	[bflag:$0x3] =	sbarrier.arrive $0xFFFF;
	s2 =	simm.s32 @!p0 $0x1C01  }
0x75: {  	[timem:s3], [sflag:s2] =	dma.local @!p0 [hbm:s0], s1  }
0x76: {  	s0 =	simm.s32 @!p0 $0x1  }
0x77: {  	_ =	swait.ge @!p0 [sflag:s0], s1  }
0x78: {  	s1 =	ssub.s32 @!p0 $0x0, s1;
	[sflag:s0] =	ssyncset.done @!p0 $0x0  }
0x79: {  	[sflag:s0] =	ssyncadd.s32 @!p0 s1  }
0x7a: {  	[bflag:$0x3] =	sbarrier.arrive $0xFFFF  }
0x7b: {  	_ =	shalt  }

</sc_bundles>
